<compile_context>
chip_gen: v7x
topology: tpu7x:2x2x1
jax: 0.10.2.dev20260603
libtpu: 0.0.44.dev20260713+nightly
codegen_flags: <defaults>
</compile_context>

<pallas_src>
import functools

import jax
import jax.numpy as jnp
from jax import lax
from jax.experimental import pallas as pl
from jax.experimental.pallas import tpu as pltpu
from jax.experimental.pallas import tpu_sc as plsc

NU = 25000
P = 25600
NN = 2 * P
D = 64
H = 32
E = 800000
NT = 16
EPT = E // NT
PT = P // NT
K = 2000
ZR = 400
R = 3200
RE = 8000

_mesh = plsc.VectorSubcoreMesh(core_axis_name="c", subcore_axis_name="s")
_sc_params = pltpu.CompilerParams(use_tc_tiling_on_sc=False,
                                  skip_device_barrier=True)



@functools.partial(
    pl.kernel,
    out_type=jax.ShapeDtypeStruct((NN,), jnp.float32),
    mesh=_mesh,
    compiler_params=_sc_params,
    scratch_types=[
        pltpu.VMEM((K,), jnp.int32),
        pltpu.VMEM((K,), jnp.float32),
        pltpu.VMEM((PT,), jnp.float32),
        pltpu.VMEM_SHARED((P,), jnp.float32),
    ],
)
def _deg_kernel(lsrc, cnt, idx_v, ones_v, zb_v, dacc):
    c = lax.axis_index("c")
    s = lax.axis_index("s")
    oc = 1 - c

    def fill_ones(i, _):
        off = pl.multiple_of(i * 16, 16)
        ones_v[pl.ds(off, 16)] = jnp.ones((16,), jnp.float32)
        return 0

    lax.fori_loop(0, K // 16, fill_ones, 0)

    def fill_zeros(i, _):
        off = pl.multiple_of(i * 16, 16)
        zb_v[pl.ds(off, 16)] = jnp.zeros((16,), jnp.float32)
        return 0

    lax.fori_loop(0, PT // 16, fill_zeros, 0)
    pltpu.sync_copy(zb_v, dacc.at[pl.ds(s * PT, PT)])
    plsc.subcore_barrier()

    def body(j, _):
        base = pl.multiple_of(oc * E + s * EPT + j * K, 8)
        pltpu.sync_copy(lsrc.at[pl.ds(base, K)], idx_v)
        pltpu.sync_copy(ones_v, dacc.at[idx_v], add=True)
        return 0

    lax.fori_loop(0, EPT // K, body, 0)
    plsc.subcore_barrier()
    pltpu.sync_copy(dacc.at[pl.ds(s * PT, PT)], zb_v)
    pltpu.sync_copy(zb_v, cnt.at[pl.ds(oc * P + s * PT, PT)])


KS = 200
IB = 1000
NI = IB // KS


@functools.partial(
    pl.kernel,
    out_type=jax.ShapeDtypeStruct((NN, D), jnp.float32),
    mesh=_mesh,
    compiler_params=_sc_params,
    scratch_types=[
        pltpu.VMEM((IB,), jnp.int32),
        pltpu.VMEM((KS,), jnp.int32),
        pltpu.VMEM((KS,), jnp.int32),
        pltpu.VMEM((KS, D), jnp.float32),
        pltpu.VMEM((KS, D), jnp.float32),
        pltpu.VMEM_SHARED((P, D), jnp.float32),
        pltpu.SemaphoreType.DMA,
        pltpu.SemaphoreType.DMA,
    ],
)
def _scatter_kernel(y, gsrc, lsrc, acc_out, sidx_v, didx_a, didx_b, rows_a,
                    rows_b, acc_sh, sem_a, sem_b):
    c = lax.axis_index("c")
    s = lax.axis_index("s")
    oc = 1 - c

    def fill_zeros(i, _):
        for q in range(4):
            rows_a[i, pl.ds(16 * q, 16)] = jnp.zeros((16,), jnp.float32)
        return 0

    lax.fori_loop(0, KS, fill_zeros, 0)
    for q in range(PT // KS):
        pltpu.sync_copy(rows_a, acc_sh.at[pl.ds(s * PT + q * KS, KS)])
    plsc.subcore_barrier()

    bufs = ((rows_a, didx_a, sem_a), (rows_b, didx_b, sem_b))

    def outer(jj, _):
        obase = pl.multiple_of(s * EPT + jj * IB, 8)
        pltpu.sync_copy(gsrc.at[pl.ds(c * E + obase, IB)], sidx_v)
        descs = [None] * NI
        for q in range(NI):
            rows_q, didx_q, sem_q = bufs[q % 2]
            pltpu.sync_copy(lsrc.at[pl.ds(oc * E + obase + q * KS, KS)],
                            didx_q)
            descs[q] = pltpu.async_copy(
                y.at[sidx_v.at[pl.ds(q * KS, KS)]], rows_q, sem_q)
            if q >= 1:
                rows_p, didx_p, _ = bufs[(q - 1) % 2]
                descs[q - 1].wait()
                pltpu.sync_copy(rows_p, acc_sh.at[didx_p], add=True)
        rows_l, didx_l, _ = bufs[(NI - 1) % 2]
        descs[NI - 1].wait()
        pltpu.sync_copy(rows_l, acc_sh.at[didx_l], add=True)
        return 0

    lax.fori_loop(0, EPT // IB, outer, 0)
    plsc.subcore_barrier()
    for q in range(PT // KS):
        pltpu.sync_copy(acc_sh.at[pl.ds(s * PT + q * KS, KS)], rows_a)
        pltpu.sync_copy(rows_a,
                        acc_out.at[pl.ds(oc * P + s * PT + q * KS, KS)])


EPT2 = E // (2 * NT)
KP = 200
IBP = 1000
NIP = IBP // KP


@functools.partial(
    pl.kernel,
    out_type=jax.ShapeDtypeStruct((E, D), jnp.float32),
    mesh=_mesh,
    compiler_params=_sc_params,
    scratch_types=[
        pltpu.VMEM((IBP,), jnp.int32),
        pltpu.VMEM((IBP,), jnp.int32),
        pltpu.VMEM((KP, D), jnp.float32),
        pltpu.VMEM((KP, D), jnp.float32),
        pltpu.VMEM((KP, D), jnp.float32),
        pltpu.VMEM((KP, D), jnp.float32),
        pltpu.SemaphoreType.DMA,
        pltpu.SemaphoreType.DMA,
    ],
)
def _predgather_kernel(xall, lsrc, gsrc, s_out, uidx_v, pidx_v, a_0, b_0, a_1,
                       b_1, sem_0, sem_1):
    c = lax.axis_index("c")
    s = lax.axis_index("s")
    bufs = ((a_0, b_0, sem_0), (a_1, b_1, sem_1))

    def outer(jj, _):
        obase = pl.multiple_of(c * (E // 2) + s * EPT2 + jj * IBP, 8)
        pltpu.sync_copy(lsrc.at[pl.ds(obase, IBP)], uidx_v)
        pltpu.sync_copy(gsrc.at[pl.ds(E + obase, IBP)], pidx_v)
        descs = [None] * NIP

        def issue(q):
            a_q, b_q, sem_q = bufs[q % 2]
            da = pltpu.async_copy(
                xall.at[uidx_v.at[pl.ds(q * KP, KP)]], a_q, sem_q)
            db = pltpu.async_copy(
                xall.at[pidx_v.at[pl.ds(q * KP, KP)]], b_q, sem_q)
            return (da, db)

        def drain(q):
            a_q, b_q, _ = bufs[q % 2]
            descs[q][0].wait()
            descs[q][1].wait()

            def ew(i, _):
                for h in range(4):
                    av = a_q[i, pl.ds(16 * h, 16)]
                    bv = b_q[i, pl.ds(16 * h, 16)]
                    a_q[i, pl.ds(16 * h, 16)] = jnp.maximum(av + bv, 0.0)
                return 0

            lax.fori_loop(0, KP, ew, 0)
            pltpu.sync_copy(a_q, s_out.at[pl.ds(obase + q * KP, KP)])

        descs[0] = issue(0)
        for q in range(1, NIP):
            descs[q] = issue(q)
            drain(q - 1)
        drain(NIP - 1)
        return 0

    lax.fori_loop(0, EPT2 // IBP, outer, 0)



def _featz_body(uf, wuf, buf, ue, pf, wpf, bpf, pe, cnt, w1, out, outz):
    i = pl.program_id(0)
    dis = lax.rsqrt(1.0 + cnt[...])

    @pl.when(i == 0)
    def _():
        x = (jnp.dot(uf[...], wuf[...], preferred_element_type=jnp.float32)
             + buf[...] + ue[...])
        out[...] = x
        outz[...] = dis * jnp.dot(x, w1[...],
                                  preferred_element_type=jnp.float32)

    @pl.when(i == 1)
    def _():
        x = (jnp.dot(pf[...], wpf[...], preferred_element_type=jnp.float32)
             + bpf[...] + pe[...])
        out[...] = x
        outz[...] = dis * jnp.dot(x, w1[...],
                                  preferred_element_type=jnp.float32)


def _featz(ufp, wuf, buf2, uep, pfp, wpf, bpf2, pep, cntcol, w1):
    nb = P // R
    two = jax.ShapeDtypeStruct((NN, D), jnp.float32)
    return pl.pallas_call(
        _featz_body,
        grid=(2, nb),
        in_specs=[
            pl.BlockSpec((R, 128), lambda i, j: (j, 0)),
            pl.BlockSpec((128, D), lambda i, j: (0, 0)),
            pl.BlockSpec((1, D), lambda i, j: (0, 0)),
            pl.BlockSpec((R, D), lambda i, j: (j, 0)),
            pl.BlockSpec((R, 128), lambda i, j: (j, 0)),
            pl.BlockSpec((128, D), lambda i, j: (0, 0)),
            pl.BlockSpec((1, D), lambda i, j: (0, 0)),
            pl.BlockSpec((R, D), lambda i, j: (j, 0)),
            pl.BlockSpec((R, 1), lambda i, j: (i * (P // R) + j, 0)),
            pl.BlockSpec((D, D), lambda i, j: (0, 0)),
        ],
        out_specs=[
            pl.BlockSpec((R, D), lambda i, j: (i * (P // R) + j, 0)),
            pl.BlockSpec((R, D), lambda i, j: (i * (P // R) + j, 0)),
        ],
        out_shape=[two, two],
    )(ufp, wuf, buf2, uep, pfp, wpf, bpf2, pep, cntcol, w1)


def _combine1_body(acc, z, cnt, b1, w2, out):
    dis = lax.rsqrt(1.0 + cnt[...])
    x1 = jnp.maximum(dis * (acc[...] + z[...]) + b1[...], 0.0)
    out[...] = dis * jnp.dot(x1, w2[...], preferred_element_type=jnp.float32)


def _combine1(acc1, z1, cntcol, b1row, w2):
    return pl.pallas_call(
        _combine1_body,
        grid=(NN // R,),
        in_specs=[
            pl.BlockSpec((R, D), lambda i: (i, 0)),
            pl.BlockSpec((R, D), lambda i: (i, 0)),
            pl.BlockSpec((R, 1), lambda i: (i, 0)),
            pl.BlockSpec((1, D), lambda i: (0, 0)),
            pl.BlockSpec((D, D), lambda i: (0, 0)),
        ],
        out_specs=pl.BlockSpec((R, D), lambda i: (i, 0)),
        out_shape=jax.ShapeDtypeStruct((NN, D), jnp.float32),
    )(acc1, z1, cntcol, b1row, w2)


def _combine2_body(acc, z, cnt, b2row, wa, wb, bh, out):
    i = pl.program_id(0)
    dis = lax.rsqrt(1.0 + cnt[...])
    x2 = dis * (acc[...] + z[...]) + b2row[...]

    @pl.when(i == 0)
    def _():
        out[...] = (jnp.dot(x2, wa[...], preferred_element_type=jnp.float32)
                    + bh[...])

    @pl.when(i == 1)
    def _():
        out[...] = jnp.dot(x2, wb[...], preferred_element_type=jnp.float32)


def _combine2(acc2, z2, cntcol, b2row, wa, wb, bh):
    nb = P // R
    return pl.pallas_call(
        _combine2_body,
        grid=(2, nb),
        in_specs=[
            pl.BlockSpec((R, D), lambda i, j: (i * (P // R) + j, 0)),
            pl.BlockSpec((R, D), lambda i, j: (i * (P // R) + j, 0)),
            pl.BlockSpec((R, 1), lambda i, j: (i * (P // R) + j, 0)),
            pl.BlockSpec((1, D), lambda i, j: (0, 0)),
            pl.BlockSpec((D, D), lambda i, j: (0, 0)),
            pl.BlockSpec((D, D), lambda i, j: (0, 0)),
            pl.BlockSpec((1, D), lambda i, j: (0, 0)),
        ],
        out_specs=pl.BlockSpec((R, D), lambda i, j: (i * (P // R) + j, 0)),
        out_shape=jax.ShapeDtypeStruct((NN, D), jnp.float32),
    )(acc2, z2, cntcol, b2row, wa, wb, bh)


def _final_body(sblk, w2r, b2, out):
    sb = sblk[...].astype(jnp.bfloat16).astype(jnp.float32)
    wb = w2r[...].astype(jnp.bfloat16).astype(jnp.float32)
    out[...] = jnp.sum(sb * wb, axis=1, keepdims=True) + b2[...]


def _final(s, w2row, b2sq):
    return pl.pallas_call(
        _final_body,
        grid=(E // RE,),
        in_specs=[
            pl.BlockSpec((RE, D), lambda i: (i, 0)),
            pl.BlockSpec((1, D), lambda i: (0, 0)),
            pl.BlockSpec((1, 1), lambda i: (0, 0)),
        ],
        out_specs=pl.BlockSpec((RE, 1), lambda i: (i, 0)),
        out_shape=jax.ShapeDtypeStruct((E, 1), jnp.float32),
    )(s, w2row, b2sq)



def _pad_rows(a, rows):
    return jnp.pad(a, ((0, rows - a.shape[0]), (0, 0)))


def kernel(edge_index, user_features, product_features, user_emb, prod_emb,
           W_uf, b_uf, W_pf, b_pf, conv1_W, conv1_b, conv2_W, conv2_b,
           pred_W1, pred_b1, pred_W2, pred_b2):
    ui = edge_index[0]
    pip = edge_index[1] - NU
    lsrc = jnp.concatenate([ui, pip])
    gsrc = jnp.concatenate([ui, pip + P])

    cnt = _deg_kernel(lsrc)
    cntcol = cnt.reshape(NN, 1)

    x0, z1 = _featz(_pad_rows(user_features, P), W_uf, b_uf.reshape(1, D),
                    _pad_rows(user_emb, P), _pad_rows(product_features, P),
                    W_pf, b_pf.reshape(1, D), _pad_rows(prod_emb, P), cntcol,
                    conv1_W)
    acc1 = _scatter_kernel(z1, gsrc, lsrc)
    z2 = _combine1(acc1, z1, cntcol, conv1_b.reshape(1, D), conv2_W)
    acc2 = _scatter_kernel(z2, gsrc, lsrc)

    xall = _combine2(acc2, z2, cntcol, conv2_b.reshape(1, D), pred_W1[:D],
                     pred_W1[D:], pred_b1.reshape(1, D))

    s = _predgather_kernel(xall, lsrc, gsrc)
    pred = _final(s, pred_W2.reshape(1, D), pred_b2.reshape(1, 1))
    return pred.reshape(E)

# --- scband reference (transcript-rebuilt; emitter-appended) ---
"""Pipeline reference for scband-base-gnn-model-57767310131303 (READ-ONLY COPY).

The authoritative reference and input builder live on the scoring server;
editing this copy changes nothing except your own understanding.
"""

import jax, jax.numpy as jnp
import numpy as np

NUM_USERS = 25000
NUM_PRODUCTS = 25000
USER_FEAT_DIM = 128
PROD_FEAT_DIM = 128
EMB_DIM = 64
N_EDGES = 800000


def setup_inputs(seed: int = 0) -> dict:
    key = jax.random.key(seed)
    ks = jax.random.split(key, 20)
    ui = jax.random.randint(ks[0], (N_EDGES,), 0, NUM_USERS, dtype=jnp.int32)
    pi = jax.random.randint(ks[1], (N_EDGES,), NUM_USERS, NUM_USERS + NUM_PRODUCTS, dtype=jnp.int32)
    edge_index = jnp.stack([ui, pi], axis=0)
    s_uf = 1.0 / np.sqrt(USER_FEAT_DIM)
    s_pf = 1.0 / np.sqrt(PROD_FEAT_DIM)
    s_e = 1.0 / np.sqrt(EMB_DIM)
    s_p1 = 1.0 / np.sqrt(2 * EMB_DIM)
    return {
        "edge_index": edge_index,
        "user_features": jax.random.normal(ks[2], (NUM_USERS, USER_FEAT_DIM), jnp.float32),
        "product_features": jax.random.normal(ks[3], (NUM_PRODUCTS, PROD_FEAT_DIM), jnp.float32),
        "user_emb": 0.02 * jax.random.normal(ks[4], (NUM_USERS, EMB_DIM), jnp.float32),
        "prod_emb": 0.02 * jax.random.normal(ks[5], (NUM_PRODUCTS, EMB_DIM), jnp.float32),
        "W_uf": s_uf * jax.random.normal(ks[6], (USER_FEAT_DIM, EMB_DIM), jnp.float32),
        "b_uf": jnp.zeros((EMB_DIM,), jnp.float32),
        "W_pf": s_pf * jax.random.normal(ks[7], (PROD_FEAT_DIM, EMB_DIM), jnp.float32),
        "b_pf": jnp.zeros((EMB_DIM,), jnp.float32),
        "conv1_W": s_e * jax.random.normal(ks[8], (EMB_DIM, EMB_DIM), jnp.float32),
        "conv1_b": jnp.zeros((EMB_DIM,), jnp.float32),
        "conv2_W": s_e * jax.random.normal(ks[9], (EMB_DIM, EMB_DIM), jnp.float32),
        "conv2_b": jnp.zeros((EMB_DIM,), jnp.float32),
        "pred_W1": s_p1 * jax.random.normal(ks[10], (2 * EMB_DIM, EMB_DIM), jnp.float32),
        "pred_b1": jnp.zeros((EMB_DIM,), jnp.float32),
        "pred_W2": s_e * jax.random.normal(ks[11], (EMB_DIM, 1), jnp.float32),
        "pred_b2": jnp.zeros((1,), jnp.float32),
    }


def reference(edge_index, user_features, product_features, user_emb, prod_emb,
              W_uf, b_uf, W_pf, b_pf, conv1_W, conv1_b, conv2_W, conv2_b,
              pred_W1, pred_b1, pred_W2, pred_b2):
    num_users = user_features.shape[0]
    n = num_users + product_features.shape[0]
    ui = edge_index[0]
    pi = edge_index[1]
    off_pi = pi - num_users
    # combined bidirectional edge index: forward (ui->pi) and reverse (pi->ui)
    src = jnp.concatenate([ui, pi])
    dst = jnp.concatenate([pi, ui])

    def gcn_conv(x, W, b):
        # PyG GCNConv: add self-loops, symmetric normalization, aggregate at dst
        xw = x @ W
        loop = jnp.arange(n, dtype=src.dtype)
        s = jnp.concatenate([src, loop])
        d = jnp.concatenate([dst, loop])
        deg = jnp.zeros((n,), x.dtype).at[d].add(jnp.ones((s.shape[0],), x.dtype))
        dis = jnp.where(deg > 0, jax.lax.rsqrt(jnp.maximum(deg, 1e-12)), 0.0)
        norm = dis[s] * dis[d]
        msg = xw[s] * norm[:, None]
        out = jnp.zeros((n, W.shape[1]), x.dtype).at[d].add(msg)
        return out + b

    user_x = user_features @ W_uf + b_uf + user_emb
    prod_x = product_features @ W_pf + b_pf + prod_emb
    x = jnp.concatenate([user_x, prod_x], axis=0)
    x = jax.nn.relu(gcn_conv(x, conv1_W, conv1_b))
    # F.dropout(p=0.2, training=False) is identity in eval mode
    x = gcn_conv(x, conv2_W, conv2_b)
    user_embeddings = x[:num_users]
    product_embeddings = x[num_users:]
    ue = user_embeddings[ui]
    pe = product_embeddings[off_pi]
    pair = jnp.concatenate([ue, pe], axis=1)
    h = jax.nn.relu(pair @ pred_W1 + pred_b1)
    pred = (h @ pred_W2 + pred_b2).squeeze()
    return pred

if __name__ == "__main__":
    import jax
    _d = setup_inputs()
    print(jax.jit(kernel)(*tuple(_d.values())))

</pallas_src>

<mosaic_0001>
#map = affine_map<(d0, d1) -> (0, 0)>
#map1 = affine_map<(d0, d1) -> (0)>
module attributes {stable_mosaic.version = 14 : i64} {
  func.func @_scatter_kernel(%arg0: i32, %arg1: i32, %arg2: memref<51200x64xf32, #tpu.memory_space<hbm>>, %arg3: memref<1600000xi32, #tpu.memory_space<hbm>>, %arg4: memref<1600000xi32, #tpu.memory_space<hbm>>, %arg5: memref<51200x64xf32, #tpu.memory_space<hbm>>, %arg6: memref<1000xi32, #tpu.memory_space<vmem>>, %arg7: memref<200xi32, #tpu.memory_space<vmem>>, %arg8: memref<200xi32, #tpu.memory_space<vmem>>, %arg9: memref<200x64xf32, #tpu.memory_space<vmem>>, %arg10: memref<200x64xf32, #tpu.memory_space<vmem>>, %arg11: memref<25600x64xf32, #tpu.memory_space<vmem_shared>>, %arg12: memref<!tpu.dma_semaphore, #tpu.memory_space<semaphore_mem>>, %arg13: memref<!tpu.dma_semaphore, #tpu.memory_space<semaphore_mem>>) attributes {dimension_semantics = [#tpu.dimension_semantics<core_parallel>, #tpu.dimension_semantics<subcore_parallel>], iteration_bounds = array<i64: 2, 16>, scalar_prefetch = 0 : i64, scratch_operands = 8 : i64, tpu.core_type = #tpu.core_type<sc_vector_subcore>, window_params = [{transform_indices = #map}, {transform_indices = #map1}, {transform_indices = #map1}, {transform_indices = #map}]} {
    %sub3A = arith.constant 1 : i32
    %sub3A_0 = arith.subi %sub3A, %arg0 : i32
    %scan3A = arith.constant 0 : i32
    %scan3A_1 = arith.constant 0 : i32
    %scan3A_2 = arith.constant 200 : i32
    %scan3A_3 = arith.addi %scan3A_1, %scan3A_2 : i32
    %scan3A_4 = arith.constant 1 : i32
    %scan3A_5 = scf.for %scan3A_133 = %scan3A_1 to %scan3A_3 step %scan3A_4 iter_args(%scan3A_134 = %scan3A) -> (i32)  : i32 {
      %broadcast_in_dim3A = arith.constant 0.000000e+00 : f32
      %broadcast_in_dim3A_135 = vector.broadcast %broadcast_in_dim3A : f32 to vector<16xf32>
      %swap3A = arith.index_cast %scan3A_133 : i32 to index
      %swap3A_136 = arith.constant 0 : index
      %swap3A_137 = tpu.vector_load %arg9[%swap3A, %swap3A_136] {strides = array<i32>} : memref<200x64xf32, #tpu.memory_space<vmem>>, vector<1x16xf32>,
      %swap3A_138 = vector.shape_cast %swap3A_137 : vector<1x16xf32> to vector<16xf32>
      %swap3A_139 = vector.shape_cast %broadcast_in_dim3A_135 : vector<16xf32> to vector<1x16xf32>
      tpu.vector_store %arg9[%swap3A, %swap3A_136], %swap3A_139 {strides = array<i32>} : memref<200x64xf32, #tpu.memory_space<vmem>>, vector<1x16xf32>,
      %broadcast_in_dim3A_140 = arith.constant 0.000000e+00 : f32
      %broadcast_in_dim3A_141 = vector.broadcast %broadcast_in_dim3A_140 : f32 to vector<16xf32>
      %swap3A_142 = arith.index_cast %scan3A_133 : i32 to index
      %swap3A_143 = arith.constant 16 : index
      %swap3A_144 = tpu.vector_load %arg9[%swap3A_142, %swap3A_143] {strides = array<i32>} : memref<200x64xf32, #tpu.memory_space<vmem>>, vector<1x16xf32>,
      %swap3A_145 = vector.shape_cast %swap3A_144 : vector<1x16xf32> to vector<16xf32>
      %swap3A_146 = vector.shape_cast %broadcast_in_dim3A_141 : vector<16xf32> to vector<1x16xf32>
      tpu.vector_store %arg9[%swap3A_142, %swap3A_143], %swap3A_146 {strides = array<i32>} : memref<200x64xf32, #tpu.memory_space<vmem>>, vector<1x16xf32>,
      %broadcast_in_dim3A_147 = arith.constant 0.000000e+00 : f32
      %broadcast_in_dim3A_148 = vector.broadcast %broadcast_in_dim3A_147 : f32 to vector<16xf32>
      %swap3A_149 = arith.index_cast %scan3A_133 : i32 to index
      %swap3A_150 = arith.constant 32 : index
      %swap3A_151 = tpu.vector_load %arg9[%swap3A_149, %swap3A_150] {strides = array<i32>} : memref<200x64xf32, #tpu.memory_space<vmem>>, vector<1x16xf32>,
      %swap3A_152 = vector.shape_cast %swap3A_151 : vector<1x16xf32> to vector<16xf32>
      %swap3A_153 = vector.shape_cast %broadcast_in_dim3A_148 : vector<16xf32> to vector<1x16xf32>
      tpu.vector_store %arg9[%swap3A_149, %swap3A_150], %swap3A_153 {strides = array<i32>} : memref<200x64xf32, #tpu.memory_space<vmem>>, vector<1x16xf32>,
      %broadcast_in_dim3A_154 = arith.constant 0.000000e+00 : f32
      %broadcast_in_dim3A_155 = vector.broadcast %broadcast_in_dim3A_154 : f32 to vector<16xf32>
      %swap3A_156 = arith.index_cast %scan3A_133 : i32 to index
      %swap3A_157 = arith.constant 48 : index
      %swap3A_158 = tpu.vector_load %arg9[%swap3A_156, %swap3A_157] {strides = array<i32>} : memref<200x64xf32, #tpu.memory_space<vmem>>, vector<1x16xf32>,
      %swap3A_159 = vector.shape_cast %swap3A_158 : vector<1x16xf32> to vector<16xf32>
      %swap3A_160 = vector.shape_cast %broadcast_in_dim3A_155 : vector<16xf32> to vector<1x16xf32>
      tpu.vector_store %arg9[%swap3A_156, %swap3A_157], %swap3A_160 {strides = array<i32>} : memref<200x64xf32, #tpu.memory_space<vmem>>, vector<1x16xf32>,
      %scan3A_161 = arith.constant 0 : i32
      scf.yield %scan3A_161 : i32
    }
    %scan3A_6 = arith.constant 200 : i32
    %mul3A = arith.constant 1600 : i32
    %mul3A_7 = arith.muli %arg1, %mul3A : i32
    %add3A = arith.constant 0 : i32
    %add3A_8 = arith.addi %mul3A_7, %add3A : i32
    "tpu.region"() ({
      %run_scoped3A = tpu.sem_alloc : memref<!tpu.dma_semaphore, #tpu.memory_space<semaphore_mem>>
      %dma_start3A = arith.constant 0 : i32
      %dma_start3A_133 = tpu.memref_slice %arg11[%add3A_8, %dma_start3A] : memref<25600x64xf32, #tpu.memory_space<vmem_shared>> -> memref<200x64xf32, #tpu.memory_space<vmem_shared>>
      %dma_start3A_134 = arith.constant 0 : i32
      %dma_start3A_135 = tpu.memref_slice %arg11[%add3A_8, %dma_start3A_134] : memref<25600x64xf32, #tpu.memory_space<vmem_shared>> -> memref<200x64xf32, #tpu.memory_space<vmem_shared>>
      tpu.enqueue_dma source(%arg9 : memref<200x64xf32, #tpu.memory_space<vmem>>) target(%dma_start3A_135 : memref<200x64xf32, #tpu.memory_space<vmem_shared>>) target_semaphore(%run_scoped3A : memref<!tpu.dma_semaphore, #tpu.memory_space<semaphore_mem>>)
      %dma_wait3A = arith.constant 0 : i32
      %dma_wait3A_136 = tpu.memref_slice %arg11[%add3A_8, %dma_wait3A] : memref<25600x64xf32, #tpu.memory_space<vmem_shared>> -> memref<200x64xf32, #tpu.memory_space<vmem_shared>>
      %dma_wait3A_137 = arith.constant 0 : i32
      %dma_wait3A_138 = tpu.memref_slice %arg11[%add3A_8, %dma_wait3A_137] : memref<25600x64xf32, #tpu.memory_space<vmem_shared>> -> memref<200x64xf32, #tpu.memory_space<vmem_shared>>
      tpu.wait_dma2 semaphore(%run_scoped3A : memref<!tpu.dma_semaphore, #tpu.memory_space<semaphore_mem>>) src(%arg9 : memref<200x64xf32, #tpu.memory_space<vmem>>) dst(%dma_wait3A_138 : memref<200x64xf32, #tpu.memory_space<vmem_shared>>)
      tpu.yield
    }) : () -> ()
    %mul3A_9 = arith.constant 1600 : i32
    %mul3A_10 = arith.muli %arg1, %mul3A_9 : i32
    %add3A_11 = arith.constant 200 : i32
    %add3A_12 = arith.addi %mul3A_10, %add3A_11 : i32
    "tpu.region"() ({
      %run_scoped3A = tpu.sem_alloc : memref<!tpu.dma_semaphore, #tpu.memory_space<semaphore_mem>>
      %dma_start3A = arith.constant 0 : i32
      %dma_start3A_133 = tpu.memref_slice %arg11[%add3A_12, %dma_start3A] : memref<25600x64xf32, #tpu.memory_space<vmem_shared>> -> memref<200x64xf32, #tpu.memory_space<vmem_shared>>
      %dma_start3A_134 = arith.constant 0 : i32
      %dma_start3A_135 = tpu.memref_slice %arg11[%add3A_12, %dma_start3A_134] : memref<25600x64xf32, #tpu.memory_space<vmem_shared>> -> memref<200x64xf32, #tpu.memory_space<vmem_shared>>
      tpu.enqueue_dma source(%arg9 : memref<200x64xf32, #tpu.memory_space<vmem>>) target(%dma_start3A_135 : memref<200x64xf32, #tpu.memory_space<vmem_shared>>) target_semaphore(%run_scoped3A : memref<!tpu.dma_semaphore, #tpu.memory_space<semaphore_mem>>)
      %dma_wait3A = arith.constant 0 : i32
      %dma_wait3A_136 = tpu.memref_slice %arg11[%add3A_12, %dma_wait3A] : memref<25600x64xf32, #tpu.memory_space<vmem_shared>> -> memref<200x64xf32, #tpu.memory_space<vmem_shared>>
      %dma_wait3A_137 = arith.constant 0 : i32
      %dma_wait3A_138 = tpu.memref_slice %arg11[%add3A_12, %dma_wait3A_137] : memref<25600x64xf32, #tpu.memory_space<vmem_shared>> -> memref<200x64xf32, #tpu.memory_space<vmem_shared>>
      tpu.wait_dma2 semaphore(%run_scoped3A : memref<!tpu.dma_semaphore, #tpu.memory_space<semaphore_mem>>) src(%arg9 : memref<200x64xf32, #tpu.memory_space<vmem>>) dst(%dma_wait3A_138 : memref<200x64xf32, #tpu.memory_space<vmem_shared>>)
      tpu.yield
    }) : () -> ()
    %mul3A_13 = arith.constant 1600 : i32
    %mul3A_14 = arith.muli %arg1, %mul3A_13 : i32
    %add3A_15 = arith.constant 400 : i32
    %add3A_16 = arith.addi %mul3A_14, %add3A_15 : i32
    "tpu.region"() ({
      %run_scoped3A = tpu.sem_alloc : memref<!tpu.dma_semaphore, #tpu.memory_space<semaphore_mem>>
      %dma_start3A = arith.constant 0 : i32
      %dma_start3A_133 = tpu.memref_slice %arg11[%add3A_16, %dma_start3A] : memref<25600x64xf32, #tpu.memory_space<vmem_shared>> -> memref<200x64xf32, #tpu.memory_space<vmem_shared>>
      %dma_start3A_134 = arith.constant 0 : i32
      %dma_start3A_135 = tpu.memref_slice %arg11[%add3A_16, %dma_start3A_134] : memref<25600x64xf32, #tpu.memory_space<vmem_shared>> -> memref<200x64xf32, #tpu.memory_space<vmem_shared>>
      tpu.enqueue_dma source(%arg9 : memref<200x64xf32, #tpu.memory_space<vmem>>) target(%dma_start3A_135 : memref<200x64xf32, #tpu.memory_space<vmem_shared>>) target_semaphore(%run_scoped3A : memref<!tpu.dma_semaphore, #tpu.memory_space<semaphore_mem>>)
      %dma_wait3A = arith.constant 0 : i32
      %dma_wait3A_136 = tpu.memref_slice %arg11[%add3A_16, %dma_wait3A] : memref<25600x64xf32, #tpu.memory_space<vmem_shared>> -> memref<200x64xf32, #tpu.memory_space<vmem_shared>>
      %dma_wait3A_137 = arith.constant 0 : i32
      %dma_wait3A_138 = tpu.memref_slice %arg11[%add3A_16, %dma_wait3A_137] : memref<25600x64xf32, #tpu.memory_space<vmem_shared>> -> memref<200x64xf32, #tpu.memory_space<vmem_shared>>
      tpu.wait_dma2 semaphore(%run_scoped3A : memref<!tpu.dma_semaphore, #tpu.memory_space<semaphore_mem>>) src(%arg9 : memref<200x64xf32, #tpu.memory_space<vmem>>) dst(%dma_wait3A_138 : memref<200x64xf32, #tpu.memory_space<vmem_shared>>)
      tpu.yield
    }) : () -> ()
    %mul3A_17 = arith.constant 1600 : i32
    %mul3A_18 = arith.muli %arg1, %mul3A_17 : i32
    %add3A_19 = arith.constant 600 : i32
    %add3A_20 = arith.addi %mul3A_18, %add3A_19 : i32
    "tpu.region"() ({
      %run_scoped3A = tpu.sem_alloc : memref<!tpu.dma_semaphore, #tpu.memory_space<semaphore_mem>>
      %dma_start3A = arith.constant 0 : i32
      %dma_start3A_133 = tpu.memref_slice %arg11[%add3A_20, %dma_start3A] : memref<25600x64xf32, #tpu.memory_space<vmem_shared>> -> memref<200x64xf32, #tpu.memory_space<vmem_shared>>
      %dma_start3A_134 = arith.constant 0 : i32
      %dma_start3A_135 = tpu.memref_slice %arg11[%add3A_20, %dma_start3A_134] : memref<25600x64xf32, #tpu.memory_space<vmem_shared>> -> memref<200x64xf32, #tpu.memory_space<vmem_shared>>
      tpu.enqueue_dma source(%arg9 : memref<200x64xf32, #tpu.memory_space<vmem>>) target(%dma_start3A_135 : memref<200x64xf32, #tpu.memory_space<vmem_shared>>) target_semaphore(%run_scoped3A : memref<!tpu.dma_semaphore, #tpu.memory_space<semaphore_mem>>)
      %dma_wait3A = arith.constant 0 : i32
      %dma_wait3A_136 = tpu.memref_slice %arg11[%add3A_20, %dma_wait3A] : memref<25600x64xf32, #tpu.memory_space<vmem_shared>> -> memref<200x64xf32, #tpu.memory_space<vmem_shared>>
      %dma_wait3A_137 = arith.constant 0 : i32
      %dma_wait3A_138 = tpu.memref_slice %arg11[%add3A_20, %dma_wait3A_137] : memref<25600x64xf32, #tpu.memory_space<vmem_shared>> -> memref<200x64xf32, #tpu.memory_space<vmem_shared>>
      tpu.wait_dma2 semaphore(%run_scoped3A : memref<!tpu.dma_semaphore, #tpu.memory_space<semaphore_mem>>) src(%arg9 : memref<200x64xf32, #tpu.memory_space<vmem>>) dst(%dma_wait3A_138 : memref<200x64xf32, #tpu.memory_space<vmem_shared>>)
      tpu.yield
    }) : () -> ()
    %mul3A_21 = arith.constant 1600 : i32
    %mul3A_22 = arith.muli %arg1, %mul3A_21 : i32
    %add3A_23 = arith.constant 800 : i32
    %add3A_24 = arith.addi %mul3A_22, %add3A_23 : i32
    "tpu.region"() ({
      %run_scoped3A = tpu.sem_alloc : memref<!tpu.dma_semaphore, #tpu.memory_space<semaphore_mem>>
      %dma_start3A = arith.constant 0 : i32
      %dma_start3A_133 = tpu.memref_slice %arg11[%add3A_24, %dma_start3A] : memref<25600x64xf32, #tpu.memory_space<vmem_shared>> -> memref<200x64xf32, #tpu.memory_space<vmem_shared>>
      %dma_start3A_134 = arith.constant 0 : i32
      %dma_start3A_135 = tpu.memref_slice %arg11[%add3A_24, %dma_start3A_134] : memref<25600x64xf32, #tpu.memory_space<vmem_shared>> -> memref<200x64xf32, #tpu.memory_space<vmem_shared>>
      tpu.enqueue_dma source(%arg9 : memref<200x64xf32, #tpu.memory_space<vmem>>) target(%dma_start3A_135 : memref<200x64xf32, #tpu.memory_space<vmem_shared>>) target_semaphore(%run_scoped3A : memref<!tpu.dma_semaphore, #tpu.memory_space<semaphore_mem>>)
      %dma_wait3A = arith.constant 0 : i32
      %dma_wait3A_136 = tpu.memref_slice %arg11[%add3A_24, %dma_wait3A] : memref<25600x64xf32, #tpu.memory_space<vmem_shared>> -> memref<200x64xf32, #tpu.memory_space<vmem_shared>>
      %dma_wait3A_137 = arith.constant 0 : i32
      %dma_wait3A_138 = tpu.memref_slice %arg11[%add3A_24, %dma_wait3A_137] : memref<25600x64xf32, #tpu.memory_space<vmem_shared>> -> memref<200x64xf32, #tpu.memory_space<vmem_shared>>
      tpu.wait_dma2 semaphore(%run_scoped3A : memref<!tpu.dma_semaphore, #tpu.memory_space<semaphore_mem>>) src(%arg9 : memref<200x64xf32, #tpu.memory_space<vmem>>) dst(%dma_wait3A_138 : memref<200x64xf32, #tpu.memory_space<vmem_shared>>)
      tpu.yield
    }) : () -> ()
    %mul3A_25 = arith.constant 1600 : i32
    %mul3A_26 = arith.muli %arg1, %mul3A_25 : i32
    %add3A_27 = arith.constant 1000 : i32
    %add3A_28 = arith.addi %mul3A_26, %add3A_27 : i32
    "tpu.region"() ({
      %run_scoped3A = tpu.sem_alloc : memref<!tpu.dma_semaphore, #tpu.memory_space<semaphore_mem>>
      %dma_start3A = arith.constant 0 : i32
      %dma_start3A_133 = tpu.memref_slice %arg11[%add3A_28, %dma_start3A] : memref<25600x64xf32, #tpu.memory_space<vmem_shared>> -> memref<200x64xf32, #tpu.memory_space<vmem_shared>>
      %dma_start3A_134 = arith.constant 0 : i32
      %dma_start3A_135 = tpu.memref_slice %arg11[%add3A_28, %dma_start3A_134] : memref<25600x64xf32, #tpu.memory_space<vmem_shared>> -> memref<200x64xf32, #tpu.memory_space<vmem_shared>>
      tpu.enqueue_dma source(%arg9 : memref<200x64xf32, #tpu.memory_space<vmem>>) target(%dma_start3A_135 : memref<200x64xf32, #tpu.memory_space<vmem_shared>>) target_semaphore(%run_scoped3A : memref<!tpu.dma_semaphore, #tpu.memory_space<semaphore_mem>>)
      %dma_wait3A = arith.constant 0 : i32
      %dma_wait3A_136 = tpu.memref_slice %arg11[%add3A_28, %dma_wait3A] : memref<25600x64xf32, #tpu.memory_space<vmem_shared>> -> memref<200x64xf32, #tpu.memory_space<vmem_shared>>
      %dma_wait3A_137 = arith.constant 0 : i32
      %dma_wait3A_138 = tpu.memref_slice %arg11[%add3A_28, %dma_wait3A_137] : memref<25600x64xf32, #tpu.memory_space<vmem_shared>> -> memref<200x64xf32, #tpu.memory_space<vmem_shared>>
      tpu.wait_dma2 semaphore(%run_scoped3A : memref<!tpu.dma_semaphore, #tpu.memory_space<semaphore_mem>>) src(%arg9 : memref<200x64xf32, #tpu.memory_space<vmem>>) dst(%dma_wait3A_138 : memref<200x64xf32, #tpu.memory_space<vmem_shared>>)
      tpu.yield
    }) : () -> ()
    %mul3A_29 = arith.constant 1600 : i32
    %mul3A_30 = arith.muli %arg1, %mul3A_29 : i32
    %add3A_31 = arith.constant 1200 : i32
    %add3A_32 = arith.addi %mul3A_30, %add3A_31 : i32
    "tpu.region"() ({
      %run_scoped3A = tpu.sem_alloc : memref<!tpu.dma_semaphore, #tpu.memory_space<semaphore_mem>>
      %dma_start3A = arith.constant 0 : i32
      %dma_start3A_133 = tpu.memref_slice %arg11[%add3A_32, %dma_start3A] : memref<25600x64xf32, #tpu.memory_space<vmem_shared>> -> memref<200x64xf32, #tpu.memory_space<vmem_shared>>
      %dma_start3A_134 = arith.constant 0 : i32
      %dma_start3A_135 = tpu.memref_slice %arg11[%add3A_32, %dma_start3A_134] : memref<25600x64xf32, #tpu.memory_space<vmem_shared>> -> memref<200x64xf32, #tpu.memory_space<vmem_shared>>
      tpu.enqueue_dma source(%arg9 : memref<200x64xf32, #tpu.memory_space<vmem>>) target(%dma_start3A_135 : memref<200x64xf32, #tpu.memory_space<vmem_shared>>) target_semaphore(%run_scoped3A : memref<!tpu.dma_semaphore, #tpu.memory_space<semaphore_mem>>)
      %dma_wait3A = arith.constant 0 : i32
      %dma_wait3A_136 = tpu.memref_slice %arg11[%add3A_32, %dma_wait3A] : memref<25600x64xf32, #tpu.memory_space<vmem_shared>> -> memref<200x64xf32, #tpu.memory_space<vmem_shared>>
      %dma_wait3A_137 = arith.constant 0 : i32
      %dma_wait3A_138 = tpu.memref_slice %arg11[%add3A_32, %dma_wait3A_137] : memref<25600x64xf32, #tpu.memory_space<vmem_shared>> -> memref<200x64xf32, #tpu.memory_space<vmem_shared>>
      tpu.wait_dma2 semaphore(%run_scoped3A : memref<!tpu.dma_semaphore, #tpu.memory_space<semaphore_mem>>) src(%arg9 : memref<200x64xf32, #tpu.memory_space<vmem>>) dst(%dma_wait3A_138 : memref<200x64xf32, #tpu.memory_space<vmem_shared>>)
      tpu.yield
    }) : () -> ()
    %mul3A_33 = arith.constant 1600 : i32
    %mul3A_34 = arith.muli %arg1, %mul3A_33 : i32
    %add3A_35 = arith.constant 1400 : i32
    %add3A_36 = arith.addi %mul3A_34, %add3A_35 : i32
    "tpu.region"() ({
      %run_scoped3A = tpu.sem_alloc : memref<!tpu.dma_semaphore, #tpu.memory_space<semaphore_mem>>
      %dma_start3A = arith.constant 0 : i32
      %dma_start3A_133 = tpu.memref_slice %arg11[%add3A_36, %dma_start3A] : memref<25600x64xf32, #tpu.memory_space<vmem_shared>> -> memref<200x64xf32, #tpu.memory_space<vmem_shared>>
      %dma_start3A_134 = arith.constant 0 : i32
      %dma_start3A_135 = tpu.memref_slice %arg11[%add3A_36, %dma_start3A_134] : memref<25600x64xf32, #tpu.memory_space<vmem_shared>> -> memref<200x64xf32, #tpu.memory_space<vmem_shared>>
      tpu.enqueue_dma source(%arg9 : memref<200x64xf32, #tpu.memory_space<vmem>>) target(%dma_start3A_135 : memref<200x64xf32, #tpu.memory_space<vmem_shared>>) target_semaphore(%run_scoped3A : memref<!tpu.dma_semaphore, #tpu.memory_space<semaphore_mem>>)
      %dma_wait3A = arith.constant 0 : i32
      %dma_wait3A_136 = tpu.memref_slice %arg11[%add3A_36, %dma_wait3A] : memref<25600x64xf32, #tpu.memory_space<vmem_shared>> -> memref<200x64xf32, #tpu.memory_space<vmem_shared>>
      %dma_wait3A_137 = arith.constant 0 : i32
      %dma_wait3A_138 = tpu.memref_slice %arg11[%add3A_36, %dma_wait3A_137] : memref<25600x64xf32, #tpu.memory_space<vmem_shared>> -> memref<200x64xf32, #tpu.memory_space<vmem_shared>>
      tpu.wait_dma2 semaphore(%run_scoped3A : memref<!tpu.dma_semaphore, #tpu.memory_space<semaphore_mem>>) src(%arg9 : memref<200x64xf32, #tpu.memory_space<vmem>>) dst(%dma_wait3A_138 : memref<200x64xf32, #tpu.memory_space<vmem_shared>>)
      tpu.yield
    }) : () -> ()
    %barrier3A = arith.constant 0 : index
    tpu.barrier barrier_id(%barrier3A)
    %scan3A_37 = arith.constant 0 : i32
    %scan3A_38 = arith.constant 0 : i32
    %scan3A_39 = arith.constant 50 : i32
    %scan3A_40 = arith.addi %scan3A_38, %scan3A_39 : i32
    %scan3A_41 = arith.constant 1 : i32
    %scan3A_42 = scf.for %scan3A_133 = %scan3A_38 to %scan3A_40 step %scan3A_41 iter_args(%scan3A_134 = %scan3A_37) -> (i32)  : i32 {
      %mul3A_135 = arith.constant 50000 : i32
      %mul3A_136 = arith.muli %arg1, %mul3A_135 : i32
      %mul3A_137 = arith.constant 1000 : i32
      %mul3A_138 = arith.muli %scan3A_133, %mul3A_137 : i32
      %add3A_139 = arith.addi %mul3A_136, %mul3A_138 : i32
      %multiple_of3A = tpu.assume_multiple %add3A_139, 8 : i32
      %mul3A_140 = arith.constant 800000 : i32
      %mul3A_141 = arith.muli %arg0, %mul3A_140 : i32
      %add3A_142 = arith.addi %mul3A_141, %multiple_of3A : i32
      "tpu.region"() ({
        %run_scoped3A = tpu.sem_alloc : memref<!tpu.dma_semaphore, #tpu.memory_space<semaphore_mem>>
        %dma_start3A_217 = tpu.memref_slice %arg3[%add3A_142] : memref<1600000xi32, #tpu.memory_space<hbm>> -> memref<1000xi32, #tpu.memory_space<hbm>>
        %dma_start3A_218 = tpu.memref_slice %arg3[%add3A_142] : memref<1600000xi32, #tpu.memory_space<hbm>> -> memref<1000xi32, #tpu.memory_space<hbm>>
        tpu.enqueue_dma source(%dma_start3A_218 : memref<1000xi32, #tpu.memory_space<hbm>>) target(%arg6 : memref<1000xi32, #tpu.memory_space<vmem>>) target_semaphore(%run_scoped3A : memref<!tpu.dma_semaphore, #tpu.memory_space<semaphore_mem>>)
        %dma_wait3A_219 = tpu.memref_slice %arg3[%add3A_142] : memref<1600000xi32, #tpu.memory_space<hbm>> -> memref<1000xi32, #tpu.memory_space<hbm>>
        %dma_wait3A_220 = tpu.memref_slice %arg3[%add3A_142] : memref<1600000xi32, #tpu.memory_space<hbm>> -> memref<1000xi32, #tpu.memory_space<hbm>>
        tpu.wait_dma2 semaphore(%run_scoped3A : memref<!tpu.dma_semaphore, #tpu.memory_space<semaphore_mem>>) src(%dma_wait3A_220 : memref<1000xi32, #tpu.memory_space<hbm>>) dst(%arg6 : memref<1000xi32, #tpu.memory_space<vmem>>)
        tpu.yield
      }) : () -> ()
      %mul3A_143 = arith.constant 800000 : i32
      %mul3A_144 = arith.muli %sub3A_0, %mul3A_143 : i32
      %add3A_145 = arith.addi %mul3A_144, %multiple_of3A : i32
      %add3A_146 = arith.constant 0 : i32
      %add3A_147 = arith.addi %add3A_145, %add3A_146 : i32
      "tpu.region"() ({
        %run_scoped3A = tpu.sem_alloc : memref<!tpu.dma_semaphore, #tpu.memory_space<semaphore_mem>>
        %dma_start3A_217 = tpu.memref_slice %arg4[%add3A_147] : memref<1600000xi32, #tpu.memory_space<hbm>> -> memref<200xi32, #tpu.memory_space<hbm>>
        %dma_start3A_218 = tpu.memref_slice %arg4[%add3A_147] : memref<1600000xi32, #tpu.memory_space<hbm>> -> memref<200xi32, #tpu.memory_space<hbm>>
        tpu.enqueue_dma source(%dma_start3A_218 : memref<200xi32, #tpu.memory_space<hbm>>) target(%arg7 : memref<200xi32, #tpu.memory_space<vmem>>) target_semaphore(%run_scoped3A : memref<!tpu.dma_semaphore, #tpu.memory_space<semaphore_mem>>)
        %dma_wait3A_219 = tpu.memref_slice %arg4[%add3A_147] : memref<1600000xi32, #tpu.memory_space<hbm>> -> memref<200xi32, #tpu.memory_space<hbm>>
        %dma_wait3A_220 = tpu.memref_slice %arg4[%add3A_147] : memref<1600000xi32, #tpu.memory_space<hbm>> -> memref<200xi32, #tpu.memory_space<hbm>>
        tpu.wait_dma2 semaphore(%run_scoped3A : memref<!tpu.dma_semaphore, #tpu.memory_space<semaphore_mem>>) src(%dma_wait3A_220 : memref<200xi32, #tpu.memory_space<hbm>>) dst(%arg7 : memref<200xi32, #tpu.memory_space<vmem>>)
        tpu.yield
      }) : () -> ()
      %dma_start3A = arith.constant 0 : i32
      %dma_start3A_148 = tpu.memref_slice %arg6[%dma_start3A] : memref<1000xi32, #tpu.memory_space<vmem>> -> memref<200xi32, #tpu.memory_space<vmem>>
      %dma_start3A_149 = arith.constant 0 : i32
      %dma_start3A_150 = arith.constant 0 : i32
      %dma_start3A_151 = tpu.memref_slice %arg2[%dma_start3A_149, %dma_start3A_150] : memref<51200x64xf32, #tpu.memory_space<hbm>> -> memref<51200x64xf32, #tpu.memory_space<hbm>>
      tpu.enqueue_indirect_dma source(%dma_start3A_151 : memref<51200x64xf32, #tpu.memory_space<hbm>>) target(%arg9 : memref<200x64xf32, #tpu.memory_space<vmem>>) offsets(%dma_start3A_148 : memref<200xi32, #tpu.memory_space<vmem>>) semaphore(%arg12 : memref<!tpu.dma_semaphore, #tpu.memory_space<semaphore_mem>>)
      %mul3A_152 = arith.constant 800000 : i32
      %mul3A_153 = arith.muli %sub3A_0, %mul3A_152 : i32
      %add3A_154 = arith.addi %mul3A_153, %multiple_of3A : i32
      %add3A_155 = arith.constant 200 : i32
      %add3A_156 = arith.addi %add3A_154, %add3A_155 : i32
      "tpu.region"() ({
        %run_scoped3A = tpu.sem_alloc : memref<!tpu.dma_semaphore, #tpu.memory_space<semaphore_mem>>
        %dma_start3A_217 = tpu.memref_slice %arg4[%add3A_156] : memref<1600000xi32, #tpu.memory_space<hbm>> -> memref<200xi32, #tpu.memory_space<hbm>>
        %dma_start3A_218 = tpu.memref_slice %arg4[%add3A_156] : memref<1600000xi32, #tpu.memory_space<hbm>> -> memref<200xi32, #tpu.memory_space<hbm>>
        tpu.enqueue_dma source(%dma_start3A_218 : memref<200xi32, #tpu.memory_space<hbm>>) target(%arg8 : memref<200xi32, #tpu.memory_space<vmem>>) target_semaphore(%run_scoped3A : memref<!tpu.dma_semaphore, #tpu.memory_space<semaphore_mem>>)
        %dma_wait3A_219 = tpu.memref_slice %arg4[%add3A_156] : memref<1600000xi32, #tpu.memory_space<hbm>> -> memref<200xi32, #tpu.memory_space<hbm>>
        %dma_wait3A_220 = tpu.memref_slice %arg4[%add3A_156] : memref<1600000xi32, #tpu.memory_space<hbm>> -> memref<200xi32, #tpu.memory_space<hbm>>
        tpu.wait_dma2 semaphore(%run_scoped3A : memref<!tpu.dma_semaphore, #tpu.memory_space<semaphore_mem>>) src(%dma_wait3A_220 : memref<200xi32, #tpu.memory_space<hbm>>) dst(%arg8 : memref<200xi32, #tpu.memory_space<vmem>>)
        tpu.yield
      }) : () -> ()
      %dma_start3A_157 = arith.constant 200 : i32
      %dma_start3A_158 = tpu.memref_slice %arg6[%dma_start3A_157] : memref<1000xi32, #tpu.memory_space<vmem>> -> memref<200xi32, #tpu.memory_space<vmem>>
      %dma_start3A_159 = arith.constant 0 : i32
      %dma_start3A_160 = arith.constant 0 : i32
      %dma_start3A_161 = tpu.memref_slice %arg2[%dma_start3A_159, %dma_start3A_160] : memref<51200x64xf32, #tpu.memory_space<hbm>> -> memref<51200x64xf32, #tpu.memory_space<hbm>>
      tpu.enqueue_indirect_dma source(%dma_start3A_161 : memref<51200x64xf32, #tpu.memory_space<hbm>>) target(%arg10 : memref<200x64xf32, #tpu.memory_space<vmem>>) offsets(%dma_start3A_158 : memref<200xi32, #tpu.memory_space<vmem>>) semaphore(%arg13 : memref<!tpu.dma_semaphore, #tpu.memory_space<semaphore_mem>>)
      %dma_wait3A = arith.constant 0 : i32
      %dma_wait3A_162 = tpu.memref_slice %arg6[%dma_wait3A] : memref<1000xi32, #tpu.memory_space<vmem>> -> memref<200xi32, #tpu.memory_space<vmem>>
      %dma_wait3A_163 = arith.constant 0 : i32
      %dma_wait3A_164 = arith.constant 0 : i32
      %dma_wait3A_165 = tpu.memref_slice %arg2[%dma_wait3A_163, %dma_wait3A_164] : memref<51200x64xf32, #tpu.memory_space<hbm>> -> memref<51200x64xf32, #tpu.memory_space<hbm>>
      tpu.wait_indirect_dma semaphore(%arg12 : memref<!tpu.dma_semaphore, #tpu.memory_space<semaphore_mem>>) src(%dma_wait3A_165 : memref<51200x64xf32, #tpu.memory_space<hbm>>) dst(%arg9 : memref<200x64xf32, #tpu.memory_space<vmem>>)
      "tpu.region"() ({
        %run_scoped3A = tpu.sem_alloc : memref<!tpu.dma_semaphore, #tpu.memory_space<semaphore_mem>>
        %dma_start3A_217 = arith.constant 0 : i32
        %dma_start3A_218 = arith.constant 0 : i32
        %dma_start3A_219 = tpu.memref_slice %arg11[%dma_start3A_217, %dma_start3A_218] : memref<25600x64xf32, #tpu.memory_space<vmem_shared>> -> memref<25600x64xf32, #tpu.memory_space<vmem_shared>>
        tpu.enqueue_indirect_dma source(%arg9 : memref<200x64xf32, #tpu.memory_space<vmem>>) target(%dma_start3A_219 : memref<25600x64xf32, #tpu.memory_space<vmem_shared>>) offsets(%arg7 : memref<200xi32, #tpu.memory_space<vmem>>) semaphore(%run_scoped3A : memref<!tpu.dma_semaphore, #tpu.memory_space<semaphore_mem>>) {add = true}
        %dma_wait3A_220 = arith.constant 0 : i32
        %dma_wait3A_221 = arith.constant 0 : i32
        %dma_wait3A_222 = tpu.memref_slice %arg11[%dma_wait3A_220, %dma_wait3A_221] : memref<25600x64xf32, #tpu.memory_space<vmem_shared>> -> memref<25600x64xf32, #tpu.memory_space<vmem_shared>>
        tpu.wait_indirect_dma semaphore(%run_scoped3A : memref<!tpu.dma_semaphore, #tpu.memory_space<semaphore_mem>>) src(%arg9 : memref<200x64xf32, #tpu.memory_space<vmem>>) dst(%dma_wait3A_222 : memref<25600x64xf32, #tpu.memory_space<vmem_shared>>)
        tpu.yield
      }) : () -> ()
      %mul3A_166 = arith.constant 800000 : i32
      %mul3A_167 = arith.muli %sub3A_0, %mul3A_166 : i32
      %add3A_168 = arith.addi %mul3A_167, %multiple_of3A : i32
      %add3A_169 = arith.constant 400 : i32
      %add3A_170 = arith.addi %add3A_168, %add3A_169 : i32
      "tpu.region"() ({
        %run_scoped3A = tpu.sem_alloc : memref<!tpu.dma_semaphore, #tpu.memory_space<semaphore_mem>>
        %dma_start3A_217 = tpu.memref_slice %arg4[%add3A_170] : memref<1600000xi32, #tpu.memory_space<hbm>> -> memref<200xi32, #tpu.memory_space<hbm>>
        %dma_start3A_218 = tpu.memref_slice %arg4[%add3A_170] : memref<1600000xi32, #tpu.memory_space<hbm>> -> memref<200xi32, #tpu.memory_space<hbm>>
        tpu.enqueue_dma source(%dma_start3A_218 : memref<200xi32, #tpu.memory_space<hbm>>) target(%arg7 : memref<200xi32, #tpu.memory_space<vmem>>) target_semaphore(%run_scoped3A : memref<!tpu.dma_semaphore, #tpu.memory_space<semaphore_mem>>)
        %dma_wait3A_219 = tpu.memref_slice %arg4[%add3A_170] : memref<1600000xi32, #tpu.memory_space<hbm>> -> memref<200xi32, #tpu.memory_space<hbm>>
        %dma_wait3A_220 = tpu.memref_slice %arg4[%add3A_170] : memref<1600000xi32, #tpu.memory_space<hbm>> -> memref<200xi32, #tpu.memory_space<hbm>>
        tpu.wait_dma2 semaphore(%run_scoped3A : memref<!tpu.dma_semaphore, #tpu.memory_space<semaphore_mem>>) src(%dma_wait3A_220 : memref<200xi32, #tpu.memory_space<hbm>>) dst(%arg7 : memref<200xi32, #tpu.memory_space<vmem>>)
        tpu.yield
      }) : () -> ()
      %dma_start3A_171 = arith.constant 400 : i32
      %dma_start3A_172 = tpu.memref_slice %arg6[%dma_start3A_171] : memref<1000xi32, #tpu.memory_space<vmem>> -> memref<200xi32, #tpu.memory_space<vmem>>
      %dma_start3A_173 = arith.constant 0 : i32
      %dma_start3A_174 = arith.constant 0 : i32
      %dma_start3A_175 = tpu.memref_slice %arg2[%dma_start3A_173, %dma_start3A_174] : memref<51200x64xf32, #tpu.memory_space<hbm>> -> memref<51200x64xf32, #tpu.memory_space<hbm>>
      tpu.enqueue_indirect_dma source(%dma_start3A_175 : memref<51200x64xf32, #tpu.memory_space<hbm>>) target(%arg9 : memref<200x64xf32, #tpu.memory_space<vmem>>) offsets(%dma_start3A_172 : memref<200xi32, #tpu.memory_space<vmem>>) semaphore(%arg12 : memref<!tpu.dma_semaphore, #tpu.memory_space<semaphore_mem>>)
      %dma_wait3A_176 = arith.constant 200 : i32
      %dma_wait3A_177 = tpu.memref_slice %arg6[%dma_wait3A_176] : memref<1000xi32, #tpu.memory_space<vmem>> -> memref<200xi32, #tpu.memory_space<vmem>>
      %dma_wait3A_178 = arith.constant 0 : i32
      %dma_wait3A_179 = arith.constant 0 : i32
      %dma_wait3A_180 = tpu.memref_slice %arg2[%dma_wait3A_178, %dma_wait3A_179] : memref<51200x64xf32, #tpu.memory_space<hbm>> -> memref<51200x64xf32, #tpu.memory_space<hbm>>
      tpu.wait_indirect_dma semaphore(%arg13 : memref<!tpu.dma_semaphore, #tpu.memory_space<semaphore_mem>>) src(%dma_wait3A_180 : memref<51200x64xf32, #tpu.memory_space<hbm>>) dst(%arg10 : memref<200x64xf32, #tpu.memory_space<vmem>>)
      "tpu.region"() ({
        %run_scoped3A = tpu.sem_alloc : memref<!tpu.dma_semaphore, #tpu.memory_space<semaphore_mem>>
        %dma_start3A_217 = arith.constant 0 : i32
        %dma_start3A_218 = arith.constant 0 : i32
        %dma_start3A_219 = tpu.memref_slice %arg11[%dma_start3A_217, %dma_start3A_218] : memref<25600x64xf32, #tpu.memory_space<vmem_shared>> -> memref<25600x64xf32, #tpu.memory_space<vmem_shared>>
        tpu.enqueue_indirect_dma source(%arg10 : memref<200x64xf32, #tpu.memory_space<vmem>>) target(%dma_start3A_219 : memref<25600x64xf32, #tpu.memory_space<vmem_shared>>) offsets(%arg8 : memref<200xi32, #tpu.memory_space<vmem>>) semaphore(%run_scoped3A : memref<!tpu.dma_semaphore, #tpu.memory_space<semaphore_mem>>) {add = true}
        %dma_wait3A_220 = arith.constant 0 : i32
        %dma_wait3A_221 = arith.constant 0 : i32
        %dma_wait3A_222 = tpu.memref_slice %arg11[%dma_wait3A_220, %dma_wait3A_221] : memref<25600x64xf32, #tpu.memory_space<vmem_shared>> -> memref<25600x64xf32, #tpu.memory_space<vmem_shared>>
        tpu.wait_indirect_dma semaphore(%run_scoped3A : memref<!tpu.dma_semaphore, #tpu.memory_space<semaphore_mem>>) src(%arg10 : memref<200x64xf32, #tpu.memory_space<vmem>>) dst(%dma_wait3A_222 : memref<25600x64xf32, #tpu.memory_space<vmem_shared>>)
        tpu.yield
      }) : () -> ()
      %mul3A_181 = arith.constant 800000 : i32
      %mul3A_182 = arith.muli %sub3A_0, %mul3A_181 : i32
      %add3A_183 = arith.addi %mul3A_182, %multiple_of3A : i32
      %add3A_184 = arith.constant 600 : i32
      %add3A_185 = arith.addi %add3A_183, %add3A_184 : i32
      "tpu.region"() ({
        %run_scoped3A = tpu.sem_alloc : memref<!tpu.dma_semaphore, #tpu.memory_space<semaphore_mem>>
        %dma_start3A_217 = tpu.memref_slice %arg4[%add3A_185] : memref<1600000xi32, #tpu.memory_space<hbm>> -> memref<200xi32, #tpu.memory_space<hbm>>
        %dma_start3A_218 = tpu.memref_slice %arg4[%add3A_185] : memref<1600000xi32, #tpu.memory_space<hbm>> -> memref<200xi32, #tpu.memory_space<hbm>>
        tpu.enqueue_dma source(%dma_start3A_218 : memref<200xi32, #tpu.memory_space<hbm>>) target(%arg8 : memref<200xi32, #tpu.memory_space<vmem>>) target_semaphore(%run_scoped3A : memref<!tpu.dma_semaphore, #tpu.memory_space<semaphore_mem>>)
        %dma_wait3A_219 = tpu.memref_slice %arg4[%add3A_185] : memref<1600000xi32, #tpu.memory_space<hbm>> -> memref<200xi32, #tpu.memory_space<hbm>>
        %dma_wait3A_220 = tpu.memref_slice %arg4[%add3A_185] : memref<1600000xi32, #tpu.memory_space<hbm>> -> memref<200xi32, #tpu.memory_space<hbm>>
        tpu.wait_dma2 semaphore(%run_scoped3A : memref<!tpu.dma_semaphore, #tpu.memory_space<semaphore_mem>>) src(%dma_wait3A_220 : memref<200xi32, #tpu.memory_space<hbm>>) dst(%arg8 : memref<200xi32, #tpu.memory_space<vmem>>)
        tpu.yield
      }) : () -> ()
      %dma_start3A_186 = arith.constant 600 : i32
      %dma_start3A_187 = tpu.memref_slice %arg6[%dma_start3A_186] : memref<1000xi32, #tpu.memory_space<vmem>> -> memref<200xi32, #tpu.memory_space<vmem>>
      %dma_start3A_188 = arith.constant 0 : i32
      %dma_start3A_189 = arith.constant 0 : i32
      %dma_start3A_190 = tpu.memref_slice %arg2[%dma_start3A_188, %dma_start3A_189] : memref<51200x64xf32, #tpu.memory_space<hbm>> -> memref<51200x64xf32, #tpu.memory_space<hbm>>
      tpu.enqueue_indirect_dma source(%dma_start3A_190 : memref<51200x64xf32, #tpu.memory_space<hbm>>) target(%arg10 : memref<200x64xf32, #tpu.memory_space<vmem>>) offsets(%dma_start3A_187 : memref<200xi32, #tpu.memory_space<vmem>>) semaphore(%arg13 : memref<!tpu.dma_semaphore, #tpu.memory_space<semaphore_mem>>)
      %dma_wait3A_191 = arith.constant 400 : i32
      %dma_wait3A_192 = tpu.memref_slice %arg6[%dma_wait3A_191] : memref<1000xi32, #tpu.memory_space<vmem>> -> memref<200xi32, #tpu.memory_space<vmem>>
      %dma_wait3A_193 = arith.constant 0 : i32
      %dma_wait3A_194 = arith.constant 0 : i32
      %dma_wait3A_195 = tpu.memref_slice %arg2[%dma_wait3A_193, %dma_wait3A_194] : memref<51200x64xf32, #tpu.memory_space<hbm>> -> memref<51200x64xf32, #tpu.memory_space<hbm>>
      tpu.wait_indirect_dma semaphore(%arg12 : memref<!tpu.dma_semaphore, #tpu.memory_space<semaphore_mem>>) src(%dma_wait3A_195 : memref<51200x64xf32, #tpu.memory_space<hbm>>) dst(%arg9 : memref<200x64xf32, #tpu.memory_space<vmem>>)
      "tpu.region"() ({
        %run_scoped3A = tpu.sem_alloc : memref<!tpu.dma_semaphore, #tpu.memory_space<semaphore_mem>>
        %dma_start3A_217 = arith.constant 0 : i32
        %dma_start3A_218 = arith.constant 0 : i32
        %dma_start3A_219 = tpu.memref_slice %arg11[%dma_start3A_217, %dma_start3A_218] : memref<25600x64xf32, #tpu.memory_space<vmem_shared>> -> memref<25600x64xf32, #tpu.memory_space<vmem_shared>>
        tpu.enqueue_indirect_dma source(%arg9 : memref<200x64xf32, #tpu.memory_space<vmem>>) target(%dma_start3A_219 : memref<25600x64xf32, #tpu.memory_space<vmem_shared>>) offsets(%arg7 : memref<200xi32, #tpu.memory_space<vmem>>) semaphore(%run_scoped3A : memref<!tpu.dma_semaphore, #tpu.memory_space<semaphore_mem>>) {add = true}
        %dma_wait3A_220 = arith.constant 0 : i32
        %dma_wait3A_221 = arith.constant 0 : i32
        %dma_wait3A_222 = tpu.memref_slice %arg11[%dma_wait3A_220, %dma_wait3A_221] : memref<25600x64xf32, #tpu.memory_space<vmem_shared>> -> memref<25600x64xf32, #tpu.memory_space<vmem_shared>>
        tpu.wait_indirect_dma semaphore(%run_scoped3A : memref<!tpu.dma_semaphore, #tpu.memory_space<semaphore_mem>>) src(%arg9 : memref<200x64xf32, #tpu.memory_space<vmem>>) dst(%dma_wait3A_222 : memref<25600x64xf32, #tpu.memory_space<vmem_shared>>)
        tpu.yield
      }) : () -> ()
      %mul3A_196 = arith.constant 800000 : i32
      %mul3A_197 = arith.muli %sub3A_0, %mul3A_196 : i32
      %add3A_198 = arith.addi %mul3A_197, %multiple_of3A : i32
      %add3A_199 = arith.constant 800 : i32
      %add3A_200 = arith.addi %add3A_198, %add3A_199 : i32
      "tpu.region"() ({
        %run_scoped3A = tpu.sem_alloc : memref<!tpu.dma_semaphore, #tpu.memory_space<semaphore_mem>>
        %dma_start3A_217 = tpu.memref_slice %arg4[%add3A_200] : memref<1600000xi32, #tpu.memory_space<hbm>> -> memref<200xi32, #tpu.memory_space<hbm>>
        %dma_start3A_218 = tpu.memref_slice %arg4[%add3A_200] : memref<1600000xi32, #tpu.memory_space<hbm>> -> memref<200xi32, #tpu.memory_space<hbm>>
        tpu.enqueue_dma source(%dma_start3A_218 : memref<200xi32, #tpu.memory_space<hbm>>) target(%arg7 : memref<200xi32, #tpu.memory_space<vmem>>) target_semaphore(%run_scoped3A : memref<!tpu.dma_semaphore, #tpu.memory_space<semaphore_mem>>)
        %dma_wait3A_219 = tpu.memref_slice %arg4[%add3A_200] : memref<1600000xi32, #tpu.memory_space<hbm>> -> memref<200xi32, #tpu.memory_space<hbm>>
        %dma_wait3A_220 = tpu.memref_slice %arg4[%add3A_200] : memref<1600000xi32, #tpu.memory_space<hbm>> -> memref<200xi32, #tpu.memory_space<hbm>>
        tpu.wait_dma2 semaphore(%run_scoped3A : memref<!tpu.dma_semaphore, #tpu.memory_space<semaphore_mem>>) src(%dma_wait3A_220 : memref<200xi32, #tpu.memory_space<hbm>>) dst(%arg7 : memref<200xi32, #tpu.memory_space<vmem>>)
        tpu.yield
      }) : () -> ()
      %dma_start3A_201 = arith.constant 800 : i32
      %dma_start3A_202 = tpu.memref_slice %arg6[%dma_start3A_201] : memref<1000xi32, #tpu.memory_space<vmem>> -> memref<200xi32, #tpu.memory_space<vmem>>
      %dma_start3A_203 = arith.constant 0 : i32
      %dma_start3A_204 = arith.constant 0 : i32
      %dma_start3A_205 = tpu.memref_slice %arg2[%dma_start3A_203, %dma_start3A_204] : memref<51200x64xf32, #tpu.memory_space<hbm>> -> memref<51200x64xf32, #tpu.memory_space<hbm>>
      tpu.enqueue_indirect_dma source(%dma_start3A_205 : memref<51200x64xf32, #tpu.memory_space<hbm>>) target(%arg9 : memref<200x64xf32, #tpu.memory_space<vmem>>) offsets(%dma_start3A_202 : memref<200xi32, #tpu.memory_space<vmem>>) semaphore(%arg12 : memref<!tpu.dma_semaphore, #tpu.memory_space<semaphore_mem>>)
      %dma_wait3A_206 = arith.constant 600 : i32
      %dma_wait3A_207 = tpu.memref_slice %arg6[%dma_wait3A_206] : memref<1000xi32, #tpu.memory_space<vmem>> -> memref<200xi32, #tpu.memory_space<vmem>>
      %dma_wait3A_208 = arith.constant 0 : i32
      %dma_wait3A_209 = arith.constant 0 : i32
      %dma_wait3A_210 = tpu.memref_slice %arg2[%dma_wait3A_208, %dma_wait3A_209] : memref<51200x64xf32, #tpu.memory_space<hbm>> -> memref<51200x64xf32, #tpu.memory_space<hbm>>
      tpu.wait_indirect_dma semaphore(%arg13 : memref<!tpu.dma_semaphore, #tpu.memory_space<semaphore_mem>>) src(%dma_wait3A_210 : memref<51200x64xf32, #tpu.memory_space<hbm>>) dst(%arg10 : memref<200x64xf32, #tpu.memory_space<vmem>>)
      "tpu.region"() ({
        %run_scoped3A = tpu.sem_alloc : memref<!tpu.dma_semaphore, #tpu.memory_space<semaphore_mem>>
        %dma_start3A_217 = arith.constant 0 : i32
        %dma_start3A_218 = arith.constant 0 : i32
        %dma_start3A_219 = tpu.memref_slice %arg11[%dma_start3A_217, %dma_start3A_218] : memref<25600x64xf32, #tpu.memory_space<vmem_shared>> -> memref<25600x64xf32, #tpu.memory_space<vmem_shared>>
        tpu.enqueue_indirect_dma source(%arg10 : memref<200x64xf32, #tpu.memory_space<vmem>>) target(%dma_start3A_219 : memref<25600x64xf32, #tpu.memory_space<vmem_shared>>) offsets(%arg8 : memref<200xi32, #tpu.memory_space<vmem>>) semaphore(%run_scoped3A : memref<!tpu.dma_semaphore, #tpu.memory_space<semaphore_mem>>) {add = true}
        %dma_wait3A_220 = arith.constant 0 : i32
        %dma_wait3A_221 = arith.constant 0 : i32
        %dma_wait3A_222 = tpu.memref_slice %arg11[%dma_wait3A_220, %dma_wait3A_221] : memref<25600x64xf32, #tpu.memory_space<vmem_shared>> -> memref<25600x64xf32, #tpu.memory_space<vmem_shared>>
        tpu.wait_indirect_dma semaphore(%run_scoped3A : memref<!tpu.dma_semaphore, #tpu.memory_space<semaphore_mem>>) src(%arg10 : memref<200x64xf32, #tpu.memory_space<vmem>>) dst(%dma_wait3A_222 : memref<25600x64xf32, #tpu.memory_space<vmem_shared>>)
        tpu.yield
      }) : () -> ()
      %dma_wait3A_211 = arith.constant 800 : i32
      %dma_wait3A_212 = tpu.memref_slice %arg6[%dma_wait3A_211] : memref<1000xi32, #tpu.memory_space<vmem>> -> memref<200xi32, #tpu.memory_space<vmem>>
      %dma_wait3A_213 = arith.constant 0 : i32
      %dma_wait3A_214 = arith.constant 0 : i32
      %dma_wait3A_215 = tpu.memref_slice %arg2[%dma_wait3A_213, %dma_wait3A_214] : memref<51200x64xf32, #tpu.memory_space<hbm>> -> memref<51200x64xf32, #tpu.memory_space<hbm>>
      tpu.wait_indirect_dma semaphore(%arg12 : memref<!tpu.dma_semaphore, #tpu.memory_space<semaphore_mem>>) src(%dma_wait3A_215 : memref<51200x64xf32, #tpu.memory_space<hbm>>) dst(%arg9 : memref<200x64xf32, #tpu.memory_space<vmem>>)
      "tpu.region"() ({
        %run_scoped3A = tpu.sem_alloc : memref<!tpu.dma_semaphore, #tpu.memory_space<semaphore_mem>>
        %dma_start3A_217 = arith.constant 0 : i32
        %dma_start3A_218 = arith.constant 0 : i32
        %dma_start3A_219 = tpu.memref_slice %arg11[%dma_start3A_217, %dma_start3A_218] : memref<25600x64xf32, #tpu.memory_space<vmem_shared>> -> memref<25600x64xf32, #tpu.memory_space<vmem_shared>>
        tpu.enqueue_indirect_dma source(%arg9 : memref<200x64xf32, #tpu.memory_space<vmem>>) target(%dma_start3A_219 : memref<25600x64xf32, #tpu.memory_space<vmem_shared>>) offsets(%arg7 : memref<200xi32, #tpu.memory_space<vmem>>) semaphore(%run_scoped3A : memref<!tpu.dma_semaphore, #tpu.memory_space<semaphore_mem>>) {add = true}
        %dma_wait3A_220 = arith.constant 0 : i32
        %dma_wait3A_221 = arith.constant 0 : i32
        %dma_wait3A_222 = tpu.memref_slice %arg11[%dma_wait3A_220, %dma_wait3A_221] : memref<25600x64xf32, #tpu.memory_space<vmem_shared>> -> memref<25600x64xf32, #tpu.memory_space<vmem_shared>>
        tpu.wait_indirect_dma semaphore(%run_scoped3A : memref<!tpu.dma_semaphore, #tpu.memory_space<semaphore_mem>>) src(%arg9 : memref<200x64xf32, #tpu.memory_space<vmem>>) dst(%dma_wait3A_222 : memref<25600x64xf32, #tpu.memory_space<vmem_shared>>)
        tpu.yield
      }) : () -> ()
      %scan3A_216 = arith.constant 0 : i32
      scf.yield %scan3A_216 : i32
    }
    %scan3A_43 = arith.constant 50 : i32
    %barrier3A_44 = arith.constant 0 : index
    tpu.barrier barrier_id(%barrier3A_44)
    %mul3A_45 = arith.constant 1600 : i32
    %mul3A_46 = arith.muli %arg1, %mul3A_45 : i32
    %add3A_47 = arith.constant 0 : i32
    %add3A_48 = arith.addi %mul3A_46, %add3A_47 : i32
    "tpu.region"() ({
      %run_scoped3A = tpu.sem_alloc : memref<!tpu.dma_semaphore, #tpu.memory_space<semaphore_mem>>
      %dma_start3A = arith.constant 0 : i32
      %dma_start3A_133 = tpu.memref_slice %arg11[%add3A_48, %dma_start3A] : memref<25600x64xf32, #tpu.memory_space<vmem_shared>> -> memref<200x64xf32, #tpu.memory_space<vmem_shared>>
      %dma_start3A_134 = arith.constant 0 : i32
      %dma_start3A_135 = tpu.memref_slice %arg11[%add3A_48, %dma_start3A_134] : memref<25600x64xf32, #tpu.memory_space<vmem_shared>> -> memref<200x64xf32, #tpu.memory_space<vmem_shared>>
      tpu.enqueue_dma source(%dma_start3A_135 : memref<200x64xf32, #tpu.memory_space<vmem_shared>>) target(%arg9 : memref<200x64xf32, #tpu.memory_space<vmem>>) target_semaphore(%run_scoped3A : memref<!tpu.dma_semaphore, #tpu.memory_space<semaphore_mem>>)
      %dma_wait3A = arith.constant 0 : i32
      %dma_wait3A_136 = tpu.memref_slice %arg11[%add3A_48, %dma_wait3A] : memref<25600x64xf32, #tpu.memory_space<vmem_shared>> -> memref<200x64xf32, #tpu.memory_space<vmem_shared>>
      %dma_wait3A_137 = arith.constant 0 : i32
      %dma_wait3A_138 = tpu.memref_slice %arg11[%add3A_48, %dma_wait3A_137] : memref<25600x64xf32, #tpu.memory_space<vmem_shared>> -> memref<200x64xf32, #tpu.memory_space<vmem_shared>>
      tpu.wait_dma2 semaphore(%run_scoped3A : memref<!tpu.dma_semaphore, #tpu.memory_space<semaphore_mem>>) src(%dma_wait3A_138 : memref<200x64xf32, #tpu.memory_space<vmem_shared>>) dst(%arg9 : memref<200x64xf32, #tpu.memory_space<vmem>>)
      tpu.yield
    }) : () -> ()
    %mul3A_49 = arith.constant 25600 : i32
    %mul3A_50 = arith.muli %sub3A_0, %mul3A_49 : i32
    %mul3A_51 = arith.constant 1600 : i32
    %mul3A_52 = arith.muli %arg1, %mul3A_51 : i32
    %add3A_53 = arith.addi %mul3A_50, %mul3A_52 : i32
    %add3A_54 = arith.constant 0 : i32
    %add3A_55 = arith.addi %add3A_53, %add3A_54 : i32
    "tpu.region"() ({
      %run_scoped3A = tpu.sem_alloc : memref<!tpu.dma_semaphore, #tpu.memory_space<semaphore_mem>>
      %dma_start3A = arith.constant 0 : i32
      %dma_start3A_133 = tpu.memref_slice %arg5[%add3A_55, %dma_start3A] : memref<51200x64xf32, #tpu.memory_space<hbm>> -> memref<200x64xf32, #tpu.memory_space<hbm>>
      %dma_start3A_134 = arith.constant 0 : i32
      %dma_start3A_135 = tpu.memref_slice %arg5[%add3A_55, %dma_start3A_134] : memref<51200x64xf32, #tpu.memory_space<hbm>> -> memref<200x64xf32, #tpu.memory_space<hbm>>
      tpu.enqueue_dma source(%arg9 : memref<200x64xf32, #tpu.memory_space<vmem>>) target(%dma_start3A_135 : memref<200x64xf32, #tpu.memory_space<hbm>>) target_semaphore(%run_scoped3A : memref<!tpu.dma_semaphore, #tpu.memory_space<semaphore_mem>>)
      %dma_wait3A = arith.constant 0 : i32
      %dma_wait3A_136 = tpu.memref_slice %arg5[%add3A_55, %dma_wait3A] : memref<51200x64xf32, #tpu.memory_space<hbm>> -> memref<200x64xf32, #tpu.memory_space<hbm>>
      %dma_wait3A_137 = arith.constant 0 : i32
      %dma_wait3A_138 = tpu.memref_slice %arg5[%add3A_55, %dma_wait3A_137] : memref<51200x64xf32, #tpu.memory_space<hbm>> -> memref<200x64xf32, #tpu.memory_space<hbm>>
      tpu.wait_dma2 semaphore(%run_scoped3A : memref<!tpu.dma_semaphore, #tpu.memory_space<semaphore_mem>>) src(%arg9 : memref<200x64xf32, #tpu.memory_space<vmem>>) dst(%dma_wait3A_138 : memref<200x64xf32, #tpu.memory_space<hbm>>)
      tpu.yield
    }) : () -> ()
    %mul3A_56 = arith.constant 1600 : i32
    %mul3A_57 = arith.muli %arg1, %mul3A_56 : i32
    %add3A_58 = arith.constant 200 : i32
    %add3A_59 = arith.addi %mul3A_57, %add3A_58 : i32
    "tpu.region"() ({
      %run_scoped3A = tpu.sem_alloc : memref<!tpu.dma_semaphore, #tpu.memory_space<semaphore_mem>>
      %dma_start3A = arith.constant 0 : i32
      %dma_start3A_133 = tpu.memref_slice %arg11[%add3A_59, %dma_start3A] : memref<25600x64xf32, #tpu.memory_space<vmem_shared>> -> memref<200x64xf32, #tpu.memory_space<vmem_shared>>
      %dma_start3A_134 = arith.constant 0 : i32
      %dma_start3A_135 = tpu.memref_slice %arg11[%add3A_59, %dma_start3A_134] : memref<25600x64xf32, #tpu.memory_space<vmem_shared>> -> memref<200x64xf32, #tpu.memory_space<vmem_shared>>
      tpu.enqueue_dma source(%dma_start3A_135 : memref<200x64xf32, #tpu.memory_space<vmem_shared>>) target(%arg9 : memref<200x64xf32, #tpu.memory_space<vmem>>) target_semaphore(%run_scoped3A : memref<!tpu.dma_semaphore, #tpu.memory_space<semaphore_mem>>)
      %dma_wait3A = arith.constant 0 : i32
      %dma_wait3A_136 = tpu.memref_slice %arg11[%add3A_59, %dma_wait3A] : memref<25600x64xf32, #tpu.memory_space<vmem_shared>> -> memref<200x64xf32, #tpu.memory_space<vmem_shared>>
      %dma_wait3A_137 = arith.constant 0 : i32
      %dma_wait3A_138 = tpu.memref_slice %arg11[%add3A_59, %dma_wait3A_137] : memref<25600x64xf32, #tpu.memory_space<vmem_shared>> -> memref<200x64xf32, #tpu.memory_space<vmem_shared>>
      tpu.wait_dma2 semaphore(%run_scoped3A : memref<!tpu.dma_semaphore, #tpu.memory_space<semaphore_mem>>) src(%dma_wait3A_138 : memref<200x64xf32, #tpu.memory_space<vmem_shared>>) dst(%arg9 : memref<200x64xf32, #tpu.memory_space<vmem>>)
      tpu.yield
    }) : () -> ()
    %mul3A_60 = arith.constant 25600 : i32
    %mul3A_61 = arith.muli %sub3A_0, %mul3A_60 : i32
    %mul3A_62 = arith.constant 1600 : i32
    %mul3A_63 = arith.muli %arg1, %mul3A_62 : i32
    %add3A_64 = arith.addi %mul3A_61, %mul3A_63 : i32
    %add3A_65 = arith.constant 200 : i32
    %add3A_66 = arith.addi %add3A_64, %add3A_65 : i32
    "tpu.region"() ({
      %run_scoped3A = tpu.sem_alloc : memref<!tpu.dma_semaphore, #tpu.memory_space<semaphore_mem>>
      %dma_start3A = arith.constant 0 : i32
      %dma_start3A_133 = tpu.memref_slice %arg5[%add3A_66, %dma_start3A] : memref<51200x64xf32, #tpu.memory_space<hbm>> -> memref<200x64xf32, #tpu.memory_space<hbm>>
      %dma_start3A_134 = arith.constant 0 : i32
      %dma_start3A_135 = tpu.memref_slice %arg5[%add3A_66, %dma_start3A_134] : memref<51200x64xf32, #tpu.memory_space<hbm>> -> memref<200x64xf32, #tpu.memory_space<hbm>>
      tpu.enqueue_dma source(%arg9 : memref<200x64xf32, #tpu.memory_space<vmem>>) target(%dma_start3A_135 : memref<200x64xf32, #tpu.memory_space<hbm>>) target_semaphore(%run_scoped3A : memref<!tpu.dma_semaphore, #tpu.memory_space<semaphore_mem>>)
      %dma_wait3A = arith.constant 0 : i32
      %dma_wait3A_136 = tpu.memref_slice %arg5[%add3A_66, %dma_wait3A] : memref<51200x64xf32, #tpu.memory_space<hbm>> -> memref<200x64xf32, #tpu.memory_space<hbm>>
      %dma_wait3A_137 = arith.constant 0 : i32
      %dma_wait3A_138 = tpu.memref_slice %arg5[%add3A_66, %dma_wait3A_137] : memref<51200x64xf32, #tpu.memory_space<hbm>> -> memref<200x64xf32, #tpu.memory_space<hbm>>
      tpu.wait_dma2 semaphore(%run_scoped3A : memref<!tpu.dma_semaphore, #tpu.memory_space<semaphore_mem>>) src(%arg9 : memref<200x64xf32, #tpu.memory_space<vmem>>) dst(%dma_wait3A_138 : memref<200x64xf32, #tpu.memory_space<hbm>>)
      tpu.yield
    }) : () -> ()
    %mul3A_67 = arith.constant 1600 : i32
    %mul3A_68 = arith.muli %arg1, %mul3A_67 : i32
    %add3A_69 = arith.constant 400 : i32
    %add3A_70 = arith.addi %mul3A_68, %add3A_69 : i32
    "tpu.region"() ({
      %run_scoped3A = tpu.sem_alloc : memref<!tpu.dma_semaphore, #tpu.memory_space<semaphore_mem>>
      %dma_start3A = arith.constant 0 : i32
      %dma_start3A_133 = tpu.memref_slice %arg11[%add3A_70, %dma_start3A] : memref<25600x64xf32, #tpu.memory_space<vmem_shared>> -> memref<200x64xf32, #tpu.memory_space<vmem_shared>>
      %dma_start3A_134 = arith.constant 0 : i32
      %dma_start3A_135 = tpu.memref_slice %arg11[%add3A_70, %dma_start3A_134] : memref<25600x64xf32, #tpu.memory_space<vmem_shared>> -> memref<200x64xf32, #tpu.memory_space<vmem_shared>>
      tpu.enqueue_dma source(%dma_start3A_135 : memref<200x64xf32, #tpu.memory_space<vmem_shared>>) target(%arg9 : memref<200x64xf32, #tpu.memory_space<vmem>>) target_semaphore(%run_scoped3A : memref<!tpu.dma_semaphore, #tpu.memory_space<semaphore_mem>>)
      %dma_wait3A = arith.constant 0 : i32
      %dma_wait3A_136 = tpu.memref_slice %arg11[%add3A_70, %dma_wait3A] : memref<25600x64xf32, #tpu.memory_space<vmem_shared>> -> memref<200x64xf32, #tpu.memory_space<vmem_shared>>
      %dma_wait3A_137 = arith.constant 0 : i32
      %dma_wait3A_138 = tpu.memref_slice %arg11[%add3A_70, %dma_wait3A_137] : memref<25600x64xf32, #tpu.memory_space<vmem_shared>> -> memref<200x64xf32, #tpu.memory_space<vmem_shared>>
      tpu.wait_dma2 semaphore(%run_scoped3A : memref<!tpu.dma_semaphore, #tpu.memory_space<semaphore_mem>>) src(%dma_wait3A_138 : memref<200x64xf32, #tpu.memory_space<vmem_shared>>) dst(%arg9 : memref<200x64xf32, #tpu.memory_space<vmem>>)
      tpu.yield
    }) : () -> ()
    %mul3A_71 = arith.constant 25600 : i32
    %mul3A_72 = arith.muli %sub3A_0, %mul3A_71 : i32
    %mul3A_73 = arith.constant 1600 : i32
    %mul3A_74 = arith.muli %arg1, %mul3A_73 : i32
    %add3A_75 = arith.addi %mul3A_72, %mul3A_74 : i32
    %add3A_76 = arith.constant 400 : i32
    %add3A_77 = arith.addi %add3A_75, %add3A_76 : i32
    "tpu.region"() ({
      %run_scoped3A = tpu.sem_alloc : memref<!tpu.dma_semaphore, #tpu.memory_space<semaphore_mem>>
      %dma_start3A = arith.constant 0 : i32
      %dma_start3A_133 = tpu.memref_slice %arg5[%add3A_77, %dma_start3A] : memref<51200x64xf32, #tpu.memory_space<hbm>> -> memref<200x64xf32, #tpu.memory_space<hbm>>
      %dma_start3A_134 = arith.constant 0 : i32
      %dma_start3A_135 = tpu.memref_slice %arg5[%add3A_77, %dma_start3A_134] : memref<51200x64xf32, #tpu.memory_space<hbm>> -> memref<200x64xf32, #tpu.memory_space<hbm>>
      tpu.enqueue_dma source(%arg9 : memref<200x64xf32, #tpu.memory_space<vmem>>) target(%dma_start3A_135 : memref<200x64xf32, #tpu.memory_space<hbm>>) target_semaphore(%run_scoped3A : memref<!tpu.dma_semaphore, #tpu.memory_space<semaphore_mem>>)
      %dma_wait3A = arith.constant 0 : i32
      %dma_wait3A_136 = tpu.memref_slice %arg5[%add3A_77, %dma_wait3A] : memref<51200x64xf32, #tpu.memory_space<hbm>> -> memref<200x64xf32, #tpu.memory_space<hbm>>
      %dma_wait3A_137 = arith.constant 0 : i32
      %dma_wait3A_138 = tpu.memref_slice %arg5[%add3A_77, %dma_wait3A_137] : memref<51200x64xf32, #tpu.memory_space<hbm>> -> memref<200x64xf32, #tpu.memory_space<hbm>>
      tpu.wait_dma2 semaphore(%run_scoped3A : memref<!tpu.dma_semaphore, #tpu.memory_space<semaphore_mem>>) src(%arg9 : memref<200x64xf32, #tpu.memory_space<vmem>>) dst(%dma_wait3A_138 : memref<200x64xf32, #tpu.memory_space<hbm>>)
      tpu.yield
    }) : () -> ()
    %mul3A_78 = arith.constant 1600 : i32
    %mul3A_79 = arith.muli %arg1, %mul3A_78 : i32
    %add3A_80 = arith.constant 600 : i32
    %add3A_81 = arith.addi %mul3A_79, %add3A_80 : i32
    "tpu.region"() ({
      %run_scoped3A = tpu.sem_alloc : memref<!tpu.dma_semaphore, #tpu.memory_space<semaphore_mem>>
      %dma_start3A = arith.constant 0 : i32
      %dma_start3A_133 = tpu.memref_slice %arg11[%add3A_81, %dma_start3A] : memref<25600x64xf32, #tpu.memory_space<vmem_shared>> -> memref<200x64xf32, #tpu.memory_space<vmem_shared>>
      %dma_start3A_134 = arith.constant 0 : i32
      %dma_start3A_135 = tpu.memref_slice %arg11[%add3A_81, %dma_start3A_134] : memref<25600x64xf32, #tpu.memory_space<vmem_shared>> -> memref<200x64xf32, #tpu.memory_space<vmem_shared>>
      tpu.enqueue_dma source(%dma_start3A_135 : memref<200x64xf32, #tpu.memory_space<vmem_shared>>) target(%arg9 : memref<200x64xf32, #tpu.memory_space<vmem>>) target_semaphore(%run_scoped3A : memref<!tpu.dma_semaphore, #tpu.memory_space<semaphore_mem>>)
      %dma_wait3A = arith.constant 0 : i32
      %dma_wait3A_136 = tpu.memref_slice %arg11[%add3A_81, %dma_wait3A] : memref<25600x64xf32, #tpu.memory_space<vmem_shared>> -> memref<200x64xf32, #tpu.memory_space<vmem_shared>>
      %dma_wait3A_137 = arith.constant 0 : i32
      %dma_wait3A_138 = tpu.memref_slice %arg11[%add3A_81, %dma_wait3A_137] : memref<25600x64xf32, #tpu.memory_space<vmem_shared>> -> memref<200x64xf32, #tpu.memory_space<vmem_shared>>
      tpu.wait_dma2 semaphore(%run_scoped3A : memref<!tpu.dma_semaphore, #tpu.memory_space<semaphore_mem>>) src(%dma_wait3A_138 : memref<200x64xf32, #tpu.memory_space<vmem_shared>>) dst(%arg9 : memref<200x64xf32, #tpu.memory_space<vmem>>)
      tpu.yield
    }) : () -> ()
    %mul3A_82 = arith.constant 25600 : i32
    %mul3A_83 = arith.muli %sub3A_0, %mul3A_82 : i32
    %mul3A_84 = arith.constant 1600 : i32
    %mul3A_85 = arith.muli %arg1, %mul3A_84 : i32
    %add3A_86 = arith.addi %mul3A_83, %mul3A_85 : i32
    %add3A_87 = arith.constant 600 : i32
    %add3A_88 = arith.addi %add3A_86, %add3A_87 : i32
    "tpu.region"() ({
      %run_scoped3A = tpu.sem_alloc : memref<!tpu.dma_semaphore, #tpu.memory_space<semaphore_mem>>
      %dma_start3A = arith.constant 0 : i32
      %dma_start3A_133 = tpu.memref_slice %arg5[%add3A_88, %dma_start3A] : memref<51200x64xf32, #tpu.memory_space<hbm>> -> memref<200x64xf32, #tpu.memory_space<hbm>>
      %dma_start3A_134 = arith.constant 0 : i32
      %dma_start3A_135 = tpu.memref_slice %arg5[%add3A_88, %dma_start3A_134] : memref<51200x64xf32, #tpu.memory_space<hbm>> -> memref<200x64xf32, #tpu.memory_space<hbm>>
      tpu.enqueue_dma source(%arg9 : memref<200x64xf32, #tpu.memory_space<vmem>>) target(%dma_start3A_135 : memref<200x64xf32, #tpu.memory_space<hbm>>) target_semaphore(%run_scoped3A : memref<!tpu.dma_semaphore, #tpu.memory_space<semaphore_mem>>)
      %dma_wait3A = arith.constant 0 : i32
      %dma_wait3A_136 = tpu.memref_slice %arg5[%add3A_88, %dma_wait3A] : memref<51200x64xf32, #tpu.memory_space<hbm>> -> memref<200x64xf32, #tpu.memory_space<hbm>>
      %dma_wait3A_137 = arith.constant 0 : i32
      %dma_wait3A_138 = tpu.memref_slice %arg5[%add3A_88, %dma_wait3A_137] : memref<51200x64xf32, #tpu.memory_space<hbm>> -> memref<200x64xf32, #tpu.memory_space<hbm>>
      tpu.wait_dma2 semaphore(%run_scoped3A : memref<!tpu.dma_semaphore, #tpu.memory_space<semaphore_mem>>) src(%arg9 : memref<200x64xf32, #tpu.memory_space<vmem>>) dst(%dma_wait3A_138 : memref<200x64xf32, #tpu.memory_space<hbm>>)
      tpu.yield
    }) : () -> ()
    %mul3A_89 = arith.constant 1600 : i32
    %mul3A_90 = arith.muli %arg1, %mul3A_89 : i32
    %add3A_91 = arith.constant 800 : i32
    %add3A_92 = arith.addi %mul3A_90, %add3A_91 : i32
    "tpu.region"() ({
      %run_scoped3A = tpu.sem_alloc : memref<!tpu.dma_semaphore, #tpu.memory_space<semaphore_mem>>
      %dma_start3A = arith.constant 0 : i32
      %dma_start3A_133 = tpu.memref_slice %arg11[%add3A_92, %dma_start3A] : memref<25600x64xf32, #tpu.memory_space<vmem_shared>> -> memref<200x64xf32, #tpu.memory_space<vmem_shared>>
      %dma_start3A_134 = arith.constant 0 : i32
      %dma_start3A_135 = tpu.memref_slice %arg11[%add3A_92, %dma_start3A_134] : memref<25600x64xf32, #tpu.memory_space<vmem_shared>> -> memref<200x64xf32, #tpu.memory_space<vmem_shared>>
      tpu.enqueue_dma source(%dma_start3A_135 : memref<200x64xf32, #tpu.memory_space<vmem_shared>>) target(%arg9 : memref<200x64xf32, #tpu.memory_space<vmem>>) target_semaphore(%run_scoped3A : memref<!tpu.dma_semaphore, #tpu.memory_space<semaphore_mem>>)
      %dma_wait3A = arith.constant 0 : i32
      %dma_wait3A_136 = tpu.memref_slice %arg11[%add3A_92, %dma_wait3A] : memref<25600x64xf32, #tpu.memory_space<vmem_shared>> -> memref<200x64xf32, #tpu.memory_space<vmem_shared>>
      %dma_wait3A_137 = arith.constant 0 : i32
      %dma_wait3A_138 = tpu.memref_slice %arg11[%add3A_92, %dma_wait3A_137] : memref<25600x64xf32, #tpu.memory_space<vmem_shared>> -> memref<200x64xf32, #tpu.memory_space<vmem_shared>>
      tpu.wait_dma2 semaphore(%run_scoped3A : memref<!tpu.dma_semaphore, #tpu.memory_space<semaphore_mem>>) src(%dma_wait3A_138 : memref<200x64xf32, #tpu.memory_space<vmem_shared>>) dst(%arg9 : memref<200x64xf32, #tpu.memory_space<vmem>>)
      tpu.yield
    }) : () -> ()
    %mul3A_93 = arith.constant 25600 : i32
    %mul3A_94 = arith.muli %sub3A_0, %mul3A_93 : i32
    %mul3A_95 = arith.constant 1600 : i32
    %mul3A_96 = arith.muli %arg1, %mul3A_95 : i32
    %add3A_97 = arith.addi %mul3A_94, %mul3A_96 : i32
    %add3A_98 = arith.constant 800 : i32
    %add3A_99 = arith.addi %add3A_97, %add3A_98 : i32
    "tpu.region"() ({
      %run_scoped3A = tpu.sem_alloc : memref<!tpu.dma_semaphore, #tpu.memory_space<semaphore_mem>>
      %dma_start3A = arith.constant 0 : i32
      %dma_start3A_133 = tpu.memref_slice %arg5[%add3A_99, %dma_start3A] : memref<51200x64xf32, #tpu.memory_space<hbm>> -> memref<200x64xf32, #tpu.memory_space<hbm>>
      %dma_start3A_134 = arith.constant 0 : i32
      %dma_start3A_135 = tpu.memref_slice %arg5[%add3A_99, %dma_start3A_134] : memref<51200x64xf32, #tpu.memory_space<hbm>> -> memref<200x64xf32, #tpu.memory_space<hbm>>
      tpu.enqueue_dma source(%arg9 : memref<200x64xf32, #tpu.memory_space<vmem>>) target(%dma_start3A_135 : memref<200x64xf32, #tpu.memory_space<hbm>>) target_semaphore(%run_scoped3A : memref<!tpu.dma_semaphore, #tpu.memory_space<semaphore_mem>>)
      %dma_wait3A = arith.constant 0 : i32
      %dma_wait3A_136 = tpu.memref_slice %arg5[%add3A_99, %dma_wait3A] : memref<51200x64xf32, #tpu.memory_space<hbm>> -> memref<200x64xf32, #tpu.memory_space<hbm>>
      %dma_wait3A_137 = arith.constant 0 : i32
      %dma_wait3A_138 = tpu.memref_slice %arg5[%add3A_99, %dma_wait3A_137] : memref<51200x64xf32, #tpu.memory_space<hbm>> -> memref<200x64xf32, #tpu.memory_space<hbm>>
      tpu.wait_dma2 semaphore(%run_scoped3A : memref<!tpu.dma_semaphore, #tpu.memory_space<semaphore_mem>>) src(%arg9 : memref<200x64xf32, #tpu.memory_space<vmem>>) dst(%dma_wait3A_138 : memref<200x64xf32, #tpu.memory_space<hbm>>)
      tpu.yield
    }) : () -> ()
    %mul3A_100 = arith.constant 1600 : i32
    %mul3A_101 = arith.muli %arg1, %mul3A_100 : i32
    %add3A_102 = arith.constant 1000 : i32
    %add3A_103 = arith.addi %mul3A_101, %add3A_102 : i32
    "tpu.region"() ({
      %run_scoped3A = tpu.sem_alloc : memref<!tpu.dma_semaphore, #tpu.memory_space<semaphore_mem>>
      %dma_start3A = arith.constant 0 : i32
      %dma_start3A_133 = tpu.memref_slice %arg11[%add3A_103, %dma_start3A] : memref<25600x64xf32, #tpu.memory_space<vmem_shared>> -> memref<200x64xf32, #tpu.memory_space<vmem_shared>>
      %dma_start3A_134 = arith.constant 0 : i32
      %dma_start3A_135 = tpu.memref_slice %arg11[%add3A_103, %dma_start3A_134] : memref<25600x64xf32, #tpu.memory_space<vmem_shared>> -> memref<200x64xf32, #tpu.memory_space<vmem_shared>>
      tpu.enqueue_dma source(%dma_start3A_135 : memref<200x64xf32, #tpu.memory_space<vmem_shared>>) target(%arg9 : memref<200x64xf32, #tpu.memory_space<vmem>>) target_semaphore(%run_scoped3A : memref<!tpu.dma_semaphore, #tpu.memory_space<semaphore_mem>>)
      %dma_wait3A = arith.constant 0 : i32
      %dma_wait3A_136 = tpu.memref_slice %arg11[%add3A_103, %dma_wait3A] : memref<25600x64xf32, #tpu.memory_space<vmem_shared>> -> memref<200x64xf32, #tpu.memory_space<vmem_shared>>
      %dma_wait3A_137 = arith.constant 0 : i32
      %dma_wait3A_138 = tpu.memref_slice %arg11[%add3A_103, %dma_wait3A_137] : memref<25600x64xf32, #tpu.memory_space<vmem_shared>> -> memref<200x64xf32, #tpu.memory_space<vmem_shared>>
      tpu.wait_dma2 semaphore(%run_scoped3A : memref<!tpu.dma_semaphore, #tpu.memory_space<semaphore_mem>>) src(%dma_wait3A_138 : memref<200x64xf32, #tpu.memory_space<vmem_shared>>) dst(%arg9 : memref<200x64xf32, #tpu.memory_space<vmem>>)
      tpu.yield
    }) : () -> ()
    %mul3A_104 = arith.constant 25600 : i32
    %mul3A_105 = arith.muli %sub3A_0, %mul3A_104 : i32
    %mul3A_106 = arith.constant 1600 : i32
    %mul3A_107 = arith.muli %arg1, %mul3A_106 : i32
    %add3A_108 = arith.addi %mul3A_105, %mul3A_107 : i32
    %add3A_109 = arith.constant 1000 : i32
    %add3A_110 = arith.addi %add3A_108, %add3A_109 : i32
    "tpu.region"() ({
      %run_scoped3A = tpu.sem_alloc : memref<!tpu.dma_semaphore, #tpu.memory_space<semaphore_mem>>
      %dma_start3A = arith.constant 0 : i32
      %dma_start3A_133 = tpu.memref_slice %arg5[%add3A_110, %dma_start3A] : memref<51200x64xf32, #tpu.memory_space<hbm>> -> memref<200x64xf32, #tpu.memory_space<hbm>>
      %dma_start3A_134 = arith.constant 0 : i32
      %dma_start3A_135 = tpu.memref_slice %arg5[%add3A_110, %dma_start3A_134] : memref<51200x64xf32, #tpu.memory_space<hbm>> -> memref<200x64xf32, #tpu.memory_space<hbm>>
      tpu.enqueue_dma source(%arg9 : memref<200x64xf32, #tpu.memory_space<vmem>>) target(%dma_start3A_135 : memref<200x64xf32, #tpu.memory_space<hbm>>) target_semaphore(%run_scoped3A : memref<!tpu.dma_semaphore, #tpu.memory_space<semaphore_mem>>)
      %dma_wait3A = arith.constant 0 : i32
      %dma_wait3A_136 = tpu.memref_slice %arg5[%add3A_110, %dma_wait3A] : memref<51200x64xf32, #tpu.memory_space<hbm>> -> memref<200x64xf32, #tpu.memory_space<hbm>>
      %dma_wait3A_137 = arith.constant 0 : i32
      %dma_wait3A_138 = tpu.memref_slice %arg5[%add3A_110, %dma_wait3A_137] : memref<51200x64xf32, #tpu.memory_space<hbm>> -> memref<200x64xf32, #tpu.memory_space<hbm>>
      tpu.wait_dma2 semaphore(%run_scoped3A : memref<!tpu.dma_semaphore, #tpu.memory_space<semaphore_mem>>) src(%arg9 : memref<200x64xf32, #tpu.memory_space<vmem>>) dst(%dma_wait3A_138 : memref<200x64xf32, #tpu.memory_space<hbm>>)
      tpu.yield
    }) : () -> ()
    %mul3A_111 = arith.constant 1600 : i32
    %mul3A_112 = arith.muli %arg1, %mul3A_111 : i32
    %add3A_113 = arith.constant 1200 : i32
    %add3A_114 = arith.addi %mul3A_112, %add3A_113 : i32
    "tpu.region"() ({
      %run_scoped3A = tpu.sem_alloc : memref<!tpu.dma_semaphore, #tpu.memory_space<semaphore_mem>>
      %dma_start3A = arith.constant 0 : i32
      %dma_start3A_133 = tpu.memref_slice %arg11[%add3A_114, %dma_start3A] : memref<25600x64xf32, #tpu.memory_space<vmem_shared>> -> memref<200x64xf32, #tpu.memory_space<vmem_shared>>
      %dma_start3A_134 = arith.constant 0 : i32
      %dma_start3A_135 = tpu.memref_slice %arg11[%add3A_114, %dma_start3A_134] : memref<25600x64xf32, #tpu.memory_space<vmem_shared>> -> memref<200x64xf32, #tpu.memory_space<vmem_shared>>
      tpu.enqueue_dma source(%dma_start3A_135 : memref<200x64xf32, #tpu.memory_space<vmem_shared>>) target(%arg9 : memref<200x64xf32, #tpu.memory_space<vmem>>) target_semaphore(%run_scoped3A : memref<!tpu.dma_semaphore, #tpu.memory_space<semaphore_mem>>)
      %dma_wait3A = arith.constant 0 : i32
      %dma_wait3A_136 = tpu.memref_slice %arg11[%add3A_114, %dma_wait3A] : memref<25600x64xf32, #tpu.memory_space<vmem_shared>> -> memref<200x64xf32, #tpu.memory_space<vmem_shared>>
      %dma_wait3A_137 = arith.constant 0 : i32
      %dma_wait3A_138 = tpu.memref_slice %arg11[%add3A_114, %dma_wait3A_137] : memref<25600x64xf32, #tpu.memory_space<vmem_shared>> -> memref<200x64xf32, #tpu.memory_space<vmem_shared>>
      tpu.wait_dma2 semaphore(%run_scoped3A : memref<!tpu.dma_semaphore, #tpu.memory_space<semaphore_mem>>) src(%dma_wait3A_138 : memref<200x64xf32, #tpu.memory_space<vmem_shared>>) dst(%arg9 : memref<200x64xf32, #tpu.memory_space<vmem>>)
      tpu.yield
    }) : () -> ()
    %mul3A_115 = arith.constant 25600 : i32
    %mul3A_116 = arith.muli %sub3A_0, %mul3A_115 : i32
    %mul3A_117 = arith.constant 1600 : i32
    %mul3A_118 = arith.muli %arg1, %mul3A_117 : i32
    %add3A_119 = arith.addi %mul3A_116, %mul3A_118 : i32
    %add3A_120 = arith.constant 1200 : i32
    %add3A_121 = arith.addi %add3A_119, %add3A_120 : i32
    "tpu.region"() ({
      %run_scoped3A = tpu.sem_alloc : memref<!tpu.dma_semaphore, #tpu.memory_space<semaphore_mem>>
      %dma_start3A = arith.constant 0 : i32
      %dma_start3A_133 = tpu.memref_slice %arg5[%add3A_121, %dma_start3A] : memref<51200x64xf32, #tpu.memory_space<hbm>> -> memref<200x64xf32, #tpu.memory_space<hbm>>
      %dma_start3A_134 = arith.constant 0 : i32
      %dma_start3A_135 = tpu.memref_slice %arg5[%add3A_121, %dma_start3A_134] : memref<51200x64xf32, #tpu.memory_space<hbm>> -> memref<200x64xf32, #tpu.memory_space<hbm>>
      tpu.enqueue_dma source(%arg9 : memref<200x64xf32, #tpu.memory_space<vmem>>) target(%dma_start3A_135 : memref<200x64xf32, #tpu.memory_space<hbm>>) target_semaphore(%run_scoped3A : memref<!tpu.dma_semaphore, #tpu.memory_space<semaphore_mem>>)
      %dma_wait3A = arith.constant 0 : i32
      %dma_wait3A_136 = tpu.memref_slice %arg5[%add3A_121, %dma_wait3A] : memref<51200x64xf32, #tpu.memory_space<hbm>> -> memref<200x64xf32, #tpu.memory_space<hbm>>
      %dma_wait3A_137 = arith.constant 0 : i32
      %dma_wait3A_138 = tpu.memref_slice %arg5[%add3A_121, %dma_wait3A_137] : memref<51200x64xf32, #tpu.memory_space<hbm>> -> memref<200x64xf32, #tpu.memory_space<hbm>>
      tpu.wait_dma2 semaphore(%run_scoped3A : memref<!tpu.dma_semaphore, #tpu.memory_space<semaphore_mem>>) src(%arg9 : memref<200x64xf32, #tpu.memory_space<vmem>>) dst(%dma_wait3A_138 : memref<200x64xf32, #tpu.memory_space<hbm>>)
      tpu.yield
    }) : () -> ()
    %mul3A_122 = arith.constant 1600 : i32
    %mul3A_123 = arith.muli %arg1, %mul3A_122 : i32
    %add3A_124 = arith.constant 1400 : i32
    %add3A_125 = arith.addi %mul3A_123, %add3A_124 : i32
    "tpu.region"() ({
      %run_scoped3A = tpu.sem_alloc : memref<!tpu.dma_semaphore, #tpu.memory_space<semaphore_mem>>
      %dma_start3A = arith.constant 0 : i32
      %dma_start3A_133 = tpu.memref_slice %arg11[%add3A_125, %dma_start3A] : memref<25600x64xf32, #tpu.memory_space<vmem_shared>> -> memref<200x64xf32, #tpu.memory_space<vmem_shared>>
      %dma_start3A_134 = arith.constant 0 : i32
      %dma_start3A_135 = tpu.memref_slice %arg11[%add3A_125, %dma_start3A_134] : memref<25600x64xf32, #tpu.memory_space<vmem_shared>> -> memref<200x64xf32, #tpu.memory_space<vmem_shared>>
      tpu.enqueue_dma source(%dma_start3A_135 : memref<200x64xf32, #tpu.memory_space<vmem_shared>>) target(%arg9 : memref<200x64xf32, #tpu.memory_space<vmem>>) target_semaphore(%run_scoped3A : memref<!tpu.dma_semaphore, #tpu.memory_space<semaphore_mem>>)
      %dma_wait3A = arith.constant 0 : i32
      %dma_wait3A_136 = tpu.memref_slice %arg11[%add3A_125, %dma_wait3A] : memref<25600x64xf32, #tpu.memory_space<vmem_shared>> -> memref<200x64xf32, #tpu.memory_space<vmem_shared>>
      %dma_wait3A_137 = arith.constant 0 : i32
      %dma_wait3A_138 = tpu.memref_slice %arg11[%add3A_125, %dma_wait3A_137] : memref<25600x64xf32, #tpu.memory_space<vmem_shared>> -> memref<200x64xf32, #tpu.memory_space<vmem_shared>>
      tpu.wait_dma2 semaphore(%run_scoped3A : memref<!tpu.dma_semaphore, #tpu.memory_space<semaphore_mem>>) src(%dma_wait3A_138 : memref<200x64xf32, #tpu.memory_space<vmem_shared>>) dst(%arg9 : memref<200x64xf32, #tpu.memory_space<vmem>>)
      tpu.yield
    }) : () -> ()
    %mul3A_126 = arith.constant 25600 : i32
    %mul3A_127 = arith.muli %sub3A_0, %mul3A_126 : i32
    %mul3A_128 = arith.constant 1600 : i32
    %mul3A_129 = arith.muli %arg1, %mul3A_128 : i32
    %add3A_130 = arith.addi %mul3A_127, %mul3A_129 : i32
    %add3A_131 = arith.constant 1400 : i32
    %add3A_132 = arith.addi %add3A_130, %add3A_131 : i32
    "tpu.region"() ({
      %run_scoped3A = tpu.sem_alloc : memref<!tpu.dma_semaphore, #tpu.memory_space<semaphore_mem>>
      %dma_start3A = arith.constant 0 : i32
      %dma_start3A_133 = tpu.memref_slice %arg5[%add3A_132, %dma_start3A] : memref<51200x64xf32, #tpu.memory_space<hbm>> -> memref<200x64xf32, #tpu.memory_space<hbm>>
      %dma_start3A_134 = arith.constant 0 : i32
      %dma_start3A_135 = tpu.memref_slice %arg5[%add3A_132, %dma_start3A_134] : memref<51200x64xf32, #tpu.memory_space<hbm>> -> memref<200x64xf32, #tpu.memory_space<hbm>>
      tpu.enqueue_dma source(%arg9 : memref<200x64xf32, #tpu.memory_space<vmem>>) target(%dma_start3A_135 : memref<200x64xf32, #tpu.memory_space<hbm>>) target_semaphore(%run_scoped3A : memref<!tpu.dma_semaphore, #tpu.memory_space<semaphore_mem>>)
      %dma_wait3A = arith.constant 0 : i32
      %dma_wait3A_136 = tpu.memref_slice %arg5[%add3A_132, %dma_wait3A] : memref<51200x64xf32, #tpu.memory_space<hbm>> -> memref<200x64xf32, #tpu.memory_space<hbm>>
      %dma_wait3A_137 = arith.constant 0 : i32
      %dma_wait3A_138 = tpu.memref_slice %arg5[%add3A_132, %dma_wait3A_137] : memref<51200x64xf32, #tpu.memory_space<hbm>> -> memref<200x64xf32, #tpu.memory_space<hbm>>
      tpu.wait_dma2 semaphore(%run_scoped3A : memref<!tpu.dma_semaphore, #tpu.memory_space<semaphore_mem>>) src(%arg9 : memref<200x64xf32, #tpu.memory_space<vmem>>) dst(%dma_wait3A_138 : memref<200x64xf32, #tpu.memory_space<hbm>>)
      tpu.yield
    }) : () -> ()
    return
  }
}

#map = affine_map<(d0, d1) -> (0, 0)>
#map1 = affine_map<(d0, d1) -> (0)>
module attributes {stable_mosaic.version = 14 : i64} {
  func.func @_scatter_kernel(%arg0: i32, %arg1: i32, %arg2: memref<51200x64xf32, #tpu.memory_space<hbm>>, %arg3: memref<1600000xi32, #tpu.memory_space<hbm>>, %arg4: memref<1600000xi32, #tpu.memory_space<hbm>>, %arg5: memref<51200x64xf32, #tpu.memory_space<hbm>>, %arg6: memref<1000xi32, #tpu.memory_space<vmem>>, %arg7: memref<200xi32, #tpu.memory_space<vmem>>, %arg8: memref<200xi32, #tpu.memory_space<vmem>>, %arg9: memref<200x64xf32, #tpu.memory_space<vmem>>, %arg10: memref<200x64xf32, #tpu.memory_space<vmem>>, %arg11: memref<25600x64xf32, #tpu.memory_space<vmem_shared>>, %arg12: memref<!tpu.dma_semaphore, #tpu.memory_space<semaphore_mem>>, %arg13: memref<!tpu.dma_semaphore, #tpu.memory_space<semaphore_mem>>) attributes {dimension_semantics = [#tpu.dimension_semantics<core_parallel>, #tpu.dimension_semantics<subcore_parallel>], iteration_bounds = array<i64: 2, 16>, scalar_prefetch = 0 : i64, scratch_operands = 8 : i64, tpu.core_type = #tpu.core_type<sc_vector_subcore>, window_params = [{transform_indices = #map}, {transform_indices = #map1}, {transform_indices = #map1}, {transform_indices = #map}]} {
    %sub3A = arith.constant 1 : i32
    %sub3A_0 = arith.subi %sub3A, %arg0 : i32
    %scan3A = arith.constant 0 : i32
    %scan3A_1 = arith.constant 0 : i32
    %scan3A_2 = arith.constant 200 : i32
    %scan3A_3 = arith.addi %scan3A_1, %scan3A_2 : i32
    %scan3A_4 = arith.constant 1 : i32
    %scan3A_5 = scf.for %scan3A_133 = %scan3A_1 to %scan3A_3 step %scan3A_4 iter_args(%scan3A_134 = %scan3A) -> (i32)  : i32 {
      %broadcast_in_dim3A = arith.constant 0.000000e+00 : f32
      %broadcast_in_dim3A_135 = vector.broadcast %broadcast_in_dim3A : f32 to vector<16xf32>
      %swap3A = arith.index_cast %scan3A_133 : i32 to index
      %swap3A_136 = arith.constant 0 : index
      %swap3A_137 = tpu.vector_load %arg9[%swap3A, %swap3A_136] {strides = array<i32>} : memref<200x64xf32, #tpu.memory_space<vmem>>, vector<1x16xf32>,
      %swap3A_138 = vector.shape_cast %swap3A_137 : vector<1x16xf32> to vector<16xf32>
      %swap3A_139 = vector.shape_cast %broadcast_in_dim3A_135 : vector<16xf32> to vector<1x16xf32>
      tpu.vector_store %arg9[%swap3A, %swap3A_136], %swap3A_139 {strides = array<i32>} : memref<200x64xf32, #tpu.memory_space<vmem>>, vector<1x16xf32>,
      %broadcast_in_dim3A_140 = arith.constant 0.000000e+00 : f32
      %broadcast_in_dim3A_141 = vector.broadcast %broadcast_in_dim3A_140 : f32 to vector<16xf32>
      %swap3A_142 = arith.index_cast %scan3A_133 : i32 to index
      %swap3A_143 = arith.constant 16 : index
      %swap3A_144 = tpu.vector_load %arg9[%swap3A_142, %swap3A_143] {strides = array<i32>} : memref<200x64xf32, #tpu.memory_space<vmem>>, vector<1x16xf32>,
      %swap3A_145 = vector.shape_cast %swap3A_144 : vector<1x16xf32> to vector<16xf32>
      %swap3A_146 = vector.shape_cast %broadcast_in_dim3A_141 : vector<16xf32> to vector<1x16xf32>
      tpu.vector_store %arg9[%swap3A_142, %swap3A_143], %swap3A_146 {strides = array<i32>} : memref<200x64xf32, #tpu.memory_space<vmem>>, vector<1x16xf32>,
      %broadcast_in_dim3A_147 = arith.constant 0.000000e+00 : f32
      %broadcast_in_dim3A_148 = vector.broadcast %broadcast_in_dim3A_147 : f32 to vector<16xf32>
      %swap3A_149 = arith.index_cast %scan3A_133 : i32 to index
      %swap3A_150 = arith.constant 32 : index
      %swap3A_151 = tpu.vector_load %arg9[%swap3A_149, %swap3A_150] {strides = array<i32>} : memref<200x64xf32, #tpu.memory_space<vmem>>, vector<1x16xf32>,
      %swap3A_152 = vector.shape_cast %swap3A_151 : vector<1x16xf32> to vector<16xf32>
      %swap3A_153 = vector.shape_cast %broadcast_in_dim3A_148 : vector<16xf32> to vector<1x16xf32>
      tpu.vector_store %arg9[%swap3A_149, %swap3A_150], %swap3A_153 {strides = array<i32>} : memref<200x64xf32, #tpu.memory_space<vmem>>, vector<1x16xf32>,
      %broadcast_in_dim3A_154 = arith.constant 0.000000e+00 : f32
      %broadcast_in_dim3A_155 = vector.broadcast %broadcast_in_dim3A_154 : f32 to vector<16xf32>
      %swap3A_156 = arith.index_cast %scan3A_133 : i32 to index
      %swap3A_157 = arith.constant 48 : index
      %swap3A_158 = tpu.vector_load %arg9[%swap3A_156, %swap3A_157] {strides = array<i32>} : memref<200x64xf32, #tpu.memory_space<vmem>>, vector<1x16xf32>,
      %swap3A_159 = vector.shape_cast %swap3A_158 : vector<1x16xf32> to vector<16xf32>
      %swap3A_160 = vector.shape_cast %broadcast_in_dim3A_155 : vector<16xf32> to vector<1x16xf32>
      tpu.vector_store %arg9[%swap3A_156, %swap3A_157], %swap3A_160 {strides = array<i32>} : memref<200x64xf32, #tpu.memory_space<vmem>>, vector<1x16xf32>,
      %scan3A_161 = arith.constant 0 : i32
      scf.yield %scan3A_161 : i32
    }
    %scan3A_6 = arith.constant 200 : i32
    %mul3A = arith.constant 1600 : i32
    %mul3A_7 = arith.muli %arg1, %mul3A : i32
    %add3A = arith.constant 0 : i32
    %add3A_8 = arith.addi %mul3A_7, %add3A : i32
    "tpu.region"() ({
      %run_scoped3A = tpu.sem_alloc : memref<!tpu.dma_semaphore, #tpu.memory_space<semaphore_mem>>
      %dma_start3A = arith.constant 0 : i32
      %dma_start3A_133 = tpu.memref_slice %arg11[%add3A_8, %dma_start3A] : memref<25600x64xf32, #tpu.memory_space<vmem_shared>> -> memref<200x64xf32, #tpu.memory_space<vmem_shared>>
      %dma_start3A_134 = arith.constant 0 : i32
      %dma_start3A_135 = tpu.memref_slice %arg11[%add3A_8, %dma_start3A_134] : memref<25600x64xf32, #tpu.memory_space<vmem_shared>> -> memref<200x64xf32, #tpu.memory_space<vmem_shared>>
      tpu.enqueue_dma source(%arg9 : memref<200x64xf32, #tpu.memory_space<vmem>>) target(%dma_start3A_135 : memref<200x64xf32, #tpu.memory_space<vmem_shared>>) target_semaphore(%run_scoped3A : memref<!tpu.dma_semaphore, #tpu.memory_space<semaphore_mem>>)
      %dma_wait3A = arith.constant 0 : i32
      %dma_wait3A_136 = tpu.memref_slice %arg11[%add3A_8, %dma_wait3A] : memref<25600x64xf32, #tpu.memory_space<vmem_shared>> -> memref<200x64xf32, #tpu.memory_space<vmem_shared>>
      %dma_wait3A_137 = arith.constant 0 : i32
      %dma_wait3A_138 = tpu.memref_slice %arg11[%add3A_8, %dma_wait3A_137] : memref<25600x64xf32, #tpu.memory_space<vmem_shared>> -> memref<200x64xf32, #tpu.memory_space<vmem_shared>>
      tpu.wait_dma2 semaphore(%run_scoped3A : memref<!tpu.dma_semaphore, #tpu.memory_space<semaphore_mem>>) src(%arg9 : memref<200x64xf32, #tpu.memory_space<vmem>>) dst(%dma_wait3A_138 : memref<200x64xf32, #tpu.memory_space<vmem_shared>>)
      tpu.yield
    }) : () -> ()
    %mul3A_9 = arith.constant 1600 : i32
    %mul3A_10 = arith.muli %arg1, %mul3A_9 : i32
    %add3A_11 = arith.constant 200 : i32
    %add3A_12 = arith.addi %mul3A_10, %add3A_11 : i32
    "tpu.region"() ({
      %run_scoped3A = tpu.sem_alloc : memref<!tpu.dma_semaphore, #tpu.memory_space<semaphore_mem>>
      %dma_start3A = arith.constant 0 : i32
      %dma_start3A_133 = tpu.memref_slice %arg11[%add3A_12, %dma_start3A] : memref<25600x64xf32, #tpu.memory_space<vmem_shared>> -> memref<200x64xf32, #tpu.memory_space<vmem_shared>>
      %dma_start3A_134 = arith.constant 0 : i32
      %dma_start3A_135 = tpu.memref_slice %arg11[%add3A_12, %dma_start3A_134] : memref<25600x64xf32, #tpu.memory_space<vmem_shared>> -> memref<200x64xf32, #tpu.memory_space<vmem_shared>>
      tpu.enqueue_dma source(%arg9 : memref<200x64xf32, #tpu.memory_space<vmem>>) target(%dma_start3A_135 : memref<200x64xf32, #tpu.memory_space<vmem_shared>>) target_semaphore(%run_scoped3A : memref<!tpu.dma_semaphore, #tpu.memory_space<semaphore_mem>>)
      %dma_wait3A = arith.constant 0 : i32
      %dma_wait3A_136 = tpu.memref_slice %arg11[%add3A_12, %dma_wait3A] : memref<25600x64xf32, #tpu.memory_space<vmem_shared>> -> memref<200x64xf32, #tpu.memory_space<vmem_shared>>
      %dma_wait3A_137 = arith.constant 0 : i32
      %dma_wait3A_138 = tpu.memref_slice %arg11[%add3A_12, %dma_wait3A_137] : memref<25600x64xf32, #tpu.memory_space<vmem_shared>> -> memref<200x64xf32, #tpu.memory_space<vmem_shared>>
      tpu.wait_dma2 semaphore(%run_scoped3A : memref<!tpu.dma_semaphore, #tpu.memory_space<semaphore_mem>>) src(%arg9 : memref<200x64xf32, #tpu.memory_space<vmem>>) dst(%dma_wait3A_138 : memref<200x64xf32, #tpu.memory_space<vmem_shared>>)
      tpu.yield
    }) : () -> ()
    %mul3A_13 = arith.constant 1600 : i32
    %mul3A_14 = arith.muli %arg1, %mul3A_13 : i32
    %add3A_15 = arith.constant 400 : i32
    %add3A_16 = arith.addi %mul3A_14, %add3A_15 : i32
    "tpu.region"() ({
      %run_scoped3A = tpu.sem_alloc : memref<!tpu.dma_semaphore, #tpu.memory_space<semaphore_mem>>
      %dma_start3A = arith.constant 0 : i32
      %dma_start3A_133 = tpu.memref_slice %arg11[%add3A_16, %dma_start3A] : memref<25600x64xf32, #tpu.memory_space<vmem_shared>> -> memref<200x64xf32, #tpu.memory_space<vmem_shared>>
      %dma_start3A_134 = arith.constant 0 : i32
      %dma_start3A_135 = tpu.memref_slice %arg11[%add3A_16, %dma_start3A_134] : memref<25600x64xf32, #tpu.memory_space<vmem_shared>> -> memref<200x64xf32, #tpu.memory_space<vmem_shared>>
      tpu.enqueue_dma source(%arg9 : memref<200x64xf32, #tpu.memory_space<vmem>>) target(%dma_start3A_135 : memref<200x64xf32, #tpu.memory_space<vmem_shared>>) target_semaphore(%run_scoped3A : memref<!tpu.dma_semaphore, #tpu.memory_space<semaphore_mem>>)
      %dma_wait3A = arith.constant 0 : i32
      %dma_wait3A_136 = tpu.memref_slice %arg11[%add3A_16, %dma_wait3A] : memref<25600x64xf32, #tpu.memory_space<vmem_shared>> -> memref<200x64xf32, #tpu.memory_space<vmem_shared>>
      %dma_wait3A_137 = arith.constant 0 : i32
      %dma_wait3A_138 = tpu.memref_slice %arg11[%add3A_16, %dma_wait3A_137] : memref<25600x64xf32, #tpu.memory_space<vmem_shared>> -> memref<200x64xf32, #tpu.memory_space<vmem_shared>>
      tpu.wait_dma2 semaphore(%run_scoped3A : memref<!tpu.dma_semaphore, #tpu.memory_space<semaphore_mem>>) src(%arg9 : memref<200x64xf32, #tpu.memory_space<vmem>>) dst(%dma_wait3A_138 : memref<200x64xf32, #tpu.memory_space<vmem_shared>>)
      tpu.yield
    }) : () -> ()
    %mul3A_17 = arith.constant 1600 : i32
    %mul3A_18 = arith.muli %arg1, %mul3A_17 : i32
    %add3A_19 = arith.constant 600 : i32
    %add3A_20 = arith.addi %mul3A_18, %add3A_19 : i32
    "tpu.region"() ({
      %run_scoped3A = tpu.sem_alloc : memref<!tpu.dma_semaphore, #tpu.memory_space<semaphore_mem>>
      %dma_start3A = arith.constant 0 : i32
      %dma_start3A_133 = tpu.memref_slice %arg11[%add3A_20, %dma_start3A] : memref<25600x64xf32, #tpu.memory_space<vmem_shared>> -> memref<200x64xf32, #tpu.memory_space<vmem_shared>>
      %dma_start3A_134 = arith.constant 0 : i32
      %dma_start3A_135 = tpu.memref_slice %arg11[%add3A_20, %dma_start3A_134] : memref<25600x64xf32, #tpu.memory_space<vmem_shared>> -> memref<200x64xf32, #tpu.memory_space<vmem_shared>>
      tpu.enqueue_dma source(%arg9 : memref<200x64xf32, #tpu.memory_space<vmem>>) target(%dma_start3A_135 : memref<200x64xf32, #tpu.memory_space<vmem_shared>>) target_semaphore(%run_scoped3A : memref<!tpu.dma_semaphore, #tpu.memory_space<semaphore_mem>>)
      %dma_wait3A = arith.constant 0 : i32
      %dma_wait3A_136 = tpu.memref_slice %arg11[%add3A_20, %dma_wait3A] : memref<25600x64xf32, #tpu.memory_space<vmem_shared>> -> memref<200x64xf32, #tpu.memory_space<vmem_shared>>
      %dma_wait3A_137 = arith.constant 0 : i32
      %dma_wait3A_138 = tpu.memref_slice %arg11[%add3A_20, %dma_wait3A_137] : memref<25600x64xf32, #tpu.memory_space<vmem_shared>> -> memref<200x64xf32, #tpu.memory_space<vmem_shared>>
      tpu.wait_dma2 semaphore(%run_scoped3A : memref<!tpu.dma_semaphore, #tpu.memory_space<semaphore_mem>>) src(%arg9 : memref<200x64xf32, #tpu.memory_space<vmem>>) dst(%dma_wait3A_138 : memref<200x64xf32, #tpu.memory_space<vmem_shared>>)
      tpu.yield
    }) : () -> ()
    %mul3A_21 = arith.constant 1600 : i32
    %mul3A_22 = arith.muli %arg1, %mul3A_21 : i32
    %add3A_23 = arith.constant 800 : i32
    %add3A_24 = arith.addi %mul3A_22, %add3A_23 : i32
    "tpu.region"() ({
      %run_scoped3A = tpu.sem_alloc : memref<!tpu.dma_semaphore, #tpu.memory_space<semaphore_mem>>
      %dma_start3A = arith.constant 0 : i32
      %dma_start3A_133 = tpu.memref_slice %arg11[%add3A_24, %dma_start3A] : memref<25600x64xf32, #tpu.memory_space<vmem_shared>> -> memref<200x64xf32, #tpu.memory_space<vmem_shared>>
      %dma_start3A_134 = arith.constant 0 : i32
      %dma_start3A_135 = tpu.memref_slice %arg11[%add3A_24, %dma_start3A_134] : memref<25600x64xf32, #tpu.memory_space<vmem_shared>> -> memref<200x64xf32, #tpu.memory_space<vmem_shared>>
      tpu.enqueue_dma source(%arg9 : memref<200x64xf32, #tpu.memory_space<vmem>>) target(%dma_start3A_135 : memref<200x64xf32, #tpu.memory_space<vmem_shared>>) target_semaphore(%run_scoped3A : memref<!tpu.dma_semaphore, #tpu.memory_space<semaphore_mem>>)
      %dma_wait3A = arith.constant 0 : i32
      %dma_wait3A_136 = tpu.memref_slice %arg11[%add3A_24, %dma_wait3A] : memref<25600x64xf32, #tpu.memory_space<vmem_shared>> -> memref<200x64xf32, #tpu.memory_space<vmem_shared>>
      %dma_wait3A_137 = arith.constant 0 : i32
      %dma_wait3A_138 = tpu.memref_slice %arg11[%add3A_24, %dma_wait3A_137] : memref<25600x64xf32, #tpu.memory_space<vmem_shared>> -> memref<200x64xf32, #tpu.memory_space<vmem_shared>>
      tpu.wait_dma2 semaphore(%run_scoped3A : memref<!tpu.dma_semaphore, #tpu.memory_space<semaphore_mem>>) src(%arg9 : memref<200x64xf32, #tpu.memory_space<vmem>>) dst(%dma_wait3A_138 : memref<200x64xf32, #tpu.memory_space<vmem_shared>>)
      tpu.yield
    }) : () -> ()
    %mul3A_25 = arith.constant 1600 : i32
    %mul3A_26 = arith.muli %arg1, %mul3A_25 : i32
    %add3A_27 = arith.constant 1000 : i32
    %add3A_28 = arith.addi %mul3A_26, %add3A_27 : i32
    "tpu.region"() ({
      %run_scoped3A = tpu.sem_alloc : memref<!tpu.dma_semaphore, #tpu.memory_space<semaphore_mem>>
      %dma_start3A = arith.constant 0 : i32
      %dma_start3A_133 = tpu.memref_slice %arg11[%add3A_28, %dma_start3A] : memref<25600x64xf32, #tpu.memory_space<vmem_shared>> -> memref<200x64xf32, #tpu.memory_space<vmem_shared>>
      %dma_start3A_134 = arith.constant 0 : i32
      %dma_start3A_135 = tpu.memref_slice %arg11[%add3A_28, %dma_start3A_134] : memref<25600x64xf32, #tpu.memory_space<vmem_shared>> -> memref<200x64xf32, #tpu.memory_space<vmem_shared>>
      tpu.enqueue_dma source(%arg9 : memref<200x64xf32, #tpu.memory_space<vmem>>) target(%dma_start3A_135 : memref<200x64xf32, #tpu.memory_space<vmem_shared>>) target_semaphore(%run_scoped3A : memref<!tpu.dma_semaphore, #tpu.memory_space<semaphore_mem>>)
      %dma_wait3A = arith.constant 0 : i32
      %dma_wait3A_136 = tpu.memref_slice %arg11[%add3A_28, %dma_wait3A] : memref<25600x64xf32, #tpu.memory_space<vmem_shared>> -> memref<200x64xf32, #tpu.memory_space<vmem_shared>>
      %dma_wait3A_137 = arith.constant 0 : i32
      %dma_wait3A_138 = tpu.memref_slice %arg11[%add3A_28, %dma_wait3A_137] : memref<25600x64xf32, #tpu.memory_space<vmem_shared>> -> memref<200x64xf32, #tpu.memory_space<vmem_shared>>
      tpu.wait_dma2 semaphore(%run_scoped3A : memref<!tpu.dma_semaphore, #tpu.memory_space<semaphore_mem>>) src(%arg9 : memref<200x64xf32, #tpu.memory_space<vmem>>) dst(%dma_wait3A_138 : memref<200x64xf32, #tpu.memory_space<vmem_shared>>)
      tpu.yield
    }) : () -> ()
    %mul3A_29 = arith.constant 1600 : i32
    %mul3A_30 = arith.muli %arg1, %mul3A_29 : i32
    %add3A_31 = arith.constant 1200 : i32
    %add3A_32 = arith.addi %mul3A_30, %add3A_31 : i32
    "tpu.region"() ({
      %run_scoped3A = tpu.sem_alloc : memref<!tpu.dma_semaphore, #tpu.memory_space<semaphore_mem>>
      %dma_start3A = arith.constant 0 : i32
      %dma_start3A_133 = tpu.memref_slice %arg11[%add3A_32, %dma_start3A] : memref<25600x64xf32, #tpu.memory_space<vmem_shared>> -> memref<200x64xf32, #tpu.memory_space<vmem_shared>>
      %dma_start3A_134 = arith.constant 0 : i32
      %dma_start3A_135 = tpu.memref_slice %arg11[%add3A_32, %dma_start3A_134] : memref<25600x64xf32, #tpu.memory_space<vmem_shared>> -> memref<200x64xf32, #tpu.memory_space<vmem_shared>>
      tpu.enqueue_dma source(%arg9 : memref<200x64xf32, #tpu.memory_space<vmem>>) target(%dma_start3A_135 : memref<200x64xf32, #tpu.memory_space<vmem_shared>>) target_semaphore(%run_scoped3A : memref<!tpu.dma_semaphore, #tpu.memory_space<semaphore_mem>>)
      %dma_wait3A = arith.constant 0 : i32
      %dma_wait3A_136 = tpu.memref_slice %arg11[%add3A_32, %dma_wait3A] : memref<25600x64xf32, #tpu.memory_space<vmem_shared>> -> memref<200x64xf32, #tpu.memory_space<vmem_shared>>
      %dma_wait3A_137 = arith.constant 0 : i32
      %dma_wait3A_138 = tpu.memref_slice %arg11[%add3A_32, %dma_wait3A_137] : memref<25600x64xf32, #tpu.memory_space<vmem_shared>> -> memref<200x64xf32, #tpu.memory_space<vmem_shared>>
      tpu.wait_dma2 semaphore(%run_scoped3A : memref<!tpu.dma_semaphore, #tpu.memory_space<semaphore_mem>>) src(%arg9 : memref<200x64xf32, #tpu.memory_space<vmem>>) dst(%dma_wait3A_138 : memref<200x64xf32, #tpu.memory_space<vmem_shared>>)
      tpu.yield
    }) : () -> ()
    %mul3A_33 = arith.constant 1600 : i32
    %mul3A_34 = arith.muli %arg1, %mul3A_33 : i32
    %add3A_35 = arith.constant 1400 : i32
    %add3A_36 = arith.addi %mul3A_34, %add3A_35 : i32
    "tpu.region"() ({
      %run_scoped3A = tpu.sem_alloc : memref<!tpu.dma_semaphore, #tpu.memory_space<semaphore_mem>>
      %dma_start3A = arith.constant 0 : i32
      %dma_start3A_133 = tpu.memref_slice %arg11[%add3A_36, %dma_start3A] : memref<25600x64xf32, #tpu.memory_space<vmem_shared>> -> memref<200x64xf32, #tpu.memory_space<vmem_shared>>
      %dma_start3A_134 = arith.constant 0 : i32
      %dma_start3A_135 = tpu.memref_slice %arg11[%add3A_36, %dma_start3A_134] : memref<25600x64xf32, #tpu.memory_space<vmem_shared>> -> memref<200x64xf32, #tpu.memory_space<vmem_shared>>
      tpu.enqueue_dma source(%arg9 : memref<200x64xf32, #tpu.memory_space<vmem>>) target(%dma_start3A_135 : memref<200x64xf32, #tpu.memory_space<vmem_shared>>) target_semaphore(%run_scoped3A : memref<!tpu.dma_semaphore, #tpu.memory_space<semaphore_mem>>)
      %dma_wait3A = arith.constant 0 : i32
      %dma_wait3A_136 = tpu.memref_slice %arg11[%add3A_36, %dma_wait3A] : memref<25600x64xf32, #tpu.memory_space<vmem_shared>> -> memref<200x64xf32, #tpu.memory_space<vmem_shared>>
      %dma_wait3A_137 = arith.constant 0 : i32
      %dma_wait3A_138 = tpu.memref_slice %arg11[%add3A_36, %dma_wait3A_137] : memref<25600x64xf32, #tpu.memory_space<vmem_shared>> -> memref<200x64xf32, #tpu.memory_space<vmem_shared>>
      tpu.wait_dma2 semaphore(%run_scoped3A : memref<!tpu.dma_semaphore, #tpu.memory_space<semaphore_mem>>) src(%arg9 : memref<200x64xf32, #tpu.memory_space<vmem>>) dst(%dma_wait3A_138 : memref<200x64xf32, #tpu.memory_space<vmem_shared>>)
      tpu.yield
    }) : () -> ()
    %barrier3A = arith.constant 0 : index
    tpu.barrier barrier_id(%barrier3A)
    %scan3A_37 = arith.constant 0 : i32
    %scan3A_38 = arith.constant 0 : i32
    %scan3A_39 = arith.constant 50 : i32
    %scan3A_40 = arith.addi %scan3A_38, %scan3A_39 : i32
    %scan3A_41 = arith.constant 1 : i32
    %scan3A_42 = scf.for %scan3A_133 = %scan3A_38 to %scan3A_40 step %scan3A_41 iter_args(%scan3A_134 = %scan3A_37) -> (i32)  : i32 {
      %mul3A_135 = arith.constant 50000 : i32
      %mul3A_136 = arith.muli %arg1, %mul3A_135 : i32
      %mul3A_137 = arith.constant 1000 : i32
      %mul3A_138 = arith.muli %scan3A_133, %mul3A_137 : i32
      %add3A_139 = arith.addi %mul3A_136, %mul3A_138 : i32
      %multiple_of3A = tpu.assume_multiple %add3A_139, 8 : i32
      %mul3A_140 = arith.constant 800000 : i32
      %mul3A_141 = arith.muli %arg0, %mul3A_140 : i32
      %add3A_142 = arith.addi %mul3A_141, %multiple_of3A : i32
      "tpu.region"() ({
        %run_scoped3A = tpu.sem_alloc : memref<!tpu.dma_semaphore, #tpu.memory_space<semaphore_mem>>
        %dma_start3A_217 = tpu.memref_slice %arg3[%add3A_142] : memref<1600000xi32, #tpu.memory_space<hbm>> -> memref<1000xi32, #tpu.memory_space<hbm>>
        %dma_start3A_218 = tpu.memref_slice %arg3[%add3A_142] : memref<1600000xi32, #tpu.memory_space<hbm>> -> memref<1000xi32, #tpu.memory_space<hbm>>
        tpu.enqueue_dma source(%dma_start3A_218 : memref<1000xi32, #tpu.memory_space<hbm>>) target(%arg6 : memref<1000xi32, #tpu.memory_space<vmem>>) target_semaphore(%run_scoped3A : memref<!tpu.dma_semaphore, #tpu.memory_space<semaphore_mem>>)
        %dma_wait3A_219 = tpu.memref_slice %arg3[%add3A_142] : memref<1600000xi32, #tpu.memory_space<hbm>> -> memref<1000xi32, #tpu.memory_space<hbm>>
        %dma_wait3A_220 = tpu.memref_slice %arg3[%add3A_142] : memref<1600000xi32, #tpu.memory_space<hbm>> -> memref<1000xi32, #tpu.memory_space<hbm>>
        tpu.wait_dma2 semaphore(%run_scoped3A : memref<!tpu.dma_semaphore, #tpu.memory_space<semaphore_mem>>) src(%dma_wait3A_220 : memref<1000xi32, #tpu.memory_space<hbm>>) dst(%arg6 : memref<1000xi32, #tpu.memory_space<vmem>>)
        tpu.yield
      }) : () -> ()
      %mul3A_143 = arith.constant 800000 : i32
      %mul3A_144 = arith.muli %sub3A_0, %mul3A_143 : i32
      %add3A_145 = arith.addi %mul3A_144, %multiple_of3A : i32
      %add3A_146 = arith.constant 0 : i32
      %add3A_147 = arith.addi %add3A_145, %add3A_146 : i32
      "tpu.region"() ({
        %run_scoped3A = tpu.sem_alloc : memref<!tpu.dma_semaphore, #tpu.memory_space<semaphore_mem>>
        %dma_start3A_217 = tpu.memref_slice %arg4[%add3A_147] : memref<1600000xi32, #tpu.memory_space<hbm>> -> memref<200xi32, #tpu.memory_space<hbm>>
        %dma_start3A_218 = tpu.memref_slice %arg4[%add3A_147] : memref<1600000xi32, #tpu.memory_space<hbm>> -> memref<200xi32, #tpu.memory_space<hbm>>
        tpu.enqueue_dma source(%dma_start3A_218 : memref<200xi32, #tpu.memory_space<hbm>>) target(%arg7 : memref<200xi32, #tpu.memory_space<vmem>>) target_semaphore(%run_scoped3A : memref<!tpu.dma_semaphore, #tpu.memory_space<semaphore_mem>>)
        %dma_wait3A_219 = tpu.memref_slice %arg4[%add3A_147] : memref<1600000xi32, #tpu.memory_space<hbm>> -> memref<200xi32, #tpu.memory_space<hbm>>
        %dma_wait3A_220 = tpu.memref_slice %arg4[%add3A_147] : memref<1600000xi32, #tpu.memory_space<hbm>> -> memref<200xi32, #tpu.memory_space<hbm>>
        tpu.wait_dma2 semaphore(%run_scoped3A : memref<!tpu.dma_semaphore, #tpu.memory_space<semaphore_mem>>) src(%dma_wait3A_220 : memref<200xi32, #tpu.memory_space<hbm>>) dst(%arg7 : memref<200xi32, #tpu.memory_space<vmem>>)
        tpu.yield
      }) : () -> ()
      %dma_start3A = arith.constant 0 : i32
      %dma_start3A_148 = tpu.memref_slice %arg6[%dma_start3A] : memref<1000xi32, #tpu.memory_space<vmem>> -> memref<200xi32, #tpu.memory_space<vmem>>
      %dma_start3A_149 = arith.constant 0 : i32
      %dma_start3A_150 = arith.constant 0 : i32
      %dma_start3A_151 = tpu.memref_slice %arg2[%dma_start3A_149, %dma_start3A_150] : memref<51200x64xf32, #tpu.memory_space<hbm>> -> memref<51200x64xf32, #tpu.memory_space<hbm>>
      tpu.enqueue_indirect_dma source(%dma_start3A_151 : memref<51200x64xf32, #tpu.memory_space<hbm>>) target(%arg9 : memref<200x64xf32, #tpu.memory_space<vmem>>) offsets(%dma_start3A_148 : memref<200xi32, #tpu.memory_space<vmem>>) semaphore(%arg12 : memref<!tpu.dma_semaphore, #tpu.memory_space<semaphore_mem>>)
      %mul3A_152 = arith.constant 800000 : i32
      %mul3A_153 = arith.muli %sub3A_0, %mul3A_152 : i32
      %add3A_154 = arith.addi %mul3A_153, %multiple_of3A : i32
      %add3A_155 = arith.constant 200 : i32
      %add3A_156 = arith.addi %add3A_154, %add3A_155 : i32
      "tpu.region"() ({
        %run_scoped3A = tpu.sem_alloc : memref<!tpu.dma_semaphore, #tpu.memory_space<semaphore_mem>>
        %dma_start3A_217 = tpu.memref_slice %arg4[%add3A_156] : memref<1600000xi32, #tpu.memory_space<hbm>> -> memref<200xi32, #tpu.memory_space<hbm>>
        %dma_start3A_218 = tpu.memref_slice %arg4[%add3A_156] : memref<1600000xi32, #tpu.memory_space<hbm>> -> memref<200xi32, #tpu.memory_space<hbm>>
        tpu.enqueue_dma source(%dma_start3A_218 : memref<200xi32, #tpu.memory_space<hbm>>) target(%arg8 : memref<200xi32, #tpu.memory_space<vmem>>) target_semaphore(%run_scoped3A : memref<!tpu.dma_semaphore, #tpu.memory_space<semaphore_mem>>)
        %dma_wait3A_219 = tpu.memref_slice %arg4[%add3A_156] : memref<1600000xi32, #tpu.memory_space<hbm>> -> memref<200xi32, #tpu.memory_space<hbm>>
        %dma_wait3A_220 = tpu.memref_slice %arg4[%add3A_156] : memref<1600000xi32, #tpu.memory_space<hbm>> -> memref<200xi32, #tpu.memory_space<hbm>>
        tpu.wait_dma2 semaphore(%run_scoped3A : memref<!tpu.dma_semaphore, #tpu.memory_space<semaphore_mem>>) src(%dma_wait3A_220 : memref<200xi32, #tpu.memory_space<hbm>>) dst(%arg8 : memref<200xi32, #tpu.memory_space<vmem>>)
        tpu.yield
      }) : () -> ()
      %dma_start3A_157 = arith.constant 200 : i32
      %dma_start3A_158 = tpu.memref_slice %arg6[%dma_start3A_157] : memref<1000xi32, #tpu.memory_space<vmem>> -> memref<200xi32, #tpu.memory_space<vmem>>
      %dma_start3A_159 = arith.constant 0 : i32
      %dma_start3A_160 = arith.constant 0 : i32
      %dma_start3A_161 = tpu.memref_slice %arg2[%dma_start3A_159, %dma_start3A_160] : memref<51200x64xf32, #tpu.memory_space<hbm>> -> memref<51200x64xf32, #tpu.memory_space<hbm>>
      tpu.enqueue_indirect_dma source(%dma_start3A_161 : memref<51200x64xf32, #tpu.memory_space<hbm>>) target(%arg10 : memref<200x64xf32, #tpu.memory_space<vmem>>) offsets(%dma_start3A_158 : memref<200xi32, #tpu.memory_space<vmem>>) semaphore(%arg13 : memref<!tpu.dma_semaphore, #tpu.memory_space<semaphore_mem>>)
      %dma_wait3A = arith.constant 0 : i32
      %dma_wait3A_162 = tpu.memref_slice %arg6[%dma_wait3A] : memref<1000xi32, #tpu.memory_space<vmem>> -> memref<200xi32, #tpu.memory_space<vmem>>
      %dma_wait3A_163 = arith.constant 0 : i32
      %dma_wait3A_164 = arith.constant 0 : i32
      %dma_wait3A_165 = tpu.memref_slice %arg2[%dma_wait3A_163, %dma_wait3A_164] : memref<51200x64xf32, #tpu.memory_space<hbm>> -> memref<51200x64xf32, #tpu.memory_space<hbm>>
      tpu.wait_indirect_dma semaphore(%arg12 : memref<!tpu.dma_semaphore, #tpu.memory_space<semaphore_mem>>) src(%dma_wait3A_165 : memref<51200x64xf32, #tpu.memory_space<hbm>>) dst(%arg9 : memref<200x64xf32, #tpu.memory_space<vmem>>)
      "tpu.region"() ({
        %run_scoped3A = tpu.sem_alloc : memref<!tpu.dma_semaphore, #tpu.memory_space<semaphore_mem>>
        %dma_start3A_217 = arith.constant 0 : i32
        %dma_start3A_218 = arith.constant 0 : i32
        %dma_start3A_219 = tpu.memref_slice %arg11[%dma_start3A_217, %dma_start3A_218] : memref<25600x64xf32, #tpu.memory_space<vmem_shared>> -> memref<25600x64xf32, #tpu.memory_space<vmem_shared>>
        tpu.enqueue_indirect_dma source(%arg9 : memref<200x64xf32, #tpu.memory_space<vmem>>) target(%dma_start3A_219 : memref<25600x64xf32, #tpu.memory_space<vmem_shared>>) offsets(%arg7 : memref<200xi32, #tpu.memory_space<vmem>>) semaphore(%run_scoped3A : memref<!tpu.dma_semaphore, #tpu.memory_space<semaphore_mem>>) {add = true}
        %dma_wait3A_220 = arith.constant 0 : i32
        %dma_wait3A_221 = arith.constant 0 : i32
        %dma_wait3A_222 = tpu.memref_slice %arg11[%dma_wait3A_220, %dma_wait3A_221] : memref<25600x64xf32, #tpu.memory_space<vmem_shared>> -> memref<25600x64xf32, #tpu.memory_space<vmem_shared>>
        tpu.wait_indirect_dma semaphore(%run_scoped3A : memref<!tpu.dma_semaphore, #tpu.memory_space<semaphore_mem>>) src(%arg9 : memref<200x64xf32, #tpu.memory_space<vmem>>) dst(%dma_wait3A_222 : memref<25600x64xf32, #tpu.memory_space<vmem_shared>>)
        tpu.yield
      }) : () -> ()
      %mul3A_166 = arith.constant 800000 : i32
      %mul3A_167 = arith.muli %sub3A_0, %mul3A_166 : i32
      %add3A_168 = arith.addi %mul3A_167, %multiple_of3A : i32
      %add3A_169 = arith.constant 400 : i32
      %add3A_170 = arith.addi %add3A_168, %add3A_169 : i32
      "tpu.region"() ({
        %run_scoped3A = tpu.sem_alloc : memref<!tpu.dma_semaphore, #tpu.memory_space<semaphore_mem>>
        %dma_start3A_217 = tpu.memref_slice %arg4[%add3A_170] : memref<1600000xi32, #tpu.memory_space<hbm>> -> memref<200xi32, #tpu.memory_space<hbm>>
        %dma_start3A_218 = tpu.memref_slice %arg4[%add3A_170] : memref<1600000xi32, #tpu.memory_space<hbm>> -> memref<200xi32, #tpu.memory_space<hbm>>
        tpu.enqueue_dma source(%dma_start3A_218 : memref<200xi32, #tpu.memory_space<hbm>>) target(%arg7 : memref<200xi32, #tpu.memory_space<vmem>>) target_semaphore(%run_scoped3A : memref<!tpu.dma_semaphore, #tpu.memory_space<semaphore_mem>>)
        %dma_wait3A_219 = tpu.memref_slice %arg4[%add3A_170] : memref<1600000xi32, #tpu.memory_space<hbm>> -> memref<200xi32, #tpu.memory_space<hbm>>
        %dma_wait3A_220 = tpu.memref_slice %arg4[%add3A_170] : memref<1600000xi32, #tpu.memory_space<hbm>> -> memref<200xi32, #tpu.memory_space<hbm>>
        tpu.wait_dma2 semaphore(%run_scoped3A : memref<!tpu.dma_semaphore, #tpu.memory_space<semaphore_mem>>) src(%dma_wait3A_220 : memref<200xi32, #tpu.memory_space<hbm>>) dst(%arg7 : memref<200xi32, #tpu.memory_space<vmem>>)
        tpu.yield
      }) : () -> ()
      %dma_start3A_171 = arith.constant 400 : i32
      %dma_start3A_172 = tpu.memref_slice %arg6[%dma_start3A_171] : memref<1000xi32, #tpu.memory_space<vmem>> -> memref<200xi32, #tpu.memory_space<vmem>>
      %dma_start3A_173 = arith.constant 0 : i32
      %dma_start3A_174 = arith.constant 0 : i32
      %dma_start3A_175 = tpu.memref_slice %arg2[%dma_start3A_173, %dma_start3A_174] : memref<51200x64xf32, #tpu.memory_space<hbm>> -> memref<51200x64xf32, #tpu.memory_space<hbm>>
      tpu.enqueue_indirect_dma source(%dma_start3A_175 : memref<51200x64xf32, #tpu.memory_space<hbm>>) target(%arg9 : memref<200x64xf32, #tpu.memory_space<vmem>>) offsets(%dma_start3A_172 : memref<200xi32, #tpu.memory_space<vmem>>) semaphore(%arg12 : memref<!tpu.dma_semaphore, #tpu.memory_space<semaphore_mem>>)
      %dma_wait3A_176 = arith.constant 200 : i32
      %dma_wait3A_177 = tpu.memref_slice %arg6[%dma_wait3A_176] : memref<1000xi32, #tpu.memory_space<vmem>> -> memref<200xi32, #tpu.memory_space<vmem>>
      %dma_wait3A_178 = arith.constant 0 : i32
      %dma_wait3A_179 = arith.constant 0 : i32
      %dma_wait3A_180 = tpu.memref_slice %arg2[%dma_wait3A_178, %dma_wait3A_179] : memref<51200x64xf32, #tpu.memory_space<hbm>> -> memref<51200x64xf32, #tpu.memory_space<hbm>>
      tpu.wait_indirect_dma semaphore(%arg13 : memref<!tpu.dma_semaphore, #tpu.memory_space<semaphore_mem>>) src(%dma_wait3A_180 : memref<51200x64xf32, #tpu.memory_space<hbm>>) dst(%arg10 : memref<200x64xf32, #tpu.memory_space<vmem>>)
      "tpu.region"() ({
        %run_scoped3A = tpu.sem_alloc : memref<!tpu.dma_semaphore, #tpu.memory_space<semaphore_mem>>
        %dma_start3A_217 = arith.constant 0 : i32
        %dma_start3A_218 = arith.constant 0 : i32
        %dma_start3A_219 = tpu.memref_slice %arg11[%dma_start3A_217, %dma_start3A_218] : memref<25600x64xf32, #tpu.memory_space<vmem_shared>> -> memref<25600x64xf32, #tpu.memory_space<vmem_shared>>
        tpu.enqueue_indirect_dma source(%arg10 : memref<200x64xf32, #tpu.memory_space<vmem>>) target(%dma_start3A_219 : memref<25600x64xf32, #tpu.memory_space<vmem_shared>>) offsets(%arg8 : memref<200xi32, #tpu.memory_space<vmem>>) semaphore(%run_scoped3A : memref<!tpu.dma_semaphore, #tpu.memory_space<semaphore_mem>>) {add = true}
        %dma_wait3A_220 = arith.constant 0 : i32
        %dma_wait3A_221 = arith.constant 0 : i32
        %dma_wait3A_222 = tpu.memref_slice %arg11[%dma_wait3A_220, %dma_wait3A_221] : memref<25600x64xf32, #tpu.memory_space<vmem_shared>> -> memref<25600x64xf32, #tpu.memory_space<vmem_shared>>
        tpu.wait_indirect_dma semaphore(%run_scoped3A : memref<!tpu.dma_semaphore, #tpu.memory_space<semaphore_mem>>) src(%arg10 : memref<200x64xf32, #tpu.memory_space<vmem>>) dst(%dma_wait3A_222 : memref<25600x64xf32, #tpu.memory_space<vmem_shared>>)
        tpu.yield
      }) : () -> ()
      %mul3A_181 = arith.constant 800000 : i32
      %mul3A_182 = arith.muli %sub3A_0, %mul3A_181 : i32
      %add3A_183 = arith.addi %mul3A_182, %multiple_of3A : i32
      %add3A_184 = arith.constant 600 : i32
      %add3A_185 = arith.addi %add3A_183, %add3A_184 : i32
      "tpu.region"() ({
        %run_scoped3A = tpu.sem_alloc : memref<!tpu.dma_semaphore, #tpu.memory_space<semaphore_mem>>
        %dma_start3A_217 = tpu.memref_slice %arg4[%add3A_185] : memref<1600000xi32, #tpu.memory_space<hbm>> -> memref<200xi32, #tpu.memory_space<hbm>>
        %dma_start3A_218 = tpu.memref_slice %arg4[%add3A_185] : memref<1600000xi32, #tpu.memory_space<hbm>> -> memref<200xi32, #tpu.memory_space<hbm>>
        tpu.enqueue_dma source(%dma_start3A_218 : memref<200xi32, #tpu.memory_space<hbm>>) target(%arg8 : memref<200xi32, #tpu.memory_space<vmem>>) target_semaphore(%run_scoped3A : memref<!tpu.dma_semaphore, #tpu.memory_space<semaphore_mem>>)
        %dma_wait3A_219 = tpu.memref_slice %arg4[%add3A_185] : memref<1600000xi32, #tpu.memory_space<hbm>> -> memref<200xi32, #tpu.memory_space<hbm>>
        %dma_wait3A_220 = tpu.memref_slice %arg4[%add3A_185] : memref<1600000xi32, #tpu.memory_space<hbm>> -> memref<200xi32, #tpu.memory_space<hbm>>
        tpu.wait_dma2 semaphore(%run_scoped3A : memref<!tpu.dma_semaphore, #tpu.memory_space<semaphore_mem>>) src(%dma_wait3A_220 : memref<200xi32, #tpu.memory_space<hbm>>) dst(%arg8 : memref<200xi32, #tpu.memory_space<vmem>>)
        tpu.yield
      }) : () -> ()
      %dma_start3A_186 = arith.constant 600 : i32
      %dma_start3A_187 = tpu.memref_slice %arg6[%dma_start3A_186] : memref<1000xi32, #tpu.memory_space<vmem>> -> memref<200xi32, #tpu.memory_space<vmem>>
      %dma_start3A_188 = arith.constant 0 : i32
      %dma_start3A_189 = arith.constant 0 : i32
      %dma_start3A_190 = tpu.memref_slice %arg2[%dma_start3A_188, %dma_start3A_189] : memref<51200x64xf32, #tpu.memory_space<hbm>> -> memref<51200x64xf32, #tpu.memory_space<hbm>>
      tpu.enqueue_indirect_dma source(%dma_start3A_190 : memref<51200x64xf32, #tpu.memory_space<hbm>>) target(%arg10 : memref<200x64xf32, #tpu.memory_space<vmem>>) offsets(%dma_start3A_187 : memref<200xi32, #tpu.memory_space<vmem>>) semaphore(%arg13 : memref<!tpu.dma_semaphore, #tpu.memory_space<semaphore_mem>>)
      %dma_wait3A_191 = arith.constant 400 : i32
      %dma_wait3A_192 = tpu.memref_slice %arg6[%dma_wait3A_191] : memref<1000xi32, #tpu.memory_space<vmem>> -> memref<200xi32, #tpu.memory_space<vmem>>
      %dma_wait3A_193 = arith.constant 0 : i32
      %dma_wait3A_194 = arith.constant 0 : i32
      %dma_wait3A_195 = tpu.memref_slice %arg2[%dma_wait3A_193, %dma_wait3A_194] : memref<51200x64xf32, #tpu.memory_space<hbm>> -> memref<51200x64xf32, #tpu.memory_space<hbm>>
      tpu.wait_indirect_dma semaphore(%arg12 : memref<!tpu.dma_semaphore, #tpu.memory_space<semaphore_mem>>) src(%dma_wait3A_195 : memref<51200x64xf32, #tpu.memory_space<hbm>>) dst(%arg9 : memref<200x64xf32, #tpu.memory_space<vmem>>)
      "tpu.region"() ({
        %run_scoped3A = tpu.sem_alloc : memref<!tpu.dma_semaphore, #tpu.memory_space<semaphore_mem>>
        %dma_start3A_217 = arith.constant 0 : i32
        %dma_start3A_218 = arith.constant 0 : i32
        %dma_start3A_219 = tpu.memref_slice %arg11[%dma_start3A_217, %dma_start3A_218] : memref<25600x64xf32, #tpu.memory_space<vmem_shared>> -> memref<25600x64xf32, #tpu.memory_space<vmem_shared>>
        tpu.enqueue_indirect_dma source(%arg9 : memref<200x64xf32, #tpu.memory_space<vmem>>) target(%dma_start3A_219 : memref<25600x64xf32, #tpu.memory_space<vmem_shared>>) offsets(%arg7 : memref<200xi32, #tpu.memory_space<vmem>>) semaphore(%run_scoped3A : memref<!tpu.dma_semaphore, #tpu.memory_space<semaphore_mem>>) {add = true}
        %dma_wait3A_220 = arith.constant 0 : i32
        %dma_wait3A_221 = arith.constant 0 : i32
        %dma_wait3A_222 = tpu.memref_slice %arg11[%dma_wait3A_220, %dma_wait3A_221] : memref<25600x64xf32, #tpu.memory_space<vmem_shared>> -> memref<25600x64xf32, #tpu.memory_space<vmem_shared>>
        tpu.wait_indirect_dma semaphore(%run_scoped3A : memref<!tpu.dma_semaphore, #tpu.memory_space<semaphore_mem>>) src(%arg9 : memref<200x64xf32, #tpu.memory_space<vmem>>) dst(%dma_wait3A_222 : memref<25600x64xf32, #tpu.memory_space<vmem_shared>>)
        tpu.yield
      }) : () -> ()
      %mul3A_196 = arith.constant 800000 : i32
      %mul3A_197 = arith.muli %sub3A_0, %mul3A_196 : i32
      %add3A_198 = arith.addi %mul3A_197, %multiple_of3A : i32
      %add3A_199 = arith.constant 800 : i32
      %add3A_200 = arith.addi %add3A_198, %add3A_199 : i32
      "tpu.region"() ({
        %run_scoped3A = tpu.sem_alloc : memref<!tpu.dma_semaphore, #tpu.memory_space<semaphore_mem>>
        %dma_start3A_217 = tpu.memref_slice %arg4[%add3A_200] : memref<1600000xi32, #tpu.memory_space<hbm>> -> memref<200xi32, #tpu.memory_space<hbm>>
        %dma_start3A_218 = tpu.memref_slice %arg4[%add3A_200] : memref<1600000xi32, #tpu.memory_space<hbm>> -> memref<200xi32, #tpu.memory_space<hbm>>
        tpu.enqueue_dma source(%dma_start3A_218 : memref<200xi32, #tpu.memory_space<hbm>>) target(%arg7 : memref<200xi32, #tpu.memory_space<vmem>>) target_semaphore(%run_scoped3A : memref<!tpu.dma_semaphore, #tpu.memory_space<semaphore_mem>>)
        %dma_wait3A_219 = tpu.memref_slice %arg4[%add3A_200] : memref<1600000xi32, #tpu.memory_space<hbm>> -> memref<200xi32, #tpu.memory_space<hbm>>
        %dma_wait3A_220 = tpu.memref_slice %arg4[%add3A_200] : memref<1600000xi32, #tpu.memory_space<hbm>> -> memref<200xi32, #tpu.memory_space<hbm>>
        tpu.wait_dma2 semaphore(%run_scoped3A : memref<!tpu.dma_semaphore, #tpu.memory_space<semaphore_mem>>) src(%dma_wait3A_220 : memref<200xi32, #tpu.memory_space<hbm>>) dst(%arg7 : memref<200xi32, #tpu.memory_space<vmem>>)
        tpu.yield
      }) : () -> ()
      %dma_start3A_201 = arith.constant 800 : i32
      %dma_start3A_202 = tpu.memref_slice %arg6[%dma_start3A_201] : memref<1000xi32, #tpu.memory_space<vmem>> -> memref<200xi32, #tpu.memory_space<vmem>>
      %dma_start3A_203 = arith.constant 0 : i32
      %dma_start3A_204 = arith.constant 0 : i32
      %dma_start3A_205 = tpu.memref_slice %arg2[%dma_start3A_203, %dma_start3A_204] : memref<51200x64xf32, #tpu.memory_space<hbm>> -> memref<51200x64xf32, #tpu.memory_space<hbm>>
      tpu.enqueue_indirect_dma source(%dma_start3A_205 : memref<51200x64xf32, #tpu.memory_space<hbm>>) target(%arg9 : memref<200x64xf32, #tpu.memory_space<vmem>>) offsets(%dma_start3A_202 : memref<200xi32, #tpu.memory_space<vmem>>) semaphore(%arg12 : memref<!tpu.dma_semaphore, #tpu.memory_space<semaphore_mem>>)
      %dma_wait3A_206 = arith.constant 600 : i32
      %dma_wait3A_207 = tpu.memref_slice %arg6[%dma_wait3A_206] : memref<1000xi32, #tpu.memory_space<vmem>> -> memref<200xi32, #tpu.memory_space<vmem>>
      %dma_wait3A_208 = arith.constant 0 : i32
      %dma_wait3A_209 = arith.constant 0 : i32
      %dma_wait3A_210 = tpu.memref_slice %arg2[%dma_wait3A_208, %dma_wait3A_209] : memref<51200x64xf32, #tpu.memory_space<hbm>> -> memref<51200x64xf32, #tpu.memory_space<hbm>>
      tpu.wait_indirect_dma semaphore(%arg13 : memref<!tpu.dma_semaphore, #tpu.memory_space<semaphore_mem>>) src(%dma_wait3A_210 : memref<51200x64xf32, #tpu.memory_space<hbm>>) dst(%arg10 : memref<200x64xf32, #tpu.memory_space<vmem>>)
      "tpu.region"() ({
        %run_scoped3A = tpu.sem_alloc : memref<!tpu.dma_semaphore, #tpu.memory_space<semaphore_mem>>
        %dma_start3A_217 = arith.constant 0 : i32
        %dma_start3A_218 = arith.constant 0 : i32
        %dma_start3A_219 = tpu.memref_slice %arg11[%dma_start3A_217, %dma_start3A_218] : memref<25600x64xf32, #tpu.memory_space<vmem_shared>> -> memref<25600x64xf32, #tpu.memory_space<vmem_shared>>
        tpu.enqueue_indirect_dma source(%arg10 : memref<200x64xf32, #tpu.memory_space<vmem>>) target(%dma_start3A_219 : memref<25600x64xf32, #tpu.memory_space<vmem_shared>>) offsets(%arg8 : memref<200xi32, #tpu.memory_space<vmem>>) semaphore(%run_scoped3A : memref<!tpu.dma_semaphore, #tpu.memory_space<semaphore_mem>>) {add = true}
        %dma_wait3A_220 = arith.constant 0 : i32
        %dma_wait3A_221 = arith.constant 0 : i32
        %dma_wait3A_222 = tpu.memref_slice %arg11[%dma_wait3A_220, %dma_wait3A_221] : memref<25600x64xf32, #tpu.memory_space<vmem_shared>> -> memref<25600x64xf32, #tpu.memory_space<vmem_shared>>
        tpu.wait_indirect_dma semaphore(%run_scoped3A : memref<!tpu.dma_semaphore, #tpu.memory_space<semaphore_mem>>) src(%arg10 : memref<200x64xf32, #tpu.memory_space<vmem>>) dst(%dma_wait3A_222 : memref<25600x64xf32, #tpu.memory_space<vmem_shared>>)
        tpu.yield
      }) : () -> ()
      %dma_wait3A_211 = arith.constant 800 : i32
      %dma_wait3A_212 = tpu.memref_slice %arg6[%dma_wait3A_211] : memref<1000xi32, #tpu.memory_space<vmem>> -> memref<200xi32, #tpu.memory_space<vmem>>
      %dma_wait3A_213 = arith.constant 0 : i32
      %dma_wait3A_214 = arith.constant 0 : i32
      %dma_wait3A_215 = tpu.memref_slice %arg2[%dma_wait3A_213, %dma_wait3A_214] : memref<51200x64xf32, #tpu.memory_space<hbm>> -> memref<51200x64xf32, #tpu.memory_space<hbm>>
      tpu.wait_indirect_dma semaphore(%arg12 : memref<!tpu.dma_semaphore, #tpu.memory_space<semaphore_mem>>) src(%dma_wait3A_215 : memref<51200x64xf32, #tpu.memory_space<hbm>>) dst(%arg9 : memref<200x64xf32, #tpu.memory_space<vmem>>)
      "tpu.region"() ({
        %run_scoped3A = tpu.sem_alloc : memref<!tpu.dma_semaphore, #tpu.memory_space<semaphore_mem>>
        %dma_start3A_217 = arith.constant 0 : i32
        %dma_start3A_218 = arith.constant 0 : i32
        %dma_start3A_219 = tpu.memref_slice %arg11[%dma_start3A_217, %dma_start3A_218] : memref<25600x64xf32, #tpu.memory_space<vmem_shared>> -> memref<25600x64xf32, #tpu.memory_space<vmem_shared>>
        tpu.enqueue_indirect_dma source(%arg9 : memref<200x64xf32, #tpu.memory_space<vmem>>) target(%dma_start3A_219 : memref<25600x64xf32, #tpu.memory_space<vmem_shared>>) offsets(%arg7 : memref<200xi32, #tpu.memory_space<vmem>>) semaphore(%run_scoped3A : memref<!tpu.dma_semaphore, #tpu.memory_space<semaphore_mem>>) {add = true}
        %dma_wait3A_220 = arith.constant 0 : i32
        %dma_wait3A_221 = arith.constant 0 : i32
        %dma_wait3A_222 = tpu.memref_slice %arg11[%dma_wait3A_220, %dma_wait3A_221] : memref<25600x64xf32, #tpu.memory_space<vmem_shared>> -> memref<25600x64xf32, #tpu.memory_space<vmem_shared>>
        tpu.wait_indirect_dma semaphore(%run_scoped3A : memref<!tpu.dma_semaphore, #tpu.memory_space<semaphore_mem>>) src(%arg9 : memref<200x64xf32, #tpu.memory_space<vmem>>) dst(%dma_wait3A_222 : memref<25600x64xf32, #tpu.memory_space<vmem_shared>>)
        tpu.yield
      }) : () -> ()
      %scan3A_216 = arith.constant 0 : i32
      scf.yield %scan3A_216 : i32
    }
    %scan3A_43 = arith.constant 50 : i32
    %barrier3A_44 = arith.constant 0 : index
    tpu.barrier barrier_id(%barrier3A_44)
    %mul3A_45 = arith.constant 1600 : i32
    %mul3A_46 = arith.muli %arg1, %mul3A_45 : i32
    %add3A_47 = arith.constant 0 : i32
    %add3A_48 = arith.addi %mul3A_46, %add3A_47 : i32
    "tpu.region"() ({
      %run_scoped3A = tpu.sem_alloc : memref<!tpu.dma_semaphore, #tpu.memory_space<semaphore_mem>>
      %dma_start3A = arith.constant 0 : i32
      %dma_start3A_133 = tpu.memref_slice %arg11[%add3A_48, %dma_start3A] : memref<25600x64xf32, #tpu.memory_space<vmem_shared>> -> memref<200x64xf32, #tpu.memory_space<vmem_shared>>
      %dma_start3A_134 = arith.constant 0 : i32
      %dma_start3A_135 = tpu.memref_slice %arg11[%add3A_48, %dma_start3A_134] : memref<25600x64xf32, #tpu.memory_space<vmem_shared>> -> memref<200x64xf32, #tpu.memory_space<vmem_shared>>
      tpu.enqueue_dma source(%dma_start3A_135 : memref<200x64xf32, #tpu.memory_space<vmem_shared>>) target(%arg9 : memref<200x64xf32, #tpu.memory_space<vmem>>) target_semaphore(%run_scoped3A : memref<!tpu.dma_semaphore, #tpu.memory_space<semaphore_mem>>)
      %dma_wait3A = arith.constant 0 : i32
      %dma_wait3A_136 = tpu.memref_slice %arg11[%add3A_48, %dma_wait3A] : memref<25600x64xf32, #tpu.memory_space<vmem_shared>> -> memref<200x64xf32, #tpu.memory_space<vmem_shared>>
      %dma_wait3A_137 = arith.constant 0 : i32
      %dma_wait3A_138 = tpu.memref_slice %arg11[%add3A_48, %dma_wait3A_137] : memref<25600x64xf32, #tpu.memory_space<vmem_shared>> -> memref<200x64xf32, #tpu.memory_space<vmem_shared>>
      tpu.wait_dma2 semaphore(%run_scoped3A : memref<!tpu.dma_semaphore, #tpu.memory_space<semaphore_mem>>) src(%dma_wait3A_138 : memref<200x64xf32, #tpu.memory_space<vmem_shared>>) dst(%arg9 : memref<200x64xf32, #tpu.memory_space<vmem>>)
      tpu.yield
    }) : () -> ()
    %mul3A_49 = arith.constant 25600 : i32
    %mul3A_50 = arith.muli %sub3A_0, %mul3A_49 : i32
    %mul3A_51 = arith.constant 1600 : i32
    %mul3A_52 = arith.muli %arg1, %mul3A_51 : i32
    %add3A_53 = arith.addi %mul3A_50, %mul3A_52 : i32
    %add3A_54 = arith.constant 0 : i32
    %add3A_55 = arith.addi %add3A_53, %add3A_54 : i32
    "tpu.region"() ({
      %run_scoped3A = tpu.sem_alloc : memref<!tpu.dma_semaphore, #tpu.memory_space<semaphore_mem>>
      %dma_start3A = arith.constant 0 : i32
      %dma_start3A_133 = tpu.memref_slice %arg5[%add3A_55, %dma_start3A] : memref<51200x64xf32, #tpu.memory_space<hbm>> -> memref<200x64xf32, #tpu.memory_space<hbm>>
      %dma_start3A_134 = arith.constant 0 : i32
      %dma_start3A_135 = tpu.memref_slice %arg5[%add3A_55, %dma_start3A_134] : memref<51200x64xf32, #tpu.memory_space<hbm>> -> memref<200x64xf32, #tpu.memory_space<hbm>>
      tpu.enqueue_dma source(%arg9 : memref<200x64xf32, #tpu.memory_space<vmem>>) target(%dma_start3A_135 : memref<200x64xf32, #tpu.memory_space<hbm>>) target_semaphore(%run_scoped3A : memref<!tpu.dma_semaphore, #tpu.memory_space<semaphore_mem>>)
      %dma_wait3A = arith.constant 0 : i32
      %dma_wait3A_136 = tpu.memref_slice %arg5[%add3A_55, %dma_wait3A] : memref<51200x64xf32, #tpu.memory_space<hbm>> -> memref<200x64xf32, #tpu.memory_space<hbm>>
      %dma_wait3A_137 = arith.constant 0 : i32
      %dma_wait3A_138 = tpu.memref_slice %arg5[%add3A_55, %dma_wait3A_137] : memref<51200x64xf32, #tpu.memory_space<hbm>> -> memref<200x64xf32, #tpu.memory_space<hbm>>
      tpu.wait_dma2 semaphore(%run_scoped3A : memref<!tpu.dma_semaphore, #tpu.memory_space<semaphore_mem>>) src(%arg9 : memref<200x64xf32, #tpu.memory_space<vmem>>) dst(%dma_wait3A_138 : memref<200x64xf32, #tpu.memory_space<hbm>>)
      tpu.yield
    }) : () -> ()
    %mul3A_56 = arith.constant 1600 : i32
    %mul3A_57 = arith.muli %arg1, %mul3A_56 : i32
    %add3A_58 = arith.constant 200 : i32
    %add3A_59 = arith.addi %mul3A_57, %add3A_58 : i32
    "tpu.region"() ({
      %run_scoped3A = tpu.sem_alloc : memref<!tpu.dma_semaphore, #tpu.memory_space<semaphore_mem>>
      %dma_start3A = arith.constant 0 : i32
      %dma_start3A_133 = tpu.memref_slice %arg11[%add3A_59, %dma_start3A] : memref<25600x64xf32, #tpu.memory_space<vmem_shared>> -> memref<200x64xf32, #tpu.memory_space<vmem_shared>>
      %dma_start3A_134 = arith.constant 0 : i32
      %dma_start3A_135 = tpu.memref_slice %arg11[%add3A_59, %dma_start3A_134] : memref<25600x64xf32, #tpu.memory_space<vmem_shared>> -> memref<200x64xf32, #tpu.memory_space<vmem_shared>>
      tpu.enqueue_dma source(%dma_start3A_135 : memref<200x64xf32, #tpu.memory_space<vmem_shared>>) target(%arg9 : memref<200x64xf32, #tpu.memory_space<vmem>>) target_semaphore(%run_scoped3A : memref<!tpu.dma_semaphore, #tpu.memory_space<semaphore_mem>>)
      %dma_wait3A = arith.constant 0 : i32
      %dma_wait3A_136 = tpu.memref_slice %arg11[%add3A_59, %dma_wait3A] : memref<25600x64xf32, #tpu.memory_space<vmem_shared>> -> memref<200x64xf32, #tpu.memory_space<vmem_shared>>
      %dma_wait3A_137 = arith.constant 0 : i32
      %dma_wait3A_138 = tpu.memref_slice %arg11[%add3A_59, %dma_wait3A_137] : memref<25600x64xf32, #tpu.memory_space<vmem_shared>> -> memref<200x64xf32, #tpu.memory_space<vmem_shared>>
      tpu.wait_dma2 semaphore(%run_scoped3A : memref<!tpu.dma_semaphore, #tpu.memory_space<semaphore_mem>>) src(%dma_wait3A_138 : memref<200x64xf32, #tpu.memory_space<vmem_shared>>) dst(%arg9 : memref<200x64xf32, #tpu.memory_space<vmem>>)
      tpu.yield
    }) : () -> ()
    %mul3A_60 = arith.constant 25600 : i32
    %mul3A_61 = arith.muli %sub3A_0, %mul3A_60 : i32
    %mul3A_62 = arith.constant 1600 : i32
    %mul3A_63 = arith.muli %arg1, %mul3A_62 : i32
    %add3A_64 = arith.addi %mul3A_61, %mul3A_63 : i32
    %add3A_65 = arith.constant 200 : i32
    %add3A_66 = arith.addi %add3A_64, %add3A_65 : i32
    "tpu.region"() ({
      %run_scoped3A = tpu.sem_alloc : memref<!tpu.dma_semaphore, #tpu.memory_space<semaphore_mem>>
      %dma_start3A = arith.constant 0 : i32
      %dma_start3A_133 = tpu.memref_slice %arg5[%add3A_66, %dma_start3A] : memref<51200x64xf32, #tpu.memory_space<hbm>> -> memref<200x64xf32, #tpu.memory_space<hbm>>
      %dma_start3A_134 = arith.constant 0 : i32
      %dma_start3A_135 = tpu.memref_slice %arg5[%add3A_66, %dma_start3A_134] : memref<51200x64xf32, #tpu.memory_space<hbm>> -> memref<200x64xf32, #tpu.memory_space<hbm>>
      tpu.enqueue_dma source(%arg9 : memref<200x64xf32, #tpu.memory_space<vmem>>) target(%dma_start3A_135 : memref<200x64xf32, #tpu.memory_space<hbm>>) target_semaphore(%run_scoped3A : memref<!tpu.dma_semaphore, #tpu.memory_space<semaphore_mem>>)
      %dma_wait3A = arith.constant 0 : i32
      %dma_wait3A_136 = tpu.memref_slice %arg5[%add3A_66, %dma_wait3A] : memref<51200x64xf32, #tpu.memory_space<hbm>> -> memref<200x64xf32, #tpu.memory_space<hbm>>
      %dma_wait3A_137 = arith.constant 0 : i32
      %dma_wait3A_138 = tpu.memref_slice %arg5[%add3A_66, %dma_wait3A_137] : memref<51200x64xf32, #tpu.memory_space<hbm>> -> memref<200x64xf32, #tpu.memory_space<hbm>>
      tpu.wait_dma2 semaphore(%run_scoped3A : memref<!tpu.dma_semaphore, #tpu.memory_space<semaphore_mem>>) src(%arg9 : memref<200x64xf32, #tpu.memory_space<vmem>>) dst(%dma_wait3A_138 : memref<200x64xf32, #tpu.memory_space<hbm>>)
      tpu.yield
    }) : () -> ()
    %mul3A_67 = arith.constant 1600 : i32
    %mul3A_68 = arith.muli %arg1, %mul3A_67 : i32
    %add3A_69 = arith.constant 400 : i32
    %add3A_70 = arith.addi %mul3A_68, %add3A_69 : i32
    "tpu.region"() ({
      %run_scoped3A = tpu.sem_alloc : memref<!tpu.dma_semaphore, #tpu.memory_space<semaphore_mem>>
      %dma_start3A = arith.constant 0 : i32
      %dma_start3A_133 = tpu.memref_slice %arg11[%add3A_70, %dma_start3A] : memref<25600x64xf32, #tpu.memory_space<vmem_shared>> -> memref<200x64xf32, #tpu.memory_space<vmem_shared>>
      %dma_start3A_134 = arith.constant 0 : i32
      %dma_start3A_135 = tpu.memref_slice %arg11[%add3A_70, %dma_start3A_134] : memref<25600x64xf32, #tpu.memory_space<vmem_shared>> -> memref<200x64xf32, #tpu.memory_space<vmem_shared>>
      tpu.enqueue_dma source(%dma_start3A_135 : memref<200x64xf32, #tpu.memory_space<vmem_shared>>) target(%arg9 : memref<200x64xf32, #tpu.memory_space<vmem>>) target_semaphore(%run_scoped3A : memref<!tpu.dma_semaphore, #tpu.memory_space<semaphore_mem>>)
      %dma_wait3A = arith.constant 0 : i32
      %dma_wait3A_136 = tpu.memref_slice %arg11[%add3A_70, %dma_wait3A] : memref<25600x64xf32, #tpu.memory_space<vmem_shared>> -> memref<200x64xf32, #tpu.memory_space<vmem_shared>>
      %dma_wait3A_137 = arith.constant 0 : i32
      %dma_wait3A_138 = tpu.memref_slice %arg11[%add3A_70, %dma_wait3A_137] : memref<25600x64xf32, #tpu.memory_space<vmem_shared>> -> memref<200x64xf32, #tpu.memory_space<vmem_shared>>
      tpu.wait_dma2 semaphore(%run_scoped3A : memref<!tpu.dma_semaphore, #tpu.memory_space<semaphore_mem>>) src(%dma_wait3A_138 : memref<200x64xf32, #tpu.memory_space<vmem_shared>>) dst(%arg9 : memref<200x64xf32, #tpu.memory_space<vmem>>)
      tpu.yield
    }) : () -> ()
    %mul3A_71 = arith.constant 25600 : i32
    %mul3A_72 = arith.muli %sub3A_0, %mul3A_71 : i32
    %mul3A_73 = arith.constant 1600 : i32
    %mul3A_74 = arith.muli %arg1, %mul3A_73 : i32
    %add3A_75 = arith.addi %mul3A_72, %mul3A_74 : i32
    %add3A_76 = arith.constant 400 : i32
    %add3A_77 = arith.addi %add3A_75, %add3A_76 : i32
    "tpu.region"() ({
      %run_scoped3A = tpu.sem_alloc : memref<!tpu.dma_semaphore, #tpu.memory_space<semaphore_mem>>
      %dma_start3A = arith.constant 0 : i32
      %dma_start3A_133 = tpu.memref_slice %arg5[%add3A_77, %dma_start3A] : memref<51200x64xf32, #tpu.memory_space<hbm>> -> memref<200x64xf32, #tpu.memory_space<hbm>>
      %dma_start3A_134 = arith.constant 0 : i32
      %dma_start3A_135 = tpu.memref_slice %arg5[%add3A_77, %dma_start3A_134] : memref<51200x64xf32, #tpu.memory_space<hbm>> -> memref<200x64xf32, #tpu.memory_space<hbm>>
      tpu.enqueue_dma source(%arg9 : memref<200x64xf32, #tpu.memory_space<vmem>>) target(%dma_start3A_135 : memref<200x64xf32, #tpu.memory_space<hbm>>) target_semaphore(%run_scoped3A : memref<!tpu.dma_semaphore, #tpu.memory_space<semaphore_mem>>)
      %dma_wait3A = arith.constant 0 : i32
      %dma_wait3A_136 = tpu.memref_slice %arg5[%add3A_77, %dma_wait3A] : memref<51200x64xf32, #tpu.memory_space<hbm>> -> memref<200x64xf32, #tpu.memory_space<hbm>>
      %dma_wait3A_137 = arith.constant 0 : i32
      %dma_wait3A_138 = tpu.memref_slice %arg5[%add3A_77, %dma_wait3A_137] : memref<51200x64xf32, #tpu.memory_space<hbm>> -> memref<200x64xf32, #tpu.memory_space<hbm>>
      tpu.wait_dma2 semaphore(%run_scoped3A : memref<!tpu.dma_semaphore, #tpu.memory_space<semaphore_mem>>) src(%arg9 : memref<200x64xf32, #tpu.memory_space<vmem>>) dst(%dma_wait3A_138 : memref<200x64xf32, #tpu.memory_space<hbm>>)
      tpu.yield
    }) : () -> ()
    %mul3A_78 = arith.constant 1600 : i32
    %mul3A_79 = arith.muli %arg1, %mul3A_78 : i32
    %add3A_80 = arith.constant 600 : i32
    %add3A_81 = arith.addi %mul3A_79, %add3A_80 : i32
    "tpu.region"() ({
      %run_scoped3A = tpu.sem_alloc : memref<!tpu.dma_semaphore, #tpu.memory_space<semaphore_mem>>
      %dma_start3A = arith.constant 0 : i32
      %dma_start3A_133 = tpu.memref_slice %arg11[%add3A_81, %dma_start3A] : memref<25600x64xf32, #tpu.memory_space<vmem_shared>> -> memref<200x64xf32, #tpu.memory_space<vmem_shared>>
      %dma_start3A_134 = arith.constant 0 : i32
      %dma_start3A_135 = tpu.memref_slice %arg11[%add3A_81, %dma_start3A_134] : memref<25600x64xf32, #tpu.memory_space<vmem_shared>> -> memref<200x64xf32, #tpu.memory_space<vmem_shared>>
      tpu.enqueue_dma source(%dma_start3A_135 : memref<200x64xf32, #tpu.memory_space<vmem_shared>>) target(%arg9 : memref<200x64xf32, #tpu.memory_space<vmem>>) target_semaphore(%run_scoped3A : memref<!tpu.dma_semaphore, #tpu.memory_space<semaphore_mem>>)
      %dma_wait3A = arith.constant 0 : i32
      %dma_wait3A_136 = tpu.memref_slice %arg11[%add3A_81, %dma_wait3A] : memref<25600x64xf32, #tpu.memory_space<vmem_shared>> -> memref<200x64xf32, #tpu.memory_space<vmem_shared>>
      %dma_wait3A_137 = arith.constant 0 : i32
      %dma_wait3A_138 = tpu.memref_slice %arg11[%add3A_81, %dma_wait3A_137] : memref<25600x64xf32, #tpu.memory_space<vmem_shared>> -> memref<200x64xf32, #tpu.memory_space<vmem_shared>>
      tpu.wait_dma2 semaphore(%run_scoped3A : memref<!tpu.dma_semaphore, #tpu.memory_space<semaphore_mem>>) src(%dma_wait3A_138 : memref<200x64xf32, #tpu.memory_space<vmem_shared>>) dst(%arg9 : memref<200x64xf32, #tpu.memory_space<vmem>>)
      tpu.yield
    }) : () -> ()
    %mul3A_82 = arith.constant 25600 : i32
    %mul3A_83 = arith.muli %sub3A_0, %mul3A_82 : i32
    %mul3A_84 = arith.constant 1600 : i32
    %mul3A_85 = arith.muli %arg1, %mul3A_84 : i32
    %add3A_86 = arith.addi %mul3A_83, %mul3A_85 : i32
    %add3A_87 = arith.constant 600 : i32
    %add3A_88 = arith.addi %add3A_86, %add3A_87 : i32
    "tpu.region"() ({
      %run_scoped3A = tpu.sem_alloc : memref<!tpu.dma_semaphore, #tpu.memory_space<semaphore_mem>>
      %dma_start3A = arith.constant 0 : i32
      %dma_start3A_133 = tpu.memref_slice %arg5[%add3A_88, %dma_start3A] : memref<51200x64xf32, #tpu.memory_space<hbm>> -> memref<200x64xf32, #tpu.memory_space<hbm>>
      %dma_start3A_134 = arith.constant 0 : i32
      %dma_start3A_135 = tpu.memref_slice %arg5[%add3A_88, %dma_start3A_134] : memref<51200x64xf32, #tpu.memory_space<hbm>> -> memref<200x64xf32, #tpu.memory_space<hbm>>
      tpu.enqueue_dma source(%arg9 : memref<200x64xf32, #tpu.memory_space<vmem>>) target(%dma_start3A_135 : memref<200x64xf32, #tpu.memory_space<hbm>>) target_semaphore(%run_scoped3A : memref<!tpu.dma_semaphore, #tpu.memory_space<semaphore_mem>>)
      %dma_wait3A = arith.constant 0 : i32
      %dma_wait3A_136 = tpu.memref_slice %arg5[%add3A_88, %dma_wait3A] : memref<51200x64xf32, #tpu.memory_space<hbm>> -> memref<200x64xf32, #tpu.memory_space<hbm>>
      %dma_wait3A_137 = arith.constant 0 : i32
      %dma_wait3A_138 = tpu.memref_slice %arg5[%add3A_88, %dma_wait3A_137] : memref<51200x64xf32, #tpu.memory_space<hbm>> -> memref<200x64xf32, #tpu.memory_space<hbm>>
      tpu.wait_dma2 semaphore(%run_scoped3A : memref<!tpu.dma_semaphore, #tpu.memory_space<semaphore_mem>>) src(%arg9 : memref<200x64xf32, #tpu.memory_space<vmem>>) dst(%dma_wait3A_138 : memref<200x64xf32, #tpu.memory_space<hbm>>)
      tpu.yield
    }) : () -> ()
    %mul3A_89 = arith.constant 1600 : i32
    %mul3A_90 = arith.muli %arg1, %mul3A_89 : i32
    %add3A_91 = arith.constant 800 : i32
    %add3A_92 = arith.addi %mul3A_90, %add3A_91 : i32
    "tpu.region"() ({
      %run_scoped3A = tpu.sem_alloc : memref<!tpu.dma_semaphore, #tpu.memory_space<semaphore_mem>>
      %dma_start3A = arith.constant 0 : i32
      %dma_start3A_133 = tpu.memref_slice %arg11[%add3A_92, %dma_start3A] : memref<25600x64xf32, #tpu.memory_space<vmem_shared>> -> memref<200x64xf32, #tpu.memory_space<vmem_shared>>
      %dma_start3A_134 = arith.constant 0 : i32
      %dma_start3A_135 = tpu.memref_slice %arg11[%add3A_92, %dma_start3A_134] : memref<25600x64xf32, #tpu.memory_space<vmem_shared>> -> memref<200x64xf32, #tpu.memory_space<vmem_shared>>
      tpu.enqueue_dma source(%dma_start3A_135 : memref<200x64xf32, #tpu.memory_space<vmem_shared>>) target(%arg9 : memref<200x64xf32, #tpu.memory_space<vmem>>) target_semaphore(%run_scoped3A : memref<!tpu.dma_semaphore, #tpu.memory_space<semaphore_mem>>)
      %dma_wait3A = arith.constant 0 : i32
      %dma_wait3A_136 = tpu.memref_slice %arg11[%add3A_92, %dma_wait3A] : memref<25600x64xf32, #tpu.memory_space<vmem_shared>> -> memref<200x64xf32, #tpu.memory_space<vmem_shared>>
      %dma_wait3A_137 = arith.constant 0 : i32
      %dma_wait3A_138 = tpu.memref_slice %arg11[%add3A_92, %dma_wait3A_137] : memref<25600x64xf32, #tpu.memory_space<vmem_shared>> -> memref<200x64xf32, #tpu.memory_space<vmem_shared>>
      tpu.wait_dma2 semaphore(%run_scoped3A : memref<!tpu.dma_semaphore, #tpu.memory_space<semaphore_mem>>) src(%dma_wait3A_138 : memref<200x64xf32, #tpu.memory_space<vmem_shared>>) dst(%arg9 : memref<200x64xf32, #tpu.memory_space<vmem>>)
      tpu.yield
    }) : () -> ()
    %mul3A_93 = arith.constant 25600 : i32
    %mul3A_94 = arith.muli %sub3A_0, %mul3A_93 : i32
    %mul3A_95 = arith.constant 1600 : i32
    %mul3A_96 = arith.muli %arg1, %mul3A_95 : i32
    %add3A_97 = arith.addi %mul3A_94, %mul3A_96 : i32
    %add3A_98 = arith.constant 800 : i32
    %add3A_99 = arith.addi %add3A_97, %add3A_98 : i32
    "tpu.region"() ({
      %run_scoped3A = tpu.sem_alloc : memref<!tpu.dma_semaphore, #tpu.memory_space<semaphore_mem>>
      %dma_start3A = arith.constant 0 : i32
      %dma_start3A_133 = tpu.memref_slice %arg5[%add3A_99, %dma_start3A] : memref<51200x64xf32, #tpu.memory_space<hbm>> -> memref<200x64xf32, #tpu.memory_space<hbm>>
      %dma_start3A_134 = arith.constant 0 : i32
      %dma_start3A_135 = tpu.memref_slice %arg5[%add3A_99, %dma_start3A_134] : memref<51200x64xf32, #tpu.memory_space<hbm>> -> memref<200x64xf32, #tpu.memory_space<hbm>>
      tpu.enqueue_dma source(%arg9 : memref<200x64xf32, #tpu.memory_space<vmem>>) target(%dma_start3A_135 : memref<200x64xf32, #tpu.memory_space<hbm>>) target_semaphore(%run_scoped3A : memref<!tpu.dma_semaphore, #tpu.memory_space<semaphore_mem>>)
      %dma_wait3A = arith.constant 0 : i32
      %dma_wait3A_136 = tpu.memref_slice %arg5[%add3A_99, %dma_wait3A] : memref<51200x64xf32, #tpu.memory_space<hbm>> -> memref<200x64xf32, #tpu.memory_space<hbm>>
      %dma_wait3A_137 = arith.constant 0 : i32
      %dma_wait3A_138 = tpu.memref_slice %arg5[%add3A_99, %dma_wait3A_137] : memref<51200x64xf32, #tpu.memory_space<hbm>> -> memref<200x64xf32, #tpu.memory_space<hbm>>
      tpu.wait_dma2 semaphore(%run_scoped3A : memref<!tpu.dma_semaphore, #tpu.memory_space<semaphore_mem>>) src(%arg9 : memref<200x64xf32, #tpu.memory_space<vmem>>) dst(%dma_wait3A_138 : memref<200x64xf32, #tpu.memory_space<hbm>>)
      tpu.yield
    }) : () -> ()
    %mul3A_100 = arith.constant 1600 : i32
    %mul3A_101 = arith.muli %arg1, %mul3A_100 : i32
    %add3A_102 = arith.constant 1000 : i32
    %add3A_103 = arith.addi %mul3A_101, %add3A_102 : i32
    "tpu.region"() ({
      %run_scoped3A = tpu.sem_alloc : memref<!tpu.dma_semaphore, #tpu.memory_space<semaphore_mem>>
      %dma_start3A = arith.constant 0 : i32
      %dma_start3A_133 = tpu.memref_slice %arg11[%add3A_103, %dma_start3A] : memref<25600x64xf32, #tpu.memory_space<vmem_shared>> -> memref<200x64xf32, #tpu.memory_space<vmem_shared>>
      %dma_start3A_134 = arith.constant 0 : i32
      %dma_start3A_135 = tpu.memref_slice %arg11[%add3A_103, %dma_start3A_134] : memref<25600x64xf32, #tpu.memory_space<vmem_shared>> -> memref<200x64xf32, #tpu.memory_space<vmem_shared>>
      tpu.enqueue_dma source(%dma_start3A_135 : memref<200x64xf32, #tpu.memory_space<vmem_shared>>) target(%arg9 : memref<200x64xf32, #tpu.memory_space<vmem>>) target_semaphore(%run_scoped3A : memref<!tpu.dma_semaphore, #tpu.memory_space<semaphore_mem>>)
      %dma_wait3A = arith.constant 0 : i32
      %dma_wait3A_136 = tpu.memref_slice %arg11[%add3A_103, %dma_wait3A] : memref<25600x64xf32, #tpu.memory_space<vmem_shared>> -> memref<200x64xf32, #tpu.memory_space<vmem_shared>>
      %dma_wait3A_137 = arith.constant 0 : i32
      %dma_wait3A_138 = tpu.memref_slice %arg11[%add3A_103, %dma_wait3A_137] : memref<25600x64xf32, #tpu.memory_space<vmem_shared>> -> memref<200x64xf32, #tpu.memory_space<vmem_shared>>
      tpu.wait_dma2 semaphore(%run_scoped3A : memref<!tpu.dma_semaphore, #tpu.memory_space<semaphore_mem>>) src(%dma_wait3A_138 : memref<200x64xf32, #tpu.memory_space<vmem_shared>>) dst(%arg9 : memref<200x64xf32, #tpu.memory_space<vmem>>)
      tpu.yield
    }) : () -> ()
    %mul3A_104 = arith.constant 25600 : i32
    %mul3A_105 = arith.muli %sub3A_0, %mul3A_104 : i32
    %mul3A_106 = arith.constant 1600 : i32
    %mul3A_107 = arith.muli %arg1, %mul3A_106 : i32
    %add3A_108 = arith.addi %mul3A_105, %mul3A_107 : i32
    %add3A_109 = arith.constant 1000 : i32
    %add3A_110 = arith.addi %add3A_108, %add3A_109 : i32
    "tpu.region"() ({
      %run_scoped3A = tpu.sem_alloc : memref<!tpu.dma_semaphore, #tpu.memory_space<semaphore_mem>>
      %dma_start3A = arith.constant 0 : i32
      %dma_start3A_133 = tpu.memref_slice %arg5[%add3A_110, %dma_start3A] : memref<51200x64xf32, #tpu.memory_space<hbm>> -> memref<200x64xf32, #tpu.memory_space<hbm>>
      %dma_start3A_134 = arith.constant 0 : i32
      %dma_start3A_135 = tpu.memref_slice %arg5[%add3A_110, %dma_start3A_134] : memref<51200x64xf32, #tpu.memory_space<hbm>> -> memref<200x64xf32, #tpu.memory_space<hbm>>
      tpu.enqueue_dma source(%arg9 : memref<200x64xf32, #tpu.memory_space<vmem>>) target(%dma_start3A_135 : memref<200x64xf32, #tpu.memory_space<hbm>>) target_semaphore(%run_scoped3A : memref<!tpu.dma_semaphore, #tpu.memory_space<semaphore_mem>>)
      %dma_wait3A = arith.constant 0 : i32
      %dma_wait3A_136 = tpu.memref_slice %arg5[%add3A_110, %dma_wait3A] : memref<51200x64xf32, #tpu.memory_space<hbm>> -> memref<200x64xf32, #tpu.memory_space<hbm>>
      %dma_wait3A_137 = arith.constant 0 : i32
      %dma_wait3A_138 = tpu.memref_slice %arg5[%add3A_110, %dma_wait3A_137] : memref<51200x64xf32, #tpu.memory_space<hbm>> -> memref<200x64xf32, #tpu.memory_space<hbm>>
      tpu.wait_dma2 semaphore(%run_scoped3A : memref<!tpu.dma_semaphore, #tpu.memory_space<semaphore_mem>>) src(%arg9 : memref<200x64xf32, #tpu.memory_space<vmem>>) dst(%dma_wait3A_138 : memref<200x64xf32, #tpu.memory_space<hbm>>)
      tpu.yield
    }) : () -> ()
    %mul3A_111 = arith.constant 1600 : i32
    %mul3A_112 = arith.muli %arg1, %mul3A_111 : i32
    %add3A_113 = arith.constant 1200 : i32
    %add3A_114 = arith.addi %mul3A_112, %add3A_113 : i32
    "tpu.region"() ({
      %run_scoped3A = tpu.sem_alloc : memref<!tpu.dma_semaphore, #tpu.memory_space<semaphore_mem>>
      %dma_start3A = arith.constant 0 : i32
      %dma_start3A_133 = tpu.memref_slice %arg11[%add3A_114, %dma_start3A] : memref<25600x64xf32, #tpu.memory_space<vmem_shared>> -> memref<200x64xf32, #tpu.memory_space<vmem_shared>>
      %dma_start3A_134 = arith.constant 0 : i32
      %dma_start3A_135 = tpu.memref_slice %arg11[%add3A_114, %dma_start3A_134] : memref<25600x64xf32, #tpu.memory_space<vmem_shared>> -> memref<200x64xf32, #tpu.memory_space<vmem_shared>>
      tpu.enqueue_dma source(%dma_start3A_135 : memref<200x64xf32, #tpu.memory_space<vmem_shared>>) target(%arg9 : memref<200x64xf32, #tpu.memory_space<vmem>>) target_semaphore(%run_scoped3A : memref<!tpu.dma_semaphore, #tpu.memory_space<semaphore_mem>>)
      %dma_wait3A = arith.constant 0 : i32
      %dma_wait3A_136 = tpu.memref_slice %arg11[%add3A_114, %dma_wait3A] : memref<25600x64xf32, #tpu.memory_space<vmem_shared>> -> memref<200x64xf32, #tpu.memory_space<vmem_shared>>
      %dma_wait3A_137 = arith.constant 0 : i32
      %dma_wait3A_138 = tpu.memref_slice %arg11[%add3A_114, %dma_wait3A_137] : memref<25600x64xf32, #tpu.memory_space<vmem_shared>> -> memref<200x64xf32, #tpu.memory_space<vmem_shared>>
      tpu.wait_dma2 semaphore(%run_scoped3A : memref<!tpu.dma_semaphore, #tpu.memory_space<semaphore_mem>>) src(%dma_wait3A_138 : memref<200x64xf32, #tpu.memory_space<vmem_shared>>) dst(%arg9 : memref<200x64xf32, #tpu.memory_space<vmem>>)
      tpu.yield
    }) : () -> ()
    %mul3A_115 = arith.constant 25600 : i32
    %mul3A_116 = arith.muli %sub3A_0, %mul3A_115 : i32
    %mul3A_117 = arith.constant 1600 : i32
    %mul3A_118 = arith.muli %arg1, %mul3A_117 : i32
    %add3A_119 = arith.addi %mul3A_116, %mul3A_118 : i32
    %add3A_120 = arith.constant 1200 : i32
    %add3A_121 = arith.addi %add3A_119, %add3A_120 : i32
    "tpu.region"() ({
      %run_scoped3A = tpu.sem_alloc : memref<!tpu.dma_semaphore, #tpu.memory_space<semaphore_mem>>
      %dma_start3A = arith.constant 0 : i32
      %dma_start3A_133 = tpu.memref_slice %arg5[%add3A_121, %dma_start3A] : memref<51200x64xf32, #tpu.memory_space<hbm>> -> memref<200x64xf32, #tpu.memory_space<hbm>>
      %dma_start3A_134 = arith.constant 0 : i32
      %dma_start3A_135 = tpu.memref_slice %arg5[%add3A_121, %dma_start3A_134] : memref<51200x64xf32, #tpu.memory_space<hbm>> -> memref<200x64xf32, #tpu.memory_space<hbm>>
      tpu.enqueue_dma source(%arg9 : memref<200x64xf32, #tpu.memory_space<vmem>>) target(%dma_start3A_135 : memref<200x64xf32, #tpu.memory_space<hbm>>) target_semaphore(%run_scoped3A : memref<!tpu.dma_semaphore, #tpu.memory_space<semaphore_mem>>)
      %dma_wait3A = arith.constant 0 : i32
      %dma_wait3A_136 = tpu.memref_slice %arg5[%add3A_121, %dma_wait3A] : memref<51200x64xf32, #tpu.memory_space<hbm>> -> memref<200x64xf32, #tpu.memory_space<hbm>>
      %dma_wait3A_137 = arith.constant 0 : i32
      %dma_wait3A_138 = tpu.memref_slice %arg5[%add3A_121, %dma_wait3A_137] : memref<51200x64xf32, #tpu.memory_space<hbm>> -> memref<200x64xf32, #tpu.memory_space<hbm>>
      tpu.wait_dma2 semaphore(%run_scoped3A : memref<!tpu.dma_semaphore, #tpu.memory_space<semaphore_mem>>) src(%arg9 : memref<200x64xf32, #tpu.memory_space<vmem>>) dst(%dma_wait3A_138 : memref<200x64xf32, #tpu.memory_space<hbm>>)
      tpu.yield
    }) : () -> ()
    %mul3A_122 = arith.constant 1600 : i32
    %mul3A_123 = arith.muli %arg1, %mul3A_122 : i32
    %add3A_124 = arith.constant 1400 : i32
    %add3A_125 = arith.addi %mul3A_123, %add3A_124 : i32
    "tpu.region"() ({
      %run_scoped3A = tpu.sem_alloc : memref<!tpu.dma_semaphore, #tpu.memory_space<semaphore_mem>>
      %dma_start3A = arith.constant 0 : i32
      %dma_start3A_133 = tpu.memref_slice %arg11[%add3A_125, %dma_start3A] : memref<25600x64xf32, #tpu.memory_space<vmem_shared>> -> memref<200x64xf32, #tpu.memory_space<vmem_shared>>
      %dma_start3A_134 = arith.constant 0 : i32
      %dma_start3A_135 = tpu.memref_slice %arg11[%add3A_125, %dma_start3A_134] : memref<25600x64xf32, #tpu.memory_space<vmem_shared>> -> memref<200x64xf32, #tpu.memory_space<vmem_shared>>
      tpu.enqueue_dma source(%dma_start3A_135 : memref<200x64xf32, #tpu.memory_space<vmem_shared>>) target(%arg9 : memref<200x64xf32, #tpu.memory_space<vmem>>) target_semaphore(%run_scoped3A : memref<!tpu.dma_semaphore, #tpu.memory_space<semaphore_mem>>)
      %dma_wait3A = arith.constant 0 : i32
      %dma_wait3A_136 = tpu.memref_slice %arg11[%add3A_125, %dma_wait3A] : memref<25600x64xf32, #tpu.memory_space<vmem_shared>> -> memref<200x64xf32, #tpu.memory_space<vmem_shared>>
      %dma_wait3A_137 = arith.constant 0 : i32
      %dma_wait3A_138 = tpu.memref_slice %arg11[%add3A_125, %dma_wait3A_137] : memref<25600x64xf32, #tpu.memory_space<vmem_shared>> -> memref<200x64xf32, #tpu.memory_space<vmem_shared>>
      tpu.wait_dma2 semaphore(%run_scoped3A : memref<!tpu.dma_semaphore, #tpu.memory_space<semaphore_mem>>) src(%dma_wait3A_138 : memref<200x64xf32, #tpu.memory_space<vmem_shared>>) dst(%arg9 : memref<200x64xf32, #tpu.memory_space<vmem>>)
      tpu.yield
    }) : () -> ()
    %mul3A_126 = arith.constant 25600 : i32
    %mul3A_127 = arith.muli %sub3A_0, %mul3A_126 : i32
    %mul3A_128 = arith.constant 1600 : i32
    %mul3A_129 = arith.muli %arg1, %mul3A_128 : i32
    %add3A_130 = arith.addi %mul3A_127, %mul3A_129 : i32
    %add3A_131 = arith.constant 1400 : i32
    %add3A_132 = arith.addi %add3A_130, %add3A_131 : i32
    "tpu.region"() ({
      %run_scoped3A = tpu.sem_alloc : memref<!tpu.dma_semaphore, #tpu.memory_space<semaphore_mem>>
      %dma_start3A = arith.constant 0 : i32
      %dma_start3A_133 = tpu.memref_slice %arg5[%add3A_132, %dma_start3A] : memref<51200x64xf32, #tpu.memory_space<hbm>> -> memref<200x64xf32, #tpu.memory_space<hbm>>
      %dma_start3A_134 = arith.constant 0 : i32
      %dma_start3A_135 = tpu.memref_slice %arg5[%add3A_132, %dma_start3A_134] : memref<51200x64xf32, #tpu.memory_space<hbm>> -> memref<200x64xf32, #tpu.memory_space<hbm>>
      tpu.enqueue_dma source(%arg9 : memref<200x64xf32, #tpu.memory_space<vmem>>) target(%dma_start3A_135 : memref<200x64xf32, #tpu.memory_space<hbm>>) target_semaphore(%run_scoped3A : memref<!tpu.dma_semaphore, #tpu.memory_space<semaphore_mem>>)
      %dma_wait3A = arith.constant 0 : i32
      %dma_wait3A_136 = tpu.memref_slice %arg5[%add3A_132, %dma_wait3A] : memref<51200x64xf32, #tpu.memory_space<hbm>> -> memref<200x64xf32, #tpu.memory_space<hbm>>
      %dma_wait3A_137 = arith.constant 0 : i32
      %dma_wait3A_138 = tpu.memref_slice %arg5[%add3A_132, %dma_wait3A_137] : memref<51200x64xf32, #tpu.memory_space<hbm>> -> memref<200x64xf32, #tpu.memory_space<hbm>>
      tpu.wait_dma2 semaphore(%run_scoped3A : memref<!tpu.dma_semaphore, #tpu.memory_space<semaphore_mem>>) src(%arg9 : memref<200x64xf32, #tpu.memory_space<vmem>>) dst(%dma_wait3A_138 : memref<200x64xf32, #tpu.memory_space<hbm>>)
      tpu.yield
    }) : () -> ()
    return
  }
}

#map = affine_map<(d0, d1) -> (0)>
module attributes {stable_mosaic.version = 14 : i64} {
  func.func @_deg_kernel(%arg0: i32, %arg1: i32, %arg2: memref<1600000xi32, #tpu.memory_space<hbm>>, %arg3: memref<51200xf32, #tpu.memory_space<hbm>>, %arg4: memref<2000xi32, #tpu.memory_space<vmem>>, %arg5: memref<2000xf32, #tpu.memory_space<vmem>>, %arg6: memref<1600xf32, #tpu.memory_space<vmem>>, %arg7: memref<25600xf32, #tpu.memory_space<vmem_shared>>) attributes {dimension_semantics = [#tpu.dimension_semantics<core_parallel>, #tpu.dimension_semantics<subcore_parallel>], iteration_bounds = array<i64: 2, 16>, scalar_prefetch = 0 : i64, scratch_operands = 4 : i64, tpu.core_type = #tpu.core_type<sc_vector_subcore>, window_params = [{transform_indices = #map}, {transform_indices = #map}]} {
    %sub3A = arith.constant 1 : i32
    %sub3A_0 = arith.subi %sub3A, %arg0 : i32
    %scan3A = arith.constant 0 : i32
    %scan3A_1 = arith.constant 0 : i32
    %scan3A_2 = arith.constant 125 : i32
    %scan3A_3 = arith.addi %scan3A_1, %scan3A_2 : i32
    %scan3A_4 = arith.constant 1 : i32
    %scan3A_5 = scf.for %scan3A_29 = %scan3A_1 to %scan3A_3 step %scan3A_4 iter_args(%scan3A_30 = %scan3A) -> (i32)  : i32 {
      %mul3A_31 = arith.constant 16 : i32
      %mul3A_32 = arith.muli %scan3A_29, %mul3A_31 : i32
      %multiple_of3A = tpu.assume_multiple %mul3A_32, 16 : i32
      %broadcast_in_dim3A = arith.constant 1.000000e+00 : f32
      %broadcast_in_dim3A_33 = vector.broadcast %broadcast_in_dim3A : f32 to vector<16xf32>
      %swap3A = arith.index_cast %multiple_of3A : i32 to index
      %swap3A_34 = tpu.vector_load %arg5[%swap3A] {strides = array<i32>} : memref<2000xf32, #tpu.memory_space<vmem>>, vector<16xf32>,
      %swap3A_35 = vector.shape_cast %swap3A_34 : vector<16xf32> to vector<16xf32>
      %swap3A_36 = vector.shape_cast %broadcast_in_dim3A_33 : vector<16xf32> to vector<16xf32>
      tpu.vector_store %arg5[%swap3A], %swap3A_36 {strides = array<i32>} : memref<2000xf32, #tpu.memory_space<vmem>>, vector<16xf32>,
      %scan3A_37 = arith.constant 0 : i32
      scf.yield %scan3A_37 : i32
    }
    %scan3A_6 = arith.constant 125 : i32
    %scan3A_7 = arith.constant 0 : i32
    %scan3A_8 = arith.constant 0 : i32
    %scan3A_9 = arith.constant 100 : i32
    %scan3A_10 = arith.addi %scan3A_8, %scan3A_9 : i32
    %scan3A_11 = arith.constant 1 : i32
    %scan3A_12 = scf.for %scan3A_29 = %scan3A_8 to %scan3A_10 step %scan3A_11 iter_args(%scan3A_30 = %scan3A_7) -> (i32)  : i32 {
      %mul3A_31 = arith.constant 16 : i32
      %mul3A_32 = arith.muli %scan3A_29, %mul3A_31 : i32
      %multiple_of3A = tpu.assume_multiple %mul3A_32, 16 : i32
      %broadcast_in_dim3A = arith.constant 0.000000e+00 : f32
      %broadcast_in_dim3A_33 = vector.broadcast %broadcast_in_dim3A : f32 to vector<16xf32>
      %swap3A = arith.index_cast %multiple_of3A : i32 to index
      %swap3A_34 = tpu.vector_load %arg6[%swap3A] {strides = array<i32>} : memref<1600xf32, #tpu.memory_space<vmem>>, vector<16xf32>,
      %swap3A_35 = vector.shape_cast %swap3A_34 : vector<16xf32> to vector<16xf32>
      %swap3A_36 = vector.shape_cast %broadcast_in_dim3A_33 : vector<16xf32> to vector<16xf32>
      tpu.vector_store %arg6[%swap3A], %swap3A_36 {strides = array<i32>} : memref<1600xf32, #tpu.memory_space<vmem>>, vector<16xf32>,
      %scan3A_37 = arith.constant 0 : i32
      scf.yield %scan3A_37 : i32
    }
    %scan3A_13 = arith.constant 100 : i32
    %mul3A = arith.constant 1600 : i32
    %mul3A_14 = arith.muli %arg1, %mul3A : i32
    "tpu.region"() ({
      %run_scoped3A = tpu.sem_alloc : memref<!tpu.dma_semaphore, #tpu.memory_space<semaphore_mem>>
      %dma_start3A = tpu.memref_slice %arg7[%mul3A_14] : memref<25600xf32, #tpu.memory_space<vmem_shared>> -> memref<1600xf32, #tpu.memory_space<vmem_shared>>
      %dma_start3A_29 = tpu.memref_slice %arg7[%mul3A_14] : memref<25600xf32, #tpu.memory_space<vmem_shared>> -> memref<1600xf32, #tpu.memory_space<vmem_shared>>
      tpu.enqueue_dma source(%arg6 : memref<1600xf32, #tpu.memory_space<vmem>>) target(%dma_start3A_29 : memref<1600xf32, #tpu.memory_space<vmem_shared>>) target_semaphore(%run_scoped3A : memref<!tpu.dma_semaphore, #tpu.memory_space<semaphore_mem>>)
      %dma_wait3A = tpu.memref_slice %arg7[%mul3A_14] : memref<25600xf32, #tpu.memory_space<vmem_shared>> -> memref<1600xf32, #tpu.memory_space<vmem_shared>>
      %dma_wait3A_30 = tpu.memref_slice %arg7[%mul3A_14] : memref<25600xf32, #tpu.memory_space<vmem_shared>> -> memref<1600xf32, #tpu.memory_space<vmem_shared>>
      tpu.wait_dma2 semaphore(%run_scoped3A : memref<!tpu.dma_semaphore, #tpu.memory_space<semaphore_mem>>) src(%arg6 : memref<1600xf32, #tpu.memory_space<vmem>>) dst(%dma_wait3A_30 : memref<1600xf32, #tpu.memory_space<vmem_shared>>)
      tpu.yield
    }) : () -> ()
    %barrier3A = arith.constant 0 : index
    tpu.barrier barrier_id(%barrier3A)
    %scan3A_15 = arith.constant 0 : i32
    %scan3A_16 = arith.constant 0 : i32
    %scan3A_17 = arith.constant 25 : i32
    %scan3A_18 = arith.addi %scan3A_16, %scan3A_17 : i32
    %scan3A_19 = arith.constant 1 : i32
    %scan3A_20 = scf.for %scan3A_29 = %scan3A_16 to %scan3A_18 step %scan3A_19 iter_args(%scan3A_30 = %scan3A_15) -> (i32)  : i32 {
      %mul3A_31 = arith.constant 800000 : i32
      %mul3A_32 = arith.muli %sub3A_0, %mul3A_31 : i32
      %mul3A_33 = arith.constant 50000 : i32
      %mul3A_34 = arith.muli %arg1, %mul3A_33 : i32
      %add3A_35 = arith.addi %mul3A_32, %mul3A_34 : i32
      %mul3A_36 = arith.constant 2000 : i32
      %mul3A_37 = arith.muli %scan3A_29, %mul3A_36 : i32
      %add3A_38 = arith.addi %add3A_35, %mul3A_37 : i32
      %multiple_of3A = tpu.assume_multiple %add3A_38, 8 : i32
      "tpu.region"() ({
        %run_scoped3A = tpu.sem_alloc : memref<!tpu.dma_semaphore, #tpu.memory_space<semaphore_mem>>
        %dma_start3A = tpu.memref_slice %arg2[%multiple_of3A] : memref<1600000xi32, #tpu.memory_space<hbm>> -> memref<2000xi32, #tpu.memory_space<hbm>>
        %dma_start3A_40 = tpu.memref_slice %arg2[%multiple_of3A] : memref<1600000xi32, #tpu.memory_space<hbm>> -> memref<2000xi32, #tpu.memory_space<hbm>>
        tpu.enqueue_dma source(%dma_start3A_40 : memref<2000xi32, #tpu.memory_space<hbm>>) target(%arg4 : memref<2000xi32, #tpu.memory_space<vmem>>) target_semaphore(%run_scoped3A : memref<!tpu.dma_semaphore, #tpu.memory_space<semaphore_mem>>)
        %dma_wait3A = tpu.memref_slice %arg2[%multiple_of3A] : memref<1600000xi32, #tpu.memory_space<hbm>> -> memref<2000xi32, #tpu.memory_space<hbm>>
        %dma_wait3A_41 = tpu.memref_slice %arg2[%multiple_of3A] : memref<1600000xi32, #tpu.memory_space<hbm>> -> memref<2000xi32, #tpu.memory_space<hbm>>
        tpu.wait_dma2 semaphore(%run_scoped3A : memref<!tpu.dma_semaphore, #tpu.memory_space<semaphore_mem>>) src(%dma_wait3A_41 : memref<2000xi32, #tpu.memory_space<hbm>>) dst(%arg4 : memref<2000xi32, #tpu.memory_space<vmem>>)
        tpu.yield
      }) : () -> ()
      "tpu.region"() ({
        %run_scoped3A = tpu.sem_alloc : memref<!tpu.dma_semaphore, #tpu.memory_space<semaphore_mem>>
        %dma_start3A = arith.constant 0 : i32
        %dma_start3A_40 = tpu.memref_slice %arg7[%dma_start3A] : memref<25600xf32, #tpu.memory_space<vmem_shared>> -> memref<25600xf32, #tpu.memory_space<vmem_shared>>
        tpu.enqueue_indirect_dma source(%arg5 : memref<2000xf32, #tpu.memory_space<vmem>>) target(%dma_start3A_40 : memref<25600xf32, #tpu.memory_space<vmem_shared>>) offsets(%arg4 : memref<2000xi32, #tpu.memory_space<vmem>>) semaphore(%run_scoped3A : memref<!tpu.dma_semaphore, #tpu.memory_space<semaphore_mem>>) {add = true}
        %dma_wait3A = arith.constant 0 : i32
        %dma_wait3A_41 = tpu.memref_slice %arg7[%dma_wait3A] : memref<25600xf32, #tpu.memory_space<vmem_shared>> -> memref<25600xf32, #tpu.memory_space<vmem_shared>>
        tpu.wait_indirect_dma semaphore(%run_scoped3A : memref<!tpu.dma_semaphore, #tpu.memory_space<semaphore_mem>>) src(%arg5 : memref<2000xf32, #tpu.memory_space<vmem>>) dst(%dma_wait3A_41 : memref<25600xf32, #tpu.memory_space<vmem_shared>>)
        tpu.yield
      }) : () -> ()
      %scan3A_39 = arith.constant 0 : i32
      scf.yield %scan3A_39 : i32
    }
    %scan3A_21 = arith.constant 25 : i32
    %barrier3A_22 = arith.constant 0 : index
    tpu.barrier barrier_id(%barrier3A_22)
    %mul3A_23 = arith.constant 1600 : i32
    %mul3A_24 = arith.muli %arg1, %mul3A_23 : i32
    "tpu.region"() ({
      %run_scoped3A = tpu.sem_alloc : memref<!tpu.dma_semaphore, #tpu.memory_space<semaphore_mem>>
      %dma_start3A = tpu.memref_slice %arg7[%mul3A_24] : memref<25600xf32, #tpu.memory_space<vmem_shared>> -> memref<1600xf32, #tpu.memory_space<vmem_shared>>
      %dma_start3A_29 = tpu.memref_slice %arg7[%mul3A_24] : memref<25600xf32, #tpu.memory_space<vmem_shared>> -> memref<1600xf32, #tpu.memory_space<vmem_shared>>
      tpu.enqueue_dma source(%dma_start3A_29 : memref<1600xf32, #tpu.memory_space<vmem_shared>>) target(%arg6 : memref<1600xf32, #tpu.memory_space<vmem>>) target_semaphore(%run_scoped3A : memref<!tpu.dma_semaphore, #tpu.memory_space<semaphore_mem>>)
      %dma_wait3A = tpu.memref_slice %arg7[%mul3A_24] : memref<25600xf32, #tpu.memory_space<vmem_shared>> -> memref<1600xf32, #tpu.memory_space<vmem_shared>>
      %dma_wait3A_30 = tpu.memref_slice %arg7[%mul3A_24] : memref<25600xf32, #tpu.memory_space<vmem_shared>> -> memref<1600xf32, #tpu.memory_space<vmem_shared>>
      tpu.wait_dma2 semaphore(%run_scoped3A : memref<!tpu.dma_semaphore, #tpu.memory_space<semaphore_mem>>) src(%dma_wait3A_30 : memref<1600xf32, #tpu.memory_space<vmem_shared>>) dst(%arg6 : memref<1600xf32, #tpu.memory_space<vmem>>)
      tpu.yield
    }) : () -> ()
    %mul3A_25 = arith.constant 25600 : i32
    %mul3A_26 = arith.muli %sub3A_0, %mul3A_25 : i32
    %mul3A_27 = arith.constant 1600 : i32
    %mul3A_28 = arith.muli %arg1, %mul3A_27 : i32
    %add3A = arith.addi %mul3A_26, %mul3A_28 : i32
    "tpu.region"() ({
      %run_scoped3A = tpu.sem_alloc : memref<!tpu.dma_semaphore, #tpu.memory_space<semaphore_mem>>
      %dma_start3A = tpu.memref_slice %arg3[%add3A] : memref<51200xf32, #tpu.memory_space<hbm>> -> memref<1600xf32, #tpu.memory_space<hbm>>
      %dma_start3A_29 = tpu.memref_slice %arg3[%add3A] : memref<51200xf32, #tpu.memory_space<hbm>> -> memref<1600xf32, #tpu.memory_space<hbm>>
      tpu.enqueue_dma source(%arg6 : memref<1600xf32, #tpu.memory_space<vmem>>) target(%dma_start3A_29 : memref<1600xf32, #tpu.memory_space<hbm>>) target_semaphore(%run_scoped3A : memref<!tpu.dma_semaphore, #tpu.memory_space<semaphore_mem>>)
      %dma_wait3A = tpu.memref_slice %arg3[%add3A] : memref<51200xf32, #tpu.memory_space<hbm>> -> memref<1600xf32, #tpu.memory_space<hbm>>
      %dma_wait3A_30 = tpu.memref_slice %arg3[%add3A] : memref<51200xf32, #tpu.memory_space<hbm>> -> memref<1600xf32, #tpu.memory_space<hbm>>
      tpu.wait_dma2 semaphore(%run_scoped3A : memref<!tpu.dma_semaphore, #tpu.memory_space<semaphore_mem>>) src(%arg6 : memref<1600xf32, #tpu.memory_space<vmem>>) dst(%dma_wait3A_30 : memref<1600xf32, #tpu.memory_space<hbm>>)
      tpu.yield
    }) : () -> ()
    return
  }
}

#map = affine_map<(d0, d1) -> (0, 0)>
#map1 = affine_map<(d0, d1) -> (0)>
module attributes {stable_mosaic.version = 14 : i64} {
  func.func @_predgather_kernel(%arg0: i32, %arg1: i32, %arg2: memref<51200x64xf32, #tpu.memory_space<hbm>>, %arg3: memref<1600000xi32, #tpu.memory_space<hbm>>, %arg4: memref<1600000xi32, #tpu.memory_space<hbm>>, %arg5: memref<800000x64xf32, #tpu.memory_space<hbm>>, %arg6: memref<1000xi32, #tpu.memory_space<vmem>>, %arg7: memref<1000xi32, #tpu.memory_space<vmem>>, %arg8: memref<200x64xf32, #tpu.memory_space<vmem>>, %arg9: memref<200x64xf32, #tpu.memory_space<vmem>>, %arg10: memref<200x64xf32, #tpu.memory_space<vmem>>, %arg11: memref<200x64xf32, #tpu.memory_space<vmem>>, %arg12: memref<!tpu.dma_semaphore, #tpu.memory_space<semaphore_mem>>, %arg13: memref<!tpu.dma_semaphore, #tpu.memory_space<semaphore_mem>>) attributes {dimension_semantics = [#tpu.dimension_semantics<core_parallel>, #tpu.dimension_semantics<subcore_parallel>], iteration_bounds = array<i64: 2, 16>, scalar_prefetch = 0 : i64, scratch_operands = 8 : i64, tpu.core_type = #tpu.core_type<sc_vector_subcore>, window_params = [{transform_indices = #map}, {transform_indices = #map1}, {transform_indices = #map1}, {transform_indices = #map}]} {
    %scan3A = arith.constant 0 : i32
    %scan3A_0 = arith.constant 0 : i32
    %scan3A_1 = arith.constant 25 : i32
    %scan3A_2 = arith.addi %scan3A_0, %scan3A_1 : i32
    %scan3A_3 = arith.constant 1 : i32
    %scan3A_4 = scf.for %scan3A_6 = %scan3A_0 to %scan3A_2 step %scan3A_3 iter_args(%scan3A_7 = %scan3A) -> (i32)  : i32 {
      %mul3A = arith.constant 400000 : i32
      %mul3A_8 = arith.muli %arg0, %mul3A : i32
      %mul3A_9 = arith.constant 25000 : i32
      %mul3A_10 = arith.muli %arg1, %mul3A_9 : i32
      %add3A = arith.addi %mul3A_8, %mul3A_10 : i32
      %mul3A_11 = arith.constant 1000 : i32
      %mul3A_12 = arith.muli %scan3A_6, %mul3A_11 : i32
      %add3A_13 = arith.addi %add3A, %mul3A_12 : i32
      %multiple_of3A = tpu.assume_multiple %add3A_13, 8 : i32
      "tpu.region"() ({
        %run_scoped3A = tpu.sem_alloc : memref<!tpu.dma_semaphore, #tpu.memory_space<semaphore_mem>>
        %dma_start3A_160 = tpu.memref_slice %arg3[%multiple_of3A] : memref<1600000xi32, #tpu.memory_space<hbm>> -> memref<1000xi32, #tpu.memory_space<hbm>>
        %dma_start3A_161 = tpu.memref_slice %arg3[%multiple_of3A] : memref<1600000xi32, #tpu.memory_space<hbm>> -> memref<1000xi32, #tpu.memory_space<hbm>>
        tpu.enqueue_dma source(%dma_start3A_161 : memref<1000xi32, #tpu.memory_space<hbm>>) target(%arg6 : memref<1000xi32, #tpu.memory_space<vmem>>) target_semaphore(%run_scoped3A : memref<!tpu.dma_semaphore, #tpu.memory_space<semaphore_mem>>)
        %dma_wait3A_162 = tpu.memref_slice %arg3[%multiple_of3A] : memref<1600000xi32, #tpu.memory_space<hbm>> -> memref<1000xi32, #tpu.memory_space<hbm>>
        %dma_wait3A_163 = tpu.memref_slice %arg3[%multiple_of3A] : memref<1600000xi32, #tpu.memory_space<hbm>> -> memref<1000xi32, #tpu.memory_space<hbm>>
        tpu.wait_dma2 semaphore(%run_scoped3A : memref<!tpu.dma_semaphore, #tpu.memory_space<semaphore_mem>>) src(%dma_wait3A_163 : memref<1000xi32, #tpu.memory_space<hbm>>) dst(%arg6 : memref<1000xi32, #tpu.memory_space<vmem>>)
        tpu.yield
      }) : () -> ()
      %add3A_14 = arith.constant 800000 : i32
      %add3A_15 = arith.addi %add3A_14, %multiple_of3A : i32
      "tpu.region"() ({
        %run_scoped3A = tpu.sem_alloc : memref<!tpu.dma_semaphore, #tpu.memory_space<semaphore_mem>>
        %dma_start3A_160 = tpu.memref_slice %arg4[%add3A_15] : memref<1600000xi32, #tpu.memory_space<hbm>> -> memref<1000xi32, #tpu.memory_space<hbm>>
        %dma_start3A_161 = tpu.memref_slice %arg4[%add3A_15] : memref<1600000xi32, #tpu.memory_space<hbm>> -> memref<1000xi32, #tpu.memory_space<hbm>>
        tpu.enqueue_dma source(%dma_start3A_161 : memref<1000xi32, #tpu.memory_space<hbm>>) target(%arg7 : memref<1000xi32, #tpu.memory_space<vmem>>) target_semaphore(%run_scoped3A : memref<!tpu.dma_semaphore, #tpu.memory_space<semaphore_mem>>)
        %dma_wait3A_162 = tpu.memref_slice %arg4[%add3A_15] : memref<1600000xi32, #tpu.memory_space<hbm>> -> memref<1000xi32, #tpu.memory_space<hbm>>
        %dma_wait3A_163 = tpu.memref_slice %arg4[%add3A_15] : memref<1600000xi32, #tpu.memory_space<hbm>> -> memref<1000xi32, #tpu.memory_space<hbm>>
        tpu.wait_dma2 semaphore(%run_scoped3A : memref<!tpu.dma_semaphore, #tpu.memory_space<semaphore_mem>>) src(%dma_wait3A_163 : memref<1000xi32, #tpu.memory_space<hbm>>) dst(%arg7 : memref<1000xi32, #tpu.memory_space<vmem>>)
        tpu.yield
      }) : () -> ()
      %dma_start3A = arith.constant 0 : i32
      %dma_start3A_16 = tpu.memref_slice %arg6[%dma_start3A] : memref<1000xi32, #tpu.memory_space<vmem>> -> memref<200xi32, #tpu.memory_space<vmem>>
      %dma_start3A_17 = arith.constant 0 : i32
      %dma_start3A_18 = arith.constant 0 : i32
      %dma_start3A_19 = tpu.memref_slice %arg2[%dma_start3A_17, %dma_start3A_18] : memref<51200x64xf32, #tpu.memory_space<hbm>> -> memref<51200x64xf32, #tpu.memory_space<hbm>>
      tpu.enqueue_indirect_dma source(%dma_start3A_19 : memref<51200x64xf32, #tpu.memory_space<hbm>>) target(%arg8 : memref<200x64xf32, #tpu.memory_space<vmem>>) offsets(%dma_start3A_16 : memref<200xi32, #tpu.memory_space<vmem>>) semaphore(%arg12 : memref<!tpu.dma_semaphore, #tpu.memory_space<semaphore_mem>>)
      %dma_start3A_20 = arith.constant 0 : i32
      %dma_start3A_21 = tpu.memref_slice %arg7[%dma_start3A_20] : memref<1000xi32, #tpu.memory_space<vmem>> -> memref<200xi32, #tpu.memory_space<vmem>>
      %dma_start3A_22 = arith.constant 0 : i32
      %dma_start3A_23 = arith.constant 0 : i32
      %dma_start3A_24 = tpu.memref_slice %arg2[%dma_start3A_22, %dma_start3A_23] : memref<51200x64xf32, #tpu.memory_space<hbm>> -> memref<51200x64xf32, #tpu.memory_space<hbm>>
      tpu.enqueue_indirect_dma source(%dma_start3A_24 : memref<51200x64xf32, #tpu.memory_space<hbm>>) target(%arg9 : memref<200x64xf32, #tpu.memory_space<vmem>>) offsets(%dma_start3A_21 : memref<200xi32, #tpu.memory_space<vmem>>) semaphore(%arg12 : memref<!tpu.dma_semaphore, #tpu.memory_space<semaphore_mem>>)
      %dma_start3A_25 = arith.constant 200 : i32
      %dma_start3A_26 = tpu.memref_slice %arg6[%dma_start3A_25] : memref<1000xi32, #tpu.memory_space<vmem>> -> memref<200xi32, #tpu.memory_space<vmem>>
      %dma_start3A_27 = arith.constant 0 : i32
      %dma_start3A_28 = arith.constant 0 : i32
      %dma_start3A_29 = tpu.memref_slice %arg2[%dma_start3A_27, %dma_start3A_28] : memref<51200x64xf32, #tpu.memory_space<hbm>> -> memref<51200x64xf32, #tpu.memory_space<hbm>>
      tpu.enqueue_indirect_dma source(%dma_start3A_29 : memref<51200x64xf32, #tpu.memory_space<hbm>>) target(%arg10 : memref<200x64xf32, #tpu.memory_space<vmem>>) offsets(%dma_start3A_26 : memref<200xi32, #tpu.memory_space<vmem>>) semaphore(%arg13 : memref<!tpu.dma_semaphore, #tpu.memory_space<semaphore_mem>>)
      %dma_start3A_30 = arith.constant 200 : i32
      %dma_start3A_31 = tpu.memref_slice %arg7[%dma_start3A_30] : memref<1000xi32, #tpu.memory_space<vmem>> -> memref<200xi32, #tpu.memory_space<vmem>>
      %dma_start3A_32 = arith.constant 0 : i32
      %dma_start3A_33 = arith.constant 0 : i32
      %dma_start3A_34 = tpu.memref_slice %arg2[%dma_start3A_32, %dma_start3A_33] : memref<51200x64xf32, #tpu.memory_space<hbm>> -> memref<51200x64xf32, #tpu.memory_space<hbm>>
      tpu.enqueue_indirect_dma source(%dma_start3A_34 : memref<51200x64xf32, #tpu.memory_space<hbm>>) target(%arg11 : memref<200x64xf32, #tpu.memory_space<vmem>>) offsets(%dma_start3A_31 : memref<200xi32, #tpu.memory_space<vmem>>) semaphore(%arg13 : memref<!tpu.dma_semaphore, #tpu.memory_space<semaphore_mem>>)
      %dma_wait3A = arith.constant 0 : i32
      %dma_wait3A_35 = tpu.memref_slice %arg6[%dma_wait3A] : memref<1000xi32, #tpu.memory_space<vmem>> -> memref<200xi32, #tpu.memory_space<vmem>>
      %dma_wait3A_36 = arith.constant 0 : i32
      %dma_wait3A_37 = arith.constant 0 : i32
      %dma_wait3A_38 = tpu.memref_slice %arg2[%dma_wait3A_36, %dma_wait3A_37] : memref<51200x64xf32, #tpu.memory_space<hbm>> -> memref<51200x64xf32, #tpu.memory_space<hbm>>
      tpu.wait_indirect_dma semaphore(%arg12 : memref<!tpu.dma_semaphore, #tpu.memory_space<semaphore_mem>>) src(%dma_wait3A_38 : memref<51200x64xf32, #tpu.memory_space<hbm>>) dst(%arg8 : memref<200x64xf32, #tpu.memory_space<vmem>>)
      %dma_wait3A_39 = arith.constant 0 : i32
      %dma_wait3A_40 = tpu.memref_slice %arg7[%dma_wait3A_39] : memref<1000xi32, #tpu.memory_space<vmem>> -> memref<200xi32, #tpu.memory_space<vmem>>
      %dma_wait3A_41 = arith.constant 0 : i32
      %dma_wait3A_42 = arith.constant 0 : i32
      %dma_wait3A_43 = tpu.memref_slice %arg2[%dma_wait3A_41, %dma_wait3A_42] : memref<51200x64xf32, #tpu.memory_space<hbm>> -> memref<51200x64xf32, #tpu.memory_space<hbm>>
      tpu.wait_indirect_dma semaphore(%arg12 : memref<!tpu.dma_semaphore, #tpu.memory_space<semaphore_mem>>) src(%dma_wait3A_43 : memref<51200x64xf32, #tpu.memory_space<hbm>>) dst(%arg9 : memref<200x64xf32, #tpu.memory_space<vmem>>)
      %scan3A_44 = arith.constant 0 : i32
      %scan3A_45 = arith.constant 0 : i32
      %scan3A_46 = arith.constant 200 : i32
      %scan3A_47 = arith.addi %scan3A_45, %scan3A_46 : i32
      %scan3A_48 = arith.constant 1 : i32
      %scan3A_49 = scf.for %scan3A_160 = %scan3A_45 to %scan3A_47 step %scan3A_48 iter_args(%scan3A_161 = %scan3A_44) -> (i32)  : i32 {
        %get3A = arith.index_cast %scan3A_160 : i32 to index
        %get3A_162 = arith.constant 0 : index
        %get3A_163 = tpu.vector_load %arg8[%get3A, %get3A_162] {strides = array<i32>} : memref<200x64xf32, #tpu.memory_space<vmem>>, vector<1x16xf32>,
        %get3A_164 = vector.shape_cast %get3A_163 : vector<1x16xf32> to vector<16xf32>
        %get3A_165 = arith.index_cast %scan3A_160 : i32 to index
        %get3A_166 = arith.constant 0 : index
        %get3A_167 = tpu.vector_load %arg9[%get3A_165, %get3A_166] {strides = array<i32>} : memref<200x64xf32, #tpu.memory_space<vmem>>, vector<1x16xf32>,
        %get3A_168 = vector.shape_cast %get3A_167 : vector<1x16xf32> to vector<16xf32>
        %add3A_169 = arith.addf %get3A_164, %get3A_168 : vector<16xf32>
        %max3A = arith.constant 0.000000e+00 : f32
        %max3A_170 = vector.broadcast %max3A : f32 to vector<16xf32>
        %max3A_171 = arith.maximumf %add3A_169, %max3A_170 : vector<16xf32>
        %swap3A = arith.index_cast %scan3A_160 : i32 to index
        %swap3A_172 = arith.constant 0 : index
        %swap3A_173 = tpu.vector_load %arg8[%swap3A, %swap3A_172] {strides = array<i32>} : memref<200x64xf32, #tpu.memory_space<vmem>>, vector<1x16xf32>,
        %swap3A_174 = vector.shape_cast %swap3A_173 : vector<1x16xf32> to vector<16xf32>
        %swap3A_175 = vector.shape_cast %max3A_171 : vector<16xf32> to vector<1x16xf32>
        tpu.vector_store %arg8[%swap3A, %swap3A_172], %swap3A_175 {strides = array<i32>} : memref<200x64xf32, #tpu.memory_space<vmem>>, vector<1x16xf32>,
        %get3A_176 = arith.index_cast %scan3A_160 : i32 to index
        %get3A_177 = arith.constant 16 : index
        %get3A_178 = tpu.vector_load %arg8[%get3A_176, %get3A_177] {strides = array<i32>} : memref<200x64xf32, #tpu.memory_space<vmem>>, vector<1x16xf32>,
        %get3A_179 = vector.shape_cast %get3A_178 : vector<1x16xf32> to vector<16xf32>
        %get3A_180 = arith.index_cast %scan3A_160 : i32 to index
        %get3A_181 = arith.constant 16 : index
        %get3A_182 = tpu.vector_load %arg9[%get3A_180, %get3A_181] {strides = array<i32>} : memref<200x64xf32, #tpu.memory_space<vmem>>, vector<1x16xf32>,
        %get3A_183 = vector.shape_cast %get3A_182 : vector<1x16xf32> to vector<16xf32>
        %add3A_184 = arith.addf %get3A_179, %get3A_183 : vector<16xf32>
        %max3A_185 = arith.constant 0.000000e+00 : f32
        %max3A_186 = vector.broadcast %max3A_185 : f32 to vector<16xf32>
        %max3A_187 = arith.maximumf %add3A_184, %max3A_186 : vector<16xf32>
        %swap3A_188 = arith.index_cast %scan3A_160 : i32 to index
        %swap3A_189 = arith.constant 16 : index
        %swap3A_190 = tpu.vector_load %arg8[%swap3A_188, %swap3A_189] {strides = array<i32>} : memref<200x64xf32, #tpu.memory_space<vmem>>, vector<1x16xf32>,
        %swap3A_191 = vector.shape_cast %swap3A_190 : vector<1x16xf32> to vector<16xf32>
        %swap3A_192 = vector.shape_cast %max3A_187 : vector<16xf32> to vector<1x16xf32>
        tpu.vector_store %arg8[%swap3A_188, %swap3A_189], %swap3A_192 {strides = array<i32>} : memref<200x64xf32, #tpu.memory_space<vmem>>, vector<1x16xf32>,
        %get3A_193 = arith.index_cast %scan3A_160 : i32 to index
        %get3A_194 = arith.constant 32 : index
        %get3A_195 = tpu.vector_load %arg8[%get3A_193, %get3A_194] {strides = array<i32>} : memref<200x64xf32, #tpu.memory_space<vmem>>, vector<1x16xf32>,
        %get3A_196 = vector.shape_cast %get3A_195 : vector<1x16xf32> to vector<16xf32>
        %get3A_197 = arith.index_cast %scan3A_160 : i32 to index
        %get3A_198 = arith.constant 32 : index
        %get3A_199 = tpu.vector_load %arg9[%get3A_197, %get3A_198] {strides = array<i32>} : memref<200x64xf32, #tpu.memory_space<vmem>>, vector<1x16xf32>,
        %get3A_200 = vector.shape_cast %get3A_199 : vector<1x16xf32> to vector<16xf32>
        %add3A_201 = arith.addf %get3A_196, %get3A_200 : vector<16xf32>
        %max3A_202 = arith.constant 0.000000e+00 : f32
        %max3A_203 = vector.broadcast %max3A_202 : f32 to vector<16xf32>
        %max3A_204 = arith.maximumf %add3A_201, %max3A_203 : vector<16xf32>
        %swap3A_205 = arith.index_cast %scan3A_160 : i32 to index
        %swap3A_206 = arith.constant 32 : index
        %swap3A_207 = tpu.vector_load %arg8[%swap3A_205, %swap3A_206] {strides = array<i32>} : memref<200x64xf32, #tpu.memory_space<vmem>>, vector<1x16xf32>,
        %swap3A_208 = vector.shape_cast %swap3A_207 : vector<1x16xf32> to vector<16xf32>
        %swap3A_209 = vector.shape_cast %max3A_204 : vector<16xf32> to vector<1x16xf32>
        tpu.vector_store %arg8[%swap3A_205, %swap3A_206], %swap3A_209 {strides = array<i32>} : memref<200x64xf32, #tpu.memory_space<vmem>>, vector<1x16xf32>,
        %get3A_210 = arith.index_cast %scan3A_160 : i32 to index
        %get3A_211 = arith.constant 48 : index
        %get3A_212 = tpu.vector_load %arg8[%get3A_210, %get3A_211] {strides = array<i32>} : memref<200x64xf32, #tpu.memory_space<vmem>>, vector<1x16xf32>,
        %get3A_213 = vector.shape_cast %get3A_212 : vector<1x16xf32> to vector<16xf32>
        %get3A_214 = arith.index_cast %scan3A_160 : i32 to index
        %get3A_215 = arith.constant 48 : index
        %get3A_216 = tpu.vector_load %arg9[%get3A_214, %get3A_215] {strides = array<i32>} : memref<200x64xf32, #tpu.memory_space<vmem>>, vector<1x16xf32>,
        %get3A_217 = vector.shape_cast %get3A_216 : vector<1x16xf32> to vector<16xf32>
        %add3A_218 = arith.addf %get3A_213, %get3A_217 : vector<16xf32>
        %max3A_219 = arith.constant 0.000000e+00 : f32
        %max3A_220 = vector.broadcast %max3A_219 : f32 to vector<16xf32>
        %max3A_221 = arith.maximumf %add3A_218, %max3A_220 : vector<16xf32>
        %swap3A_222 = arith.index_cast %scan3A_160 : i32 to index
        %swap3A_223 = arith.constant 48 : index
        %swap3A_224 = tpu.vector_load %arg8[%swap3A_222, %swap3A_223] {strides = array<i32>} : memref<200x64xf32, #tpu.memory_space<vmem>>, vector<1x16xf32>,
        %swap3A_225 = vector.shape_cast %swap3A_224 : vector<1x16xf32> to vector<16xf32>
        %swap3A_226 = vector.shape_cast %max3A_221 : vector<16xf32> to vector<1x16xf32>
        tpu.vector_store %arg8[%swap3A_222, %swap3A_223], %swap3A_226 {strides = array<i32>} : memref<200x64xf32, #tpu.memory_space<vmem>>, vector<1x16xf32>,
        %scan3A_227 = arith.constant 0 : i32
        scf.yield %scan3A_227 : i32
      }
      %scan3A_50 = arith.constant 200 : i32
      %add3A_51 = arith.constant 0 : i32
      %add3A_52 = arith.addi %multiple_of3A, %add3A_51 : i32
      "tpu.region"() ({
        %run_scoped3A = tpu.sem_alloc : memref<!tpu.dma_semaphore, #tpu.memory_space<semaphore_mem>>
        %dma_start3A_160 = arith.constant 0 : i32
        %dma_start3A_161 = tpu.memref_slice %arg5[%add3A_52, %dma_start3A_160] : memref<800000x64xf32, #tpu.memory_space<hbm>> -> memref<200x64xf32, #tpu.memory_space<hbm>>
        %dma_start3A_162 = arith.constant 0 : i32
        %dma_start3A_163 = tpu.memref_slice %arg5[%add3A_52, %dma_start3A_162] : memref<800000x64xf32, #tpu.memory_space<hbm>> -> memref<200x64xf32, #tpu.memory_space<hbm>>
        tpu.enqueue_dma source(%arg8 : memref<200x64xf32, #tpu.memory_space<vmem>>) target(%dma_start3A_163 : memref<200x64xf32, #tpu.memory_space<hbm>>) target_semaphore(%run_scoped3A : memref<!tpu.dma_semaphore, #tpu.memory_space<semaphore_mem>>)
        %dma_wait3A_164 = arith.constant 0 : i32
        %dma_wait3A_165 = tpu.memref_slice %arg5[%add3A_52, %dma_wait3A_164] : memref<800000x64xf32, #tpu.memory_space<hbm>> -> memref<200x64xf32, #tpu.memory_space<hbm>>
        %dma_wait3A_166 = arith.constant 0 : i32
        %dma_wait3A_167 = tpu.memref_slice %arg5[%add3A_52, %dma_wait3A_166] : memref<800000x64xf32, #tpu.memory_space<hbm>> -> memref<200x64xf32, #tpu.memory_space<hbm>>
        tpu.wait_dma2 semaphore(%run_scoped3A : memref<!tpu.dma_semaphore, #tpu.memory_space<semaphore_mem>>) src(%arg8 : memref<200x64xf32, #tpu.memory_space<vmem>>) dst(%dma_wait3A_167 : memref<200x64xf32, #tpu.memory_space<hbm>>)
        tpu.yield
      }) : () -> ()
      %dma_start3A_53 = arith.constant 400 : i32
      %dma_start3A_54 = tpu.memref_slice %arg6[%dma_start3A_53] : memref<1000xi32, #tpu.memory_space<vmem>> -> memref<200xi32, #tpu.memory_space<vmem>>
      %dma_start3A_55 = arith.constant 0 : i32
      %dma_start3A_56 = arith.constant 0 : i32
      %dma_start3A_57 = tpu.memref_slice %arg2[%dma_start3A_55, %dma_start3A_56] : memref<51200x64xf32, #tpu.memory_space<hbm>> -> memref<51200x64xf32, #tpu.memory_space<hbm>>
      tpu.enqueue_indirect_dma source(%dma_start3A_57 : memref<51200x64xf32, #tpu.memory_space<hbm>>) target(%arg8 : memref<200x64xf32, #tpu.memory_space<vmem>>) offsets(%dma_start3A_54 : memref<200xi32, #tpu.memory_space<vmem>>) semaphore(%arg12 : memref<!tpu.dma_semaphore, #tpu.memory_space<semaphore_mem>>)
      %dma_start3A_58 = arith.constant 400 : i32
      %dma_start3A_59 = tpu.memref_slice %arg7[%dma_start3A_58] : memref<1000xi32, #tpu.memory_space<vmem>> -> memref<200xi32, #tpu.memory_space<vmem>>
      %dma_start3A_60 = arith.constant 0 : i32
      %dma_start3A_61 = arith.constant 0 : i32
      %dma_start3A_62 = tpu.memref_slice %arg2[%dma_start3A_60, %dma_start3A_61] : memref<51200x64xf32, #tpu.memory_space<hbm>> -> memref<51200x64xf32, #tpu.memory_space<hbm>>
      tpu.enqueue_indirect_dma source(%dma_start3A_62 : memref<51200x64xf32, #tpu.memory_space<hbm>>) target(%arg9 : memref<200x64xf32, #tpu.memory_space<vmem>>) offsets(%dma_start3A_59 : memref<200xi32, #tpu.memory_space<vmem>>) semaphore(%arg12 : memref<!tpu.dma_semaphore, #tpu.memory_space<semaphore_mem>>)
      %dma_wait3A_63 = arith.constant 200 : i32
      %dma_wait3A_64 = tpu.memref_slice %arg6[%dma_wait3A_63] : memref<1000xi32, #tpu.memory_space<vmem>> -> memref<200xi32, #tpu.memory_space<vmem>>
      %dma_wait3A_65 = arith.constant 0 : i32
      %dma_wait3A_66 = arith.constant 0 : i32
      %dma_wait3A_67 = tpu.memref_slice %arg2[%dma_wait3A_65, %dma_wait3A_66] : memref<51200x64xf32, #tpu.memory_space<hbm>> -> memref<51200x64xf32, #tpu.memory_space<hbm>>
      tpu.wait_indirect_dma semaphore(%arg13 : memref<!tpu.dma_semaphore, #tpu.memory_space<semaphore_mem>>) src(%dma_wait3A_67 : memref<51200x64xf32, #tpu.memory_space<hbm>>) dst(%arg10 : memref<200x64xf32, #tpu.memory_space<vmem>>)
      %dma_wait3A_68 = arith.constant 200 : i32
      %dma_wait3A_69 = tpu.memref_slice %arg7[%dma_wait3A_68] : memref<1000xi32, #tpu.memory_space<vmem>> -> memref<200xi32, #tpu.memory_space<vmem>>
      %dma_wait3A_70 = arith.constant 0 : i32
      %dma_wait3A_71 = arith.constant 0 : i32
      %dma_wait3A_72 = tpu.memref_slice %arg2[%dma_wait3A_70, %dma_wait3A_71] : memref<51200x64xf32, #tpu.memory_space<hbm>> -> memref<51200x64xf32, #tpu.memory_space<hbm>>
      tpu.wait_indirect_dma semaphore(%arg13 : memref<!tpu.dma_semaphore, #tpu.memory_space<semaphore_mem>>) src(%dma_wait3A_72 : memref<51200x64xf32, #tpu.memory_space<hbm>>) dst(%arg11 : memref<200x64xf32, #tpu.memory_space<vmem>>)
      %scan3A_73 = arith.constant 0 : i32
      %scan3A_74 = arith.constant 0 : i32
      %scan3A_75 = arith.constant 200 : i32
      %scan3A_76 = arith.addi %scan3A_74, %scan3A_75 : i32
      %scan3A_77 = arith.constant 1 : i32
      %scan3A_78 = scf.for %scan3A_160 = %scan3A_74 to %scan3A_76 step %scan3A_77 iter_args(%scan3A_161 = %scan3A_73) -> (i32)  : i32 {
        %get3A = arith.index_cast %scan3A_160 : i32 to index
        %get3A_162 = arith.constant 0 : index
        %get3A_163 = tpu.vector_load %arg10[%get3A, %get3A_162] {strides = array<i32>} : memref<200x64xf32, #tpu.memory_space<vmem>>, vector<1x16xf32>,
        %get3A_164 = vector.shape_cast %get3A_163 : vector<1x16xf32> to vector<16xf32>
        %get3A_165 = arith.index_cast %scan3A_160 : i32 to index
        %get3A_166 = arith.constant 0 : index
        %get3A_167 = tpu.vector_load %arg11[%get3A_165, %get3A_166] {strides = array<i32>} : memref<200x64xf32, #tpu.memory_space<vmem>>, vector<1x16xf32>,
        %get3A_168 = vector.shape_cast %get3A_167 : vector<1x16xf32> to vector<16xf32>
        %add3A_169 = arith.addf %get3A_164, %get3A_168 : vector<16xf32>
        %max3A = arith.constant 0.000000e+00 : f32
        %max3A_170 = vector.broadcast %max3A : f32 to vector<16xf32>
        %max3A_171 = arith.maximumf %add3A_169, %max3A_170 : vector<16xf32>
        %swap3A = arith.index_cast %scan3A_160 : i32 to index
        %swap3A_172 = arith.constant 0 : index
        %swap3A_173 = tpu.vector_load %arg10[%swap3A, %swap3A_172] {strides = array<i32>} : memref<200x64xf32, #tpu.memory_space<vmem>>, vector<1x16xf32>,
        %swap3A_174 = vector.shape_cast %swap3A_173 : vector<1x16xf32> to vector<16xf32>
        %swap3A_175 = vector.shape_cast %max3A_171 : vector<16xf32> to vector<1x16xf32>
        tpu.vector_store %arg10[%swap3A, %swap3A_172], %swap3A_175 {strides = array<i32>} : memref<200x64xf32, #tpu.memory_space<vmem>>, vector<1x16xf32>,
        %get3A_176 = arith.index_cast %scan3A_160 : i32 to index
        %get3A_177 = arith.constant 16 : index
        %get3A_178 = tpu.vector_load %arg10[%get3A_176, %get3A_177] {strides = array<i32>} : memref<200x64xf32, #tpu.memory_space<vmem>>, vector<1x16xf32>,
        %get3A_179 = vector.shape_cast %get3A_178 : vector<1x16xf32> to vector<16xf32>
        %get3A_180 = arith.index_cast %scan3A_160 : i32 to index
        %get3A_181 = arith.constant 16 : index
        %get3A_182 = tpu.vector_load %arg11[%get3A_180, %get3A_181] {strides = array<i32>} : memref<200x64xf32, #tpu.memory_space<vmem>>, vector<1x16xf32>,
        %get3A_183 = vector.shape_cast %get3A_182 : vector<1x16xf32> to vector<16xf32>
        %add3A_184 = arith.addf %get3A_179, %get3A_183 : vector<16xf32>
        %max3A_185 = arith.constant 0.000000e+00 : f32
        %max3A_186 = vector.broadcast %max3A_185 : f32 to vector<16xf32>
        %max3A_187 = arith.maximumf %add3A_184, %max3A_186 : vector<16xf32>
        %swap3A_188 = arith.index_cast %scan3A_160 : i32 to index
        %swap3A_189 = arith.constant 16 : index
        %swap3A_190 = tpu.vector_load %arg10[%swap3A_188, %swap3A_189] {strides = array<i32>} : memref<200x64xf32, #tpu.memory_space<vmem>>, vector<1x16xf32>,
        %swap3A_191 = vector.shape_cast %swap3A_190 : vector<1x16xf32> to vector<16xf32>
        %swap3A_192 = vector.shape_cast %max3A_187 : vector<16xf32> to vector<1x16xf32>
        tpu.vector_store %arg10[%swap3A_188, %swap3A_189], %swap3A_192 {strides = array<i32>} : memref<200x64xf32, #tpu.memory_space<vmem>>, vector<1x16xf32>,
        %get3A_193 = arith.index_cast %scan3A_160 : i32 to index
        %get3A_194 = arith.constant 32 : index
        %get3A_195 = tpu.vector_load %arg10[%get3A_193, %get3A_194] {strides = array<i32>} : memref<200x64xf32, #tpu.memory_space<vmem>>, vector<1x16xf32>,
        %get3A_196 = vector.shape_cast %get3A_195 : vector<1x16xf32> to vector<16xf32>
        %get3A_197 = arith.index_cast %scan3A_160 : i32 to index
        %get3A_198 = arith.constant 32 : index
        %get3A_199 = tpu.vector_load %arg11[%get3A_197, %get3A_198] {strides = array<i32>} : memref<200x64xf32, #tpu.memory_space<vmem>>, vector<1x16xf32>,
        %get3A_200 = vector.shape_cast %get3A_199 : vector<1x16xf32> to vector<16xf32>
        %add3A_201 = arith.addf %get3A_196, %get3A_200 : vector<16xf32>
        %max3A_202 = arith.constant 0.000000e+00 : f32
        %max3A_203 = vector.broadcast %max3A_202 : f32 to vector<16xf32>
        %max3A_204 = arith.maximumf %add3A_201, %max3A_203 : vector<16xf32>
        %swap3A_205 = arith.index_cast %scan3A_160 : i32 to index
        %swap3A_206 = arith.constant 32 : index
        %swap3A_207 = tpu.vector_load %arg10[%swap3A_205, %swap3A_206] {strides = array<i32>} : memref<200x64xf32, #tpu.memory_space<vmem>>, vector<1x16xf32>,
        %swap3A_208 = vector.shape_cast %swap3A_207 : vector<1x16xf32> to vector<16xf32>
        %swap3A_209 = vector.shape_cast %max3A_204 : vector<16xf32> to vector<1x16xf32>
        tpu.vector_store %arg10[%swap3A_205, %swap3A_206], %swap3A_209 {strides = array<i32>} : memref<200x64xf32, #tpu.memory_space<vmem>>, vector<1x16xf32>,
        %get3A_210 = arith.index_cast %scan3A_160 : i32 to index
        %get3A_211 = arith.constant 48 : index
        %get3A_212 = tpu.vector_load %arg10[%get3A_210, %get3A_211] {strides = array<i32>} : memref<200x64xf32, #tpu.memory_space<vmem>>, vector<1x16xf32>,
        %get3A_213 = vector.shape_cast %get3A_212 : vector<1x16xf32> to vector<16xf32>
        %get3A_214 = arith.index_cast %scan3A_160 : i32 to index
        %get3A_215 = arith.constant 48 : index
        %get3A_216 = tpu.vector_load %arg11[%get3A_214, %get3A_215] {strides = array<i32>} : memref<200x64xf32, #tpu.memory_space<vmem>>, vector<1x16xf32>,
        %get3A_217 = vector.shape_cast %get3A_216 : vector<1x16xf32> to vector<16xf32>
        %add3A_218 = arith.addf %get3A_213, %get3A_217 : vector<16xf32>
        %max3A_219 = arith.constant 0.000000e+00 : f32
        %max3A_220 = vector.broadcast %max3A_219 : f32 to vector<16xf32>
        %max3A_221 = arith.maximumf %add3A_218, %max3A_220 : vector<16xf32>
        %swap3A_222 = arith.index_cast %scan3A_160 : i32 to index
        %swap3A_223 = arith.constant 48 : index
        %swap3A_224 = tpu.vector_load %arg10[%swap3A_222, %swap3A_223] {strides = array<i32>} : memref<200x64xf32, #tpu.memory_space<vmem>>, vector<1x16xf32>,
        %swap3A_225 = vector.shape_cast %swap3A_224 : vector<1x16xf32> to vector<16xf32>
        %swap3A_226 = vector.shape_cast %max3A_221 : vector<16xf32> to vector<1x16xf32>
        tpu.vector_store %arg10[%swap3A_222, %swap3A_223], %swap3A_226 {strides = array<i32>} : memref<200x64xf32, #tpu.memory_space<vmem>>, vector<1x16xf32>,
        %scan3A_227 = arith.constant 0 : i32
        scf.yield %scan3A_227 : i32
      }
      %scan3A_79 = arith.constant 200 : i32
      %add3A_80 = arith.constant 200 : i32
      %add3A_81 = arith.addi %multiple_of3A, %add3A_80 : i32
      "tpu.region"() ({
        %run_scoped3A = tpu.sem_alloc : memref<!tpu.dma_semaphore, #tpu.memory_space<semaphore_mem>>
        %dma_start3A_160 = arith.constant 0 : i32
        %dma_start3A_161 = tpu.memref_slice %arg5[%add3A_81, %dma_start3A_160] : memref<800000x64xf32, #tpu.memory_space<hbm>> -> memref<200x64xf32, #tpu.memory_space<hbm>>
        %dma_start3A_162 = arith.constant 0 : i32
        %dma_start3A_163 = tpu.memref_slice %arg5[%add3A_81, %dma_start3A_162] : memref<800000x64xf32, #tpu.memory_space<hbm>> -> memref<200x64xf32, #tpu.memory_space<hbm>>
        tpu.enqueue_dma source(%arg10 : memref<200x64xf32, #tpu.memory_space<vmem>>) target(%dma_start3A_163 : memref<200x64xf32, #tpu.memory_space<hbm>>) target_semaphore(%run_scoped3A : memref<!tpu.dma_semaphore, #tpu.memory_space<semaphore_mem>>)
        %dma_wait3A_164 = arith.constant 0 : i32
        %dma_wait3A_165 = tpu.memref_slice %arg5[%add3A_81, %dma_wait3A_164] : memref<800000x64xf32, #tpu.memory_space<hbm>> -> memref<200x64xf32, #tpu.memory_space<hbm>>
        %dma_wait3A_166 = arith.constant 0 : i32
        %dma_wait3A_167 = tpu.memref_slice %arg5[%add3A_81, %dma_wait3A_166] : memref<800000x64xf32, #tpu.memory_space<hbm>> -> memref<200x64xf32, #tpu.memory_space<hbm>>
        tpu.wait_dma2 semaphore(%run_scoped3A : memref<!tpu.dma_semaphore, #tpu.memory_space<semaphore_mem>>) src(%arg10 : memref<200x64xf32, #tpu.memory_space<vmem>>) dst(%dma_wait3A_167 : memref<200x64xf32, #tpu.memory_space<hbm>>)
        tpu.yield
      }) : () -> ()
      %dma_start3A_82 = arith.constant 600 : i32
      %dma_start3A_83 = tpu.memref_slice %arg6[%dma_start3A_82] : memref<1000xi32, #tpu.memory_space<vmem>> -> memref<200xi32, #tpu.memory_space<vmem>>
      %dma_start3A_84 = arith.constant 0 : i32
      %dma_start3A_85 = arith.constant 0 : i32
      %dma_start3A_86 = tpu.memref_slice %arg2[%dma_start3A_84, %dma_start3A_85] : memref<51200x64xf32, #tpu.memory_space<hbm>> -> memref<51200x64xf32, #tpu.memory_space<hbm>>
      tpu.enqueue_indirect_dma source(%dma_start3A_86 : memref<51200x64xf32, #tpu.memory_space<hbm>>) target(%arg10 : memref<200x64xf32, #tpu.memory_space<vmem>>) offsets(%dma_start3A_83 : memref<200xi32, #tpu.memory_space<vmem>>) semaphore(%arg13 : memref<!tpu.dma_semaphore, #tpu.memory_space<semaphore_mem>>)
      %dma_start3A_87 = arith.constant 600 : i32
      %dma_start3A_88 = tpu.memref_slice %arg7[%dma_start3A_87] : memref<1000xi32, #tpu.memory_space<vmem>> -> memref<200xi32, #tpu.memory_space<vmem>>
      %dma_start3A_89 = arith.constant 0 : i32
      %dma_start3A_90 = arith.constant 0 : i32
      %dma_start3A_91 = tpu.memref_slice %arg2[%dma_start3A_89, %dma_start3A_90] : memref<51200x64xf32, #tpu.memory_space<hbm>> -> memref<51200x64xf32, #tpu.memory_space<hbm>>
      tpu.enqueue_indirect_dma source(%dma_start3A_91 : memref<51200x64xf32, #tpu.memory_space<hbm>>) target(%arg11 : memref<200x64xf32, #tpu.memory_space<vmem>>) offsets(%dma_start3A_88 : memref<200xi32, #tpu.memory_space<vmem>>) semaphore(%arg13 : memref<!tpu.dma_semaphore, #tpu.memory_space<semaphore_mem>>)
      %dma_wait3A_92 = arith.constant 400 : i32
      %dma_wait3A_93 = tpu.memref_slice %arg6[%dma_wait3A_92] : memref<1000xi32, #tpu.memory_space<vmem>> -> memref<200xi32, #tpu.memory_space<vmem>>
      %dma_wait3A_94 = arith.constant 0 : i32
      %dma_wait3A_95 = arith.constant 0 : i32
      %dma_wait3A_96 = tpu.memref_slice %arg2[%dma_wait3A_94, %dma_wait3A_95] : memref<51200x64xf32, #tpu.memory_space<hbm>> -> memref<51200x64xf32, #tpu.memory_space<hbm>>
      tpu.wait_indirect_dma semaphore(%arg12 : memref<!tpu.dma_semaphore, #tpu.memory_space<semaphore_mem>>) src(%dma_wait3A_96 : memref<51200x64xf32, #tpu.memory_space<hbm>>) dst(%arg8 : memref<200x64xf32, #tpu.memory_space<vmem>>)
      %dma_wait3A_97 = arith.constant 400 : i32
      %dma_wait3A_98 = tpu.memref_slice %arg7[%dma_wait3A_97] : memref<1000xi32, #tpu.memory_space<vmem>> -> memref<200xi32, #tpu.memory_space<vmem>>
      %dma_wait3A_99 = arith.constant 0 : i32
      %dma_wait3A_100 = arith.constant 0 : i32
      %dma_wait3A_101 = tpu.memref_slice %arg2[%dma_wait3A_99, %dma_wait3A_100] : memref<51200x64xf32, #tpu.memory_space<hbm>> -> memref<51200x64xf32, #tpu.memory_space<hbm>>
      tpu.wait_indirect_dma semaphore(%arg12 : memref<!tpu.dma_semaphore, #tpu.memory_space<semaphore_mem>>) src(%dma_wait3A_101 : memref<51200x64xf32, #tpu.memory_space<hbm>>) dst(%arg9 : memref<200x64xf32, #tpu.memory_space<vmem>>)
      %scan3A_102 = arith.constant 0 : i32
      %scan3A_103 = arith.constant 0 : i32
      %scan3A_104 = arith.constant 200 : i32
      %scan3A_105 = arith.addi %scan3A_103, %scan3A_104 : i32
      %scan3A_106 = arith.constant 1 : i32
      %scan3A_107 = scf.for %scan3A_160 = %scan3A_103 to %scan3A_105 step %scan3A_106 iter_args(%scan3A_161 = %scan3A_102) -> (i32)  : i32 {
        %get3A = arith.index_cast %scan3A_160 : i32 to index
        %get3A_162 = arith.constant 0 : index
        %get3A_163 = tpu.vector_load %arg8[%get3A, %get3A_162] {strides = array<i32>} : memref<200x64xf32, #tpu.memory_space<vmem>>, vector<1x16xf32>,
        %get3A_164 = vector.shape_cast %get3A_163 : vector<1x16xf32> to vector<16xf32>
        %get3A_165 = arith.index_cast %scan3A_160 : i32 to index
        %get3A_166 = arith.constant 0 : index
        %get3A_167 = tpu.vector_load %arg9[%get3A_165, %get3A_166] {strides = array<i32>} : memref<200x64xf32, #tpu.memory_space<vmem>>, vector<1x16xf32>,
        %get3A_168 = vector.shape_cast %get3A_167 : vector<1x16xf32> to vector<16xf32>
        %add3A_169 = arith.addf %get3A_164, %get3A_168 : vector<16xf32>
        %max3A = arith.constant 0.000000e+00 : f32
        %max3A_170 = vector.broadcast %max3A : f32 to vector<16xf32>
        %max3A_171 = arith.maximumf %add3A_169, %max3A_170 : vector<16xf32>
        %swap3A = arith.index_cast %scan3A_160 : i32 to index
        %swap3A_172 = arith.constant 0 : index
        %swap3A_173 = tpu.vector_load %arg8[%swap3A, %swap3A_172] {strides = array<i32>} : memref<200x64xf32, #tpu.memory_space<vmem>>, vector<1x16xf32>,
        %swap3A_174 = vector.shape_cast %swap3A_173 : vector<1x16xf32> to vector<16xf32>
        %swap3A_175 = vector.shape_cast %max3A_171 : vector<16xf32> to vector<1x16xf32>
        tpu.vector_store %arg8[%swap3A, %swap3A_172], %swap3A_175 {strides = array<i32>} : memref<200x64xf32, #tpu.memory_space<vmem>>, vector<1x16xf32>,
        %get3A_176 = arith.index_cast %scan3A_160 : i32 to index
        %get3A_177 = arith.constant 16 : index
        %get3A_178 = tpu.vector_load %arg8[%get3A_176, %get3A_177] {strides = array<i32>} : memref<200x64xf32, #tpu.memory_space<vmem>>, vector<1x16xf32>,
        %get3A_179 = vector.shape_cast %get3A_178 : vector<1x16xf32> to vector<16xf32>
        %get3A_180 = arith.index_cast %scan3A_160 : i32 to index
        %get3A_181 = arith.constant 16 : index
        %get3A_182 = tpu.vector_load %arg9[%get3A_180, %get3A_181] {strides = array<i32>} : memref<200x64xf32, #tpu.memory_space<vmem>>, vector<1x16xf32>,
        %get3A_183 = vector.shape_cast %get3A_182 : vector<1x16xf32> to vector<16xf32>
        %add3A_184 = arith.addf %get3A_179, %get3A_183 : vector<16xf32>
        %max3A_185 = arith.constant 0.000000e+00 : f32
        %max3A_186 = vector.broadcast %max3A_185 : f32 to vector<16xf32>
        %max3A_187 = arith.maximumf %add3A_184, %max3A_186 : vector<16xf32>
        %swap3A_188 = arith.index_cast %scan3A_160 : i32 to index
        %swap3A_189 = arith.constant 16 : index
        %swap3A_190 = tpu.vector_load %arg8[%swap3A_188, %swap3A_189] {strides = array<i32>} : memref<200x64xf32, #tpu.memory_space<vmem>>, vector<1x16xf32>,
        %swap3A_191 = vector.shape_cast %swap3A_190 : vector<1x16xf32> to vector<16xf32>
        %swap3A_192 = vector.shape_cast %max3A_187 : vector<16xf32> to vector<1x16xf32>
        tpu.vector_store %arg8[%swap3A_188, %swap3A_189], %swap3A_192 {strides = array<i32>} : memref<200x64xf32, #tpu.memory_space<vmem>>, vector<1x16xf32>,
        %get3A_193 = arith.index_cast %scan3A_160 : i32 to index
        %get3A_194 = arith.constant 32 : index
        %get3A_195 = tpu.vector_load %arg8[%get3A_193, %get3A_194] {strides = array<i32>} : memref<200x64xf32, #tpu.memory_space<vmem>>, vector<1x16xf32>,
        %get3A_196 = vector.shape_cast %get3A_195 : vector<1x16xf32> to vector<16xf32>
        %get3A_197 = arith.index_cast %scan3A_160 : i32 to index
        %get3A_198 = arith.constant 32 : index
        %get3A_199 = tpu.vector_load %arg9[%get3A_197, %get3A_198] {strides = array<i32>} : memref<200x64xf32, #tpu.memory_space<vmem>>, vector<1x16xf32>,
        %get3A_200 = vector.shape_cast %get3A_199 : vector<1x16xf32> to vector<16xf32>
        %add3A_201 = arith.addf %get3A_196, %get3A_200 : vector<16xf32>
        %max3A_202 = arith.constant 0.000000e+00 : f32
        %max3A_203 = vector.broadcast %max3A_202 : f32 to vector<16xf32>
        %max3A_204 = arith.maximumf %add3A_201, %max3A_203 : vector<16xf32>
        %swap3A_205 = arith.index_cast %scan3A_160 : i32 to index
        %swap3A_206 = arith.constant 32 : index
        %swap3A_207 = tpu.vector_load %arg8[%swap3A_205, %swap3A_206] {strides = array<i32>} : memref<200x64xf32, #tpu.memory_space<vmem>>, vector<1x16xf32>,
        %swap3A_208 = vector.shape_cast %swap3A_207 : vector<1x16xf32> to vector<16xf32>
        %swap3A_209 = vector.shape_cast %max3A_204 : vector<16xf32> to vector<1x16xf32>
        tpu.vector_store %arg8[%swap3A_205, %swap3A_206], %swap3A_209 {strides = array<i32>} : memref<200x64xf32, #tpu.memory_space<vmem>>, vector<1x16xf32>,
        %get3A_210 = arith.index_cast %scan3A_160 : i32 to index
        %get3A_211 = arith.constant 48 : index
        %get3A_212 = tpu.vector_load %arg8[%get3A_210, %get3A_211] {strides = array<i32>} : memref<200x64xf32, #tpu.memory_space<vmem>>, vector<1x16xf32>,
        %get3A_213 = vector.shape_cast %get3A_212 : vector<1x16xf32> to vector<16xf32>
        %get3A_214 = arith.index_cast %scan3A_160 : i32 to index
        %get3A_215 = arith.constant 48 : index
        %get3A_216 = tpu.vector_load %arg9[%get3A_214, %get3A_215] {strides = array<i32>} : memref<200x64xf32, #tpu.memory_space<vmem>>, vector<1x16xf32>,
        %get3A_217 = vector.shape_cast %get3A_216 : vector<1x16xf32> to vector<16xf32>
        %add3A_218 = arith.addf %get3A_213, %get3A_217 : vector<16xf32>
        %max3A_219 = arith.constant 0.000000e+00 : f32
        %max3A_220 = vector.broadcast %max3A_219 : f32 to vector<16xf32>
        %max3A_221 = arith.maximumf %add3A_218, %max3A_220 : vector<16xf32>
        %swap3A_222 = arith.index_cast %scan3A_160 : i32 to index
        %swap3A_223 = arith.constant 48 : index
        %swap3A_224 = tpu.vector_load %arg8[%swap3A_222, %swap3A_223] {strides = array<i32>} : memref<200x64xf32, #tpu.memory_space<vmem>>, vector<1x16xf32>,
        %swap3A_225 = vector.shape_cast %swap3A_224 : vector<1x16xf32> to vector<16xf32>
        %swap3A_226 = vector.shape_cast %max3A_221 : vector<16xf32> to vector<1x16xf32>
        tpu.vector_store %arg8[%swap3A_222, %swap3A_223], %swap3A_226 {strides = array<i32>} : memref<200x64xf32, #tpu.memory_space<vmem>>, vector<1x16xf32>,
        %scan3A_227 = arith.constant 0 : i32
        scf.yield %scan3A_227 : i32
      }
      %scan3A_108 = arith.constant 200 : i32
      %add3A_109 = arith.constant 400 : i32
      %add3A_110 = arith.addi %multiple_of3A, %add3A_109 : i32
      "tpu.region"() ({
        %run_scoped3A = tpu.sem_alloc : memref<!tpu.dma_semaphore, #tpu.memory_space<semaphore_mem>>
        %dma_start3A_160 = arith.constant 0 : i32
        %dma_start3A_161 = tpu.memref_slice %arg5[%add3A_110, %dma_start3A_160] : memref<800000x64xf32, #tpu.memory_space<hbm>> -> memref<200x64xf32, #tpu.memory_space<hbm>>
        %dma_start3A_162 = arith.constant 0 : i32
        %dma_start3A_163 = tpu.memref_slice %arg5[%add3A_110, %dma_start3A_162] : memref<800000x64xf32, #tpu.memory_space<hbm>> -> memref<200x64xf32, #tpu.memory_space<hbm>>
        tpu.enqueue_dma source(%arg8 : memref<200x64xf32, #tpu.memory_space<vmem>>) target(%dma_start3A_163 : memref<200x64xf32, #tpu.memory_space<hbm>>) target_semaphore(%run_scoped3A : memref<!tpu.dma_semaphore, #tpu.memory_space<semaphore_mem>>)
        %dma_wait3A_164 = arith.constant 0 : i32
        %dma_wait3A_165 = tpu.memref_slice %arg5[%add3A_110, %dma_wait3A_164] : memref<800000x64xf32, #tpu.memory_space<hbm>> -> memref<200x64xf32, #tpu.memory_space<hbm>>
        %dma_wait3A_166 = arith.constant 0 : i32
        %dma_wait3A_167 = tpu.memref_slice %arg5[%add3A_110, %dma_wait3A_166] : memref<800000x64xf32, #tpu.memory_space<hbm>> -> memref<200x64xf32, #tpu.memory_space<hbm>>
        tpu.wait_dma2 semaphore(%run_scoped3A : memref<!tpu.dma_semaphore, #tpu.memory_space<semaphore_mem>>) src(%arg8 : memref<200x64xf32, #tpu.memory_space<vmem>>) dst(%dma_wait3A_167 : memref<200x64xf32, #tpu.memory_space<hbm>>)
        tpu.yield
      }) : () -> ()
      %dma_start3A_111 = arith.constant 800 : i32
      %dma_start3A_112 = tpu.memref_slice %arg6[%dma_start3A_111] : memref<1000xi32, #tpu.memory_space<vmem>> -> memref<200xi32, #tpu.memory_space<vmem>>
      %dma_start3A_113 = arith.constant 0 : i32
      %dma_start3A_114 = arith.constant 0 : i32
      %dma_start3A_115 = tpu.memref_slice %arg2[%dma_start3A_113, %dma_start3A_114] : memref<51200x64xf32, #tpu.memory_space<hbm>> -> memref<51200x64xf32, #tpu.memory_space<hbm>>
      tpu.enqueue_indirect_dma source(%dma_start3A_115 : memref<51200x64xf32, #tpu.memory_space<hbm>>) target(%arg8 : memref<200x64xf32, #tpu.memory_space<vmem>>) offsets(%dma_start3A_112 : memref<200xi32, #tpu.memory_space<vmem>>) semaphore(%arg12 : memref<!tpu.dma_semaphore, #tpu.memory_space<semaphore_mem>>)
      %dma_start3A_116 = arith.constant 800 : i32
      %dma_start3A_117 = tpu.memref_slice %arg7[%dma_start3A_116] : memref<1000xi32, #tpu.memory_space<vmem>> -> memref<200xi32, #tpu.memory_space<vmem>>
      %dma_start3A_118 = arith.constant 0 : i32
      %dma_start3A_119 = arith.constant 0 : i32
      %dma_start3A_120 = tpu.memref_slice %arg2[%dma_start3A_118, %dma_start3A_119] : memref<51200x64xf32, #tpu.memory_space<hbm>> -> memref<51200x64xf32, #tpu.memory_space<hbm>>
      tpu.enqueue_indirect_dma source(%dma_start3A_120 : memref<51200x64xf32, #tpu.memory_space<hbm>>) target(%arg9 : memref<200x64xf32, #tpu.memory_space<vmem>>) offsets(%dma_start3A_117 : memref<200xi32, #tpu.memory_space<vmem>>) semaphore(%arg12 : memref<!tpu.dma_semaphore, #tpu.memory_space<semaphore_mem>>)
      %dma_wait3A_121 = arith.constant 600 : i32
      %dma_wait3A_122 = tpu.memref_slice %arg6[%dma_wait3A_121] : memref<1000xi32, #tpu.memory_space<vmem>> -> memref<200xi32, #tpu.memory_space<vmem>>
      %dma_wait3A_123 = arith.constant 0 : i32
      %dma_wait3A_124 = arith.constant 0 : i32
      %dma_wait3A_125 = tpu.memref_slice %arg2[%dma_wait3A_123, %dma_wait3A_124] : memref<51200x64xf32, #tpu.memory_space<hbm>> -> memref<51200x64xf32, #tpu.memory_space<hbm>>
      tpu.wait_indirect_dma semaphore(%arg13 : memref<!tpu.dma_semaphore, #tpu.memory_space<semaphore_mem>>) src(%dma_wait3A_125 : memref<51200x64xf32, #tpu.memory_space<hbm>>) dst(%arg10 : memref<200x64xf32, #tpu.memory_space<vmem>>)
      %dma_wait3A_126 = arith.constant 600 : i32
      %dma_wait3A_127 = tpu.memref_slice %arg7[%dma_wait3A_126] : memref<1000xi32, #tpu.memory_space<vmem>> -> memref<200xi32, #tpu.memory_space<vmem>>
      %dma_wait3A_128 = arith.constant 0 : i32
      %dma_wait3A_129 = arith.constant 0 : i32
      %dma_wait3A_130 = tpu.memref_slice %arg2[%dma_wait3A_128, %dma_wait3A_129] : memref<51200x64xf32, #tpu.memory_space<hbm>> -> memref<51200x64xf32, #tpu.memory_space<hbm>>
      tpu.wait_indirect_dma semaphore(%arg13 : memref<!tpu.dma_semaphore, #tpu.memory_space<semaphore_mem>>) src(%dma_wait3A_130 : memref<51200x64xf32, #tpu.memory_space<hbm>>) dst(%arg11 : memref<200x64xf32, #tpu.memory_space<vmem>>)
      %scan3A_131 = arith.constant 0 : i32
      %scan3A_132 = arith.constant 0 : i32
      %scan3A_133 = arith.constant 200 : i32
      %scan3A_134 = arith.addi %scan3A_132, %scan3A_133 : i32
      %scan3A_135 = arith.constant 1 : i32
      %scan3A_136 = scf.for %scan3A_160 = %scan3A_132 to %scan3A_134 step %scan3A_135 iter_args(%scan3A_161 = %scan3A_131) -> (i32)  : i32 {
        %get3A = arith.index_cast %scan3A_160 : i32 to index
        %get3A_162 = arith.constant 0 : index
        %get3A_163 = tpu.vector_load %arg10[%get3A, %get3A_162] {strides = array<i32>} : memref<200x64xf32, #tpu.memory_space<vmem>>, vector<1x16xf32>,
        %get3A_164 = vector.shape_cast %get3A_163 : vector<1x16xf32> to vector<16xf32>
        %get3A_165 = arith.index_cast %scan3A_160 : i32 to index
        %get3A_166 = arith.constant 0 : index
        %get3A_167 = tpu.vector_load %arg11[%get3A_165, %get3A_166] {strides = array<i32>} : memref<200x64xf32, #tpu.memory_space<vmem>>, vector<1x16xf32>,
        %get3A_168 = vector.shape_cast %get3A_167 : vector<1x16xf32> to vector<16xf32>
        %add3A_169 = arith.addf %get3A_164, %get3A_168 : vector<16xf32>
        %max3A = arith.constant 0.000000e+00 : f32
        %max3A_170 = vector.broadcast %max3A : f32 to vector<16xf32>
        %max3A_171 = arith.maximumf %add3A_169, %max3A_170 : vector<16xf32>
        %swap3A = arith.index_cast %scan3A_160 : i32 to index
        %swap3A_172 = arith.constant 0 : index
        %swap3A_173 = tpu.vector_load %arg10[%swap3A, %swap3A_172] {strides = array<i32>} : memref<200x64xf32, #tpu.memory_space<vmem>>, vector<1x16xf32>,
        %swap3A_174 = vector.shape_cast %swap3A_173 : vector<1x16xf32> to vector<16xf32>
        %swap3A_175 = vector.shape_cast %max3A_171 : vector<16xf32> to vector<1x16xf32>
        tpu.vector_store %arg10[%swap3A, %swap3A_172], %swap3A_175 {strides = array<i32>} : memref<200x64xf32, #tpu.memory_space<vmem>>, vector<1x16xf32>,
        %get3A_176 = arith.index_cast %scan3A_160 : i32 to index
        %get3A_177 = arith.constant 16 : index
        %get3A_178 = tpu.vector_load %arg10[%get3A_176, %get3A_177] {strides = array<i32>} : memref<200x64xf32, #tpu.memory_space<vmem>>, vector<1x16xf32>,
        %get3A_179 = vector.shape_cast %get3A_178 : vector<1x16xf32> to vector<16xf32>
        %get3A_180 = arith.index_cast %scan3A_160 : i32 to index
        %get3A_181 = arith.constant 16 : index
        %get3A_182 = tpu.vector_load %arg11[%get3A_180, %get3A_181] {strides = array<i32>} : memref<200x64xf32, #tpu.memory_space<vmem>>, vector<1x16xf32>,
        %get3A_183 = vector.shape_cast %get3A_182 : vector<1x16xf32> to vector<16xf32>
        %add3A_184 = arith.addf %get3A_179, %get3A_183 : vector<16xf32>
        %max3A_185 = arith.constant 0.000000e+00 : f32
        %max3A_186 = vector.broadcast %max3A_185 : f32 to vector<16xf32>
        %max3A_187 = arith.maximumf %add3A_184, %max3A_186 : vector<16xf32>
        %swap3A_188 = arith.index_cast %scan3A_160 : i32 to index
        %swap3A_189 = arith.constant 16 : index
        %swap3A_190 = tpu.vector_load %arg10[%swap3A_188, %swap3A_189] {strides = array<i32>} : memref<200x64xf32, #tpu.memory_space<vmem>>, vector<1x16xf32>,
        %swap3A_191 = vector.shape_cast %swap3A_190 : vector<1x16xf32> to vector<16xf32>
        %swap3A_192 = vector.shape_cast %max3A_187 : vector<16xf32> to vector<1x16xf32>
        tpu.vector_store %arg10[%swap3A_188, %swap3A_189], %swap3A_192 {strides = array<i32>} : memref<200x64xf32, #tpu.memory_space<vmem>>, vector<1x16xf32>,
        %get3A_193 = arith.index_cast %scan3A_160 : i32 to index
        %get3A_194 = arith.constant 32 : index
        %get3A_195 = tpu.vector_load %arg10[%get3A_193, %get3A_194] {strides = array<i32>} : memref<200x64xf32, #tpu.memory_space<vmem>>, vector<1x16xf32>,
        %get3A_196 = vector.shape_cast %get3A_195 : vector<1x16xf32> to vector<16xf32>
        %get3A_197 = arith.index_cast %scan3A_160 : i32 to index
        %get3A_198 = arith.constant 32 : index
        %get3A_199 = tpu.vector_load %arg11[%get3A_197, %get3A_198] {strides = array<i32>} : memref<200x64xf32, #tpu.memory_space<vmem>>, vector<1x16xf32>,
        %get3A_200 = vector.shape_cast %get3A_199 : vector<1x16xf32> to vector<16xf32>
        %add3A_201 = arith.addf %get3A_196, %get3A_200 : vector<16xf32>
        %max3A_202 = arith.constant 0.000000e+00 : f32
        %max3A_203 = vector.broadcast %max3A_202 : f32 to vector<16xf32>
        %max3A_204 = arith.maximumf %add3A_201, %max3A_203 : vector<16xf32>
        %swap3A_205 = arith.index_cast %scan3A_160 : i32 to index
        %swap3A_206 = arith.constant 32 : index
        %swap3A_207 = tpu.vector_load %arg10[%swap3A_205, %swap3A_206] {strides = array<i32>} : memref<200x64xf32, #tpu.memory_space<vmem>>, vector<1x16xf32>,
        %swap3A_208 = vector.shape_cast %swap3A_207 : vector<1x16xf32> to vector<16xf32>
        %swap3A_209 = vector.shape_cast %max3A_204 : vector<16xf32> to vector<1x16xf32>
        tpu.vector_store %arg10[%swap3A_205, %swap3A_206], %swap3A_209 {strides = array<i32>} : memref<200x64xf32, #tpu.memory_space<vmem>>, vector<1x16xf32>,
        %get3A_210 = arith.index_cast %scan3A_160 : i32 to index
        %get3A_211 = arith.constant 48 : index
        %get3A_212 = tpu.vector_load %arg10[%get3A_210, %get3A_211] {strides = array<i32>} : memref<200x64xf32, #tpu.memory_space<vmem>>, vector<1x16xf32>,
        %get3A_213 = vector.shape_cast %get3A_212 : vector<1x16xf32> to vector<16xf32>
        %get3A_214 = arith.index_cast %scan3A_160 : i32 to index
        %get3A_215 = arith.constant 48 : index
        %get3A_216 = tpu.vector_load %arg11[%get3A_214, %get3A_215] {strides = array<i32>} : memref<200x64xf32, #tpu.memory_space<vmem>>, vector<1x16xf32>,
        %get3A_217 = vector.shape_cast %get3A_216 : vector<1x16xf32> to vector<16xf32>
        %add3A_218 = arith.addf %get3A_213, %get3A_217 : vector<16xf32>
        %max3A_219 = arith.constant 0.000000e+00 : f32
        %max3A_220 = vector.broadcast %max3A_219 : f32 to vector<16xf32>
        %max3A_221 = arith.maximumf %add3A_218, %max3A_220 : vector<16xf32>
        %swap3A_222 = arith.index_cast %scan3A_160 : i32 to index
        %swap3A_223 = arith.constant 48 : index
        %swap3A_224 = tpu.vector_load %arg10[%swap3A_222, %swap3A_223] {strides = array<i32>} : memref<200x64xf32, #tpu.memory_space<vmem>>, vector<1x16xf32>,
        %swap3A_225 = vector.shape_cast %swap3A_224 : vector<1x16xf32> to vector<16xf32>
        %swap3A_226 = vector.shape_cast %max3A_221 : vector<16xf32> to vector<1x16xf32>
        tpu.vector_store %arg10[%swap3A_222, %swap3A_223], %swap3A_226 {strides = array<i32>} : memref<200x64xf32, #tpu.memory_space<vmem>>, vector<1x16xf32>,
        %scan3A_227 = arith.constant 0 : i32
        scf.yield %scan3A_227 : i32
      }
      %scan3A_137 = arith.constant 200 : i32
      %add3A_138 = arith.constant 600 : i32
      %add3A_139 = arith.addi %multiple_of3A, %add3A_138 : i32
      "tpu.region"() ({
        %run_scoped3A = tpu.sem_alloc : memref<!tpu.dma_semaphore, #tpu.memory_space<semaphore_mem>>
        %dma_start3A_160 = arith.constant 0 : i32
        %dma_start3A_161 = tpu.memref_slice %arg5[%add3A_139, %dma_start3A_160] : memref<800000x64xf32, #tpu.memory_space<hbm>> -> memref<200x64xf32, #tpu.memory_space<hbm>>
        %dma_start3A_162 = arith.constant 0 : i32
        %dma_start3A_163 = tpu.memref_slice %arg5[%add3A_139, %dma_start3A_162] : memref<800000x64xf32, #tpu.memory_space<hbm>> -> memref<200x64xf32, #tpu.memory_space<hbm>>
        tpu.enqueue_dma source(%arg10 : memref<200x64xf32, #tpu.memory_space<vmem>>) target(%dma_start3A_163 : memref<200x64xf32, #tpu.memory_space<hbm>>) target_semaphore(%run_scoped3A : memref<!tpu.dma_semaphore, #tpu.memory_space<semaphore_mem>>)
        %dma_wait3A_164 = arith.constant 0 : i32
        %dma_wait3A_165 = tpu.memref_slice %arg5[%add3A_139, %dma_wait3A_164] : memref<800000x64xf32, #tpu.memory_space<hbm>> -> memref<200x64xf32, #tpu.memory_space<hbm>>
        %dma_wait3A_166 = arith.constant 0 : i32
        %dma_wait3A_167 = tpu.memref_slice %arg5[%add3A_139, %dma_wait3A_166] : memref<800000x64xf32, #tpu.memory_space<hbm>> -> memref<200x64xf32, #tpu.memory_space<hbm>>
        tpu.wait_dma2 semaphore(%run_scoped3A : memref<!tpu.dma_semaphore, #tpu.memory_space<semaphore_mem>>) src(%arg10 : memref<200x64xf32, #tpu.memory_space<vmem>>) dst(%dma_wait3A_167 : memref<200x64xf32, #tpu.memory_space<hbm>>)
        tpu.yield
      }) : () -> ()
      %dma_wait3A_140 = arith.constant 800 : i32
      %dma_wait3A_141 = tpu.memref_slice %arg6[%dma_wait3A_140] : memref<1000xi32, #tpu.memory_space<vmem>> -> memref<200xi32, #tpu.memory_space<vmem>>
      %dma_wait3A_142 = arith.constant 0 : i32
      %dma_wait3A_143 = arith.constant 0 : i32
      %dma_wait3A_144 = tpu.memref_slice %arg2[%dma_wait3A_142, %dma_wait3A_143] : memref<51200x64xf32, #tpu.memory_space<hbm>> -> memref<51200x64xf32, #tpu.memory_space<hbm>>
      tpu.wait_indirect_dma semaphore(%arg12 : memref<!tpu.dma_semaphore, #tpu.memory_space<semaphore_mem>>) src(%dma_wait3A_144 : memref<51200x64xf32, #tpu.memory_space<hbm>>) dst(%arg8 : memref<200x64xf32, #tpu.memory_space<vmem>>)
      %dma_wait3A_145 = arith.constant 800 : i32
      %dma_wait3A_146 = tpu.memref_slice %arg7[%dma_wait3A_145] : memref<1000xi32, #tpu.memory_space<vmem>> -> memref<200xi32, #tpu.memory_space<vmem>>
      %dma_wait3A_147 = arith.constant 0 : i32
      %dma_wait3A_148 = arith.constant 0 : i32
      %dma_wait3A_149 = tpu.memref_slice %arg2[%dma_wait3A_147, %dma_wait3A_148] : memref<51200x64xf32, #tpu.memory_space<hbm>> -> memref<51200x64xf32, #tpu.memory_space<hbm>>
      tpu.wait_indirect_dma semaphore(%arg12 : memref<!tpu.dma_semaphore, #tpu.memory_space<semaphore_mem>>) src(%dma_wait3A_149 : memref<51200x64xf32, #tpu.memory_space<hbm>>) dst(%arg9 : memref<200x64xf32, #tpu.memory_space<vmem>>)
      %scan3A_150 = arith.constant 0 : i32
      %scan3A_151 = arith.constant 0 : i32
      %scan3A_152 = arith.constant 200 : i32
      %scan3A_153 = arith.addi %scan3A_151, %scan3A_152 : i32
      %scan3A_154 = arith.constant 1 : i32
      %scan3A_155 = scf.for %scan3A_160 = %scan3A_151 to %scan3A_153 step %scan3A_154 iter_args(%scan3A_161 = %scan3A_150) -> (i32)  : i32 {
        %get3A = arith.index_cast %scan3A_160 : i32 to index
        %get3A_162 = arith.constant 0 : index
        %get3A_163 = tpu.vector_load %arg8[%get3A, %get3A_162] {strides = array<i32>} : memref<200x64xf32, #tpu.memory_space<vmem>>, vector<1x16xf32>,
        %get3A_164 = vector.shape_cast %get3A_163 : vector<1x16xf32> to vector<16xf32>
        %get3A_165 = arith.index_cast %scan3A_160 : i32 to index
        %get3A_166 = arith.constant 0 : index
        %get3A_167 = tpu.vector_load %arg9[%get3A_165, %get3A_166] {strides = array<i32>} : memref<200x64xf32, #tpu.memory_space<vmem>>, vector<1x16xf32>,
        %get3A_168 = vector.shape_cast %get3A_167 : vector<1x16xf32> to vector<16xf32>
        %add3A_169 = arith.addf %get3A_164, %get3A_168 : vector<16xf32>
        %max3A = arith.constant 0.000000e+00 : f32
        %max3A_170 = vector.broadcast %max3A : f32 to vector<16xf32>
        %max3A_171 = arith.maximumf %add3A_169, %max3A_170 : vector<16xf32>
        %swap3A = arith.index_cast %scan3A_160 : i32 to index
        %swap3A_172 = arith.constant 0 : index
        %swap3A_173 = tpu.vector_load %arg8[%swap3A, %swap3A_172] {strides = array<i32>} : memref<200x64xf32, #tpu.memory_space<vmem>>, vector<1x16xf32>,
        %swap3A_174 = vector.shape_cast %swap3A_173 : vector<1x16xf32> to vector<16xf32>
        %swap3A_175 = vector.shape_cast %max3A_171 : vector<16xf32> to vector<1x16xf32>
        tpu.vector_store %arg8[%swap3A, %swap3A_172], %swap3A_175 {strides = array<i32>} : memref<200x64xf32, #tpu.memory_space<vmem>>, vector<1x16xf32>,
        %get3A_176 = arith.index_cast %scan3A_160 : i32 to index
        %get3A_177 = arith.constant 16 : index
        %get3A_178 = tpu.vector_load %arg8[%get3A_176, %get3A_177] {strides = array<i32>} : memref<200x64xf32, #tpu.memory_space<vmem>>, vector<1x16xf32>,
        %get3A_179 = vector.shape_cast %get3A_178 : vector<1x16xf32> to vector<16xf32>
        %get3A_180 = arith.index_cast %scan3A_160 : i32 to index
        %get3A_181 = arith.constant 16 : index
        %get3A_182 = tpu.vector_load %arg9[%get3A_180, %get3A_181] {strides = array<i32>} : memref<200x64xf32, #tpu.memory_space<vmem>>, vector<1x16xf32>,
        %get3A_183 = vector.shape_cast %get3A_182 : vector<1x16xf32> to vector<16xf32>
        %add3A_184 = arith.addf %get3A_179, %get3A_183 : vector<16xf32>
        %max3A_185 = arith.constant 0.000000e+00 : f32
        %max3A_186 = vector.broadcast %max3A_185 : f32 to vector<16xf32>
        %max3A_187 = arith.maximumf %add3A_184, %max3A_186 : vector<16xf32>
        %swap3A_188 = arith.index_cast %scan3A_160 : i32 to index
        %swap3A_189 = arith.constant 16 : index
        %swap3A_190 = tpu.vector_load %arg8[%swap3A_188, %swap3A_189] {strides = array<i32>} : memref<200x64xf32, #tpu.memory_space<vmem>>, vector<1x16xf32>,
        %swap3A_191 = vector.shape_cast %swap3A_190 : vector<1x16xf32> to vector<16xf32>
        %swap3A_192 = vector.shape_cast %max3A_187 : vector<16xf32> to vector<1x16xf32>
        tpu.vector_store %arg8[%swap3A_188, %swap3A_189], %swap3A_192 {strides = array<i32>} : memref<200x64xf32, #tpu.memory_space<vmem>>, vector<1x16xf32>,
        %get3A_193 = arith.index_cast %scan3A_160 : i32 to index
        %get3A_194 = arith.constant 32 : index
        %get3A_195 = tpu.vector_load %arg8[%get3A_193, %get3A_194] {strides = array<i32>} : memref<200x64xf32, #tpu.memory_space<vmem>>, vector<1x16xf32>,
        %get3A_196 = vector.shape_cast %get3A_195 : vector<1x16xf32> to vector<16xf32>
        %get3A_197 = arith.index_cast %scan3A_160 : i32 to index
        %get3A_198 = arith.constant 32 : index
        %get3A_199 = tpu.vector_load %arg9[%get3A_197, %get3A_198] {strides = array<i32>} : memref<200x64xf32, #tpu.memory_space<vmem>>, vector<1x16xf32>,
        %get3A_200 = vector.shape_cast %get3A_199 : vector<1x16xf32> to vector<16xf32>
        %add3A_201 = arith.addf %get3A_196, %get3A_200 : vector<16xf32>
        %max3A_202 = arith.constant 0.000000e+00 : f32
        %max3A_203 = vector.broadcast %max3A_202 : f32 to vector<16xf32>
        %max3A_204 = arith.maximumf %add3A_201, %max3A_203 : vector<16xf32>
        %swap3A_205 = arith.index_cast %scan3A_160 : i32 to index
        %swap3A_206 = arith.constant 32 : index
        %swap3A_207 = tpu.vector_load %arg8[%swap3A_205, %swap3A_206] {strides = array<i32>} : memref<200x64xf32, #tpu.memory_space<vmem>>, vector<1x16xf32>,
        %swap3A_208 = vector.shape_cast %swap3A_207 : vector<1x16xf32> to vector<16xf32>
        %swap3A_209 = vector.shape_cast %max3A_204 : vector<16xf32> to vector<1x16xf32>
        tpu.vector_store %arg8[%swap3A_205, %swap3A_206], %swap3A_209 {strides = array<i32>} : memref<200x64xf32, #tpu.memory_space<vmem>>, vector<1x16xf32>,
        %get3A_210 = arith.index_cast %scan3A_160 : i32 to index
        %get3A_211 = arith.constant 48 : index
        %get3A_212 = tpu.vector_load %arg8[%get3A_210, %get3A_211] {strides = array<i32>} : memref<200x64xf32, #tpu.memory_space<vmem>>, vector<1x16xf32>,
        %get3A_213 = vector.shape_cast %get3A_212 : vector<1x16xf32> to vector<16xf32>
        %get3A_214 = arith.index_cast %scan3A_160 : i32 to index
        %get3A_215 = arith.constant 48 : index
        %get3A_216 = tpu.vector_load %arg9[%get3A_214, %get3A_215] {strides = array<i32>} : memref<200x64xf32, #tpu.memory_space<vmem>>, vector<1x16xf32>,
        %get3A_217 = vector.shape_cast %get3A_216 : vector<1x16xf32> to vector<16xf32>
        %add3A_218 = arith.addf %get3A_213, %get3A_217 : vector<16xf32>
        %max3A_219 = arith.constant 0.000000e+00 : f32
        %max3A_220 = vector.broadcast %max3A_219 : f32 to vector<16xf32>
        %max3A_221 = arith.maximumf %add3A_218, %max3A_220 : vector<16xf32>
        %swap3A_222 = arith.index_cast %scan3A_160 : i32 to index
        %swap3A_223 = arith.constant 48 : index
        %swap3A_224 = tpu.vector_load %arg8[%swap3A_222, %swap3A_223] {strides = array<i32>} : memref<200x64xf32, #tpu.memory_space<vmem>>, vector<1x16xf32>,
        %swap3A_225 = vector.shape_cast %swap3A_224 : vector<1x16xf32> to vector<16xf32>
        %swap3A_226 = vector.shape_cast %max3A_221 : vector<16xf32> to vector<1x16xf32>
        tpu.vector_store %arg8[%swap3A_222, %swap3A_223], %swap3A_226 {strides = array<i32>} : memref<200x64xf32, #tpu.memory_space<vmem>>, vector<1x16xf32>,
        %scan3A_227 = arith.constant 0 : i32
        scf.yield %scan3A_227 : i32
      }
      %scan3A_156 = arith.constant 200 : i32
      %add3A_157 = arith.constant 800 : i32
      %add3A_158 = arith.addi %multiple_of3A, %add3A_157 : i32
      "tpu.region"() ({
        %run_scoped3A = tpu.sem_alloc : memref<!tpu.dma_semaphore, #tpu.memory_space<semaphore_mem>>
        %dma_start3A_160 = arith.constant 0 : i32
        %dma_start3A_161 = tpu.memref_slice %arg5[%add3A_158, %dma_start3A_160] : memref<800000x64xf32, #tpu.memory_space<hbm>> -> memref<200x64xf32, #tpu.memory_space<hbm>>
        %dma_start3A_162 = arith.constant 0 : i32
        %dma_start3A_163 = tpu.memref_slice %arg5[%add3A_158, %dma_start3A_162] : memref<800000x64xf32, #tpu.memory_space<hbm>> -> memref<200x64xf32, #tpu.memory_space<hbm>>
        tpu.enqueue_dma source(%arg8 : memref<200x64xf32, #tpu.memory_space<vmem>>) target(%dma_start3A_163 : memref<200x64xf32, #tpu.memory_space<hbm>>) target_semaphore(%run_scoped3A : memref<!tpu.dma_semaphore, #tpu.memory_space<semaphore_mem>>)
        %dma_wait3A_164 = arith.constant 0 : i32
        %dma_wait3A_165 = tpu.memref_slice %arg5[%add3A_158, %dma_wait3A_164] : memref<800000x64xf32, #tpu.memory_space<hbm>> -> memref<200x64xf32, #tpu.memory_space<hbm>>
        %dma_wait3A_166 = arith.constant 0 : i32
        %dma_wait3A_167 = tpu.memref_slice %arg5[%add3A_158, %dma_wait3A_166] : memref<800000x64xf32, #tpu.memory_space<hbm>> -> memref<200x64xf32, #tpu.memory_space<hbm>>
        tpu.wait_dma2 semaphore(%run_scoped3A : memref<!tpu.dma_semaphore, #tpu.memory_space<semaphore_mem>>) src(%arg8 : memref<200x64xf32, #tpu.memory_space<vmem>>) dst(%dma_wait3A_167 : memref<200x64xf32, #tpu.memory_space<hbm>>)
        tpu.yield
      }) : () -> ()
      %scan3A_159 = arith.constant 0 : i32
      scf.yield %scan3A_159 : i32
    }
    %scan3A_5 = arith.constant 25 : i32
    return
  }
}

module attributes {stable_mosaic.version = 14 : i64} {
  func.func @_featz_body(%arg0: i32, %arg1: i32, %arg2: memref<3200x128xf32, #tpu.memory_space<vmem>>, %arg3: memref<128x64xf32, #tpu.memory_space<vmem>>, %arg4: memref<1x64xf32, #tpu.memory_space<vmem>>, %arg5: memref<3200x64xf32, #tpu.memory_space<vmem>>, %arg6: memref<3200x128xf32, #tpu.memory_space<vmem>>, %arg7: memref<128x64xf32, #tpu.memory_space<vmem>>, %arg8: memref<1x64xf32, #tpu.memory_space<vmem>>, %arg9: memref<3200x64xf32, #tpu.memory_space<vmem>>, %arg10: memref<3200x1xf32, #tpu.memory_space<vmem>>, %arg11: memref<64x64xf32, #tpu.memory_space<vmem>>, %arg12: memref<3200x64xf32, #tpu.memory_space<vmem>>, %arg13: memref<3200x64xf32, #tpu.memory_space<vmem>>) attributes {dimension_semantics = [#tpu.dimension_semantics<arbitrary>, #tpu.dimension_semantics<arbitrary>], iteration_bounds = array<i64: 2, 8>, scalar_prefetch = 0 : i64, scratch_operands = 0 : i64, tpu.core_type = #tpu.core_type<tc>, window_params = [{transform_indices = @transform_0, window_bounds = array<i64: 3200, 128>}, {pipeline_mode = #tpu.pipeline_mode<synchronous>, transform_indices = @transform_1, window_bounds = array<i64: 128, 64>}, {pipeline_mode = #tpu.pipeline_mode<synchronous>, transform_indices = @transform_2, window_bounds = array<i64: 1, 64>}, {transform_indices = @transform_3, window_bounds = array<i64: 3200, 64>}, {transform_indices = @transform_4, window_bounds = array<i64: 3200, 128>}, {pipeline_mode = #tpu.pipeline_mode<synchronous>, transform_indices = @transform_5, window_bounds = array<i64: 128, 64>}, {pipeline_mode = #tpu.pipeline_mode<synchronous>, transform_indices = @transform_6, window_bounds = array<i64: 1, 64>}, {transform_indices = @transform_7, window_bounds = array<i64: 3200, 64>}, {transform_indices = @transform_8, window_bounds = array<i64: 3200, 1>}, {pipeline_mode = #tpu.pipeline_mode<synchronous>, transform_indices = @transform_9, window_bounds = array<i64: 64, 64>}, {transform_indices = @transform_10, window_bounds = array<i64: 3200, 64>}, {transform_indices = @transform_11, window_bounds = array<i64: 3200, 64>}]} {
    %get3A = arith.constant 0 : index
    %get3A_0 = arith.constant 0 : index
    %get3A_1 = vector.load %arg10[%get3A, %get3A_0] : memref<3200x1xf32, #tpu.memory_space<vmem>>, vector<3200x1xf32>
    %add3A = arith.constant 1.000000e+00 : f32
    %add3A_2 = vector.broadcast %add3A : f32 to vector<3200x1xf32>
    %add3A_3 = arith.addf %add3A_2, %get3A_1 : vector<3200x1xf32>
    %rsqrt3A = math.rsqrt %add3A_3 : vector<3200x1xf32>
    %eq3A = arith.constant 0 : i32
    %eq3A_4 = arith.cmpi eq, %arg0, %eq3A : i32
    %convert_element_type3A = arith.extui %eq3A_4 : i1 to i32
    %cond3A = arith.constant 0 : i32
    %cond3A_5 = arith.cmpi ne, %convert_element_type3A, %cond3A : i32
    scf.if %cond3A_5 {
      %get3A_11 = arith.constant 0 : index
      %get3A_12 = arith.constant 0 : index
      %get3A_13 = vector.load %arg2[%get3A_11, %get3A_12] : memref<3200x128xf32, #tpu.memory_space<vmem>>, vector<3200x128xf32>
      %get3A_14 = arith.constant 0 : index
      %get3A_15 = arith.constant 0 : index
      %get3A_16 = vector.load %arg3[%get3A_14, %get3A_15] : memref<128x64xf32, #tpu.memory_space<vmem>>, vector<128x64xf32>
      %dot_general3A = arith.constant dense<0.000000e+00> : vector<3200x64xf32>
      %dot_general3A_17 = tpu.matmul %get3A_13, %get3A_16, %dot_general3A {dimension_numbers = #tpu.dot_dimension_numbers<[1], [0], [0], [1], [0, 0, 1, 1], [], []>, transpose_lhs_hint = false} : vector<3200x128xf32>, vector<128x64xf32>, vector<3200x64xf32> -> vector<3200x64xf32>
      %get3A_18 = arith.constant 0 : index
      %get3A_19 = arith.constant 0 : index
      %get3A_20 = vector.load %arg4[%get3A_18, %get3A_19] : memref<1x64xf32, #tpu.memory_space<vmem>>, vector<1x64xf32>
      %add3A_21 = vector.broadcast %get3A_20 : vector<1x64xf32> to vector<3200x64xf32>
      %add3A_22 = arith.addf %dot_general3A_17, %add3A_21 : vector<3200x64xf32>
      %get3A_23 = arith.constant 0 : index
      %get3A_24 = arith.constant 0 : index
      %get3A_25 = vector.load %arg5[%get3A_23, %get3A_24] : memref<3200x64xf32, #tpu.memory_space<vmem>>, vector<3200x64xf32>
      %add3A_26 = arith.addf %add3A_22, %get3A_25 : vector<3200x64xf32>
      %swap3A = arith.constant 0 : index
      %swap3A_27 = arith.constant 0 : index
      %swap3A_28 = vector.load %arg12[%swap3A, %swap3A_27] : memref<3200x64xf32, #tpu.memory_space<vmem>>, vector<3200x64xf32>
      tpu.vector_store %arg12[%swap3A, %swap3A_27], %add3A_26 {strides = array<i32>} : memref<3200x64xf32, #tpu.memory_space<vmem>>, vector<3200x64xf32>,
      %get3A_29 = arith.constant 0 : index
      %get3A_30 = arith.constant 0 : index
      %get3A_31 = vector.load %arg11[%get3A_29, %get3A_30] : memref<64x64xf32, #tpu.memory_space<vmem>>, vector<64x64xf32>
      %dot_general3A_32 = arith.constant dense<0.000000e+00> : vector<3200x64xf32>
      %dot_general3A_33 = tpu.matmul %add3A_26, %get3A_31, %dot_general3A_32 {dimension_numbers = #tpu.dot_dimension_numbers<[1], [0], [0], [1], [0, 0, 1, 1], [], []>, transpose_lhs_hint = false} : vector<3200x64xf32>, vector<64x64xf32>, vector<3200x64xf32> -> vector<3200x64xf32>
      %mul3A = vector.broadcast %rsqrt3A : vector<3200x1xf32> to vector<3200x64xf32>
      %mul3A_34 = arith.mulf %mul3A, %dot_general3A_33 : vector<3200x64xf32>
      %swap3A_35 = arith.constant 0 : index
      %swap3A_36 = arith.constant 0 : index
      %swap3A_37 = vector.load %arg13[%swap3A_35, %swap3A_36] : memref<3200x64xf32, #tpu.memory_space<vmem>>, vector<3200x64xf32>
      tpu.vector_store %arg13[%swap3A_35, %swap3A_36], %mul3A_34 {strides = array<i32>} : memref<3200x64xf32, #tpu.memory_space<vmem>>, vector<3200x64xf32>,
    } else {
    }
    %eq3A_6 = arith.constant 1 : i32
    %eq3A_7 = arith.cmpi eq, %arg0, %eq3A_6 : i32
    %convert_element_type3A_8 = arith.extui %eq3A_7 : i1 to i32
    %cond3A_9 = arith.constant 0 : i32
    %cond3A_10 = arith.cmpi ne, %convert_element_type3A_8, %cond3A_9 : i32
    scf.if %cond3A_10 {
      %get3A_11 = arith.constant 0 : index
      %get3A_12 = arith.constant 0 : index
      %get3A_13 = vector.load %arg6[%get3A_11, %get3A_12] : memref<3200x128xf32, #tpu.memory_space<vmem>>, vector<3200x128xf32>
      %get3A_14 = arith.constant 0 : index
      %get3A_15 = arith.constant 0 : index
      %get3A_16 = vector.load %arg7[%get3A_14, %get3A_15] : memref<128x64xf32, #tpu.memory_space<vmem>>, vector<128x64xf32>
      %dot_general3A = arith.constant dense<0.000000e+00> : vector<3200x64xf32>
      %dot_general3A_17 = tpu.matmul %get3A_13, %get3A_16, %dot_general3A {dimension_numbers = #tpu.dot_dimension_numbers<[1], [0], [0], [1], [0, 0, 1, 1], [], []>, transpose_lhs_hint = false} : vector<3200x128xf32>, vector<128x64xf32>, vector<3200x64xf32> -> vector<3200x64xf32>
      %get3A_18 = arith.constant 0 : index
      %get3A_19 = arith.constant 0 : index
      %get3A_20 = vector.load %arg8[%get3A_18, %get3A_19] : memref<1x64xf32, #tpu.memory_space<vmem>>, vector<1x64xf32>
      %add3A_21 = vector.broadcast %get3A_20 : vector<1x64xf32> to vector<3200x64xf32>
      %add3A_22 = arith.addf %dot_general3A_17, %add3A_21 : vector<3200x64xf32>
      %get3A_23 = arith.constant 0 : index
      %get3A_24 = arith.constant 0 : index
      %get3A_25 = vector.load %arg9[%get3A_23, %get3A_24] : memref<3200x64xf32, #tpu.memory_space<vmem>>, vector<3200x64xf32>
      %add3A_26 = arith.addf %add3A_22, %get3A_25 : vector<3200x64xf32>
      %swap3A = arith.constant 0 : index
      %swap3A_27 = arith.constant 0 : index
      %swap3A_28 = vector.load %arg12[%swap3A, %swap3A_27] : memref<3200x64xf32, #tpu.memory_space<vmem>>, vector<3200x64xf32>
      tpu.vector_store %arg12[%swap3A, %swap3A_27], %add3A_26 {strides = array<i32>} : memref<3200x64xf32, #tpu.memory_space<vmem>>, vector<3200x64xf32>,
      %get3A_29 = arith.constant 0 : index
      %get3A_30 = arith.constant 0 : index
      %get3A_31 = vector.load %arg11[%get3A_29, %get3A_30] : memref<64x64xf32, #tpu.memory_space<vmem>>, vector<64x64xf32>
      %dot_general3A_32 = arith.constant dense<0.000000e+00> : vector<3200x64xf32>
      %dot_general3A_33 = tpu.matmul %add3A_26, %get3A_31, %dot_general3A_32 {dimension_numbers = #tpu.dot_dimension_numbers<[1], [0], [0], [1], [0, 0, 1, 1], [], []>, transpose_lhs_hint = false} : vector<3200x64xf32>, vector<64x64xf32>, vector<3200x64xf32> -> vector<3200x64xf32>
      %mul3A = vector.broadcast %rsqrt3A : vector<3200x1xf32> to vector<3200x64xf32>
      %mul3A_34 = arith.mulf %mul3A, %dot_general3A_33 : vector<3200x64xf32>
      %swap3A_35 = arith.constant 0 : index
      %swap3A_36 = arith.constant 0 : index
      %swap3A_37 = vector.load %arg13[%swap3A_35, %swap3A_36] : memref<3200x64xf32, #tpu.memory_space<vmem>>, vector<3200x64xf32>
      tpu.vector_store %arg13[%swap3A_35, %swap3A_36], %mul3A_34 {strides = array<i32>} : memref<3200x64xf32, #tpu.memory_space<vmem>>, vector<3200x64xf32>,
    } else {
    }
    return
  }
  func.func @transform_0(%arg0: i32, %arg1: i32) -> (i32, i32) {
    %c0_i32 = arith.constant 0 : i32
    %c0_i32_0 = arith.constant 0 : i32
    return %arg1, %c0_i32 : i32, i32
  }
  func.func @transform_1(%arg0: i32, %arg1: i32) -> (i32, i32) {
    %c0_i32 = arith.constant 0 : i32
    %c0_i32_0 = arith.constant 0 : i32
    %c0_i32_1 = arith.constant 0 : i32
    return %c0_i32, %c0_i32_0 : i32, i32
  }
  func.func @transform_2(%arg0: i32, %arg1: i32) -> (i32, i32) {
    %c0_i32 = arith.constant 0 : i32
    %c0_i32_0 = arith.constant 0 : i32
    %c0_i32_1 = arith.constant 0 : i32
    return %c0_i32, %c0_i32_0 : i32, i32
  }
  func.func @transform_3(%arg0: i32, %arg1: i32) -> (i32, i32) {
    %c0_i32 = arith.constant 0 : i32
    %c0_i32_0 = arith.constant 0 : i32
    return %arg1, %c0_i32 : i32, i32
  }
  func.func @transform_4(%arg0: i32, %arg1: i32) -> (i32, i32) {
    %c0_i32 = arith.constant 0 : i32
    %c0_i32_0 = arith.constant 0 : i32
    return %arg1, %c0_i32 : i32, i32
  }
  func.func @transform_5(%arg0: i32, %arg1: i32) -> (i32, i32) {
    %c0_i32 = arith.constant 0 : i32
    %c0_i32_0 = arith.constant 0 : i32
    %c0_i32_1 = arith.constant 0 : i32
    return %c0_i32, %c0_i32_0 : i32, i32
  }
  func.func @transform_6(%arg0: i32, %arg1: i32) -> (i32, i32) {
    %c0_i32 = arith.constant 0 : i32
    %c0_i32_0 = arith.constant 0 : i32
    %c0_i32_1 = arith.constant 0 : i32
    return %c0_i32, %c0_i32_0 : i32, i32
  }
  func.func @transform_7(%arg0: i32, %arg1: i32) -> (i32, i32) {
    %c0_i32 = arith.constant 0 : i32
    %c0_i32_0 = arith.constant 0 : i32
    return %arg1, %c0_i32 : i32, i32
  }
  func.func @transform_8(%arg0: i32, %arg1: i32) -> (i32, i32) {
    %mul3A = arith.constant 8 : i32
    %mul3A_0 = arith.muli %arg0, %mul3A : i32
    %add3A = arith.addi %mul3A_0, %arg1 : i32
    %c0_i32 = arith.constant 0 : i32
    %c0_i32_1 = arith.constant 0 : i32
    return %add3A, %c0_i32 : i32, i32
  }
  func.func @transform_9(%arg0: i32, %arg1: i32) -> (i32, i32) {
    %c0_i32 = arith.constant 0 : i32
    %c0_i32_0 = arith.constant 0 : i32
    %c0_i32_1 = arith.constant 0 : i32
    return %c0_i32, %c0_i32_0 : i32, i32
  }
  func.func @transform_10(%arg0: i32, %arg1: i32) -> (i32, i32) {
    %mul3A = arith.constant 8 : i32
    %mul3A_0 = arith.muli %arg0, %mul3A : i32
    %add3A = arith.addi %mul3A_0, %arg1 : i32
    %c0_i32 = arith.constant 0 : i32
    %c0_i32_1 = arith.constant 0 : i32
    return %add3A, %c0_i32 : i32, i32
  }
  func.func @transform_11(%arg0: i32, %arg1: i32) -> (i32, i32) {
    %mul3A = arith.constant 8 : i32
    %mul3A_0 = arith.muli %arg0, %mul3A : i32
    %add3A = arith.addi %mul3A_0, %arg1 : i32
    %c0_i32 = arith.constant 0 : i32
    %c0_i32_1 = arith.constant 0 : i32
    return %add3A, %c0_i32 : i32, i32
  }
}

module attributes {stable_mosaic.version = 14 : i64} {
  func.func @_combine1_body(%arg0: i32, %arg1: memref<3200x64xf32, #tpu.memory_space<vmem>>, %arg2: memref<3200x64xf32, #tpu.memory_space<vmem>>, %arg3: memref<3200x1xf32, #tpu.memory_space<vmem>>, %arg4: memref<1x64xf32, #tpu.memory_space<vmem>>, %arg5: memref<64x64xf32, #tpu.memory_space<vmem>>, %arg6: memref<3200x64xf32, #tpu.memory_space<vmem>>) attributes {dimension_semantics = [#tpu.dimension_semantics<arbitrary>], iteration_bounds = array<i64: 16>, scalar_prefetch = 0 : i64, scratch_operands = 0 : i64, tpu.core_type = #tpu.core_type<tc>, window_params = [{transform_indices = @transform_0, window_bounds = array<i64: 3200, 64>}, {transform_indices = @transform_1, window_bounds = array<i64: 3200, 64>}, {transform_indices = @transform_2, window_bounds = array<i64: 3200, 1>}, {pipeline_mode = #tpu.pipeline_mode<synchronous>, transform_indices = @transform_3, window_bounds = array<i64: 1, 64>}, {pipeline_mode = #tpu.pipeline_mode<synchronous>, transform_indices = @transform_4, window_bounds = array<i64: 64, 64>}, {transform_indices = @transform_5, window_bounds = array<i64: 3200, 64>}]} {
    %get3A = arith.constant 0 : index
    %get3A_0 = arith.constant 0 : index
    %get3A_1 = vector.load %arg3[%get3A, %get3A_0] : memref<3200x1xf32, #tpu.memory_space<vmem>>, vector<3200x1xf32>
    %add3A = arith.constant 1.000000e+00 : f32
    %add3A_2 = vector.broadcast %add3A : f32 to vector<3200x1xf32>
    %add3A_3 = arith.addf %add3A_2, %get3A_1 : vector<3200x1xf32>
    %rsqrt3A = math.rsqrt %add3A_3 : vector<3200x1xf32>
    %get3A_4 = arith.constant 0 : index
    %get3A_5 = arith.constant 0 : index
    %get3A_6 = vector.load %arg1[%get3A_4, %get3A_5] : memref<3200x64xf32, #tpu.memory_space<vmem>>, vector<3200x64xf32>
    %get3A_7 = arith.constant 0 : index
    %get3A_8 = arith.constant 0 : index
    %get3A_9 = vector.load %arg2[%get3A_7, %get3A_8] : memref<3200x64xf32, #tpu.memory_space<vmem>>, vector<3200x64xf32>
    %add3A_10 = arith.addf %get3A_6, %get3A_9 : vector<3200x64xf32>
    %mul3A = vector.broadcast %rsqrt3A : vector<3200x1xf32> to vector<3200x64xf32>
    %mul3A_11 = arith.mulf %mul3A, %add3A_10 : vector<3200x64xf32>
    %get3A_12 = arith.constant 0 : index
    %get3A_13 = arith.constant 0 : index
    %get3A_14 = vector.load %arg4[%get3A_12, %get3A_13] : memref<1x64xf32, #tpu.memory_space<vmem>>, vector<1x64xf32>
    %add3A_15 = vector.broadcast %get3A_14 : vector<1x64xf32> to vector<3200x64xf32>
    %add3A_16 = arith.addf %mul3A_11, %add3A_15 : vector<3200x64xf32>
    %max3A = arith.constant 0.000000e+00 : f32
    %max3A_17 = vector.broadcast %max3A : f32 to vector<3200x64xf32>
    %max3A_18 = arith.maximumf %add3A_16, %max3A_17 : vector<3200x64xf32>
    %get3A_19 = arith.constant 0 : index
    %get3A_20 = arith.constant 0 : index
    %get3A_21 = vector.load %arg5[%get3A_19, %get3A_20] : memref<64x64xf32, #tpu.memory_space<vmem>>, vector<64x64xf32>
    %dot_general3A = arith.constant dense<0.000000e+00> : vector<3200x64xf32>
    %dot_general3A_22 = tpu.matmul %max3A_18, %get3A_21, %dot_general3A {dimension_numbers = #tpu.dot_dimension_numbers<[1], [0], [0], [1], [0, 0, 1, 1], [], []>, transpose_lhs_hint = false} : vector<3200x64xf32>, vector<64x64xf32>, vector<3200x64xf32> -> vector<3200x64xf32>
    %mul3A_23 = vector.broadcast %rsqrt3A : vector<3200x1xf32> to vector<3200x64xf32>
    %mul3A_24 = arith.mulf %mul3A_23, %dot_general3A_22 : vector<3200x64xf32>
    %swap3A = arith.constant 0 : index
    %swap3A_25 = arith.constant 0 : index
    %swap3A_26 = vector.load %arg6[%swap3A, %swap3A_25] : memref<3200x64xf32, #tpu.memory_space<vmem>>, vector<3200x64xf32>
    tpu.vector_store %arg6[%swap3A, %swap3A_25], %mul3A_24 {strides = array<i32>} : memref<3200x64xf32, #tpu.memory_space<vmem>>, vector<3200x64xf32>,
    return
  }
  func.func @transform_0(%arg0: i32) -> (i32, i32) {
    %c0_i32 = arith.constant 0 : i32
    %c0_i32_0 = arith.constant 0 : i32
    return %arg0, %c0_i32 : i32, i32
  }
  func.func @transform_1(%arg0: i32) -> (i32, i32) {
    %c0_i32 = arith.constant 0 : i32
    %c0_i32_0 = arith.constant 0 : i32
    return %arg0, %c0_i32 : i32, i32
  }
  func.func @transform_2(%arg0: i32) -> (i32, i32) {
    %c0_i32 = arith.constant 0 : i32
    %c0_i32_0 = arith.constant 0 : i32
    return %arg0, %c0_i32 : i32, i32
  }
  func.func @transform_3(%arg0: i32) -> (i32, i32) {
    %c0_i32 = arith.constant 0 : i32
    %c0_i32_0 = arith.constant 0 : i32
    %c0_i32_1 = arith.constant 0 : i32
    return %c0_i32, %c0_i32_0 : i32, i32
  }
  func.func @transform_4(%arg0: i32) -> (i32, i32) {
    %c0_i32 = arith.constant 0 : i32
    %c0_i32_0 = arith.constant 0 : i32
    %c0_i32_1 = arith.constant 0 : i32
    return %c0_i32, %c0_i32_0 : i32, i32
  }
  func.func @transform_5(%arg0: i32) -> (i32, i32) {
    %c0_i32 = arith.constant 0 : i32
    %c0_i32_0 = arith.constant 0 : i32
    return %arg0, %c0_i32 : i32, i32
  }
}

module attributes {stable_mosaic.version = 14 : i64} {
  func.func @_combine2_body(%arg0: i32, %arg1: i32, %arg2: memref<3200x64xf32, #tpu.memory_space<vmem>>, %arg3: memref<3200x64xf32, #tpu.memory_space<vmem>>, %arg4: memref<3200x1xf32, #tpu.memory_space<vmem>>, %arg5: memref<1x64xf32, #tpu.memory_space<vmem>>, %arg6: memref<64x64xf32, #tpu.memory_space<vmem>>, %arg7: memref<64x64xf32, #tpu.memory_space<vmem>>, %arg8: memref<1x64xf32, #tpu.memory_space<vmem>>, %arg9: memref<3200x64xf32, #tpu.memory_space<vmem>>) attributes {dimension_semantics = [#tpu.dimension_semantics<arbitrary>, #tpu.dimension_semantics<arbitrary>], iteration_bounds = array<i64: 2, 8>, scalar_prefetch = 0 : i64, scratch_operands = 0 : i64, tpu.core_type = #tpu.core_type<tc>, window_params = [{transform_indices = @transform_0, window_bounds = array<i64: 3200, 64>}, {transform_indices = @transform_1, window_bounds = array<i64: 3200, 64>}, {transform_indices = @transform_2, window_bounds = array<i64: 3200, 1>}, {pipeline_mode = #tpu.pipeline_mode<synchronous>, transform_indices = @transform_3, window_bounds = array<i64: 1, 64>}, {pipeline_mode = #tpu.pipeline_mode<synchronous>, transform_indices = @transform_4, window_bounds = array<i64: 64, 64>}, {pipeline_mode = #tpu.pipeline_mode<synchronous>, transform_indices = @transform_5, window_bounds = array<i64: 64, 64>}, {pipeline_mode = #tpu.pipeline_mode<synchronous>, transform_indices = @transform_6, window_bounds = array<i64: 1, 64>}, {transform_indices = @transform_7, window_bounds = array<i64: 3200, 64>}]} {
    %get3A = arith.constant 0 : index
    %get3A_0 = arith.constant 0 : index
    %get3A_1 = vector.load %arg4[%get3A, %get3A_0] : memref<3200x1xf32, #tpu.memory_space<vmem>>, vector<3200x1xf32>
    %add3A = arith.constant 1.000000e+00 : f32
    %add3A_2 = vector.broadcast %add3A : f32 to vector<3200x1xf32>
    %add3A_3 = arith.addf %add3A_2, %get3A_1 : vector<3200x1xf32>
    %rsqrt3A = math.rsqrt %add3A_3 : vector<3200x1xf32>
    %get3A_4 = arith.constant 0 : index
    %get3A_5 = arith.constant 0 : index
    %get3A_6 = vector.load %arg2[%get3A_4, %get3A_5] : memref<3200x64xf32, #tpu.memory_space<vmem>>, vector<3200x64xf32>
    %get3A_7 = arith.constant 0 : index
    %get3A_8 = arith.constant 0 : index
    %get3A_9 = vector.load %arg3[%get3A_7, %get3A_8] : memref<3200x64xf32, #tpu.memory_space<vmem>>, vector<3200x64xf32>
    %add3A_10 = arith.addf %get3A_6, %get3A_9 : vector<3200x64xf32>
    %mul3A = vector.broadcast %rsqrt3A : vector<3200x1xf32> to vector<3200x64xf32>
    %mul3A_11 = arith.mulf %mul3A, %add3A_10 : vector<3200x64xf32>
    %get3A_12 = arith.constant 0 : index
    %get3A_13 = arith.constant 0 : index
    %get3A_14 = vector.load %arg5[%get3A_12, %get3A_13] : memref<1x64xf32, #tpu.memory_space<vmem>>, vector<1x64xf32>
    %add3A_15 = vector.broadcast %get3A_14 : vector<1x64xf32> to vector<3200x64xf32>
    %add3A_16 = arith.addf %mul3A_11, %add3A_15 : vector<3200x64xf32>
    %eq3A = arith.constant 0 : i32
    %eq3A_17 = arith.cmpi eq, %arg0, %eq3A : i32
    %convert_element_type3A = arith.extui %eq3A_17 : i1 to i32
    %cond3A = arith.constant 0 : i32
    %cond3A_18 = arith.cmpi ne, %convert_element_type3A, %cond3A : i32
    scf.if %cond3A_18 {
      %get3A_24 = arith.constant 0 : index
      %get3A_25 = arith.constant 0 : index
      %get3A_26 = vector.load %arg6[%get3A_24, %get3A_25] : memref<64x64xf32, #tpu.memory_space<vmem>>, vector<64x64xf32>
      %dot_general3A = arith.constant dense<0.000000e+00> : vector<3200x64xf32>
      %dot_general3A_27 = tpu.matmul %add3A_16, %get3A_26, %dot_general3A {dimension_numbers = #tpu.dot_dimension_numbers<[1], [0], [0], [1], [0, 0, 1, 1], [], []>, transpose_lhs_hint = false} : vector<3200x64xf32>, vector<64x64xf32>, vector<3200x64xf32> -> vector<3200x64xf32>
      %get3A_28 = arith.constant 0 : index
      %get3A_29 = arith.constant 0 : index
      %get3A_30 = vector.load %arg8[%get3A_28, %get3A_29] : memref<1x64xf32, #tpu.memory_space<vmem>>, vector<1x64xf32>
      %add3A_31 = vector.broadcast %get3A_30 : vector<1x64xf32> to vector<3200x64xf32>
      %add3A_32 = arith.addf %dot_general3A_27, %add3A_31 : vector<3200x64xf32>
      %swap3A = arith.constant 0 : index
      %swap3A_33 = arith.constant 0 : index
      %swap3A_34 = vector.load %arg9[%swap3A, %swap3A_33] : memref<3200x64xf32, #tpu.memory_space<vmem>>, vector<3200x64xf32>
      tpu.vector_store %arg9[%swap3A, %swap3A_33], %add3A_32 {strides = array<i32>} : memref<3200x64xf32, #tpu.memory_space<vmem>>, vector<3200x64xf32>,
    } else {
    }
    %eq3A_19 = arith.constant 1 : i32
    %eq3A_20 = arith.cmpi eq, %arg0, %eq3A_19 : i32
    %convert_element_type3A_21 = arith.extui %eq3A_20 : i1 to i32
    %cond3A_22 = arith.constant 0 : i32
    %cond3A_23 = arith.cmpi ne, %convert_element_type3A_21, %cond3A_22 : i32
    scf.if %cond3A_23 {
      %get3A_24 = arith.constant 0 : index
      %get3A_25 = arith.constant 0 : index
      %get3A_26 = vector.load %arg7[%get3A_24, %get3A_25] : memref<64x64xf32, #tpu.memory_space<vmem>>, vector<64x64xf32>
      %dot_general3A = arith.constant dense<0.000000e+00> : vector<3200x64xf32>
      %dot_general3A_27 = tpu.matmul %add3A_16, %get3A_26, %dot_general3A {dimension_numbers = #tpu.dot_dimension_numbers<[1], [0], [0], [1], [0, 0, 1, 1], [], []>, transpose_lhs_hint = false} : vector<3200x64xf32>, vector<64x64xf32>, vector<3200x64xf32> -> vector<3200x64xf32>
      %swap3A = arith.constant 0 : index
      %swap3A_28 = arith.constant 0 : index
      %swap3A_29 = vector.load %arg9[%swap3A, %swap3A_28] : memref<3200x64xf32, #tpu.memory_space<vmem>>, vector<3200x64xf32>
      tpu.vector_store %arg9[%swap3A, %swap3A_28], %dot_general3A_27 {strides = array<i32>} : memref<3200x64xf32, #tpu.memory_space<vmem>>, vector<3200x64xf32>,
    } else {
    }
    return
  }
  func.func @transform_0(%arg0: i32, %arg1: i32) -> (i32, i32) {
    %mul3A = arith.constant 8 : i32
    %mul3A_0 = arith.muli %arg0, %mul3A : i32
    %add3A = arith.addi %mul3A_0, %arg1 : i32
    %c0_i32 = arith.constant 0 : i32
    %c0_i32_1 = arith.constant 0 : i32
    return %add3A, %c0_i32 : i32, i32
  }
  func.func @transform_1(%arg0: i32, %arg1: i32) -> (i32, i32) {
    %mul3A = arith.constant 8 : i32
    %mul3A_0 = arith.muli %arg0, %mul3A : i32
    %add3A = arith.addi %mul3A_0, %arg1 : i32
    %c0_i32 = arith.constant 0 : i32
    %c0_i32_1 = arith.constant 0 : i32
    return %add3A, %c0_i32 : i32, i32
  }
  func.func @transform_2(%arg0: i32, %arg1: i32) -> (i32, i32) {
    %mul3A = arith.constant 8 : i32
    %mul3A_0 = arith.muli %arg0, %mul3A : i32
    %add3A = arith.addi %mul3A_0, %arg1 : i32
    %c0_i32 = arith.constant 0 : i32
    %c0_i32_1 = arith.constant 0 : i32
    return %add3A, %c0_i32 : i32, i32
  }
  func.func @transform_3(%arg0: i32, %arg1: i32) -> (i32, i32) {
    %c0_i32 = arith.constant 0 : i32
    %c0_i32_0 = arith.constant 0 : i32
    %c0_i32_1 = arith.constant 0 : i32
    return %c0_i32, %c0_i32_0 : i32, i32
  }
  func.func @transform_4(%arg0: i32, %arg1: i32) -> (i32, i32) {
    %c0_i32 = arith.constant 0 : i32
    %c0_i32_0 = arith.constant 0 : i32
    %c0_i32_1 = arith.constant 0 : i32
    return %c0_i32, %c0_i32_0 : i32, i32
  }
  func.func @transform_5(%arg0: i32, %arg1: i32) -> (i32, i32) {
    %c0_i32 = arith.constant 0 : i32
    %c0_i32_0 = arith.constant 0 : i32
    %c0_i32_1 = arith.constant 0 : i32
    return %c0_i32, %c0_i32_0 : i32, i32
  }
  func.func @transform_6(%arg0: i32, %arg1: i32) -> (i32, i32) {
    %c0_i32 = arith.constant 0 : i32
    %c0_i32_0 = arith.constant 0 : i32
    %c0_i32_1 = arith.constant 0 : i32
    return %c0_i32, %c0_i32_0 : i32, i32
  }
  func.func @transform_7(%arg0: i32, %arg1: i32) -> (i32, i32) {
    %mul3A = arith.constant 8 : i32
    %mul3A_0 = arith.muli %arg0, %mul3A : i32
    %add3A = arith.addi %mul3A_0, %arg1 : i32
    %c0_i32 = arith.constant 0 : i32
    %c0_i32_1 = arith.constant 0 : i32
    return %add3A, %c0_i32 : i32, i32
  }
}

module attributes {stable_mosaic.version = 14 : i64} {
  func.func @_final_body(%arg0: i32, %arg1: memref<8000x64xf32, #tpu.memory_space<vmem>>, %arg2: memref<1x64xf32, #tpu.memory_space<vmem>>, %arg3: memref<1x1xf32, #tpu.memory_space<vmem>>, %arg4: memref<8000x1xf32, #tpu.memory_space<vmem>>) attributes {dimension_semantics = [#tpu.dimension_semantics<arbitrary>], iteration_bounds = array<i64: 100>, scalar_prefetch = 0 : i64, scratch_operands = 0 : i64, tpu.core_type = #tpu.core_type<tc>, window_params = [{transform_indices = @transform_0, window_bounds = array<i64: 8000, 64>}, {pipeline_mode = #tpu.pipeline_mode<synchronous>, transform_indices = @transform_1, window_bounds = array<i64: 1, 64>}, {pipeline_mode = #tpu.pipeline_mode<synchronous>, transform_indices = @transform_2, window_bounds = array<i64: 1, 1>}, {transform_indices = @transform_3, window_bounds = array<i64: 8000, 1>}]} {
    %get3A = arith.constant 0 : index
    %get3A_0 = arith.constant 0 : index
    %get3A_1 = vector.load %arg1[%get3A, %get3A_0] : memref<8000x64xf32, #tpu.memory_space<vmem>>, vector<8000x64xf32>
    %convert_element_type3A = arith.truncf %get3A_1 : vector<8000x64xf32> to vector<8000x64xbf16>
    %convert_element_type3A_2 = arith.extf %convert_element_type3A : vector<8000x64xbf16> to vector<8000x64xf32>
    %get3A_3 = arith.constant 0 : index
    %get3A_4 = arith.constant 0 : index
    %get3A_5 = vector.load %arg2[%get3A_3, %get3A_4] : memref<1x64xf32, #tpu.memory_space<vmem>>, vector<1x64xf32>
    %convert_element_type3A_6 = arith.truncf %get3A_5 : vector<1x64xf32> to vector<1x64xbf16>
    %convert_element_type3A_7 = arith.extf %convert_element_type3A_6 : vector<1x64xbf16> to vector<1x64xf32>
    %mul3A = vector.broadcast %convert_element_type3A_7 : vector<1x64xf32> to vector<8000x64xf32>
    %mul3A_8 = arith.mulf %convert_element_type3A_2, %mul3A : vector<8000x64xf32>
    %reduce_sum3A = arith.constant dense<0.000000e+00> : vector<8000xf32>
    %reduce_sum3A_9 = vector.multi_reduction <add>, %mul3A_8, %reduce_sum3A [1] : vector<8000x64xf32> to vector<8000xf32>
    %broadcast_in_dim3A = vector.shape_cast %reduce_sum3A_9 : vector<8000xf32> to vector<8000x1xf32>
    %get3A_10 = arith.constant 0 : index
    %get3A_11 = arith.constant 0 : index
    %get3A_12 = vector.load %arg3[%get3A_10, %get3A_11] : memref<1x1xf32, #tpu.memory_space<vmem>>, vector<1x1xf32>
    %add3A = vector.broadcast %get3A_12 : vector<1x1xf32> to vector<8000x1xf32>
    %add3A_13 = arith.addf %broadcast_in_dim3A, %add3A : vector<8000x1xf32>
    %swap3A = arith.constant 0 : index
    %swap3A_14 = arith.constant 0 : index
    %swap3A_15 = vector.load %arg4[%swap3A, %swap3A_14] : memref<8000x1xf32, #tpu.memory_space<vmem>>, vector<8000x1xf32>
    tpu.vector_store %arg4[%swap3A, %swap3A_14], %add3A_13 {strides = array<i32>} : memref<8000x1xf32, #tpu.memory_space<vmem>>, vector<8000x1xf32>,
    return
  }
  func.func @transform_0(%arg0: i32) -> (i32, i32) {
    %c0_i32 = arith.constant 0 : i32
    %c0_i32_0 = arith.constant 0 : i32
    return %arg0, %c0_i32 : i32, i32
  }
  func.func @transform_1(%arg0: i32) -> (i32, i32) {
    %c0_i32 = arith.constant 0 : i32
    %c0_i32_0 = arith.constant 0 : i32
    %c0_i32_1 = arith.constant 0 : i32
    return %c0_i32, %c0_i32_0 : i32, i32
  }
  func.func @transform_2(%arg0: i32) -> (i32, i32) {
    %c0_i32 = arith.constant 0 : i32
    %c0_i32_0 = arith.constant 0 : i32
    %c0_i32_1 = arith.constant 0 : i32
    return %c0_i32, %c0_i32_0 : i32, i32
  }
  func.func @transform_3(%arg0: i32) -> (i32, i32) {
    %c0_i32 = arith.constant 0 : i32
    %c0_i32_0 = arith.constant 0 : i32
    return %arg0, %c0_i32 : i32, i32
  }
}

</mosaic_0001>

<sc_bundles>
// kernel: kernel.10.cloned.1.call-start
scs
__scs_entry_jumppad:
0x0: {  	(pc) =	sbr.rel $0x88, $3  }
0x1: {  	(tag) =	ssettag $0x0;
	lr =	simm.s32 $0x1  }
0x2: {  	[smem:$0x3F90] =	sst lr;
	_ =	strace $0xD0000000  }
0x3: {  	_ = 	snop  }
0x4: {  	_ = 	snop  }
0x5: {  	_ = 	snop  }
0x6: {  	_ = 	snop  }
0x7: {  	_ = 	snop  }
__scs_overlays_trampoline_lowered:
0x8: {  	[smem:$0x3F9F] =	sst s0  }
0x9: {  	[smem:$0x3FA0] =	sst s1  }
0xa: {  	[smem:$0x3FA1] =	sst s2  }
0xb: {  	[smem:$0x3FA2] =	sst s3  }
0xc: {  	[smem:$0x3FA3] =	sst s4  }
0xd: {  	[smem:$0x3FA4] =	sst s5  }
0xe: {  	[smem:$0x3FA5] =	sst s6  }
0xf: {  	[smem:$0x3FA6] =	sst s7  }
0x10: {  	[smem:$0x3FA7] =	sst s8  }
0x11: {  	[smem:$0x3FA8] =	sst s9;
	s0 =	simm.s32 @!p0 $0x0  }
0x12: {  	s1 =	sld [smem:$0x3F8E];
	s0 =	simm.s32 @p0 $0x1  }
0x13: {  	[smem:$0x3FA9] =	sst s0;
	s0 =	simm.s32 @!p1 $0x0  }
0x14: {  	s2 =	sld [smem:$0x3F8D];
	s0 =	simm.s32 @p1 $0x1  }
0x15: {  	[smem:$0x3FAA] =	sst s0;
	s0 =	simm.s32 @!p2 $0x0  }
0x16: {  	s3 =	sld [smem:$0x3FDB];
	s0 =	simm.s32 @p2 $0x1  }
0x17: {  	s4 =	simm.s32 $0x1BF5;
	[smem:$0x3FAC] =	sst s0  }
0x18: {  	s0 =	sld [smem:$0x3F8F];
	_ =	swait.ge [sflag:s4], $0x0  }
0x19: {  	s7 =	sld [smem:$0x3F90]  }
0x1a: {  	s8 =	sadd.s32 $0xFFFFE003, lr  }
0x1b: {  	s9 =	sadd.s32 $0xFFFFFEF7, lr;
	s5 =	simm.s32 $0xFFFFFFFF;
	p2 =	slt.u32 s8, $0xFFFFF086  }
0x1c: {  	p1 =	slt.u32 s9, $0xF7A;
	s5 =	simm.s32 @!p2 $0x0  }
0x1d: {  	s5 =	simm.s32 @p1 $0x1;
	p0 =	seq.s32 s7, s2  }
0x1e: {  	s7 =	smul.u32 @!p0 $0xF7A, s2;
	p2 =	seq.s32 @!p0 s5, $0x0  }
0x1f: {  	s9 =	smul.u32 $0xF7A, s1;
	s8 =	simm.s32 @!p0 $0x1BF5;
	p2 =	por !p2, p0  }
0x20: {  	[sflag:s8] =	ssyncset.s32 @!p0 $0xFFFFF086;
	s6 =	sadd.s32 @!p0 s3, s7;
	s7 =	simm.s32 @!p0 $0x108  }
0x21: {  	s3 =	sadd.s32 s3, s9;
	s6 =	sadd.s32 @!p0 $0x88, s6;
	s7 =	simm.s32 @p2 $0x1082  }
0x22: {  	[simem:s7], [sflag:s8] =	dma.local @!p0 [hbm:s6], $0xF7A  }
0x23: {  	s9 =	sor.u32 $0xD0000000, s2;
	s6 =	simm.s32 $0x108;
	_ =	swait.ge @!p0 [sflag:s8], $0x0  }
0x24: {  	s3 =	sadd.s32 $0x88, s3;
	s6 =	simm.s32 @!p1 $0x1082;
	[sflag:s4] =	ssyncset.s32 $0xFFFFF086  }
0x25: {  	[simem:s6], [sflag:s4] =	dma.local [hbm:s3], $0xF7A  }
0x26: {  	[smem:$0x3F90] =	sst s1;
	(tag) =	ssettag s2;
	_ =	strace s9  }
0x27: {  	s1 =	sld [smem:$0x3FA0]  }
0x28: {  	s2 =	sld [smem:$0x3FA1]  }
0x29: {  	s4 =	sld [smem:$0x3FA3]  }
0x2a: {  	p0 =	seq.s32 s5, $0x0;
	s5 =	sld [smem:$0x3FA4]  }
0x2b: {  	s6 =	sld [smem:$0x3FA5]  }
0x2c: {  	s7 =	sld [smem:$0x3FA6]  }
0x2d: {  	s3 =	simm.s32 $0x108;
	s8 =	sld [smem:$0x3FA7]  }
0x2e: {  	s3 =	simm.s32 @!p0 $0x1082;
	s9 =	sld [smem:$0x3FA8]  }
0x2f: {  	lr =	sadd.s32 s0, s3;
	s0 =	sld [smem:$0x3F9F]  }
0x30: {  	s3 =	sld [smem:$0x3FA2]  }
0x31: {  	[smem:$0x3FAB] =	sst s10  }
0x32: {  	s10 =	sld [smem:$0x3FA9];
	_ =	sdelay $0x3  }
0x33: {  	p0 =	seq.s32 s10, $0x1;
	s10 =	sld [smem:$0x3FAB];
	_ =	sdelay $0x3  }
0x34: {  	[smem:$0x3FAB] =	sst s10  }
0x35: {  	s10 =	sld [smem:$0x3FAA];
	_ =	sdelay $0x3  }
0x36: {  	p1 =	seq.s32 s10, $0x1;
	s10 =	sld [smem:$0x3FAB];
	_ =	sdelay $0x3  }
0x37: {  	[smem:$0x3FAB] =	sst s10  }
0x38: {  	s10 =	sld [smem:$0x3FAC]  }
0x39: {  	_ = 	snop;
	(pc) =	sbr.ind lr, $3  }
0x3a: {  	_ = 	snop  }
0x3b: {  	_ = 	snop  }
0x3c: {  	p2 =	seq.s32 s10, $0x1;
	s10 =	sld [smem:$0x3FAB]  }
0x3d: {  	_ =	shalt  }
0x3e: {  	_ =	shalt  }
0x3f: {  	_ =	shalt  }
0x40: {  	_ =	shalt  }
0x41: {  	_ =	shalt  }
0x42: {  	_ =	shalt  }
0x43: {  	_ =	shalt  }
0x44: {  	_ =	shalt  }
0x45: {  	_ =	shalt  }
0x46: {  	_ =	shalt  }
0x47: {  	_ =	shalt  }
0x48: {  	_ =	shalt  }
0x49: {  	_ =	shalt  }
0x4a: {  	_ =	shalt  }
0x4b: {  	_ =	shalt  }
0x4c: {  	_ =	shalt  }
0x4d: {  	_ =	shalt  }
0x4e: {  	_ =	shalt  }
0x4f: {  	_ =	shalt  }
0x50: {  	_ =	shalt  }
0x51: {  	_ =	shalt  }
0x52: {  	_ =	shalt  }
0x53: {  	_ =	shalt  }
0x54: {  	_ =	shalt  }
0x55: {  	_ =	shalt  }
0x56: {  	_ =	shalt  }
0x57: {  	_ =	shalt  }
0x58: {  	_ =	shalt  }
0x59: {  	_ =	shalt  }
0x5a: {  	_ =	shalt  }
0x5b: {  	_ =	shalt  }
0x5c: {  	_ =	shalt  }
0x5d: {  	_ =	shalt  }
0x5e: {  	_ =	shalt  }
0x5f: {  	_ =	shalt  }
0x60: {  	_ =	shalt  }
0x61: {  	_ =	shalt  }
0x62: {  	_ =	shalt  }
0x63: {  	_ =	shalt  }
0x64: {  	_ =	shalt  }
0x65: {  	_ =	shalt  }
0x66: {  	_ =	shalt  }
0x67: {  	_ =	shalt  }
0x68: {  	_ =	shalt  }
0x69: {  	_ =	shalt  }
0x6a: {  	_ =	shalt  }
0x6b: {  	_ =	shalt  }
0x6c: {  	_ =	shalt  }
0x6d: {  	_ =	shalt  }
0x6e: {  	_ =	shalt  }
0x6f: {  	_ =	shalt  }
0x70: {  	_ =	shalt  }
0x71: {  	_ =	shalt  }
0x72: {  	_ =	shalt  }
0x73: {  	_ =	shalt  }
0x74: {  	_ =	shalt  }
0x75: {  	_ =	shalt  }
0x76: {  	_ =	shalt  }
0x77: {  	_ =	shalt  }
0x78: {  	_ =	shalt  }
0x79: {  	_ =	shalt  }
0x7a: {  	_ =	shalt  }
0x7b: {  	_ =	shalt  }
0x7c: {  	_ =	shalt  }
0x7d: {  	_ =	shalt  }
0x7e: {  	_ =	shalt  }
0x7f: {  	_ =	shalt  }
0x80: {  	_ =	shalt  }
0x81: {  	_ =	shalt  }
0x82: {  	_ =	shalt  }
0x83: {  	_ =	shalt  }
0x84: {  	_ =	shalt  }
0x85: {  	_ =	shalt  }
0x86: {  	_ =	shalt  }
0x87: {  	_ =	shalt  }
.Lfunc_end0:
.L_simem_size_0:
called_computation_lowered:
.L_overlay_start_0:
0x88: {  	s2 =	sld [smem:$0x3FD9]  }
0x89: {  	s3 =	sld [smem:$0x3FFE];
	_ =	sdelay $0x1  }
0x8a: {  	s1 =	srdreg.scid  }
0x8b: {  	s0 =	sand.u32 $0x1, s1  }
0x8c: {  	s17 =	sshll.u32 s0, $0xA;
	s2 =	sadd.s32 s3, s2  }
0x8d: {  	s2 =	sadd.s32 s2, s17  }
0x8e: {  	[smem:$0x3FB7] =	sst s2  }
0x8f: {  	_ = 	snop  }
0x90: {  	s2 =	sld [smem:$0x3FD0];
	(tm) =	ssettm $0x1  }
0x91: {  	s18 =	sld [smem:$0x3FFB];
	_ =	sdelay $0x3  }
0x92: {  	_ =	strace s18  }
0x93: {  	s3 =	sld [smem:$0x3FFC];
	_ =	sdelay $0x3  }
0x94: {  	_ =	strace s3  }
0x95: {  	s3 =	sld [smem:$0x3FFD];
	_ =	sdelay $0x3  }
0x96: {  	_ =	strace s3  }
0x97: {  	_ =	strace $0x8FFFFFFF  }
0x98: {  	s19 =	sld [smem:$0x3FDB];
	_ =	sdelay $0x1  }
0x99: {  	s4 =	simm.s32 $_scs_section_size  }
0x9a: {  	s5 =	simm.s32 $_size__tile_overlayer_lowered;
	s6 =	simm.s32 $_tile_overlayer_lowered  }
0x9b: {  	s22 =	simm.s32 $0x1BFF;
	s21 =	sshll.u32 s6, $0x1;
	s3 =	sadd.s32 s4, s19  }
0x9c: {  	s7 =	simm.s32 $0x0;
	s20 =	sshll.u32 s5, $0x1;
	s5 =	sadd.s32 s21, s3  }
0x9d: {  	[timem:s7], [sflag:s22] =	dma.local [hbm:s5], s20  }
0x9e: {  	_ =	swait.ge [sflag:s22], s20  }
0x9f: {  	s4 =	ssub.s32 $0x0, s20;
	[sflag:s22] =	ssyncset.done $0x0  }
0xa0: {  	[sflag:s22] =	ssyncadd.s32 s4;
	_ =	sdelay $0x1  }
0xa1: {  	s23 =	simm.s32 $0x1B8B  }
0xa2: {  	_ =	swait.ge [sflag:s23], $0x1  }
0xa3: {  	[sflag:s23] =	ssyncset.done $0x0  }
0xa4: {  	s25 =	simm.s32 $0x1B8E;
	s24 =	sld [smem:$0x3FFE];
	[sflag:s23] =	ssyncadd.s32 $0xFFFFFFFF  }
0xa5: {  	s26 =	simm.s32 $execute0_lowered;
	[smem:$0x3FD2] =	sst s25  }
0xa6: {  	s5 =	sshll.u32 s26, $0x1;
	_ =	strace $0x80000046;
	[dreg:$0x1] =	wrdreg $0xFFFFFFFF  }
0xa7: {  	s28 =	simm.s32 $_size_execute0_lowered;
	s3 =	sadd.s32 s3, s5;
	[dreg:$0x0] =	wrdreg $0x0  }
0xa8: {  	s5 =	sshll.u32 s28, $0x1;
	[dreg:$0x2] =	wrdreg s3  }
0xa9: {  	[dreg:$0x3] =	wrdreg s5  }
0xaa: {  	[dreg:$0x4] =	wrdreg $0xC0  }
0xab: {  	_ =	task [dreg:s7], $0x5FFFF  }
0xac: {  	[dreg:$0x1] =	wrdreg $0xFFFFFFFF  }
0xad: {  	[dreg:$0x0] =	wrdreg $0x60  }
0xae: {  	[dreg:$0x2] =	wrdreg s24  }
0xaf: {  	[dreg:$0x3] =	wrdreg s2  }
0xb0: {  	[dreg:$0x4] =	wrdreg $0x15E00  }
0xb1: {  	[dreg:$0x5] =	wrdreg $0x9  }
0xb2: {  	_ =	task.clear_ibuf [dreg:s7], $0x6FFFF;
	_ =	strace $0x90000046  }
0xb3: {  	s29 =	simm.s32 $0x9;
	_ =	strace $0x80000048  }
0xb4: {  	_ =	swait.ge [sflag:s29], $0x1  }
0xb5: {  	[sflag:s29] =	ssyncadd.s32 $0xFFFFFFFF  }
0xb6: {  	_ =	strace $0x90000048  }
0xb7: {  	_ =	sfence  }
0xb8: {  	s30 =	sld [smem:$0x0];
	_ =	sdelay $0x2  }
0xb9: {  	s31 =	sshll.u32 s1, $0xD;
	s1 =	sshrl.u32 s1, $0x2  }
0xba: {  	s3 =	sand.u32 $0x4000, s31;
	s1 =	sadd.s32 s1, s30  }
0xbb: {  	s0 =	sor.u32 s3, s0;
	s1 =	sshll.u32 s1, $0x11  }
0xbc: {  	s0 =	sor.u32 s1, s0  }
0xbd: {  	s0 =	sadd.s32 $0x8F2B, s0  }
0xbe: {  	[sflag:s0] =	ssyncadd.remote.s32 $0x1  }
0xbf: {  	_ =	sfence.sel $0xFFFF  }
0xc0: {  	[dreg:$0x0] =	wrdreg $0xFFFFFFFF;
	(pc) =	sbr.abs _section_cstart, $3  }
0xc1: {  	[dreg:$0x1] =	wrdreg $0xFFFFFFFF  }
0xc2: {  	_ =	task.clear_ibuf [dreg:s7], $0x2FFFF;
	_ =	strace $0x9FFFFFFF  }
0xc3: {  	(tm) =	ssettm $0x7FFFFFFF  }
tec
execute0_lowered:
.L_overlay_start_1:
0x0: {  	(tag) =	ssettag $0x1  }
0x1: {  	s0 =	srdreg.scid;
	s4 =	rddreg [dreg:$0x0]  }
0x2: {  	s6 =	rddreg [dreg:$0x1];
	s5 =	sand.u32 $0x1, s0;
	s0 =	stileid.u32  }
0x3: {  	s2 =	rddreg [dreg:$0x2];
	s9 =	smul.u32 $0xC350, s0  }
0x4: {  	s1 =	rddreg [dreg:$0x3];
	s7 =	sxor.u32 $0x1, s5;
	s10 =	smul.u32 $0x640, s0  }
0x5: {  	s3 =	simm.s32 $0x0;
	s11 =	simm.s32 $0x0;
	s8 =	smul.u32 $0xC3500, s7  }
0x6: {  	[smem:$0x7FF] =	sst s3;
	s5 =	ssub.s32 $0x2, s5;
	s7 =	smul.u32 $0x6400, s7  }
0x7: {  	_ =	strace $0x80000047;
	s30 =	sshrl.u32 s5, $0x1;
	s8 =	sadd.s32 s9, s8  }
0x8: {  	s31 =	ssub.s32 s5, s30;
	s7 =	sadd.s32 s10, s7;
	s8 =	sshrl.u32 s8, $0x3  }
0x9: {  	s9 =	simm.s32 $0x1;
	s7 =	sshrl.u32 s7, $0x3;
	s8 =	sadd.s32 s8, s4  }
0xa: {  	s4 =	sadd.s32 s10, s2;
	s5 =	sadd.s32 s6, s7;
	s6 =	smax.u32 s31, $0x1  }
0xb: {  	v0 =	vimm.f32 $1.000000000e+00;
	v1 =	vimm.f32 $0.0e+00;
	s10 =	simm.s32 $0x7D0;
	s7 =	sadd.s32 $0x34E00, s8;
	s8 =	simm.s32 $0xFA0  }
.LBB2_1:
0xc: {  	s12 =	simm.s32 $0x0  }
.LBB2_2:
0xd: {  	p0 =	sne.s32 s12, $0x1F00  }
.Ltmp0:
0xe: {  	_ = 	snop;
	(pc) =	sbr.rel @p0 .LBB2_2-.Ltmp0, $3  }
0xf: {  	_ =	sdelay $0x1  }
0x10: {  	s13 =	sshra.s32 s12, $0x2  }
0x11: {  	s12 =	sadd.s32 $0x40, s12;
	[tilespmem:s13+$0x7D0] =	vst v0  }
0x12: {  	s12 =	simm.s32 $0x40;
	s13 =	simm.s32 $0x0  }
.LBB2_4:
0x13: {  	p0 =	sne.s32 s12, $0x18C0;
	[tilespmem:s13+$0xFA0] =	vst v1;
	s13 =	smov.u32 s12;
	s12 =	sadd.s32 $0x40, s12  }
.Ltmp1:
0x14: {  	(pc) =	sbr.rel @p0 .LBB2_4-.Ltmp1, $2  }
0x15: {  	_ =	sdelay $0x2  }
0x16: {  	s13 =	sshra.s32 s13, $0x2  }
0x17: {  	[tilespmem:s13+$0xFA0] =	vst v1  }
0x18: {  	[spmem:s4] =	stream.linear.scatter [tilespmem:s8], [sflag:$0x1], $0x640, $0x38;
	[tilespmem:$0x1C20] =	vst v63  }
0x19: {  	_ =	swait.ge [sflag:s9], $0x640  }
0x1a: {  	[sflag:s9] =	ssyncset.done $0x0  }
0x1b: {  	[sflag:s9] =	ssyncadd.s32 $0xFFFFF9C0  }
0x1c: {  	s12 =	sadd.s32 $0x0, s7;
	[bflag:$0x0] =	sbarrier.arrive $0xFFFF  }
0x1d: {  	[tilespmem:s3], [sflag:$0x1] =	stream.linear.gather [hbm4b:s12+s3], $0x7D0, $0x38;
	[tilespmem:$0x1C20] =	vst v63  }
0x1e: {  	_ =	swait.ge [sflag:s9], $0x7D0  }
0x1f: {  	[sflag:s9] =	ssyncset.done $0x0  }
0x20: {  	[sflag:s9] =	ssyncadd.s32 $0xFFFFF830  }
0x21: {  	[spmem:s2] =	stream.indirect.scatter.add.f32 [tilespmem:s10], [sflag:$0x1], $0x1, s3, s10, $0xb8;
	[tilespmem:$0x1C20] =	vst v63  }
0x22: {  	_ =	swait.ge [sflag:s9], $0x7D0  }
0x23: {  	s13 =	simm.s32 $0x1F4;
	s12 =	simm.s32 $0xFA;
	[sflag:s9] =	ssyncset.done $0x0  }
.LBB2_6:
0x24: {  	s14 =	sadd.s32 s12, s7  }
0x25: {  	[sflag:s9] =	ssyncadd.s32 $0xFFFFF830;
	s12 =	smov.u32 s13;
	s15 =	sadd.s32 $0xFA, s13  }
0x26: {  	[tilespmem:s3], [sflag:$0x1] =	stream.linear.gather [hbm4b:s14+s3], $0x7D0, $0x38;
	[tilespmem:$0x1C20] =	vst v63  }
0x27: {  	p0 =	sne.s32 s13, $0x1770;
	_ =	swait.ge [sflag:s9], $0x7D0  }
.Ltmp2:
0x28: {  	[sflag:s9] =	ssyncset.done $0x0;
	(pc) =	sbr.rel @p0 .LBB2_6-.Ltmp2, $4  }
0x29: {  	[sflag:s9] =	ssyncadd.s32 $0xFFFFF830  }
0x2a: {  	[spmem:s2] =	stream.indirect.scatter.add.f32 [tilespmem:s10], [sflag:$0x1], $0x1, s3, s10, $0xb8;
	[tilespmem:$0x1C20] =	vst v63  }
0x2b: {  	_ =	swait.ge [sflag:s9], $0x7D0  }
0x2c: {  	s13 =	smov.u32 s15;
	[sflag:s9] =	ssyncset.done $0x0  }
0x2d: {  	s12 =	sadd.s32 s12, s7;
	[sflag:s9] =	ssyncadd.s32 $0xFFFFF830  }
0x2e: {  	[tilespmem:s3], [sflag:$0x1] =	stream.linear.gather [hbm4b:s12+s3], $0x7D0, $0x38;
	[tilespmem:$0x1C20] =	vst v63  }
0x2f: {  	_ =	swait.ge [sflag:s9], $0x7D0  }
0x30: {  	[sflag:s9] =	ssyncset.done $0x0  }
0x31: {  	[sflag:s9] =	ssyncadd.s32 $0xFFFFF830  }
0x32: {  	[spmem:s2] =	stream.indirect.scatter.add.f32 [tilespmem:s10], [sflag:$0x1], $0x1, s3, s10, $0xb8;
	[tilespmem:$0x1C20] =	vst v63  }
0x33: {  	_ =	swait.ge [sflag:s9], $0x7D0  }
0x34: {  	[sflag:s9] =	ssyncset.done $0x0  }
0x35: {  	[sflag:s9] =	ssyncadd.s32 $0xFFFFF830  }
0x36: {  	[bflag:$0x0] =	sbarrier.arrive $0xFFFF  }
0x37: {  	[tilespmem:s8], [sflag:$0x1] =	stream.linear.gather [spmem:s4], $0x640, $0x38;
	[tilespmem:$0x1C20] =	vst v63  }
0x38: {  	s11 =	sadd.s32 $0x1, s11;
	_ =	swait.ge [sflag:s9], $0x640  }
0x39: {  	p0 =	sne.s32 s11, s6;
	[sflag:s9] =	ssyncset.done $0x0  }
.Ltmp3:
0x3a: {  	[sflag:s9] =	ssyncadd.s32 $0xFFFFF9C0;
	(pc) =	sbr.rel @p0 .LBB2_1-.Ltmp3, $4  }
0x3b: {  	[hbm4b:s5+s3] =	stream.linear.scatter [tilespmem:s8], [sflag:$0x1], $0x640, $0x38;
	[tilespmem:$0x1C20] =	vst v63  }
0x3c: {  	_ =	swait.ge [sflag:s9], $0x640  }
0x3d: {  	[sflag:s9] =	ssyncset.done $0x0  }
0x3e: {  	[sflag:s9] =	ssyncadd.s32 $0xFFFFF9C0  }
0x3f: {  	_ =	sfence.sel $0x180000  }
0x40: {  	[bflag:$0x0] =	sbarrier.arrive $0xFFFF  }
0x41: {  	p0 =	sne.s32 s0, $0x0;
	_ =	strace $0x90000047  }
0x42: {  	s0 =	sadd.s32 @!p0 $0x100000, s1;
	[bflag:$0x2] =	sbarrier.arrive $0xFFFF  }
0x43: {  	[sflag:s0] =	ssyncadd.tile.s32 @!p0 $0x1;
	_ =	shalt  }
.Lfunc_end2:
_tile_overlayer_lowered:
.L_overlay_start_2:
0x44: {  	(tag) =	ssettag $0x2  }
0x45: {  	s0 =	rddreg [dreg:$0x0];
	s2 =	stileid.u32  }
0x46: {  	s1 =	rddreg [dreg:$0x1];
	p0 =	sne.s32 s2, $0x0  }
0x47: {  	s3 =	rddreg [dreg:$0x2];
	[bflag:$0x3] =	sbarrier.arrive $0xFFFF;
	s2 =	simm.s32 @!p0 $0x1C01  }
0x48: {  	[timem:s3], [sflag:s2] =	dma.local @!p0 [hbm:s0], s1  }
0x49: {  	s0 =	simm.s32 @!p0 $0x1  }
0x4a: {  	_ =	swait.ge @!p0 [sflag:s0], s1  }
0x4b: {  	s1 =	ssub.s32 @!p0 $0x0, s1;
	[sflag:s0] =	ssyncset.done @!p0 $0x0  }
0x4c: {  	[sflag:s0] =	ssyncadd.s32 @!p0 s1  }
0x4d: {  	[bflag:$0x3] =	sbarrier.arrive $0xFFFF  }
0x4e: {  	_ =	shalt  }

// kernel: kernel.13.cloned.1.call-start
scs
__scs_entry_jumppad:
0x0: {  	(pc) =	sbr.rel $0x88, $3  }
0x1: {  	(tag) =	ssettag $0x0;
	lr =	simm.s32 $0x1  }
0x2: {  	[smem:$0x3F90] =	sst lr;
	_ =	strace $0xD0000000  }
0x3: {  	_ = 	snop  }
0x4: {  	_ = 	snop  }
0x5: {  	_ = 	snop  }
0x6: {  	_ = 	snop  }
0x7: {  	_ = 	snop  }
__scs_overlays_trampoline_lowered:
0x8: {  	[smem:$0x3F9F] =	sst s0  }
0x9: {  	[smem:$0x3FA0] =	sst s1  }
0xa: {  	[smem:$0x3FA1] =	sst s2  }
0xb: {  	[smem:$0x3FA2] =	sst s3  }
0xc: {  	[smem:$0x3FA3] =	sst s4  }
0xd: {  	[smem:$0x3FA4] =	sst s5  }
0xe: {  	[smem:$0x3FA5] =	sst s6  }
0xf: {  	[smem:$0x3FA6] =	sst s7  }
0x10: {  	[smem:$0x3FA7] =	sst s8  }
0x11: {  	[smem:$0x3FA8] =	sst s9;
	s0 =	simm.s32 @!p0 $0x0  }
0x12: {  	s1 =	sld [smem:$0x3F8E];
	s0 =	simm.s32 @p0 $0x1  }
0x13: {  	[smem:$0x3FA9] =	sst s0;
	s0 =	simm.s32 @!p1 $0x0  }
0x14: {  	s2 =	sld [smem:$0x3F8D];
	s0 =	simm.s32 @p1 $0x1  }
0x15: {  	[smem:$0x3FAA] =	sst s0;
	s0 =	simm.s32 @!p2 $0x0  }
0x16: {  	s3 =	sld [smem:$0x3FDB];
	s0 =	simm.s32 @p2 $0x1  }
0x17: {  	s4 =	simm.s32 $0x1BF5;
	[smem:$0x3FAC] =	sst s0  }
0x18: {  	s0 =	sld [smem:$0x3F8F];
	_ =	swait.ge [sflag:s4], $0x0  }
0x19: {  	s7 =	sld [smem:$0x3F90]  }
0x1a: {  	s8 =	sadd.s32 $0xFFFFE003, lr  }
0x1b: {  	s9 =	sadd.s32 $0xFFFFFEF7, lr;
	s5 =	simm.s32 $0xFFFFFFFF;
	p2 =	slt.u32 s8, $0xFFFFF086  }
0x1c: {  	p1 =	slt.u32 s9, $0xF7A;
	s5 =	simm.s32 @!p2 $0x0  }
0x1d: {  	s5 =	simm.s32 @p1 $0x1;
	p0 =	seq.s32 s7, s2  }
0x1e: {  	s7 =	smul.u32 @!p0 $0xF7A, s2;
	p2 =	seq.s32 @!p0 s5, $0x0  }
0x1f: {  	s9 =	smul.u32 $0xF7A, s1;
	s8 =	simm.s32 @!p0 $0x1BF5;
	p2 =	por !p2, p0  }
0x20: {  	[sflag:s8] =	ssyncset.s32 @!p0 $0xFFFFF086;
	s6 =	sadd.s32 @!p0 s3, s7;
	s7 =	simm.s32 @!p0 $0x108  }
0x21: {  	s3 =	sadd.s32 s3, s9;
	s6 =	sadd.s32 @!p0 $0x88, s6;
	s7 =	simm.s32 @p2 $0x1082  }
0x22: {  	[simem:s7], [sflag:s8] =	dma.local @!p0 [hbm:s6], $0xF7A  }
0x23: {  	s9 =	sor.u32 $0xD0000000, s2;
	s6 =	simm.s32 $0x108;
	_ =	swait.ge @!p0 [sflag:s8], $0x0  }
0x24: {  	s3 =	sadd.s32 $0x88, s3;
	s6 =	simm.s32 @!p1 $0x1082;
	[sflag:s4] =	ssyncset.s32 $0xFFFFF086  }
0x25: {  	[simem:s6], [sflag:s4] =	dma.local [hbm:s3], $0xF7A  }
0x26: {  	[smem:$0x3F90] =	sst s1;
	(tag) =	ssettag s2;
	_ =	strace s9  }
0x27: {  	s1 =	sld [smem:$0x3FA0]  }
0x28: {  	s2 =	sld [smem:$0x3FA1]  }
0x29: {  	s4 =	sld [smem:$0x3FA3]  }
0x2a: {  	p0 =	seq.s32 s5, $0x0;
	s5 =	sld [smem:$0x3FA4]  }
0x2b: {  	s6 =	sld [smem:$0x3FA5]  }
0x2c: {  	s7 =	sld [smem:$0x3FA6]  }
0x2d: {  	s3 =	simm.s32 $0x108;
	s8 =	sld [smem:$0x3FA7]  }
0x2e: {  	s3 =	simm.s32 @!p0 $0x1082;
	s9 =	sld [smem:$0x3FA8]  }
0x2f: {  	lr =	sadd.s32 s0, s3;
	s0 =	sld [smem:$0x3F9F]  }
0x30: {  	s3 =	sld [smem:$0x3FA2]  }
0x31: {  	[smem:$0x3FAB] =	sst s10  }
0x32: {  	s10 =	sld [smem:$0x3FA9];
	_ =	sdelay $0x3  }
0x33: {  	p0 =	seq.s32 s10, $0x1;
	s10 =	sld [smem:$0x3FAB];
	_ =	sdelay $0x3  }
0x34: {  	[smem:$0x3FAB] =	sst s10  }
0x35: {  	s10 =	sld [smem:$0x3FAA];
	_ =	sdelay $0x3  }
0x36: {  	p1 =	seq.s32 s10, $0x1;
	s10 =	sld [smem:$0x3FAB];
	_ =	sdelay $0x3  }
0x37: {  	[smem:$0x3FAB] =	sst s10  }
0x38: {  	s10 =	sld [smem:$0x3FAC]  }
0x39: {  	_ = 	snop;
	(pc) =	sbr.ind lr, $3  }
0x3a: {  	_ = 	snop  }
0x3b: {  	_ = 	snop  }
0x3c: {  	p2 =	seq.s32 s10, $0x1;
	s10 =	sld [smem:$0x3FAB]  }
0x3d: {  	_ =	shalt  }
0x3e: {  	_ =	shalt  }
0x3f: {  	_ =	shalt  }
0x40: {  	_ =	shalt  }
0x41: {  	_ =	shalt  }
0x42: {  	_ =	shalt  }
0x43: {  	_ =	shalt  }
0x44: {  	_ =	shalt  }
0x45: {  	_ =	shalt  }
0x46: {  	_ =	shalt  }
0x47: {  	_ =	shalt  }
0x48: {  	_ =	shalt  }
0x49: {  	_ =	shalt  }
0x4a: {  	_ =	shalt  }
0x4b: {  	_ =	shalt  }
0x4c: {  	_ =	shalt  }
0x4d: {  	_ =	shalt  }
0x4e: {  	_ =	shalt  }
0x4f: {  	_ =	shalt  }
0x50: {  	_ =	shalt  }
0x51: {  	_ =	shalt  }
0x52: {  	_ =	shalt  }
0x53: {  	_ =	shalt  }
0x54: {  	_ =	shalt  }
0x55: {  	_ =	shalt  }
0x56: {  	_ =	shalt  }
0x57: {  	_ =	shalt  }
0x58: {  	_ =	shalt  }
0x59: {  	_ =	shalt  }
0x5a: {  	_ =	shalt  }
0x5b: {  	_ =	shalt  }
0x5c: {  	_ =	shalt  }
0x5d: {  	_ =	shalt  }
0x5e: {  	_ =	shalt  }
0x5f: {  	_ =	shalt  }
0x60: {  	_ =	shalt  }
0x61: {  	_ =	shalt  }
0x62: {  	_ =	shalt  }
0x63: {  	_ =	shalt  }
0x64: {  	_ =	shalt  }
0x65: {  	_ =	shalt  }
0x66: {  	_ =	shalt  }
0x67: {  	_ =	shalt  }
0x68: {  	_ =	shalt  }
0x69: {  	_ =	shalt  }
0x6a: {  	_ =	shalt  }
0x6b: {  	_ =	shalt  }
0x6c: {  	_ =	shalt  }
0x6d: {  	_ =	shalt  }
0x6e: {  	_ =	shalt  }
0x6f: {  	_ =	shalt  }
0x70: {  	_ =	shalt  }
0x71: {  	_ =	shalt  }
0x72: {  	_ =	shalt  }
0x73: {  	_ =	shalt  }
0x74: {  	_ =	shalt  }
0x75: {  	_ =	shalt  }
0x76: {  	_ =	shalt  }
0x77: {  	_ =	shalt  }
0x78: {  	_ =	shalt  }
0x79: {  	_ =	shalt  }
0x7a: {  	_ =	shalt  }
0x7b: {  	_ =	shalt  }
0x7c: {  	_ =	shalt  }
0x7d: {  	_ =	shalt  }
0x7e: {  	_ =	shalt  }
0x7f: {  	_ =	shalt  }
0x80: {  	_ =	shalt  }
0x81: {  	_ =	shalt  }
0x82: {  	_ =	shalt  }
0x83: {  	_ =	shalt  }
0x84: {  	_ =	shalt  }
0x85: {  	_ =	shalt  }
0x86: {  	_ =	shalt  }
0x87: {  	_ =	shalt  }
.Lfunc_end0:
.L_simem_size_0:
called_computation.1_lowered:
.L_overlay_start_0:
0x88: {  	s2 =	sld [smem:$0x3FD9]  }
0x89: {  	s3 =	sld [smem:$0x3FFE];
	_ =	sdelay $0x1  }
0x8a: {  	s1 =	srdreg.scid  }
0x8b: {  	s0 =	sand.u32 $0x1, s1  }
0x8c: {  	s16 =	sshll.u32 s0, $0xA;
	s2 =	sadd.s32 s3, s2  }
0x8d: {  	s2 =	sadd.s32 s2, s16  }
0x8e: {  	[smem:$0x3FB7] =	sst s2  }
0x8f: {  	_ = 	snop  }
0x90: {  	(tm) =	ssettm $0x1  }
0x91: {  	s17 =	sld [smem:$0x3FFB];
	_ =	sdelay $0x3  }
0x92: {  	_ =	strace s17  }
0x93: {  	s2 =	sld [smem:$0x3FFC];
	_ =	sdelay $0x3  }
0x94: {  	_ =	strace s2  }
0x95: {  	s2 =	sld [smem:$0x3FFD];
	_ =	sdelay $0x3  }
0x96: {  	_ =	strace s2  }
0x97: {  	_ =	strace $0x8FFFFFFF  }
0x98: {  	s18 =	sld [smem:$0x3FDB];
	_ =	sdelay $0x1  }
0x99: {  	s19 =	simm.s32 $_scs_section_size  }
0x9a: {  	s4 =	simm.s32 $_size__tile_overlayer_lowered;
	s5 =	simm.s32 $_tile_overlayer_lowered  }
0x9b: {  	s22 =	simm.s32 $0x1BFF;
	s21 =	sshll.u32 s5, $0x1;
	s2 =	sadd.s32 s19, s18  }
0x9c: {  	s6 =	simm.s32 $0x0;
	s20 =	sshll.u32 s4, $0x1;
	s4 =	sadd.s32 s21, s2  }
0x9d: {  	[timem:s6], [sflag:s22] =	dma.local [hbm:s4], s20  }
0x9e: {  	_ =	swait.ge [sflag:s22], s20  }
0x9f: {  	s3 =	ssub.s32 $0x0, s20;
	[sflag:s22] =	ssyncset.done $0x0  }
0xa0: {  	[sflag:s22] =	ssyncadd.s32 s3;
	_ =	sdelay $0x1  }
0xa1: {  	s23 =	simm.s32 $0x1B8B  }
0xa2: {  	_ =	swait.ge [sflag:s23], $0x1  }
0xa3: {  	[sflag:s23] =	ssyncset.done $0x0  }
0xa4: {  	s25 =	simm.s32 $0x1B8E;
	s24 =	sld [smem:$0x3FFE];
	[sflag:s23] =	ssyncadd.s32 $0xFFFFFFFF  }
0xa5: {  	s26 =	simm.s32 $execute0_lowered;
	[smem:$0x3FD2] =	sst s25  }
0xa6: {  	s4 =	sshll.u32 s26, $0x1;
	_ =	strace $0x80000049;
	[dreg:$0x1] =	wrdreg $0xFFFFFFFF  }
0xa7: {  	s28 =	simm.s32 $_size_execute0_lowered;
	s2 =	sadd.s32 s2, s4;
	[dreg:$0x0] =	wrdreg $0x0  }
0xa8: {  	s4 =	sshll.u32 s28, $0x1;
	[dreg:$0x2] =	wrdreg s2  }
0xa9: {  	[dreg:$0x3] =	wrdreg s4  }
0xaa: {  	[dreg:$0x4] =	wrdreg $0xC0  }
0xab: {  	_ =	task [dreg:s6], $0x5FFFF  }
0xac: {  	[dreg:$0x1] =	wrdreg $0xFFFFFFFF  }
0xad: {  	[dreg:$0x0] =	wrdreg $0x60  }
0xae: {  	[dreg:$0x2] =	wrdreg s24  }
0xaf: {  	[dreg:$0x3] =	wrdreg $0x69780  }
0xb0: {  	[dreg:$0x4] =	wrdreg $0x9  }
0xb1: {  	_ =	task.clear_ibuf [dreg:s6], $0x5FFFF;
	_ =	strace $0x90000049  }
0xb2: {  	s29 =	simm.s32 $0x9;
	_ =	strace $0x8000004B  }
0xb3: {  	_ =	swait.ge [sflag:s29], $0x1  }
0xb4: {  	[sflag:s29] =	ssyncadd.s32 $0xFFFFFFFF  }
0xb5: {  	_ =	strace $0x9000004B  }
0xb6: {  	_ =	sfence  }
0xb7: {  	s30 =	sld [smem:$0x0];
	_ =	sdelay $0x2  }
0xb8: {  	s31 =	sshll.u32 s1, $0xD;
	s1 =	sshrl.u32 s1, $0x2  }
0xb9: {  	s3 =	sand.u32 $0x4000, s31;
	s1 =	sadd.s32 s1, s30  }
0xba: {  	s0 =	sor.u32 s3, s0;
	s1 =	sshll.u32 s1, $0x11  }
0xbb: {  	s0 =	sor.u32 s1, s0  }
0xbc: {  	s0 =	sadd.s32 $0x8F2B, s0  }
0xbd: {  	[sflag:s0] =	ssyncadd.remote.s32 $0x1  }
0xbe: {  	_ =	sfence.sel $0xFFFF  }
0xbf: {  	[dreg:$0x0] =	wrdreg $0xFFFFFFFF;
	(pc) =	sbr.abs _section_cstart, $3  }
0xc0: {  	[dreg:$0x1] =	wrdreg $0xFFFFFFFF  }
0xc1: {  	_ =	task.clear_ibuf [dreg:s6], $0x2FFFF;
	_ =	strace $0x9FFFFFFF  }
0xc2: {  	(tm) =	ssettm $0x7FFFFFFF  }
0xc3: {  	_ =	shalt  }
tec
execute0_lowered:
.L_overlay_start_1:
0x0: {  	(tag) =	ssettag $0x1  }
0x1: {  	s0 =	rddreg [dreg:$0x0]  }
0x2: {  	s1 =	srdreg.scid;
	s2 =	rddreg [dreg:$0x1]  }
0x3: {  	s11 =	stileid.u32;
	s3 =	simm.s32 $0x0;
	s29 =	simm.s32 $0x578  }
0x4: {  	s30 =	simm.s32 $0x3;
	s31 =	simm.s32 $0x3E8;
	s6 =	smul.u32 $0xC350, s11  }
0x5: {  	s1 =	sand.u32 $0x1, s1;
	[smem:$0x7FF] =	sst s3;
	s5 =	smul.u32 $0x640, s11  }
0x6: {  	s24 =	smul.u32 $0x64000, s11;
	s25 =	sadd.s32 $0x34E00, s0;
	s11 =	simm.s32 $0x1  }
0x7: {  	s4 =	smul.u32 $0xC3500, s1;
	s7 =	sxor.u32 $0x1, s1;
	s1 =	ssub.s32 $0x2, s1  }
0x8: {  	_ =	strace $0x8000004A;
	s9 =	smul.u32 $0x6400, s7;
	s26 =	sshrl.u32 s1, $0x1  }
0x9: {  	s7 =	smul.u32 $0xC3500, s7;
	s4 =	sadd.s32 s6, s4;
	s1 =	ssub.s32 s1, s26  }
0xa: {  	s8 =	sshrl.u32 s4, $0x3;
	s4 =	sadd.s32 $0x259C00, s0;
	s5 =	sadd.s32 s5, s9  }
0xb: {  	s10 =	sadd.s32 s8, s0;
	s5 =	sshll.u32 s5, $0x3;
	s8 =	sshrl.u32 s24, $0x2  }
0xc: {  	s26 =	smax.u32 s1, $0x1;
	s0 =	sadd.s32 s5, s0;
	s5 =	sadd.s32 s8, s2  }
0xd: {  	s6 =	sadd.s32 s6, s7;
	[dreg:$0xe] =	wrdreg s26;
	s12 =	sadd.s32 $0x9600, s5  }
0xe: {  	s1 =	simm.s32 $0x4B0;
	s13 =	sadd.s32 $0xC800, s5;
	[dreg:$0x3] =	wrdreg s12  }
0xf: {  	s19 =	sadd.s32 $0x320, s6;
	s14 =	sadd.s32 $0x2BDC00, s0;
	[dreg:$0x4] =	wrdreg s13  }
0x10: {  	s22 =	sadd.s32 $0x258, s6;
	s15 =	sadd.s32 $0x2BE240, s0;
	[dreg:$0x5] =	wrdreg s14  }
0x11: {  	s23 =	sadd.s32 $0x190, s6;
	s16 =	sadd.s32 $0x2BE880, s0;
	[dreg:$0x6] =	wrdreg s15  }
0x12: {  	s7 =	sshrl.u32 s19, $0x3;
	s17 =	sadd.s32 $0xFA00, s5;
	[dreg:$0x7] =	wrdreg s16  }
0x13: {  	s8 =	sadd.s32 $0x3200, s5;
	s18 =	sadd.s32 $0x2BEEC0, s0;
	[dreg:$0x8] =	wrdreg s17  }
0x14: {  	s24 =	sadd.s32 $0x6400, s5;
	s20 =	sadd.s32 $0x2BF500, s0;
	[dreg:$0x9] =	wrdreg s18  }
0x15: {  	s21 =	sadd.s32 $0x2BFB40, s0;
	s26 =	sadd.s32 $0x12C00, s5;
	[dreg:$0xa] =	wrdreg s20  }
0x16: {  	s28 =	sadd.s32 $0x15E00, s5;
	s12 =	sshrl.u32 s6, $0x3;
	[dreg:$0xb] =	wrdreg s21  }
0x17: {  	s18 =	sadd.s32 s7, s25;
	s6 =	sadd.s32 $0xC8, s6;
	s7 =	sshrl.u32 s22, $0x3  }
0x18: {  	s14 =	simm.s32 $0x2;
	s15 =	simm.s32 $0x258;
	s17 =	sadd.s32 s12, s25  }
0x19: {  	s12 =	sshrl.u32 s23, $0x3;
	s6 =	sshrl.u32 s6, $0x3;
	s19 =	sadd.s32 s7, s25  }
0x1a: {  	s20 =	sadd.s32 s12, s25;
	s21 =	sadd.s32 s6, s25;
	s25 =	sadd.s32 $0x2C0180, s0  }
0x1b: {  	s16 =	simm.s32 $0x320;
	s0 =	sadd.s32 $0x2C07C0, s0;
	[dreg:$0xc] =	wrdreg s25  }
0x1c: {  	s22 =	simm.s32 $0x0;
	s12 =	simm.s32 $0x190;
	[dreg:$0xd] =	wrdreg s0  }
0x1d: {  	v0 =	vimm.f32 $0.0e+00;
	s25 =	sadd.s32 $0x4000, s10;
	s0 =	simm.s32 $0xC8;
	s10 =	simm.s32 $0x3778  }
.LBB2_1:
0x1e: {  	s23 =	simm.s32 $0x100;
	s6 =	simm.s32 $0x0  }
.LBB2_2:
0x1f: {  	p0 =	sne.s32 s23, $0xC700;
	[tilespmem:s6+$0x5A8] =	vst v0;
	s7 =	smov.u32 s23;
	s23 =	sadd.s32 $0x100, s23  }
.Ltmp0:
0x20: {  	[tilespmem:s6+$0x598] =	vst v0;
	(pc) =	sbr.rel @p0 .LBB2_2-.Ltmp0, $3  }
0x21: {  	[tilespmem:s6+$0x578] =	vst v0  }
0x22: {  	[tilespmem:s6+$0x588] =	vst v0;
	_ =	sdelay $0x1  }
0x23: {  	s6 =	sshra.s32 s7, $0x2  }
0x24: {  	[tilespmem:s6+$0x5A8] =	vst v0  }
0x25: {  	[tilespmem:s6+$0x598] =	vst v0  }
0x26: {  	[tilespmem:s6+$0x578] =	vst v0  }
0x27: {  	[tilespmem:s6+$0x588] =	vst v0  }
0x28: {  	[spmem:s5] =	stream.linear.scatter [tilespmem:s29], [sflag:$0x3], $0x3200, $0x38;
	[tilespmem:$0x1F978] =	vst v63  }
0x29: {  	_ =	swait.ge [sflag:s30], $0x3200  }
0x2a: {  	[sflag:s30] =	ssyncset.done $0x0  }
0x2b: {  	[sflag:s30] =	ssyncadd.s32 $0xFFFFCE00  }
0x2c: {  	[spmem:s8] =	stream.linear.scatter [tilespmem:s29], [sflag:$0x3], $0x3200, $0x38;
	[tilespmem:$0x1F978] =	vst v63  }
0x2d: {  	_ =	swait.ge [sflag:s30], $0x3200  }
0x2e: {  	[sflag:s30] =	ssyncset.done $0x0  }
0x2f: {  	[sflag:s30] =	ssyncadd.s32 $0xFFFFCE00  }
0x30: {  	[spmem:s24] =	stream.linear.scatter [tilespmem:s29], [sflag:$0x3], $0x3200, $0x38;
	[tilespmem:$0x1F978] =	vst v63  }
0x31: {  	_ =	swait.ge [sflag:s30], $0x3200  }
0x32: {  	[sflag:s30] =	ssyncset.done $0x0  }
0x33: {  	s13 =	smov.u32 s24;
	s24 =	rddreg [dreg:$0x3];
	[sflag:s30] =	ssyncadd.s32 $0xFFFFCE00  }
0x34: {  	[spmem:s24] =	stream.linear.scatter [tilespmem:s29], [sflag:$0x3], $0x3200, $0x38;
	[tilespmem:$0x1F978] =	vst v63  }
0x35: {  	_ =	swait.ge [sflag:s30], $0x3200  }
0x36: {  	[sflag:s30] =	ssyncset.done $0x0  }
0x37: {  	s7 =	rddreg [dreg:$0x4];
	[sflag:s30] =	ssyncadd.s32 $0xFFFFCE00  }
0x38: {  	[spmem:s7] =	stream.linear.scatter [tilespmem:s29], [sflag:$0x3], $0x3200, $0x38;
	[tilespmem:$0x1F978] =	vst v63  }
0x39: {  	_ =	swait.ge [sflag:s30], $0x3200  }
0x3a: {  	[sflag:s30] =	ssyncset.done $0x0  }
0x3b: {  	s9 =	smov.u32 s8;
	s8 =	rddreg [dreg:$0x8];
	[sflag:s30] =	ssyncadd.s32 $0xFFFFCE00  }
0x3c: {  	[spmem:s8] =	stream.linear.scatter [tilespmem:s29], [sflag:$0x3], $0x3200, $0x38;
	[tilespmem:$0x1F978] =	vst v63  }
0x3d: {  	_ =	swait.ge [sflag:s30], $0x3200  }
0x3e: {  	[sflag:s30] =	ssyncset.done $0x0  }
0x3f: {  	[sflag:s30] =	ssyncadd.s32 $0xFFFFCE00  }
0x40: {  	[spmem:s26] =	stream.linear.scatter [tilespmem:s29], [sflag:$0x3], $0x3200, $0x38;
	[tilespmem:$0x1F978] =	vst v63  }
0x41: {  	_ =	swait.ge [sflag:s30], $0x3200  }
0x42: {  	[sflag:s30] =	ssyncset.done $0x0  }
0x43: {  	[sflag:s30] =	ssyncadd.s32 $0xFFFFCE00  }
0x44: {  	[spmem:s28] =	stream.linear.scatter [tilespmem:s29], [sflag:$0x3], $0x3200, $0x38;
	[tilespmem:$0x1F978] =	vst v63  }
0x45: {  	_ =	swait.ge [sflag:s30], $0x3200  }
0x46: {  	[sflag:s30] =	ssyncset.done $0x0  }
0x47: {  	[sflag:s30] =	ssyncadd.s32 $0xFFFFCE00  }
0x48: {  	s23 =	sadd.s32 $0x0, s25;
	[bflag:$0x0] =	sbarrier.arrive $0xFFFF  }
0x49: {  	[tilespmem:s3], [sflag:$0x3] =	stream.linear.gather [hbm4b:s23+s3], $0x3E8, $0x38;
	[tilespmem:$0x1F978] =	vst v63  }
0x4a: {  	_ =	swait.ge [sflag:s30], $0x3E8  }
0x4b: {  	[sflag:s30] =	ssyncset.done $0x0  }
0x4c: {  	s24 =	sadd.s32 $0x0, s17;
	[sflag:s30] =	ssyncadd.s32 $0xFFFFFC18  }
0x4d: {  	[tilespmem:s31], [sflag:$0x3] =	stream.linear.gather [hbm4b:s24+s3], $0xC8, $0x38;
	[tilespmem:$0x1F978] =	vst v63  }
0x4e: {  	_ =	swait.ge [sflag:s30], $0xC8  }
0x4f: {  	[sflag:s30] =	ssyncset.done $0x0  }
0x50: {  	[sflag:s30] =	ssyncadd.s32 $0xFFFFFF38  }
0x51: {  	[tilespmem:s29], [sflag:$0x1] =	stream.indirect.gather [hbm4b:s4+s0], $0x40, s3, s0, $0xb8;
	[tilespmem:$0x1F978] =	vst v63  }
0x52: {  	s7 =	sadd.s32 $0x0, s21  }
0x53: {  	[tilespmem:s1], [sflag:$0x3] =	stream.linear.gather [hbm4b:s7+s3], $0xC8, $0x38;
	[tilespmem:$0x1F978] =	vst v63  }
0x54: {  	_ =	swait.ge [sflag:s30], $0xC8  }
0x55: {  	[sflag:s30] =	ssyncset.done $0x0  }
0x56: {  	[sflag:s30] =	ssyncadd.s32 $0xFFFFFF38  }
0x57: {  	[tilespmem:s10], [sflag:$0x2] =	stream.indirect.gather [hbm4b:s4+s0], $0x40, s0, s0, $0xb8;
	[tilespmem:$0x1F978] =	vst v63  }
0x58: {  	_ =	swait.ge [sflag:s11], $0x3200  }
0x59: {  	[sflag:s11] =	ssyncset.done $0x0  }
0x5a: {  	[sflag:s11] =	ssyncadd.s32 $0xFFFFCE00  }
0x5b: {  	[spmem:s2] =	stream.indirect.scatter.add.f32 [tilespmem:s29], [sflag:$0x3], $0x40, s31, s0, $0xb8;
	[tilespmem:$0x1F978] =	vst v63  }
0x5c: {  	_ =	swait.ge [sflag:s30], $0x3200  }
0x5d: {  	[sflag:s30] =	ssyncset.done $0x0  }
0x5e: {  	s8 =	sadd.s32 $0x0, s20;
	[sflag:s30] =	ssyncadd.s32 $0xFFFFCE00  }
0x5f: {  	[tilespmem:s31], [sflag:$0x3] =	stream.linear.gather [hbm4b:s8+s3], $0xC8, $0x38;
	[tilespmem:$0x1F978] =	vst v63  }
0x60: {  	_ =	swait.ge [sflag:s30], $0xC8  }
0x61: {  	[sflag:s30] =	ssyncset.done $0x0  }
0x62: {  	[sflag:s30] =	ssyncadd.s32 $0xFFFFFF38  }
0x63: {  	[tilespmem:s29], [sflag:$0x1] =	stream.indirect.gather [hbm4b:s4+s0], $0x40, s12, s0, $0xb8;
	[tilespmem:$0x1F978] =	vst v63  }
0x64: {  	_ =	swait.ge [sflag:s14], $0x3200  }
0x65: {  	[sflag:s14] =	ssyncset.done $0x0  }
0x66: {  	[sflag:s14] =	ssyncadd.s32 $0xFFFFCE00  }
0x67: {  	[spmem:s2] =	stream.indirect.scatter.add.f32 [tilespmem:s10], [sflag:$0x3], $0x40, s1, s0, $0xb8;
	[tilespmem:$0x1F978] =	vst v63  }
0x68: {  	_ =	swait.ge [sflag:s30], $0x3200  }
0x69: {  	[sflag:s30] =	ssyncset.done $0x0  }
0x6a: {  	s23 =	sadd.s32 $0x0, s19;
	[sflag:s30] =	ssyncadd.s32 $0xFFFFCE00  }
0x6b: {  	[tilespmem:s1], [sflag:$0x3] =	stream.linear.gather [hbm4b:s23+s3], $0xC8, $0x38;
	[tilespmem:$0x1F978] =	vst v63  }
0x6c: {  	_ =	swait.ge [sflag:s30], $0xC8  }
0x6d: {  	[sflag:s30] =	ssyncset.done $0x0  }
0x6e: {  	[sflag:s30] =	ssyncadd.s32 $0xFFFFFF38  }
0x6f: {  	[tilespmem:s10], [sflag:$0x2] =	stream.indirect.gather [hbm4b:s4+s0], $0x40, s15, s0, $0xb8;
	[tilespmem:$0x1F978] =	vst v63  }
0x70: {  	_ =	swait.ge [sflag:s11], $0x3200  }
0x71: {  	[sflag:s11] =	ssyncset.done $0x0  }
0x72: {  	[sflag:s11] =	ssyncadd.s32 $0xFFFFCE00  }
0x73: {  	[spmem:s2] =	stream.indirect.scatter.add.f32 [tilespmem:s29], [sflag:$0x3], $0x40, s31, s0, $0xb8;
	[tilespmem:$0x1F978] =	vst v63  }
0x74: {  	_ =	swait.ge [sflag:s30], $0x3200  }
0x75: {  	[sflag:s30] =	ssyncset.done $0x0  }
0x76: {  	s24 =	sadd.s32 $0x0, s18;
	[sflag:s30] =	ssyncadd.s32 $0xFFFFCE00  }
0x77: {  	[tilespmem:s31], [sflag:$0x3] =	stream.linear.gather [hbm4b:s24+s3], $0xC8, $0x38;
	[tilespmem:$0x1F978] =	vst v63  }
0x78: {  	_ =	swait.ge [sflag:s30], $0xC8  }
0x79: {  	[sflag:s30] =	ssyncset.done $0x0  }
0x7a: {  	[sflag:s30] =	ssyncadd.s32 $0xFFFFFF38  }
0x7b: {  	[tilespmem:s29], [sflag:$0x1] =	stream.indirect.gather [hbm4b:s4+s0], $0x40, s16, s0, $0xb8;
	[tilespmem:$0x1F978] =	vst v63  }
0x7c: {  	_ =	swait.ge [sflag:s14], $0x3200  }
0x7d: {  	[sflag:s14] =	ssyncset.done $0x0  }
0x7e: {  	[sflag:s14] =	ssyncadd.s32 $0xFFFFCE00  }
0x7f: {  	[spmem:s2] =	stream.indirect.scatter.add.f32 [tilespmem:s10], [sflag:$0x3], $0x40, s1, s0, $0xb8;
	[tilespmem:$0x1F978] =	vst v63  }
0x80: {  	_ =	swait.ge [sflag:s30], $0x3200  }
0x81: {  	[sflag:s30] =	ssyncset.done $0x0  }
0x82: {  	[sflag:s30] =	ssyncadd.s32 $0xFFFFCE00  }
0x83: {  	_ =	swait.ge [sflag:s11], $0x3200  }
0x84: {  	[sflag:s11] =	ssyncset.done $0x0  }
0x85: {  	[sflag:s11] =	ssyncadd.s32 $0xFFFFCE00  }
0x86: {  	[spmem:s2] =	stream.indirect.scatter.add.f32 [tilespmem:s29], [sflag:$0x3], $0x40, s31, s0, $0xb8;
	[tilespmem:$0x1F978] =	vst v63  }
0x87: {  	_ =	swait.ge [sflag:s30], $0x3200  }
0x88: {  	s23 =	simm.s32 $0x7D;
	s24 =	simm.s32 $0xFA;
	[sflag:s30] =	ssyncset.done $0x0  }
.LBB2_4:
0x89: {  	s8 =	sadd.s32 s23, s25  }
0x8a: {  	[sflag:s30] =	ssyncadd.s32 $0xFFFFCE00;
	s6 =	smov.u32 s24;
	s7 =	sadd.s32 $0x7D, s24  }
0x8b: {  	[tilespmem:s3], [sflag:$0x3] =	stream.linear.gather [hbm4b:s8+s3], $0x3E8, $0x38;
	[tilespmem:$0x1F978] =	vst v63  }
0x8c: {  	p0 =	sne.s32 s24, $0x17ED;
	_ =	swait.ge [sflag:s30], $0x3E8  }
0x8d: {  	[sflag:s30] =	ssyncset.done $0x0  }
0x8e: {  	s8 =	sadd.s32 s23, s17;
	[sflag:s30] =	ssyncadd.s32 $0xFFFFFC18  }
0x8f: {  	[tilespmem:s31], [sflag:$0x3] =	stream.linear.gather [hbm4b:s8+s3], $0xC8, $0x38;
	[tilespmem:$0x1F978] =	vst v63  }
0x90: {  	_ =	swait.ge [sflag:s30], $0xC8  }
0x91: {  	[sflag:s30] =	ssyncset.done $0x0  }
0x92: {  	[sflag:s30] =	ssyncadd.s32 $0xFFFFFF38  }
0x93: {  	[tilespmem:s29], [sflag:$0x1] =	stream.indirect.gather [hbm4b:s4+s0], $0x40, s3, s0, $0xb8;
	[tilespmem:$0x1F978] =	vst v63  }
0x94: {  	s8 =	sadd.s32 s23, s21  }
0x95: {  	[tilespmem:s1], [sflag:$0x3] =	stream.linear.gather [hbm4b:s8+s3], $0xC8, $0x38;
	[tilespmem:$0x1F978] =	vst v63  }
0x96: {  	_ =	swait.ge [sflag:s30], $0xC8  }
0x97: {  	[sflag:s30] =	ssyncset.done $0x0  }
0x98: {  	[sflag:s30] =	ssyncadd.s32 $0xFFFFFF38  }
0x99: {  	[tilespmem:s10], [sflag:$0x2] =	stream.indirect.gather [hbm4b:s4+s0], $0x40, s0, s0, $0xb8;
	[tilespmem:$0x1F978] =	vst v63  }
0x9a: {  	_ =	swait.ge [sflag:s11], $0x3200  }
0x9b: {  	[sflag:s11] =	ssyncset.done $0x0  }
0x9c: {  	[sflag:s11] =	ssyncadd.s32 $0xFFFFCE00  }
0x9d: {  	[spmem:s2] =	stream.indirect.scatter.add.f32 [tilespmem:s29], [sflag:$0x3], $0x40, s31, s0, $0xb8;
	[tilespmem:$0x1F978] =	vst v63  }
0x9e: {  	_ =	swait.ge [sflag:s30], $0x3200  }
0x9f: {  	[sflag:s30] =	ssyncset.done $0x0  }
0xa0: {  	s8 =	sadd.s32 s23, s20;
	[sflag:s30] =	ssyncadd.s32 $0xFFFFCE00  }
0xa1: {  	[tilespmem:s31], [sflag:$0x3] =	stream.linear.gather [hbm4b:s8+s3], $0xC8, $0x38;
	[tilespmem:$0x1F978] =	vst v63  }
0xa2: {  	_ =	swait.ge [sflag:s30], $0xC8  }
0xa3: {  	[sflag:s30] =	ssyncset.done $0x0  }
0xa4: {  	[sflag:s30] =	ssyncadd.s32 $0xFFFFFF38  }
0xa5: {  	[tilespmem:s29], [sflag:$0x1] =	stream.indirect.gather [hbm4b:s4+s0], $0x40, s12, s0, $0xb8;
	[tilespmem:$0x1F978] =	vst v63  }
0xa6: {  	_ =	swait.ge [sflag:s14], $0x3200  }
0xa7: {  	[sflag:s14] =	ssyncset.done $0x0  }
0xa8: {  	[sflag:s14] =	ssyncadd.s32 $0xFFFFCE00  }
0xa9: {  	[spmem:s2] =	stream.indirect.scatter.add.f32 [tilespmem:s10], [sflag:$0x3], $0x40, s1, s0, $0xb8;
	[tilespmem:$0x1F978] =	vst v63  }
0xaa: {  	_ =	swait.ge [sflag:s30], $0x3200  }
0xab: {  	[sflag:s30] =	ssyncset.done $0x0  }
0xac: {  	s8 =	sadd.s32 s23, s19;
	[sflag:s30] =	ssyncadd.s32 $0xFFFFCE00  }
0xad: {  	[tilespmem:s1], [sflag:$0x3] =	stream.linear.gather [hbm4b:s8+s3], $0xC8, $0x38;
	[tilespmem:$0x1F978] =	vst v63  }
0xae: {  	_ =	swait.ge [sflag:s30], $0xC8  }
0xaf: {  	[sflag:s30] =	ssyncset.done $0x0  }
0xb0: {  	[sflag:s30] =	ssyncadd.s32 $0xFFFFFF38  }
0xb1: {  	[tilespmem:s10], [sflag:$0x2] =	stream.indirect.gather [hbm4b:s4+s0], $0x40, s15, s0, $0xb8;
	[tilespmem:$0x1F978] =	vst v63  }
0xb2: {  	_ =	swait.ge [sflag:s11], $0x3200  }
0xb3: {  	[sflag:s11] =	ssyncset.done $0x0  }
0xb4: {  	[sflag:s11] =	ssyncadd.s32 $0xFFFFCE00  }
0xb5: {  	[spmem:s2] =	stream.indirect.scatter.add.f32 [tilespmem:s29], [sflag:$0x3], $0x40, s31, s0, $0xb8;
	[tilespmem:$0x1F978] =	vst v63  }
0xb6: {  	_ =	swait.ge [sflag:s30], $0x3200  }
0xb7: {  	[sflag:s30] =	ssyncset.done $0x0  }
0xb8: {  	s8 =	sadd.s32 s23, s18;
	s23 =	smov.u32 s6;
	[sflag:s30] =	ssyncadd.s32 $0xFFFFCE00  }
0xb9: {  	[tilespmem:s31], [sflag:$0x3] =	stream.linear.gather [hbm4b:s8+s3], $0xC8, $0x38;
	[tilespmem:$0x1F978] =	vst v63  }
0xba: {  	_ =	swait.ge [sflag:s30], $0xC8  }
0xbb: {  	[sflag:s30] =	ssyncset.done $0x0  }
0xbc: {  	[sflag:s30] =	ssyncadd.s32 $0xFFFFFF38  }
0xbd: {  	[tilespmem:s29], [sflag:$0x1] =	stream.indirect.gather [hbm4b:s4+s0], $0x40, s16, s0, $0xb8;
	[tilespmem:$0x1F978] =	vst v63  }
0xbe: {  	_ =	swait.ge [sflag:s14], $0x3200  }
0xbf: {  	[sflag:s14] =	ssyncset.done $0x0  }
0xc0: {  	[sflag:s14] =	ssyncadd.s32 $0xFFFFCE00  }
0xc1: {  	[spmem:s2] =	stream.indirect.scatter.add.f32 [tilespmem:s10], [sflag:$0x3], $0x40, s1, s0, $0xb8;
	[tilespmem:$0x1F978] =	vst v63  }
0xc2: {  	_ =	swait.ge [sflag:s30], $0x3200  }
0xc3: {  	[sflag:s30] =	ssyncset.done $0x0  }
0xc4: {  	[sflag:s30] =	ssyncadd.s32 $0xFFFFCE00  }
0xc5: {  	_ =	swait.ge [sflag:s11], $0x3200  }
.Ltmp1:
0xc6: {  	[sflag:s11] =	ssyncset.done $0x0;
	(pc) =	sbr.rel @p0 .LBB2_4-.Ltmp1, $4  }
0xc7: {  	[sflag:s11] =	ssyncadd.s32 $0xFFFFCE00  }
0xc8: {  	[spmem:s2] =	stream.indirect.scatter.add.f32 [tilespmem:s29], [sflag:$0x3], $0x40, s31, s0, $0xb8;
	[tilespmem:$0x1F978] =	vst v63  }
0xc9: {  	_ =	swait.ge [sflag:s30], $0x3200  }
0xca: {  	s24 =	smov.u32 s7;
	[sflag:s30] =	ssyncset.done $0x0  }
0xcb: {  	s6 =	sadd.s32 s23, s25;
	[sflag:s30] =	ssyncadd.s32 $0xFFFFCE00  }
0xcc: {  	[tilespmem:s3], [sflag:$0x3] =	stream.linear.gather [hbm4b:s6+s3], $0x3E8, $0x38;
	[tilespmem:$0x1F978] =	vst v63  }
0xcd: {  	_ =	swait.ge [sflag:s30], $0x3E8  }
0xce: {  	[sflag:s30] =	ssyncset.done $0x0  }
0xcf: {  	s24 =	sadd.s32 s23, s17;
	[sflag:s30] =	ssyncadd.s32 $0xFFFFFC18  }
0xd0: {  	[tilespmem:s31], [sflag:$0x3] =	stream.linear.gather [hbm4b:s24+s3], $0xC8, $0x38;
	[tilespmem:$0x1F978] =	vst v63  }
0xd1: {  	_ =	swait.ge [sflag:s30], $0xC8  }
0xd2: {  	[sflag:s30] =	ssyncset.done $0x0  }
0xd3: {  	[sflag:s30] =	ssyncadd.s32 $0xFFFFFF38  }
0xd4: {  	[tilespmem:s29], [sflag:$0x1] =	stream.indirect.gather [hbm4b:s4+s0], $0x40, s3, s0, $0xb8;
	[tilespmem:$0x1F978] =	vst v63  }
0xd5: {  	s7 =	sadd.s32 s23, s21  }
0xd6: {  	[tilespmem:s1], [sflag:$0x3] =	stream.linear.gather [hbm4b:s7+s3], $0xC8, $0x38;
	[tilespmem:$0x1F978] =	vst v63  }
0xd7: {  	_ =	swait.ge [sflag:s30], $0xC8  }
0xd8: {  	[sflag:s30] =	ssyncset.done $0x0  }
0xd9: {  	[sflag:s30] =	ssyncadd.s32 $0xFFFFFF38  }
0xda: {  	[tilespmem:s10], [sflag:$0x2] =	stream.indirect.gather [hbm4b:s4+s0], $0x40, s0, s0, $0xb8;
	[tilespmem:$0x1F978] =	vst v63  }
0xdb: {  	_ =	swait.ge [sflag:s11], $0x3200  }
0xdc: {  	[sflag:s11] =	ssyncset.done $0x0  }
0xdd: {  	[sflag:s11] =	ssyncadd.s32 $0xFFFFCE00  }
0xde: {  	[spmem:s2] =	stream.indirect.scatter.add.f32 [tilespmem:s29], [sflag:$0x3], $0x40, s31, s0, $0xb8;
	[tilespmem:$0x1F978] =	vst v63  }
0xdf: {  	_ =	swait.ge [sflag:s30], $0x3200  }
0xe0: {  	[sflag:s30] =	ssyncset.done $0x0  }
0xe1: {  	s8 =	sadd.s32 s23, s20;
	[sflag:s30] =	ssyncadd.s32 $0xFFFFCE00  }
0xe2: {  	[tilespmem:s31], [sflag:$0x3] =	stream.linear.gather [hbm4b:s8+s3], $0xC8, $0x38;
	[tilespmem:$0x1F978] =	vst v63  }
0xe3: {  	_ =	swait.ge [sflag:s30], $0xC8  }
0xe4: {  	[sflag:s30] =	ssyncset.done $0x0  }
0xe5: {  	[sflag:s30] =	ssyncadd.s32 $0xFFFFFF38  }
0xe6: {  	[tilespmem:s29], [sflag:$0x1] =	stream.indirect.gather [hbm4b:s4+s0], $0x40, s12, s0, $0xb8;
	[tilespmem:$0x1F978] =	vst v63  }
0xe7: {  	_ =	swait.ge [sflag:s14], $0x3200  }
0xe8: {  	[sflag:s14] =	ssyncset.done $0x0  }
0xe9: {  	[sflag:s14] =	ssyncadd.s32 $0xFFFFCE00  }
0xea: {  	[spmem:s2] =	stream.indirect.scatter.add.f32 [tilespmem:s10], [sflag:$0x3], $0x40, s1, s0, $0xb8;
	[tilespmem:$0x1F978] =	vst v63  }
0xeb: {  	_ =	swait.ge [sflag:s30], $0x3200  }
0xec: {  	[sflag:s30] =	ssyncset.done $0x0  }
0xed: {  	s24 =	sadd.s32 s23, s19;
	[sflag:s30] =	ssyncadd.s32 $0xFFFFCE00  }
0xee: {  	[tilespmem:s1], [sflag:$0x3] =	stream.linear.gather [hbm4b:s24+s3], $0xC8, $0x38;
	[tilespmem:$0x1F978] =	vst v63  }
0xef: {  	_ =	swait.ge [sflag:s30], $0xC8  }
0xf0: {  	[sflag:s30] =	ssyncset.done $0x0  }
0xf1: {  	[sflag:s30] =	ssyncadd.s32 $0xFFFFFF38  }
0xf2: {  	[tilespmem:s10], [sflag:$0x2] =	stream.indirect.gather [hbm4b:s4+s0], $0x40, s15, s0, $0xb8;
	[tilespmem:$0x1F978] =	vst v63  }
0xf3: {  	_ =	swait.ge [sflag:s11], $0x3200  }
0xf4: {  	[sflag:s11] =	ssyncset.done $0x0  }
0xf5: {  	[sflag:s11] =	ssyncadd.s32 $0xFFFFCE00  }
0xf6: {  	[spmem:s2] =	stream.indirect.scatter.add.f32 [tilespmem:s29], [sflag:$0x3], $0x40, s31, s0, $0xb8;
	[tilespmem:$0x1F978] =	vst v63  }
0xf7: {  	_ =	swait.ge [sflag:s30], $0x3200  }
0xf8: {  	[sflag:s30] =	ssyncset.done $0x0  }
0xf9: {  	s7 =	sadd.s32 s23, s18;
	[sflag:s30] =	ssyncadd.s32 $0xFFFFCE00  }
0xfa: {  	[tilespmem:s31], [sflag:$0x3] =	stream.linear.gather [hbm4b:s7+s3], $0xC8, $0x38;
	[tilespmem:$0x1F978] =	vst v63  }
0xfb: {  	_ =	swait.ge [sflag:s30], $0xC8  }
0xfc: {  	[sflag:s30] =	ssyncset.done $0x0  }
0xfd: {  	[sflag:s30] =	ssyncadd.s32 $0xFFFFFF38  }
0xfe: {  	[tilespmem:s29], [sflag:$0x1] =	stream.indirect.gather [hbm4b:s4+s0], $0x40, s16, s0, $0xb8;
	[tilespmem:$0x1F978] =	vst v63  }
0xff: {  	_ =	swait.ge [sflag:s14], $0x3200  }
0x100: {  	[sflag:s14] =	ssyncset.done $0x0  }
0x101: {  	[sflag:s14] =	ssyncadd.s32 $0xFFFFCE00  }
0x102: {  	[spmem:s2] =	stream.indirect.scatter.add.f32 [tilespmem:s10], [sflag:$0x3], $0x40, s1, s0, $0xb8;
	[tilespmem:$0x1F978] =	vst v63  }
0x103: {  	_ =	swait.ge [sflag:s30], $0x3200  }
0x104: {  	[sflag:s30] =	ssyncset.done $0x0  }
0x105: {  	[sflag:s30] =	ssyncadd.s32 $0xFFFFCE00  }
0x106: {  	_ =	swait.ge [sflag:s11], $0x3200  }
0x107: {  	[sflag:s11] =	ssyncset.done $0x0  }
0x108: {  	[sflag:s11] =	ssyncadd.s32 $0xFFFFCE00  }
0x109: {  	[spmem:s2] =	stream.indirect.scatter.add.f32 [tilespmem:s29], [sflag:$0x3], $0x40, s31, s0, $0xb8;
	[tilespmem:$0x1F978] =	vst v63  }
0x10a: {  	_ =	swait.ge [sflag:s30], $0x3200  }
0x10b: {  	[sflag:s30] =	ssyncset.done $0x0  }
0x10c: {  	[sflag:s30] =	ssyncadd.s32 $0xFFFFCE00  }
0x10d: {  	[bflag:$0x0] =	sbarrier.arrive $0xFFFF  }
0x10e: {  	[tilespmem:s29], [sflag:$0x3] =	stream.linear.gather [spmem:s5], $0x3200, $0x38;
	[tilespmem:$0x1F978] =	vst v63  }
0x10f: {  	_ =	swait.ge [sflag:s30], $0x3200  }
0x110: {  	[sflag:s30] =	ssyncset.done $0x0  }
0x111: {  	s8 =	rddreg [dreg:$0x5];
	[sflag:s30] =	ssyncadd.s32 $0xFFFFCE00  }
0x112: {  	[hbm4b:s8+s3] =	stream.linear.scatter [tilespmem:s29], [sflag:$0x3], $0x3200, $0x38;
	[tilespmem:$0x1F978] =	vst v63  }
0x113: {  	_ =	swait.ge [sflag:s30], $0x3200  }
0x114: {  	[sflag:s30] =	ssyncset.done $0x0  }
0x115: {  	[sflag:s30] =	ssyncadd.s32 $0xFFFFCE00  }
0x116: {  	[tilespmem:s29], [sflag:$0x3] =	stream.linear.gather [spmem:s9], $0x3200, $0x38;
	[tilespmem:$0x1F978] =	vst v63  }
0x117: {  	_ =	swait.ge [sflag:s30], $0x3200  }
0x118: {  	[sflag:s30] =	ssyncset.done $0x0  }
0x119: {  	s8 =	smov.u32 s9;
	s9 =	rddreg [dreg:$0x6];
	[sflag:s30] =	ssyncadd.s32 $0xFFFFCE00  }
0x11a: {  	[hbm4b:s9+s3] =	stream.linear.scatter [tilespmem:s29], [sflag:$0x3], $0x3200, $0x38;
	[tilespmem:$0x1F978] =	vst v63  }
0x11b: {  	_ =	swait.ge [sflag:s30], $0x3200  }
0x11c: {  	[sflag:s30] =	ssyncset.done $0x0  }
0x11d: {  	[sflag:s30] =	ssyncadd.s32 $0xFFFFCE00  }
0x11e: {  	[tilespmem:s29], [sflag:$0x3] =	stream.linear.gather [spmem:s13], $0x3200, $0x38;
	[tilespmem:$0x1F978] =	vst v63  }
0x11f: {  	_ =	swait.ge [sflag:s30], $0x3200  }
0x120: {  	[sflag:s30] =	ssyncset.done $0x0  }
0x121: {  	s24 =	smov.u32 s13;
	s13 =	rddreg [dreg:$0x7];
	[sflag:s30] =	ssyncadd.s32 $0xFFFFCE00  }
0x122: {  	[hbm4b:s13+s3] =	stream.linear.scatter [tilespmem:s29], [sflag:$0x3], $0x3200, $0x38;
	[tilespmem:$0x1F978] =	vst v63  }
0x123: {  	_ =	swait.ge [sflag:s30], $0x3200  }
0x124: {  	[sflag:s30] =	ssyncset.done $0x0  }
0x125: {  	s23 =	rddreg [dreg:$0x3];
	[sflag:s30] =	ssyncadd.s32 $0xFFFFCE00  }
0x126: {  	[tilespmem:s29], [sflag:$0x3] =	stream.linear.gather [spmem:s23], $0x3200, $0x38;
	[tilespmem:$0x1F978] =	vst v63  }
0x127: {  	_ =	swait.ge [sflag:s30], $0x3200  }
0x128: {  	[sflag:s30] =	ssyncset.done $0x0  }
0x129: {  	s7 =	rddreg [dreg:$0x9];
	[sflag:s30] =	ssyncadd.s32 $0xFFFFCE00  }
0x12a: {  	[hbm4b:s7+s3] =	stream.linear.scatter [tilespmem:s29], [sflag:$0x3], $0x3200, $0x38;
	[tilespmem:$0x1F978] =	vst v63  }
0x12b: {  	_ =	swait.ge [sflag:s30], $0x3200  }
0x12c: {  	[sflag:s30] =	ssyncset.done $0x0  }
0x12d: {  	s9 =	rddreg [dreg:$0x4];
	[sflag:s30] =	ssyncadd.s32 $0xFFFFCE00  }
0x12e: {  	[tilespmem:s29], [sflag:$0x3] =	stream.linear.gather [spmem:s9], $0x3200, $0x38;
	[tilespmem:$0x1F978] =	vst v63  }
0x12f: {  	_ =	swait.ge [sflag:s30], $0x3200  }
0x130: {  	[sflag:s30] =	ssyncset.done $0x0  }
0x131: {  	s13 =	rddreg [dreg:$0xa];
	[sflag:s30] =	ssyncadd.s32 $0xFFFFCE00  }
0x132: {  	[hbm4b:s13+s3] =	stream.linear.scatter [tilespmem:s29], [sflag:$0x3], $0x3200, $0x38;
	[tilespmem:$0x1F978] =	vst v63  }
0x133: {  	_ =	swait.ge [sflag:s30], $0x3200  }
0x134: {  	[sflag:s30] =	ssyncset.done $0x0  }
0x135: {  	s23 =	rddreg [dreg:$0x8];
	[sflag:s30] =	ssyncadd.s32 $0xFFFFCE00  }
0x136: {  	[tilespmem:s29], [sflag:$0x3] =	stream.linear.gather [spmem:s23], $0x3200, $0x38;
	[tilespmem:$0x1F978] =	vst v63  }
0x137: {  	_ =	swait.ge [sflag:s30], $0x3200  }
0x138: {  	[sflag:s30] =	ssyncset.done $0x0  }
0x139: {  	s7 =	rddreg [dreg:$0xb];
	[sflag:s30] =	ssyncadd.s32 $0xFFFFCE00  }
0x13a: {  	[hbm4b:s7+s3] =	stream.linear.scatter [tilespmem:s29], [sflag:$0x3], $0x3200, $0x38;
	[tilespmem:$0x1F978] =	vst v63  }
0x13b: {  	_ =	swait.ge [sflag:s30], $0x3200  }
0x13c: {  	[sflag:s30] =	ssyncset.done $0x0  }
0x13d: {  	[sflag:s30] =	ssyncadd.s32 $0xFFFFCE00  }
0x13e: {  	[tilespmem:s29], [sflag:$0x3] =	stream.linear.gather [spmem:s26], $0x3200, $0x38;
	[tilespmem:$0x1F978] =	vst v63  }
0x13f: {  	_ =	swait.ge [sflag:s30], $0x3200  }
0x140: {  	[sflag:s30] =	ssyncset.done $0x0  }
0x141: {  	s9 =	rddreg [dreg:$0xc];
	[sflag:s30] =	ssyncadd.s32 $0xFFFFCE00  }
0x142: {  	[hbm4b:s9+s3] =	stream.linear.scatter [tilespmem:s29], [sflag:$0x3], $0x3200, $0x38;
	[tilespmem:$0x1F978] =	vst v63  }
0x143: {  	_ =	swait.ge [sflag:s30], $0x3200  }
0x144: {  	[sflag:s30] =	ssyncset.done $0x0  }
0x145: {  	[sflag:s30] =	ssyncadd.s32 $0xFFFFCE00  }
0x146: {  	[tilespmem:s29], [sflag:$0x3] =	stream.linear.gather [spmem:s28], $0x3200, $0x38;
	[tilespmem:$0x1F978] =	vst v63  }
0x147: {  	_ =	swait.ge [sflag:s30], $0x3200  }
0x148: {  	[sflag:s30] =	ssyncset.done $0x0  }
0x149: {  	s13 =	rddreg [dreg:$0xd];
	[sflag:s30] =	ssyncadd.s32 $0xFFFFCE00  }
0x14a: {  	[hbm4b:s13+s3] =	stream.linear.scatter [tilespmem:s29], [sflag:$0x3], $0x3200, $0x38;
	[tilespmem:$0x1F978] =	vst v63  }
0x14b: {  	_ =	swait.ge [sflag:s30], $0x3200  }
0x14c: {  	s22 =	sadd.s32 $0x1, s22;
	s23 =	rddreg [dreg:$0xe]  }
0x14d: {  	p0 =	sne.s32 s22, s23  }
.Ltmp2:
0x14e: {  	_ = 	snop;
	(pc) =	sbr.rel @p0 .LBB2_1-.Ltmp2, $3  }
0x14f: {  	_ =	sdelay $0x1  }
0x150: {  	[sflag:s30] =	ssyncset.done $0x0  }
0x151: {  	[sflag:s30] =	ssyncadd.s32 $0xFFFFCE00  }
0x152: {  	_ =	sfence.sel $0x180000  }
0x153: {  	[bflag:$0x0] =	sbarrier.arrive $0xFFFF  }
0x154: {  	_ =	strace $0x9000004A  }
0x155: {  	s0 =	stileid.u32;
	[bflag:$0x2] =	sbarrier.arrive $0xFFFF  }
0x156: {  	p0 =	sne.s32 s0, $0x0;
	s0 =	rddreg [dreg:$0x2]  }
0x157: {  	s0 =	sadd.s32 @!p0 $0x100000, s0  }
0x158: {  	[sflag:s0] =	ssyncadd.tile.s32 @!p0 $0x1;
	_ =	shalt  }
.Lfunc_end2:
_tile_overlayer_lowered:
.L_overlay_start_2:
0x159: {  	(tag) =	ssettag $0x2  }
0x15a: {  	s0 =	rddreg [dreg:$0x0];
	s2 =	stileid.u32  }
0x15b: {  	s1 =	rddreg [dreg:$0x1];
	p0 =	sne.s32 s2, $0x0  }
0x15c: {  	s3 =	rddreg [dreg:$0x2];
	[bflag:$0x3] =	sbarrier.arrive $0xFFFF;
	s2 =	simm.s32 @!p0 $0x1C03  }
0x15d: {  	[timem:s3], [sflag:s2] =	dma.local @!p0 [hbm:s0], s1  }
0x15e: {  	s0 =	simm.s32 @!p0 $0x3  }
0x15f: {  	_ =	swait.ge @!p0 [sflag:s0], s1  }
0x160: {  	s1 =	ssub.s32 @!p0 $0x0, s1;
	[sflag:s0] =	ssyncset.done @!p0 $0x0  }
0x161: {  	[sflag:s0] =	ssyncadd.s32 @!p0 s1  }
0x162: {  	[bflag:$0x3] =	sbarrier.arrive $0xFFFF  }
0x163: {  	_ =	shalt  }

// kernel: kernel.16.cloned.1.call-start
scs
__scs_entry_jumppad:
0x0: {  	(pc) =	sbr.rel $0x88, $3  }
0x1: {  	(tag) =	ssettag $0x0;
	lr =	simm.s32 $0x1  }
0x2: {  	[smem:$0x3F90] =	sst lr;
	_ =	strace $0xD0000000  }
0x3: {  	_ = 	snop  }
0x4: {  	_ = 	snop  }
0x5: {  	_ = 	snop  }
0x6: {  	_ = 	snop  }
0x7: {  	_ = 	snop  }
__scs_overlays_trampoline_lowered:
0x8: {  	[smem:$0x3F9F] =	sst s0  }
0x9: {  	[smem:$0x3FA0] =	sst s1  }
0xa: {  	[smem:$0x3FA1] =	sst s2  }
0xb: {  	[smem:$0x3FA2] =	sst s3  }
0xc: {  	[smem:$0x3FA3] =	sst s4  }
0xd: {  	[smem:$0x3FA4] =	sst s5  }
0xe: {  	[smem:$0x3FA5] =	sst s6  }
0xf: {  	[smem:$0x3FA6] =	sst s7  }
0x10: {  	[smem:$0x3FA7] =	sst s8  }
0x11: {  	[smem:$0x3FA8] =	sst s9;
	s0 =	simm.s32 @!p0 $0x0  }
0x12: {  	s1 =	sld [smem:$0x3F8E];
	s0 =	simm.s32 @p0 $0x1  }
0x13: {  	[smem:$0x3FA9] =	sst s0;
	s0 =	simm.s32 @!p1 $0x0  }
0x14: {  	s2 =	sld [smem:$0x3F8D];
	s0 =	simm.s32 @p1 $0x1  }
0x15: {  	[smem:$0x3FAA] =	sst s0;
	s0 =	simm.s32 @!p2 $0x0  }
0x16: {  	s3 =	sld [smem:$0x3FDB];
	s0 =	simm.s32 @p2 $0x1  }
0x17: {  	s4 =	simm.s32 $0x1BF5;
	[smem:$0x3FAC] =	sst s0  }
0x18: {  	s0 =	sld [smem:$0x3F8F];
	_ =	swait.ge [sflag:s4], $0x0  }
0x19: {  	s7 =	sld [smem:$0x3F90]  }
0x1a: {  	s8 =	sadd.s32 $0xFFFFE003, lr  }
0x1b: {  	s9 =	sadd.s32 $0xFFFFFEF7, lr;
	s5 =	simm.s32 $0xFFFFFFFF;
	p2 =	slt.u32 s8, $0xFFFFF086  }
0x1c: {  	p1 =	slt.u32 s9, $0xF7A;
	s5 =	simm.s32 @!p2 $0x0  }
0x1d: {  	s5 =	simm.s32 @p1 $0x1;
	p0 =	seq.s32 s7, s2  }
0x1e: {  	s7 =	smul.u32 @!p0 $0xF7A, s2;
	p2 =	seq.s32 @!p0 s5, $0x0  }
0x1f: {  	s9 =	smul.u32 $0xF7A, s1;
	s8 =	simm.s32 @!p0 $0x1BF5;
	p2 =	por !p2, p0  }
0x20: {  	[sflag:s8] =	ssyncset.s32 @!p0 $0xFFFFF086;
	s6 =	sadd.s32 @!p0 s3, s7;
	s7 =	simm.s32 @!p0 $0x108  }
0x21: {  	s3 =	sadd.s32 s3, s9;
	s6 =	sadd.s32 @!p0 $0x88, s6;
	s7 =	simm.s32 @p2 $0x1082  }
0x22: {  	[simem:s7], [sflag:s8] =	dma.local @!p0 [hbm:s6], $0xF7A  }
0x23: {  	s9 =	sor.u32 $0xD0000000, s2;
	s6 =	simm.s32 $0x108;
	_ =	swait.ge @!p0 [sflag:s8], $0x0  }
0x24: {  	s3 =	sadd.s32 $0x88, s3;
	s6 =	simm.s32 @!p1 $0x1082;
	[sflag:s4] =	ssyncset.s32 $0xFFFFF086  }
0x25: {  	[simem:s6], [sflag:s4] =	dma.local [hbm:s3], $0xF7A  }
0x26: {  	[smem:$0x3F90] =	sst s1;
	(tag) =	ssettag s2;
	_ =	strace s9  }
0x27: {  	s1 =	sld [smem:$0x3FA0]  }
0x28: {  	s2 =	sld [smem:$0x3FA1]  }
0x29: {  	s4 =	sld [smem:$0x3FA3]  }
0x2a: {  	p0 =	seq.s32 s5, $0x0;
	s5 =	sld [smem:$0x3FA4]  }
0x2b: {  	s6 =	sld [smem:$0x3FA5]  }
0x2c: {  	s7 =	sld [smem:$0x3FA6]  }
0x2d: {  	s3 =	simm.s32 $0x108;
	s8 =	sld [smem:$0x3FA7]  }
0x2e: {  	s3 =	simm.s32 @!p0 $0x1082;
	s9 =	sld [smem:$0x3FA8]  }
0x2f: {  	lr =	sadd.s32 s0, s3;
	s0 =	sld [smem:$0x3F9F]  }
0x30: {  	s3 =	sld [smem:$0x3FA2]  }
0x31: {  	[smem:$0x3FAB] =	sst s10  }
0x32: {  	s10 =	sld [smem:$0x3FA9];
	_ =	sdelay $0x3  }
0x33: {  	p0 =	seq.s32 s10, $0x1;
	s10 =	sld [smem:$0x3FAB];
	_ =	sdelay $0x3  }
0x34: {  	[smem:$0x3FAB] =	sst s10  }
0x35: {  	s10 =	sld [smem:$0x3FAA];
	_ =	sdelay $0x3  }
0x36: {  	p1 =	seq.s32 s10, $0x1;
	s10 =	sld [smem:$0x3FAB];
	_ =	sdelay $0x3  }
0x37: {  	[smem:$0x3FAB] =	sst s10  }
0x38: {  	s10 =	sld [smem:$0x3FAC]  }
0x39: {  	_ = 	snop;
	(pc) =	sbr.ind lr, $3  }
0x3a: {  	_ = 	snop  }
0x3b: {  	_ = 	snop  }
0x3c: {  	p2 =	seq.s32 s10, $0x1;
	s10 =	sld [smem:$0x3FAB]  }
0x3d: {  	_ =	shalt  }
0x3e: {  	_ =	shalt  }
0x3f: {  	_ =	shalt  }
0x40: {  	_ =	shalt  }
0x41: {  	_ =	shalt  }
0x42: {  	_ =	shalt  }
0x43: {  	_ =	shalt  }
0x44: {  	_ =	shalt  }
0x45: {  	_ =	shalt  }
0x46: {  	_ =	shalt  }
0x47: {  	_ =	shalt  }
0x48: {  	_ =	shalt  }
0x49: {  	_ =	shalt  }
0x4a: {  	_ =	shalt  }
0x4b: {  	_ =	shalt  }
0x4c: {  	_ =	shalt  }
0x4d: {  	_ =	shalt  }
0x4e: {  	_ =	shalt  }
0x4f: {  	_ =	shalt  }
0x50: {  	_ =	shalt  }
0x51: {  	_ =	shalt  }
0x52: {  	_ =	shalt  }
0x53: {  	_ =	shalt  }
0x54: {  	_ =	shalt  }
0x55: {  	_ =	shalt  }
0x56: {  	_ =	shalt  }
0x57: {  	_ =	shalt  }
0x58: {  	_ =	shalt  }
0x59: {  	_ =	shalt  }
0x5a: {  	_ =	shalt  }
0x5b: {  	_ =	shalt  }
0x5c: {  	_ =	shalt  }
0x5d: {  	_ =	shalt  }
0x5e: {  	_ =	shalt  }
0x5f: {  	_ =	shalt  }
0x60: {  	_ =	shalt  }
0x61: {  	_ =	shalt  }
0x62: {  	_ =	shalt  }
0x63: {  	_ =	shalt  }
0x64: {  	_ =	shalt  }
0x65: {  	_ =	shalt  }
0x66: {  	_ =	shalt  }
0x67: {  	_ =	shalt  }
0x68: {  	_ =	shalt  }
0x69: {  	_ =	shalt  }
0x6a: {  	_ =	shalt  }
0x6b: {  	_ =	shalt  }
0x6c: {  	_ =	shalt  }
0x6d: {  	_ =	shalt  }
0x6e: {  	_ =	shalt  }
0x6f: {  	_ =	shalt  }
0x70: {  	_ =	shalt  }
0x71: {  	_ =	shalt  }
0x72: {  	_ =	shalt  }
0x73: {  	_ =	shalt  }
0x74: {  	_ =	shalt  }
0x75: {  	_ =	shalt  }
0x76: {  	_ =	shalt  }
0x77: {  	_ =	shalt  }
0x78: {  	_ =	shalt  }
0x79: {  	_ =	shalt  }
0x7a: {  	_ =	shalt  }
0x7b: {  	_ =	shalt  }
0x7c: {  	_ =	shalt  }
0x7d: {  	_ =	shalt  }
0x7e: {  	_ =	shalt  }
0x7f: {  	_ =	shalt  }
0x80: {  	_ =	shalt  }
0x81: {  	_ =	shalt  }
0x82: {  	_ =	shalt  }
0x83: {  	_ =	shalt  }
0x84: {  	_ =	shalt  }
0x85: {  	_ =	shalt  }
0x86: {  	_ =	shalt  }
0x87: {  	_ =	shalt  }
.Lfunc_end0:
.L_simem_size_0:
called_computation.2_lowered:
.L_overlay_start_0:
0x88: {  	s2 =	sld [smem:$0x3FD9]  }
0x89: {  	s3 =	sld [smem:$0x3FFE];
	_ =	sdelay $0x1  }
0x8a: {  	s1 =	srdreg.scid  }
0x8b: {  	s0 =	sand.u32 $0x1, s1  }
0x8c: {  	s16 =	sshll.u32 s0, $0xA;
	s2 =	sadd.s32 s3, s2  }
0x8d: {  	s2 =	sadd.s32 s2, s16  }
0x8e: {  	[smem:$0x3FB7] =	sst s2  }
0x8f: {  	_ = 	snop  }
0x90: {  	(tm) =	ssettm $0x1  }
0x91: {  	s17 =	sld [smem:$0x3FFB];
	_ =	sdelay $0x3  }
0x92: {  	_ =	strace s17  }
0x93: {  	s2 =	sld [smem:$0x3FFC];
	_ =	sdelay $0x3  }
0x94: {  	_ =	strace s2  }
0x95: {  	s2 =	sld [smem:$0x3FFD];
	_ =	sdelay $0x3  }
0x96: {  	_ =	strace s2  }
0x97: {  	_ =	strace $0x8FFFFFFF  }
0x98: {  	s18 =	sld [smem:$0x3FDB];
	_ =	sdelay $0x1  }
0x99: {  	s19 =	simm.s32 $_scs_section_size  }
0x9a: {  	s4 =	simm.s32 $_size__tile_overlayer_lowered;
	s5 =	simm.s32 $_tile_overlayer_lowered  }
0x9b: {  	s22 =	simm.s32 $0x1BFF;
	s21 =	sshll.u32 s5, $0x1;
	s2 =	sadd.s32 s19, s18  }
0x9c: {  	s6 =	simm.s32 $0x0;
	s20 =	sshll.u32 s4, $0x1;
	s4 =	sadd.s32 s21, s2  }
0x9d: {  	[timem:s6], [sflag:s22] =	dma.local [hbm:s4], s20  }
0x9e: {  	_ =	swait.ge [sflag:s22], s20  }
0x9f: {  	s3 =	ssub.s32 $0x0, s20;
	[sflag:s22] =	ssyncset.done $0x0  }
0xa0: {  	[sflag:s22] =	ssyncadd.s32 s3;
	_ =	sdelay $0x1  }
0xa1: {  	s23 =	simm.s32 $0x1B8B  }
0xa2: {  	_ =	swait.ge [sflag:s23], $0x1  }
0xa3: {  	[sflag:s23] =	ssyncset.done $0x0  }
0xa4: {  	s25 =	simm.s32 $0x1B8E;
	s24 =	sld [smem:$0x3FFE];
	[sflag:s23] =	ssyncadd.s32 $0xFFFFFFFF  }
0xa5: {  	s26 =	simm.s32 $execute0_lowered;
	[smem:$0x3FD2] =	sst s25  }
0xa6: {  	s4 =	sshll.u32 s26, $0x1;
	_ =	strace $0x8000004C;
	[dreg:$0x1] =	wrdreg $0xFFFFFFFF  }
0xa7: {  	s28 =	simm.s32 $_size_execute0_lowered;
	s2 =	sadd.s32 s2, s4;
	[dreg:$0x0] =	wrdreg $0x0  }
0xa8: {  	s4 =	sshll.u32 s28, $0x1;
	[dreg:$0x2] =	wrdreg s2  }
0xa9: {  	[dreg:$0x3] =	wrdreg s4  }
0xaa: {  	[dreg:$0x4] =	wrdreg $0xC0  }
0xab: {  	_ =	task [dreg:s6], $0x5FFFF  }
0xac: {  	[dreg:$0x1] =	wrdreg $0xFFFFFFFF  }
0xad: {  	[dreg:$0x0] =	wrdreg $0x60  }
0xae: {  	[dreg:$0x2] =	wrdreg s24  }
0xaf: {  	[dreg:$0x3] =	wrdreg $0x69780  }
0xb0: {  	[dreg:$0x4] =	wrdreg $0x9  }
0xb1: {  	_ =	task.clear_ibuf [dreg:s6], $0x5FFFF;
	_ =	strace $0x9000004C  }
0xb2: {  	s29 =	simm.s32 $0x9;
	_ =	strace $0x8000004E  }
0xb3: {  	_ =	swait.ge [sflag:s29], $0x1  }
0xb4: {  	[sflag:s29] =	ssyncadd.s32 $0xFFFFFFFF  }
0xb5: {  	_ =	strace $0x9000004E  }
0xb6: {  	_ =	sfence  }
0xb7: {  	s30 =	sld [smem:$0x0];
	_ =	sdelay $0x2  }
0xb8: {  	s31 =	sshll.u32 s1, $0xD;
	s1 =	sshrl.u32 s1, $0x2  }
0xb9: {  	s3 =	sand.u32 $0x4000, s31;
	s1 =	sadd.s32 s1, s30  }
0xba: {  	s0 =	sor.u32 s3, s0;
	s1 =	sshll.u32 s1, $0x11  }
0xbb: {  	s0 =	sor.u32 s1, s0  }
0xbc: {  	s0 =	sadd.s32 $0x8F2B, s0  }
0xbd: {  	[sflag:s0] =	ssyncadd.remote.s32 $0x1  }
0xbe: {  	_ =	sfence.sel $0xFFFF  }
0xbf: {  	[dreg:$0x0] =	wrdreg $0xFFFFFFFF;
	(pc) =	sbr.abs _section_cstart, $3  }
0xc0: {  	[dreg:$0x1] =	wrdreg $0xFFFFFFFF  }
0xc1: {  	_ =	task.clear_ibuf [dreg:s6], $0x2FFFF;
	_ =	strace $0x9FFFFFFF  }
0xc2: {  	(tm) =	ssettm $0x7FFFFFFF  }
0xc3: {  	_ =	shalt  }
tec
execute0_lowered:
.L_overlay_start_1:
0x0: {  	(tag) =	ssettag $0x1  }
0x1: {  	s0 =	rddreg [dreg:$0x0]  }
0x2: {  	s1 =	srdreg.scid;
	s10 =	stileid.u32  }
0x3: {  	s2 =	rddreg [dreg:$0x1];
	s3 =	simm.s32 $0x0;
	s6 =	smul.u32 $0xC350, s10  }
0x4: {  	s29 =	simm.s32 $0x578;
	s30 =	simm.s32 $0x3;
	s5 =	smul.u32 $0x640, s10  }
0x5: {  	s31 =	simm.s32 $0x3E8;
	s1 =	sand.u32 $0x1, s1;
	s25 =	smul.u32 $0x64000, s10  }
0x6: {  	[smem:$0x7FF] =	sst s3;
	s4 =	smul.u32 $0xC3500, s1;
	s7 =	sxor.u32 $0x1, s1  }
0x7: {  	s12 =	sadd.s32 $0x34E00, s0;
	s1 =	ssub.s32 $0x2, s1;
	s9 =	smul.u32 $0x6400, s7  }
0x8: {  	s26 =	sshrl.u32 s1, $0x1;
	s7 =	smul.u32 $0xC3500, s7;
	s4 =	sadd.s32 s6, s4  }
0x9: {  	_ =	strace $0x8000004D;
	s1 =	ssub.s32 s1, s26;
	s8 =	sshrl.u32 s4, $0x3  }
0xa: {  	s4 =	sadd.s32 $0x65C00, s0;
	s5 =	sadd.s32 s5, s9;
	s6 =	sadd.s32 s6, s7  }
0xb: {  	s11 =	sadd.s32 s8, s0;
	s5 =	sshll.u32 s5, $0x3;
	s8 =	sshrl.u32 s25, $0x2  }
0xc: {  	s26 =	smax.u32 s1, $0x1;
	s0 =	sadd.s32 s5, s0;
	s5 =	sadd.s32 s8, s2  }
0xd: {  	s1 =	simm.s32 $0x4B0;
	[dreg:$0xe] =	wrdreg s26;
	s10 =	sadd.s32 $0x9600, s5  }
0xe: {  	s19 =	sadd.s32 $0x320, s6;
	s13 =	sadd.s32 $0xC800, s5;
	[dreg:$0x3] =	wrdreg s10  }
0xf: {  	s22 =	sadd.s32 $0x258, s6;
	s14 =	sadd.s32 $0xFA00, s5;
	[dreg:$0x4] =	wrdreg s13  }
0x10: {  	s23 =	sadd.s32 $0x190, s6;
	s15 =	sadd.s32 $0xC9C00, s0;
	[dreg:$0x5] =	wrdreg s14  }
0x11: {  	s7 =	sshrl.u32 s19, $0x3;
	s16 =	sadd.s32 $0xCA240, s0;
	[dreg:$0x6] =	wrdreg s15  }
0x12: {  	s8 =	sadd.s32 $0x3200, s5;
	s17 =	sadd.s32 $0xCA880, s0;
	[dreg:$0x7] =	wrdreg s16  }
0x13: {  	s24 =	sadd.s32 $0x6400, s5;
	s18 =	sadd.s32 $0xCAEC0, s0;
	[dreg:$0x8] =	wrdreg s17  }
0x14: {  	s20 =	sadd.s32 $0xCB500, s0;
	s21 =	sadd.s32 $0xCBB40, s0;
	[dreg:$0x9] =	wrdreg s18  }
0x15: {  	s25 =	sadd.s32 $0xCC180, s0;
	s0 =	sadd.s32 $0xCC7C0, s0;
	[dreg:$0xa] =	wrdreg s20  }
0x16: {  	s26 =	sadd.s32 $0x12C00, s5;
	s28 =	sadd.s32 $0x15E00, s5;
	[dreg:$0xb] =	wrdreg s21  }
0x17: {  	s13 =	sshrl.u32 s6, $0x3;
	s18 =	sadd.s32 s7, s12;
	[dreg:$0xc] =	wrdreg s25  }
0x18: {  	s6 =	sadd.s32 $0xC8, s6;
	s7 =	sshrl.u32 s22, $0x3;
	[dreg:$0xd] =	wrdreg s0  }
0x19: {  	s25 =	sadd.s32 $0x4000, s11;
	s0 =	simm.s32 $0xC8;
	s11 =	simm.s32 $0x3778  }
0x1a: {  	s14 =	simm.s32 $0x2;
	s15 =	simm.s32 $0x258;
	s16 =	simm.s32 $0x320  }
0x1b: {  	s22 =	simm.s32 $0x0;
	s17 =	sadd.s32 s13, s12;
	s13 =	sshrl.u32 s23, $0x3  }
0x1c: {  	s6 =	sshrl.u32 s6, $0x3;
	s19 =	sadd.s32 s7, s12;
	s20 =	sadd.s32 s13, s12  }
0x1d: {  	v0 =	vimm.f32 $0.0e+00;
	s21 =	sadd.s32 s6, s12;
	s12 =	simm.s32 $0x1;
	s13 =	simm.s32 $0x190  }
.LBB2_1:
0x1e: {  	s23 =	simm.s32 $0x100;
	s6 =	simm.s32 $0x0  }
.LBB2_2:
0x1f: {  	p0 =	sne.s32 s23, $0xC700;
	[tilespmem:s6+$0x5A8] =	vst v0;
	s7 =	smov.u32 s23;
	s23 =	sadd.s32 $0x100, s23  }
.Ltmp0:
0x20: {  	[tilespmem:s6+$0x598] =	vst v0;
	(pc) =	sbr.rel @p0 .LBB2_2-.Ltmp0, $3  }
0x21: {  	[tilespmem:s6+$0x578] =	vst v0  }
0x22: {  	[tilespmem:s6+$0x588] =	vst v0;
	_ =	sdelay $0x1  }
0x23: {  	s6 =	sshra.s32 s7, $0x2  }
0x24: {  	[tilespmem:s6+$0x5A8] =	vst v0  }
0x25: {  	[tilespmem:s6+$0x598] =	vst v0  }
0x26: {  	[tilespmem:s6+$0x578] =	vst v0  }
0x27: {  	[tilespmem:s6+$0x588] =	vst v0  }
0x28: {  	[spmem:s5] =	stream.linear.scatter [tilespmem:s29], [sflag:$0x3], $0x3200, $0x38;
	[tilespmem:$0x1F978] =	vst v63  }
0x29: {  	_ =	swait.ge [sflag:s30], $0x3200  }
0x2a: {  	[sflag:s30] =	ssyncset.done $0x0  }
0x2b: {  	[sflag:s30] =	ssyncadd.s32 $0xFFFFCE00  }
0x2c: {  	[spmem:s8] =	stream.linear.scatter [tilespmem:s29], [sflag:$0x3], $0x3200, $0x38;
	[tilespmem:$0x1F978] =	vst v63  }
0x2d: {  	_ =	swait.ge [sflag:s30], $0x3200  }
0x2e: {  	[sflag:s30] =	ssyncset.done $0x0  }
0x2f: {  	[sflag:s30] =	ssyncadd.s32 $0xFFFFCE00  }
0x30: {  	[spmem:s24] =	stream.linear.scatter [tilespmem:s29], [sflag:$0x3], $0x3200, $0x38;
	[tilespmem:$0x1F978] =	vst v63  }
0x31: {  	_ =	swait.ge [sflag:s30], $0x3200  }
0x32: {  	[sflag:s30] =	ssyncset.done $0x0  }
0x33: {  	s10 =	smov.u32 s24;
	s24 =	rddreg [dreg:$0x3];
	[sflag:s30] =	ssyncadd.s32 $0xFFFFCE00  }
0x34: {  	[spmem:s24] =	stream.linear.scatter [tilespmem:s29], [sflag:$0x3], $0x3200, $0x38;
	[tilespmem:$0x1F978] =	vst v63  }
0x35: {  	_ =	swait.ge [sflag:s30], $0x3200  }
0x36: {  	[sflag:s30] =	ssyncset.done $0x0  }
0x37: {  	s7 =	rddreg [dreg:$0x4];
	[sflag:s30] =	ssyncadd.s32 $0xFFFFCE00  }
0x38: {  	[spmem:s7] =	stream.linear.scatter [tilespmem:s29], [sflag:$0x3], $0x3200, $0x38;
	[tilespmem:$0x1F978] =	vst v63  }
0x39: {  	_ =	swait.ge [sflag:s30], $0x3200  }
0x3a: {  	[sflag:s30] =	ssyncset.done $0x0  }
0x3b: {  	s9 =	smov.u32 s8;
	s8 =	rddreg [dreg:$0x5];
	[sflag:s30] =	ssyncadd.s32 $0xFFFFCE00  }
0x3c: {  	[spmem:s8] =	stream.linear.scatter [tilespmem:s29], [sflag:$0x3], $0x3200, $0x38;
	[tilespmem:$0x1F978] =	vst v63  }
0x3d: {  	_ =	swait.ge [sflag:s30], $0x3200  }
0x3e: {  	[sflag:s30] =	ssyncset.done $0x0  }
0x3f: {  	[sflag:s30] =	ssyncadd.s32 $0xFFFFCE00  }
0x40: {  	[spmem:s26] =	stream.linear.scatter [tilespmem:s29], [sflag:$0x3], $0x3200, $0x38;
	[tilespmem:$0x1F978] =	vst v63  }
0x41: {  	_ =	swait.ge [sflag:s30], $0x3200  }
0x42: {  	[sflag:s30] =	ssyncset.done $0x0  }
0x43: {  	[sflag:s30] =	ssyncadd.s32 $0xFFFFCE00  }
0x44: {  	[spmem:s28] =	stream.linear.scatter [tilespmem:s29], [sflag:$0x3], $0x3200, $0x38;
	[tilespmem:$0x1F978] =	vst v63  }
0x45: {  	_ =	swait.ge [sflag:s30], $0x3200  }
0x46: {  	[sflag:s30] =	ssyncset.done $0x0  }
0x47: {  	[sflag:s30] =	ssyncadd.s32 $0xFFFFCE00  }
0x48: {  	s23 =	sadd.s32 $0x0, s25;
	[bflag:$0x0] =	sbarrier.arrive $0xFFFF  }
0x49: {  	[tilespmem:s3], [sflag:$0x3] =	stream.linear.gather [hbm4b:s23+s3], $0x3E8, $0x38;
	[tilespmem:$0x1F978] =	vst v63  }
0x4a: {  	_ =	swait.ge [sflag:s30], $0x3E8  }
0x4b: {  	[sflag:s30] =	ssyncset.done $0x0  }
0x4c: {  	s24 =	sadd.s32 $0x0, s17;
	[sflag:s30] =	ssyncadd.s32 $0xFFFFFC18  }
0x4d: {  	[tilespmem:s31], [sflag:$0x3] =	stream.linear.gather [hbm4b:s24+s3], $0xC8, $0x38;
	[tilespmem:$0x1F978] =	vst v63  }
0x4e: {  	_ =	swait.ge [sflag:s30], $0xC8  }
0x4f: {  	[sflag:s30] =	ssyncset.done $0x0  }
0x50: {  	[sflag:s30] =	ssyncadd.s32 $0xFFFFFF38  }
0x51: {  	[tilespmem:s29], [sflag:$0x1] =	stream.indirect.gather [hbm4b:s4+s0], $0x40, s3, s0, $0xb8;
	[tilespmem:$0x1F978] =	vst v63  }
0x52: {  	s7 =	sadd.s32 $0x0, s21  }
0x53: {  	[tilespmem:s1], [sflag:$0x3] =	stream.linear.gather [hbm4b:s7+s3], $0xC8, $0x38;
	[tilespmem:$0x1F978] =	vst v63  }
0x54: {  	_ =	swait.ge [sflag:s30], $0xC8  }
0x55: {  	[sflag:s30] =	ssyncset.done $0x0  }
0x56: {  	[sflag:s30] =	ssyncadd.s32 $0xFFFFFF38  }
0x57: {  	[tilespmem:s11], [sflag:$0x2] =	stream.indirect.gather [hbm4b:s4+s0], $0x40, s0, s0, $0xb8;
	[tilespmem:$0x1F978] =	vst v63  }
0x58: {  	_ =	swait.ge [sflag:s12], $0x3200  }
0x59: {  	[sflag:s12] =	ssyncset.done $0x0  }
0x5a: {  	[sflag:s12] =	ssyncadd.s32 $0xFFFFCE00  }
0x5b: {  	[spmem:s2] =	stream.indirect.scatter.add.f32 [tilespmem:s29], [sflag:$0x3], $0x40, s31, s0, $0xb8;
	[tilespmem:$0x1F978] =	vst v63  }
0x5c: {  	_ =	swait.ge [sflag:s30], $0x3200  }
0x5d: {  	[sflag:s30] =	ssyncset.done $0x0  }
0x5e: {  	s8 =	sadd.s32 $0x0, s20;
	[sflag:s30] =	ssyncadd.s32 $0xFFFFCE00  }
0x5f: {  	[tilespmem:s31], [sflag:$0x3] =	stream.linear.gather [hbm4b:s8+s3], $0xC8, $0x38;
	[tilespmem:$0x1F978] =	vst v63  }
0x60: {  	_ =	swait.ge [sflag:s30], $0xC8  }
0x61: {  	[sflag:s30] =	ssyncset.done $0x0  }
0x62: {  	[sflag:s30] =	ssyncadd.s32 $0xFFFFFF38  }
0x63: {  	[tilespmem:s29], [sflag:$0x1] =	stream.indirect.gather [hbm4b:s4+s0], $0x40, s13, s0, $0xb8;
	[tilespmem:$0x1F978] =	vst v63  }
0x64: {  	_ =	swait.ge [sflag:s14], $0x3200  }
0x65: {  	[sflag:s14] =	ssyncset.done $0x0  }
0x66: {  	[sflag:s14] =	ssyncadd.s32 $0xFFFFCE00  }
0x67: {  	[spmem:s2] =	stream.indirect.scatter.add.f32 [tilespmem:s11], [sflag:$0x3], $0x40, s1, s0, $0xb8;
	[tilespmem:$0x1F978] =	vst v63  }
0x68: {  	_ =	swait.ge [sflag:s30], $0x3200  }
0x69: {  	[sflag:s30] =	ssyncset.done $0x0  }
0x6a: {  	s23 =	sadd.s32 $0x0, s19;
	[sflag:s30] =	ssyncadd.s32 $0xFFFFCE00  }
0x6b: {  	[tilespmem:s1], [sflag:$0x3] =	stream.linear.gather [hbm4b:s23+s3], $0xC8, $0x38;
	[tilespmem:$0x1F978] =	vst v63  }
0x6c: {  	_ =	swait.ge [sflag:s30], $0xC8  }
0x6d: {  	[sflag:s30] =	ssyncset.done $0x0  }
0x6e: {  	[sflag:s30] =	ssyncadd.s32 $0xFFFFFF38  }
0x6f: {  	[tilespmem:s11], [sflag:$0x2] =	stream.indirect.gather [hbm4b:s4+s0], $0x40, s15, s0, $0xb8;
	[tilespmem:$0x1F978] =	vst v63  }
0x70: {  	_ =	swait.ge [sflag:s12], $0x3200  }
0x71: {  	[sflag:s12] =	ssyncset.done $0x0  }
0x72: {  	[sflag:s12] =	ssyncadd.s32 $0xFFFFCE00  }
0x73: {  	[spmem:s2] =	stream.indirect.scatter.add.f32 [tilespmem:s29], [sflag:$0x3], $0x40, s31, s0, $0xb8;
	[tilespmem:$0x1F978] =	vst v63  }
0x74: {  	_ =	swait.ge [sflag:s30], $0x3200  }
0x75: {  	[sflag:s30] =	ssyncset.done $0x0  }
0x76: {  	s24 =	sadd.s32 $0x0, s18;
	[sflag:s30] =	ssyncadd.s32 $0xFFFFCE00  }
0x77: {  	[tilespmem:s31], [sflag:$0x3] =	stream.linear.gather [hbm4b:s24+s3], $0xC8, $0x38;
	[tilespmem:$0x1F978] =	vst v63  }
0x78: {  	_ =	swait.ge [sflag:s30], $0xC8  }
0x79: {  	[sflag:s30] =	ssyncset.done $0x0  }
0x7a: {  	[sflag:s30] =	ssyncadd.s32 $0xFFFFFF38  }
0x7b: {  	[tilespmem:s29], [sflag:$0x1] =	stream.indirect.gather [hbm4b:s4+s0], $0x40, s16, s0, $0xb8;
	[tilespmem:$0x1F978] =	vst v63  }
0x7c: {  	_ =	swait.ge [sflag:s14], $0x3200  }
0x7d: {  	[sflag:s14] =	ssyncset.done $0x0  }
0x7e: {  	[sflag:s14] =	ssyncadd.s32 $0xFFFFCE00  }
0x7f: {  	[spmem:s2] =	stream.indirect.scatter.add.f32 [tilespmem:s11], [sflag:$0x3], $0x40, s1, s0, $0xb8;
	[tilespmem:$0x1F978] =	vst v63  }
0x80: {  	_ =	swait.ge [sflag:s30], $0x3200  }
0x81: {  	[sflag:s30] =	ssyncset.done $0x0  }
0x82: {  	[sflag:s30] =	ssyncadd.s32 $0xFFFFCE00  }
0x83: {  	_ =	swait.ge [sflag:s12], $0x3200  }
0x84: {  	[sflag:s12] =	ssyncset.done $0x0  }
0x85: {  	[sflag:s12] =	ssyncadd.s32 $0xFFFFCE00  }
0x86: {  	[spmem:s2] =	stream.indirect.scatter.add.f32 [tilespmem:s29], [sflag:$0x3], $0x40, s31, s0, $0xb8;
	[tilespmem:$0x1F978] =	vst v63  }
0x87: {  	_ =	swait.ge [sflag:s30], $0x3200  }
0x88: {  	s23 =	simm.s32 $0x7D;
	s24 =	simm.s32 $0xFA;
	[sflag:s30] =	ssyncset.done $0x0  }
.LBB2_4:
0x89: {  	s8 =	sadd.s32 s23, s25  }
0x8a: {  	[sflag:s30] =	ssyncadd.s32 $0xFFFFCE00;
	s6 =	smov.u32 s24;
	s7 =	sadd.s32 $0x7D, s24  }
0x8b: {  	[tilespmem:s3], [sflag:$0x3] =	stream.linear.gather [hbm4b:s8+s3], $0x3E8, $0x38;
	[tilespmem:$0x1F978] =	vst v63  }
0x8c: {  	p0 =	sne.s32 s24, $0x17ED;
	_ =	swait.ge [sflag:s30], $0x3E8  }
0x8d: {  	[sflag:s30] =	ssyncset.done $0x0  }
0x8e: {  	s8 =	sadd.s32 s23, s17;
	[sflag:s30] =	ssyncadd.s32 $0xFFFFFC18  }
0x8f: {  	[tilespmem:s31], [sflag:$0x3] =	stream.linear.gather [hbm4b:s8+s3], $0xC8, $0x38;
	[tilespmem:$0x1F978] =	vst v63  }
0x90: {  	_ =	swait.ge [sflag:s30], $0xC8  }
0x91: {  	[sflag:s30] =	ssyncset.done $0x0  }
0x92: {  	[sflag:s30] =	ssyncadd.s32 $0xFFFFFF38  }
0x93: {  	[tilespmem:s29], [sflag:$0x1] =	stream.indirect.gather [hbm4b:s4+s0], $0x40, s3, s0, $0xb8;
	[tilespmem:$0x1F978] =	vst v63  }
0x94: {  	s8 =	sadd.s32 s23, s21  }
0x95: {  	[tilespmem:s1], [sflag:$0x3] =	stream.linear.gather [hbm4b:s8+s3], $0xC8, $0x38;
	[tilespmem:$0x1F978] =	vst v63  }
0x96: {  	_ =	swait.ge [sflag:s30], $0xC8  }
0x97: {  	[sflag:s30] =	ssyncset.done $0x0  }
0x98: {  	[sflag:s30] =	ssyncadd.s32 $0xFFFFFF38  }
0x99: {  	[tilespmem:s11], [sflag:$0x2] =	stream.indirect.gather [hbm4b:s4+s0], $0x40, s0, s0, $0xb8;
	[tilespmem:$0x1F978] =	vst v63  }
0x9a: {  	_ =	swait.ge [sflag:s12], $0x3200  }
0x9b: {  	[sflag:s12] =	ssyncset.done $0x0  }
0x9c: {  	[sflag:s12] =	ssyncadd.s32 $0xFFFFCE00  }
0x9d: {  	[spmem:s2] =	stream.indirect.scatter.add.f32 [tilespmem:s29], [sflag:$0x3], $0x40, s31, s0, $0xb8;
	[tilespmem:$0x1F978] =	vst v63  }
0x9e: {  	_ =	swait.ge [sflag:s30], $0x3200  }
0x9f: {  	[sflag:s30] =	ssyncset.done $0x0  }
0xa0: {  	s8 =	sadd.s32 s23, s20;
	[sflag:s30] =	ssyncadd.s32 $0xFFFFCE00  }
0xa1: {  	[tilespmem:s31], [sflag:$0x3] =	stream.linear.gather [hbm4b:s8+s3], $0xC8, $0x38;
	[tilespmem:$0x1F978] =	vst v63  }
0xa2: {  	_ =	swait.ge [sflag:s30], $0xC8  }
0xa3: {  	[sflag:s30] =	ssyncset.done $0x0  }
0xa4: {  	[sflag:s30] =	ssyncadd.s32 $0xFFFFFF38  }
0xa5: {  	[tilespmem:s29], [sflag:$0x1] =	stream.indirect.gather [hbm4b:s4+s0], $0x40, s13, s0, $0xb8;
	[tilespmem:$0x1F978] =	vst v63  }
0xa6: {  	_ =	swait.ge [sflag:s14], $0x3200  }
0xa7: {  	[sflag:s14] =	ssyncset.done $0x0  }
0xa8: {  	[sflag:s14] =	ssyncadd.s32 $0xFFFFCE00  }
0xa9: {  	[spmem:s2] =	stream.indirect.scatter.add.f32 [tilespmem:s11], [sflag:$0x3], $0x40, s1, s0, $0xb8;
	[tilespmem:$0x1F978] =	vst v63  }
0xaa: {  	_ =	swait.ge [sflag:s30], $0x3200  }
0xab: {  	[sflag:s30] =	ssyncset.done $0x0  }
0xac: {  	s8 =	sadd.s32 s23, s19;
	[sflag:s30] =	ssyncadd.s32 $0xFFFFCE00  }
0xad: {  	[tilespmem:s1], [sflag:$0x3] =	stream.linear.gather [hbm4b:s8+s3], $0xC8, $0x38;
	[tilespmem:$0x1F978] =	vst v63  }
0xae: {  	_ =	swait.ge [sflag:s30], $0xC8  }
0xaf: {  	[sflag:s30] =	ssyncset.done $0x0  }
0xb0: {  	[sflag:s30] =	ssyncadd.s32 $0xFFFFFF38  }
0xb1: {  	[tilespmem:s11], [sflag:$0x2] =	stream.indirect.gather [hbm4b:s4+s0], $0x40, s15, s0, $0xb8;
	[tilespmem:$0x1F978] =	vst v63  }
0xb2: {  	_ =	swait.ge [sflag:s12], $0x3200  }
0xb3: {  	[sflag:s12] =	ssyncset.done $0x0  }
0xb4: {  	[sflag:s12] =	ssyncadd.s32 $0xFFFFCE00  }
0xb5: {  	[spmem:s2] =	stream.indirect.scatter.add.f32 [tilespmem:s29], [sflag:$0x3], $0x40, s31, s0, $0xb8;
	[tilespmem:$0x1F978] =	vst v63  }
0xb6: {  	_ =	swait.ge [sflag:s30], $0x3200  }
0xb7: {  	[sflag:s30] =	ssyncset.done $0x0  }
0xb8: {  	s8 =	sadd.s32 s23, s18;
	s23 =	smov.u32 s6;
	[sflag:s30] =	ssyncadd.s32 $0xFFFFCE00  }
0xb9: {  	[tilespmem:s31], [sflag:$0x3] =	stream.linear.gather [hbm4b:s8+s3], $0xC8, $0x38;
	[tilespmem:$0x1F978] =	vst v63  }
0xba: {  	_ =	swait.ge [sflag:s30], $0xC8  }
0xbb: {  	[sflag:s30] =	ssyncset.done $0x0  }
0xbc: {  	[sflag:s30] =	ssyncadd.s32 $0xFFFFFF38  }
0xbd: {  	[tilespmem:s29], [sflag:$0x1] =	stream.indirect.gather [hbm4b:s4+s0], $0x40, s16, s0, $0xb8;
	[tilespmem:$0x1F978] =	vst v63  }
0xbe: {  	_ =	swait.ge [sflag:s14], $0x3200  }
0xbf: {  	[sflag:s14] =	ssyncset.done $0x0  }
0xc0: {  	[sflag:s14] =	ssyncadd.s32 $0xFFFFCE00  }
0xc1: {  	[spmem:s2] =	stream.indirect.scatter.add.f32 [tilespmem:s11], [sflag:$0x3], $0x40, s1, s0, $0xb8;
	[tilespmem:$0x1F978] =	vst v63  }
0xc2: {  	_ =	swait.ge [sflag:s30], $0x3200  }
0xc3: {  	[sflag:s30] =	ssyncset.done $0x0  }
0xc4: {  	[sflag:s30] =	ssyncadd.s32 $0xFFFFCE00  }
0xc5: {  	_ =	swait.ge [sflag:s12], $0x3200  }
.Ltmp1:
0xc6: {  	[sflag:s12] =	ssyncset.done $0x0;
	(pc) =	sbr.rel @p0 .LBB2_4-.Ltmp1, $4  }
0xc7: {  	[sflag:s12] =	ssyncadd.s32 $0xFFFFCE00  }
0xc8: {  	[spmem:s2] =	stream.indirect.scatter.add.f32 [tilespmem:s29], [sflag:$0x3], $0x40, s31, s0, $0xb8;
	[tilespmem:$0x1F978] =	vst v63  }
0xc9: {  	_ =	swait.ge [sflag:s30], $0x3200  }
0xca: {  	s24 =	smov.u32 s7;
	[sflag:s30] =	ssyncset.done $0x0  }
0xcb: {  	s6 =	sadd.s32 s23, s25;
	[sflag:s30] =	ssyncadd.s32 $0xFFFFCE00  }
0xcc: {  	[tilespmem:s3], [sflag:$0x3] =	stream.linear.gather [hbm4b:s6+s3], $0x3E8, $0x38;
	[tilespmem:$0x1F978] =	vst v63  }
0xcd: {  	_ =	swait.ge [sflag:s30], $0x3E8  }
0xce: {  	[sflag:s30] =	ssyncset.done $0x0  }
0xcf: {  	s24 =	sadd.s32 s23, s17;
	[sflag:s30] =	ssyncadd.s32 $0xFFFFFC18  }
0xd0: {  	[tilespmem:s31], [sflag:$0x3] =	stream.linear.gather [hbm4b:s24+s3], $0xC8, $0x38;
	[tilespmem:$0x1F978] =	vst v63  }
0xd1: {  	_ =	swait.ge [sflag:s30], $0xC8  }
0xd2: {  	[sflag:s30] =	ssyncset.done $0x0  }
0xd3: {  	[sflag:s30] =	ssyncadd.s32 $0xFFFFFF38  }
0xd4: {  	[tilespmem:s29], [sflag:$0x1] =	stream.indirect.gather [hbm4b:s4+s0], $0x40, s3, s0, $0xb8;
	[tilespmem:$0x1F978] =	vst v63  }
0xd5: {  	s7 =	sadd.s32 s23, s21  }
0xd6: {  	[tilespmem:s1], [sflag:$0x3] =	stream.linear.gather [hbm4b:s7+s3], $0xC8, $0x38;
	[tilespmem:$0x1F978] =	vst v63  }
0xd7: {  	_ =	swait.ge [sflag:s30], $0xC8  }
0xd8: {  	[sflag:s30] =	ssyncset.done $0x0  }
0xd9: {  	[sflag:s30] =	ssyncadd.s32 $0xFFFFFF38  }
0xda: {  	[tilespmem:s11], [sflag:$0x2] =	stream.indirect.gather [hbm4b:s4+s0], $0x40, s0, s0, $0xb8;
	[tilespmem:$0x1F978] =	vst v63  }
0xdb: {  	_ =	swait.ge [sflag:s12], $0x3200  }
0xdc: {  	[sflag:s12] =	ssyncset.done $0x0  }
0xdd: {  	[sflag:s12] =	ssyncadd.s32 $0xFFFFCE00  }
0xde: {  	[spmem:s2] =	stream.indirect.scatter.add.f32 [tilespmem:s29], [sflag:$0x3], $0x40, s31, s0, $0xb8;
	[tilespmem:$0x1F978] =	vst v63  }
0xdf: {  	_ =	swait.ge [sflag:s30], $0x3200  }
0xe0: {  	[sflag:s30] =	ssyncset.done $0x0  }
0xe1: {  	s8 =	sadd.s32 s23, s20;
	[sflag:s30] =	ssyncadd.s32 $0xFFFFCE00  }
0xe2: {  	[tilespmem:s31], [sflag:$0x3] =	stream.linear.gather [hbm4b:s8+s3], $0xC8, $0x38;
	[tilespmem:$0x1F978] =	vst v63  }
0xe3: {  	_ =	swait.ge [sflag:s30], $0xC8  }
0xe4: {  	[sflag:s30] =	ssyncset.done $0x0  }
0xe5: {  	[sflag:s30] =	ssyncadd.s32 $0xFFFFFF38  }
0xe6: {  	[tilespmem:s29], [sflag:$0x1] =	stream.indirect.gather [hbm4b:s4+s0], $0x40, s13, s0, $0xb8;
	[tilespmem:$0x1F978] =	vst v63  }
0xe7: {  	_ =	swait.ge [sflag:s14], $0x3200  }
0xe8: {  	[sflag:s14] =	ssyncset.done $0x0  }
0xe9: {  	[sflag:s14] =	ssyncadd.s32 $0xFFFFCE00  }
0xea: {  	[spmem:s2] =	stream.indirect.scatter.add.f32 [tilespmem:s11], [sflag:$0x3], $0x40, s1, s0, $0xb8;
	[tilespmem:$0x1F978] =	vst v63  }
0xeb: {  	_ =	swait.ge [sflag:s30], $0x3200  }
0xec: {  	[sflag:s30] =	ssyncset.done $0x0  }
0xed: {  	s24 =	sadd.s32 s23, s19;
	[sflag:s30] =	ssyncadd.s32 $0xFFFFCE00  }
0xee: {  	[tilespmem:s1], [sflag:$0x3] =	stream.linear.gather [hbm4b:s24+s3], $0xC8, $0x38;
	[tilespmem:$0x1F978] =	vst v63  }
0xef: {  	_ =	swait.ge [sflag:s30], $0xC8  }
0xf0: {  	[sflag:s30] =	ssyncset.done $0x0  }
0xf1: {  	[sflag:s30] =	ssyncadd.s32 $0xFFFFFF38  }
0xf2: {  	[tilespmem:s11], [sflag:$0x2] =	stream.indirect.gather [hbm4b:s4+s0], $0x40, s15, s0, $0xb8;
	[tilespmem:$0x1F978] =	vst v63  }
0xf3: {  	_ =	swait.ge [sflag:s12], $0x3200  }
0xf4: {  	[sflag:s12] =	ssyncset.done $0x0  }
0xf5: {  	[sflag:s12] =	ssyncadd.s32 $0xFFFFCE00  }
0xf6: {  	[spmem:s2] =	stream.indirect.scatter.add.f32 [tilespmem:s29], [sflag:$0x3], $0x40, s31, s0, $0xb8;
	[tilespmem:$0x1F978] =	vst v63  }
0xf7: {  	_ =	swait.ge [sflag:s30], $0x3200  }
0xf8: {  	[sflag:s30] =	ssyncset.done $0x0  }
0xf9: {  	s7 =	sadd.s32 s23, s18;
	[sflag:s30] =	ssyncadd.s32 $0xFFFFCE00  }
0xfa: {  	[tilespmem:s31], [sflag:$0x3] =	stream.linear.gather [hbm4b:s7+s3], $0xC8, $0x38;
	[tilespmem:$0x1F978] =	vst v63  }
0xfb: {  	_ =	swait.ge [sflag:s30], $0xC8  }
0xfc: {  	[sflag:s30] =	ssyncset.done $0x0  }
0xfd: {  	[sflag:s30] =	ssyncadd.s32 $0xFFFFFF38  }
0xfe: {  	[tilespmem:s29], [sflag:$0x1] =	stream.indirect.gather [hbm4b:s4+s0], $0x40, s16, s0, $0xb8;
	[tilespmem:$0x1F978] =	vst v63  }
0xff: {  	_ =	swait.ge [sflag:s14], $0x3200  }
0x100: {  	[sflag:s14] =	ssyncset.done $0x0  }
0x101: {  	[sflag:s14] =	ssyncadd.s32 $0xFFFFCE00  }
0x102: {  	[spmem:s2] =	stream.indirect.scatter.add.f32 [tilespmem:s11], [sflag:$0x3], $0x40, s1, s0, $0xb8;
	[tilespmem:$0x1F978] =	vst v63  }
0x103: {  	_ =	swait.ge [sflag:s30], $0x3200  }
0x104: {  	[sflag:s30] =	ssyncset.done $0x0  }
0x105: {  	[sflag:s30] =	ssyncadd.s32 $0xFFFFCE00  }
0x106: {  	_ =	swait.ge [sflag:s12], $0x3200  }
0x107: {  	[sflag:s12] =	ssyncset.done $0x0  }
0x108: {  	[sflag:s12] =	ssyncadd.s32 $0xFFFFCE00  }
0x109: {  	[spmem:s2] =	stream.indirect.scatter.add.f32 [tilespmem:s29], [sflag:$0x3], $0x40, s31, s0, $0xb8;
	[tilespmem:$0x1F978] =	vst v63  }
0x10a: {  	_ =	swait.ge [sflag:s30], $0x3200  }
0x10b: {  	[sflag:s30] =	ssyncset.done $0x0  }
0x10c: {  	[sflag:s30] =	ssyncadd.s32 $0xFFFFCE00  }
0x10d: {  	[bflag:$0x0] =	sbarrier.arrive $0xFFFF  }
0x10e: {  	[tilespmem:s29], [sflag:$0x3] =	stream.linear.gather [spmem:s5], $0x3200, $0x38;
	[tilespmem:$0x1F978] =	vst v63  }
0x10f: {  	_ =	swait.ge [sflag:s30], $0x3200  }
0x110: {  	[sflag:s30] =	ssyncset.done $0x0  }
0x111: {  	s8 =	rddreg [dreg:$0x6];
	[sflag:s30] =	ssyncadd.s32 $0xFFFFCE00  }
0x112: {  	[hbm4b:s8+s3] =	stream.linear.scatter [tilespmem:s29], [sflag:$0x3], $0x3200, $0x38;
	[tilespmem:$0x1F978] =	vst v63  }
0x113: {  	_ =	swait.ge [sflag:s30], $0x3200  }
0x114: {  	[sflag:s30] =	ssyncset.done $0x0  }
0x115: {  	[sflag:s30] =	ssyncadd.s32 $0xFFFFCE00  }
0x116: {  	[tilespmem:s29], [sflag:$0x3] =	stream.linear.gather [spmem:s9], $0x3200, $0x38;
	[tilespmem:$0x1F978] =	vst v63  }
0x117: {  	_ =	swait.ge [sflag:s30], $0x3200  }
0x118: {  	[sflag:s30] =	ssyncset.done $0x0  }
0x119: {  	s8 =	smov.u32 s9;
	s9 =	rddreg [dreg:$0x7];
	[sflag:s30] =	ssyncadd.s32 $0xFFFFCE00  }
0x11a: {  	[hbm4b:s9+s3] =	stream.linear.scatter [tilespmem:s29], [sflag:$0x3], $0x3200, $0x38;
	[tilespmem:$0x1F978] =	vst v63  }
0x11b: {  	_ =	swait.ge [sflag:s30], $0x3200  }
0x11c: {  	[sflag:s30] =	ssyncset.done $0x0  }
0x11d: {  	[sflag:s30] =	ssyncadd.s32 $0xFFFFCE00  }
0x11e: {  	[tilespmem:s29], [sflag:$0x3] =	stream.linear.gather [spmem:s10], $0x3200, $0x38;
	[tilespmem:$0x1F978] =	vst v63  }
0x11f: {  	_ =	swait.ge [sflag:s30], $0x3200  }
0x120: {  	[sflag:s30] =	ssyncset.done $0x0  }
0x121: {  	s24 =	smov.u32 s10;
	s10 =	rddreg [dreg:$0x8];
	[sflag:s30] =	ssyncadd.s32 $0xFFFFCE00  }
0x122: {  	[hbm4b:s10+s3] =	stream.linear.scatter [tilespmem:s29], [sflag:$0x3], $0x3200, $0x38;
	[tilespmem:$0x1F978] =	vst v63  }
0x123: {  	_ =	swait.ge [sflag:s30], $0x3200  }
0x124: {  	[sflag:s30] =	ssyncset.done $0x0  }
0x125: {  	s23 =	rddreg [dreg:$0x3];
	[sflag:s30] =	ssyncadd.s32 $0xFFFFCE00  }
0x126: {  	[tilespmem:s29], [sflag:$0x3] =	stream.linear.gather [spmem:s23], $0x3200, $0x38;
	[tilespmem:$0x1F978] =	vst v63  }
0x127: {  	_ =	swait.ge [sflag:s30], $0x3200  }
0x128: {  	[sflag:s30] =	ssyncset.done $0x0  }
0x129: {  	s7 =	rddreg [dreg:$0x9];
	[sflag:s30] =	ssyncadd.s32 $0xFFFFCE00  }
0x12a: {  	[hbm4b:s7+s3] =	stream.linear.scatter [tilespmem:s29], [sflag:$0x3], $0x3200, $0x38;
	[tilespmem:$0x1F978] =	vst v63  }
0x12b: {  	_ =	swait.ge [sflag:s30], $0x3200  }
0x12c: {  	[sflag:s30] =	ssyncset.done $0x0  }
0x12d: {  	s9 =	rddreg [dreg:$0x4];
	[sflag:s30] =	ssyncadd.s32 $0xFFFFCE00  }
0x12e: {  	[tilespmem:s29], [sflag:$0x3] =	stream.linear.gather [spmem:s9], $0x3200, $0x38;
	[tilespmem:$0x1F978] =	vst v63  }
0x12f: {  	_ =	swait.ge [sflag:s30], $0x3200  }
0x130: {  	[sflag:s30] =	ssyncset.done $0x0  }
0x131: {  	s10 =	rddreg [dreg:$0xa];
	[sflag:s30] =	ssyncadd.s32 $0xFFFFCE00  }
0x132: {  	[hbm4b:s10+s3] =	stream.linear.scatter [tilespmem:s29], [sflag:$0x3], $0x3200, $0x38;
	[tilespmem:$0x1F978] =	vst v63  }
0x133: {  	_ =	swait.ge [sflag:s30], $0x3200  }
0x134: {  	[sflag:s30] =	ssyncset.done $0x0  }
0x135: {  	s23 =	rddreg [dreg:$0x5];
	[sflag:s30] =	ssyncadd.s32 $0xFFFFCE00  }
0x136: {  	[tilespmem:s29], [sflag:$0x3] =	stream.linear.gather [spmem:s23], $0x3200, $0x38;
	[tilespmem:$0x1F978] =	vst v63  }
0x137: {  	_ =	swait.ge [sflag:s30], $0x3200  }
0x138: {  	[sflag:s30] =	ssyncset.done $0x0  }
0x139: {  	s7 =	rddreg [dreg:$0xb];
	[sflag:s30] =	ssyncadd.s32 $0xFFFFCE00  }
0x13a: {  	[hbm4b:s7+s3] =	stream.linear.scatter [tilespmem:s29], [sflag:$0x3], $0x3200, $0x38;
	[tilespmem:$0x1F978] =	vst v63  }
0x13b: {  	_ =	swait.ge [sflag:s30], $0x3200  }
0x13c: {  	[sflag:s30] =	ssyncset.done $0x0  }
0x13d: {  	[sflag:s30] =	ssyncadd.s32 $0xFFFFCE00  }
0x13e: {  	[tilespmem:s29], [sflag:$0x3] =	stream.linear.gather [spmem:s26], $0x3200, $0x38;
	[tilespmem:$0x1F978] =	vst v63  }
0x13f: {  	_ =	swait.ge [sflag:s30], $0x3200  }
0x140: {  	[sflag:s30] =	ssyncset.done $0x0  }
0x141: {  	s9 =	rddreg [dreg:$0xc];
	[sflag:s30] =	ssyncadd.s32 $0xFFFFCE00  }
0x142: {  	[hbm4b:s9+s3] =	stream.linear.scatter [tilespmem:s29], [sflag:$0x3], $0x3200, $0x38;
	[tilespmem:$0x1F978] =	vst v63  }
0x143: {  	_ =	swait.ge [sflag:s30], $0x3200  }
0x144: {  	[sflag:s30] =	ssyncset.done $0x0  }
0x145: {  	[sflag:s30] =	ssyncadd.s32 $0xFFFFCE00  }
0x146: {  	[tilespmem:s29], [sflag:$0x3] =	stream.linear.gather [spmem:s28], $0x3200, $0x38;
	[tilespmem:$0x1F978] =	vst v63  }
0x147: {  	_ =	swait.ge [sflag:s30], $0x3200  }
0x148: {  	[sflag:s30] =	ssyncset.done $0x0  }
0x149: {  	s10 =	rddreg [dreg:$0xd];
	[sflag:s30] =	ssyncadd.s32 $0xFFFFCE00  }
0x14a: {  	[hbm4b:s10+s3] =	stream.linear.scatter [tilespmem:s29], [sflag:$0x3], $0x3200, $0x38;
	[tilespmem:$0x1F978] =	vst v63  }
0x14b: {  	_ =	swait.ge [sflag:s30], $0x3200  }
0x14c: {  	s22 =	sadd.s32 $0x1, s22;
	s23 =	rddreg [dreg:$0xe]  }
0x14d: {  	p0 =	sne.s32 s22, s23  }
.Ltmp2:
0x14e: {  	_ = 	snop;
	(pc) =	sbr.rel @p0 .LBB2_1-.Ltmp2, $3  }
0x14f: {  	_ =	sdelay $0x1  }
0x150: {  	[sflag:s30] =	ssyncset.done $0x0  }
0x151: {  	[sflag:s30] =	ssyncadd.s32 $0xFFFFCE00  }
0x152: {  	_ =	sfence.sel $0x180000  }
0x153: {  	[bflag:$0x0] =	sbarrier.arrive $0xFFFF  }
0x154: {  	_ =	strace $0x9000004D  }
0x155: {  	s0 =	stileid.u32;
	[bflag:$0x2] =	sbarrier.arrive $0xFFFF  }
0x156: {  	p0 =	sne.s32 s0, $0x0;
	s0 =	rddreg [dreg:$0x2]  }
0x157: {  	s0 =	sadd.s32 @!p0 $0x100000, s0  }
0x158: {  	[sflag:s0] =	ssyncadd.tile.s32 @!p0 $0x1;
	_ =	shalt  }
.Lfunc_end2:
_tile_overlayer_lowered:
.L_overlay_start_2:
0x159: {  	(tag) =	ssettag $0x2  }
0x15a: {  	s0 =	rddreg [dreg:$0x0];
	s2 =	stileid.u32  }
0x15b: {  	s1 =	rddreg [dreg:$0x1];
	p0 =	sne.s32 s2, $0x0  }
0x15c: {  	s3 =	rddreg [dreg:$0x2];
	[bflag:$0x3] =	sbarrier.arrive $0xFFFF;
	s2 =	simm.s32 @!p0 $0x1C03  }
0x15d: {  	[timem:s3], [sflag:s2] =	dma.local @!p0 [hbm:s0], s1  }
0x15e: {  	s0 =	simm.s32 @!p0 $0x3  }
0x15f: {  	_ =	swait.ge @!p0 [sflag:s0], s1  }
0x160: {  	s1 =	ssub.s32 @!p0 $0x0, s1;
	[sflag:s0] =	ssyncset.done @!p0 $0x0  }
0x161: {  	[sflag:s0] =	ssyncadd.s32 @!p0 s1  }
0x162: {  	[bflag:$0x3] =	sbarrier.arrive $0xFFFF  }
0x163: {  	_ =	shalt  }

// kernel: kernel.19.cloned.1.call-start
scs
__scs_entry_jumppad:
0x0: {  	(pc) =	sbr.rel $0x88, $3  }
0x1: {  	(tag) =	ssettag $0x0;
	lr =	simm.s32 $0x1  }
0x2: {  	[smem:$0x3F90] =	sst lr;
	_ =	strace $0xD0000000  }
0x3: {  	_ = 	snop  }
0x4: {  	_ = 	snop  }
0x5: {  	_ = 	snop  }
0x6: {  	_ = 	snop  }
0x7: {  	_ = 	snop  }
__scs_overlays_trampoline_lowered:
0x8: {  	[smem:$0x3F9F] =	sst s0  }
0x9: {  	[smem:$0x3FA0] =	sst s1  }
0xa: {  	[smem:$0x3FA1] =	sst s2  }
0xb: {  	[smem:$0x3FA2] =	sst s3  }
0xc: {  	[smem:$0x3FA3] =	sst s4  }
0xd: {  	[smem:$0x3FA4] =	sst s5  }
0xe: {  	[smem:$0x3FA5] =	sst s6  }
0xf: {  	[smem:$0x3FA6] =	sst s7  }
0x10: {  	[smem:$0x3FA7] =	sst s8  }
0x11: {  	[smem:$0x3FA8] =	sst s9;
	s0 =	simm.s32 @!p0 $0x0  }
0x12: {  	s1 =	sld [smem:$0x3F8E];
	s0 =	simm.s32 @p0 $0x1  }
0x13: {  	[smem:$0x3FA9] =	sst s0;
	s0 =	simm.s32 @!p1 $0x0  }
0x14: {  	s2 =	sld [smem:$0x3F8D];
	s0 =	simm.s32 @p1 $0x1  }
0x15: {  	[smem:$0x3FAA] =	sst s0;
	s0 =	simm.s32 @!p2 $0x0  }
0x16: {  	s3 =	sld [smem:$0x3FDB];
	s0 =	simm.s32 @p2 $0x1  }
0x17: {  	s4 =	simm.s32 $0x1BF5;
	[smem:$0x3FAC] =	sst s0  }
0x18: {  	s0 =	sld [smem:$0x3F8F];
	_ =	swait.ge [sflag:s4], $0x0  }
0x19: {  	s7 =	sld [smem:$0x3F90]  }
0x1a: {  	s8 =	sadd.s32 $0xFFFFE003, lr  }
0x1b: {  	s9 =	sadd.s32 $0xFFFFFEF7, lr;
	s5 =	simm.s32 $0xFFFFFFFF;
	p2 =	slt.u32 s8, $0xFFFFF086  }
0x1c: {  	p1 =	slt.u32 s9, $0xF7A;
	s5 =	simm.s32 @!p2 $0x0  }
0x1d: {  	s5 =	simm.s32 @p1 $0x1;
	p0 =	seq.s32 s7, s2  }
0x1e: {  	s7 =	smul.u32 @!p0 $0xF7A, s2;
	p2 =	seq.s32 @!p0 s5, $0x0  }
0x1f: {  	s9 =	smul.u32 $0xF7A, s1;
	s8 =	simm.s32 @!p0 $0x1BF5;
	p2 =	por !p2, p0  }
0x20: {  	[sflag:s8] =	ssyncset.s32 @!p0 $0xFFFFF086;
	s6 =	sadd.s32 @!p0 s3, s7;
	s7 =	simm.s32 @!p0 $0x108  }
0x21: {  	s3 =	sadd.s32 s3, s9;
	s6 =	sadd.s32 @!p0 $0x88, s6;
	s7 =	simm.s32 @p2 $0x1082  }
0x22: {  	[simem:s7], [sflag:s8] =	dma.local @!p0 [hbm:s6], $0xF7A  }
0x23: {  	s9 =	sor.u32 $0xD0000000, s2;
	s6 =	simm.s32 $0x108;
	_ =	swait.ge @!p0 [sflag:s8], $0x0  }
0x24: {  	s3 =	sadd.s32 $0x88, s3;
	s6 =	simm.s32 @!p1 $0x1082;
	[sflag:s4] =	ssyncset.s32 $0xFFFFF086  }
0x25: {  	[simem:s6], [sflag:s4] =	dma.local [hbm:s3], $0xF7A  }
0x26: {  	[smem:$0x3F90] =	sst s1;
	(tag) =	ssettag s2;
	_ =	strace s9  }
0x27: {  	s1 =	sld [smem:$0x3FA0]  }
0x28: {  	s2 =	sld [smem:$0x3FA1]  }
0x29: {  	s4 =	sld [smem:$0x3FA3]  }
0x2a: {  	p0 =	seq.s32 s5, $0x0;
	s5 =	sld [smem:$0x3FA4]  }
0x2b: {  	s6 =	sld [smem:$0x3FA5]  }
0x2c: {  	s7 =	sld [smem:$0x3FA6]  }
0x2d: {  	s3 =	simm.s32 $0x108;
	s8 =	sld [smem:$0x3FA7]  }
0x2e: {  	s3 =	simm.s32 @!p0 $0x1082;
	s9 =	sld [smem:$0x3FA8]  }
0x2f: {  	lr =	sadd.s32 s0, s3;
	s0 =	sld [smem:$0x3F9F]  }
0x30: {  	s3 =	sld [smem:$0x3FA2]  }
0x31: {  	[smem:$0x3FAB] =	sst s10  }
0x32: {  	s10 =	sld [smem:$0x3FA9];
	_ =	sdelay $0x3  }
0x33: {  	p0 =	seq.s32 s10, $0x1;
	s10 =	sld [smem:$0x3FAB];
	_ =	sdelay $0x3  }
0x34: {  	[smem:$0x3FAB] =	sst s10  }
0x35: {  	s10 =	sld [smem:$0x3FAA];
	_ =	sdelay $0x3  }
0x36: {  	p1 =	seq.s32 s10, $0x1;
	s10 =	sld [smem:$0x3FAB];
	_ =	sdelay $0x3  }
0x37: {  	[smem:$0x3FAB] =	sst s10  }
0x38: {  	s10 =	sld [smem:$0x3FAC]  }
0x39: {  	_ = 	snop;
	(pc) =	sbr.ind lr, $3  }
0x3a: {  	_ = 	snop  }
0x3b: {  	_ = 	snop  }
0x3c: {  	p2 =	seq.s32 s10, $0x1;
	s10 =	sld [smem:$0x3FAB]  }
0x3d: {  	_ =	shalt  }
0x3e: {  	_ =	shalt  }
0x3f: {  	_ =	shalt  }
0x40: {  	_ =	shalt  }
0x41: {  	_ =	shalt  }
0x42: {  	_ =	shalt  }
0x43: {  	_ =	shalt  }
0x44: {  	_ =	shalt  }
0x45: {  	_ =	shalt  }
0x46: {  	_ =	shalt  }
0x47: {  	_ =	shalt  }
0x48: {  	_ =	shalt  }
0x49: {  	_ =	shalt  }
0x4a: {  	_ =	shalt  }
0x4b: {  	_ =	shalt  }
0x4c: {  	_ =	shalt  }
0x4d: {  	_ =	shalt  }
0x4e: {  	_ =	shalt  }
0x4f: {  	_ =	shalt  }
0x50: {  	_ =	shalt  }
0x51: {  	_ =	shalt  }
0x52: {  	_ =	shalt  }
0x53: {  	_ =	shalt  }
0x54: {  	_ =	shalt  }
0x55: {  	_ =	shalt  }
0x56: {  	_ =	shalt  }
0x57: {  	_ =	shalt  }
0x58: {  	_ =	shalt  }
0x59: {  	_ =	shalt  }
0x5a: {  	_ =	shalt  }
0x5b: {  	_ =	shalt  }
0x5c: {  	_ =	shalt  }
0x5d: {  	_ =	shalt  }
0x5e: {  	_ =	shalt  }
0x5f: {  	_ =	shalt  }
0x60: {  	_ =	shalt  }
0x61: {  	_ =	shalt  }
0x62: {  	_ =	shalt  }
0x63: {  	_ =	shalt  }
0x64: {  	_ =	shalt  }
0x65: {  	_ =	shalt  }
0x66: {  	_ =	shalt  }
0x67: {  	_ =	shalt  }
0x68: {  	_ =	shalt  }
0x69: {  	_ =	shalt  }
0x6a: {  	_ =	shalt  }
0x6b: {  	_ =	shalt  }
0x6c: {  	_ =	shalt  }
0x6d: {  	_ =	shalt  }
0x6e: {  	_ =	shalt  }
0x6f: {  	_ =	shalt  }
0x70: {  	_ =	shalt  }
0x71: {  	_ =	shalt  }
0x72: {  	_ =	shalt  }
0x73: {  	_ =	shalt  }
0x74: {  	_ =	shalt  }
0x75: {  	_ =	shalt  }
0x76: {  	_ =	shalt  }
0x77: {  	_ =	shalt  }
0x78: {  	_ =	shalt  }
0x79: {  	_ =	shalt  }
0x7a: {  	_ =	shalt  }
0x7b: {  	_ =	shalt  }
0x7c: {  	_ =	shalt  }
0x7d: {  	_ =	shalt  }
0x7e: {  	_ =	shalt  }
0x7f: {  	_ =	shalt  }
0x80: {  	_ =	shalt  }
0x81: {  	_ =	shalt  }
0x82: {  	_ =	shalt  }
0x83: {  	_ =	shalt  }
0x84: {  	_ =	shalt  }
0x85: {  	_ =	shalt  }
0x86: {  	_ =	shalt  }
0x87: {  	_ =	shalt  }
.Lfunc_end0:
.L_simem_size_0:
called_computation.3_lowered:
.L_overlay_start_0:
0x88: {  	s2 =	sld [smem:$0x3FD9]  }
0x89: {  	s3 =	sld [smem:$0x3FFE];
	_ =	sdelay $0x1  }
0x8a: {  	s1 =	srdreg.scid  }
0x8b: {  	s0 =	sand.u32 $0x1, s1  }
0x8c: {  	s16 =	sshll.u32 s0, $0xA;
	s2 =	sadd.s32 s3, s2  }
0x8d: {  	s2 =	sadd.s32 s2, s16  }
0x8e: {  	[smem:$0x3FB7] =	sst s2  }
0x8f: {  	_ = 	snop  }
0x90: {  	(tm) =	ssettm $0x1  }
0x91: {  	s17 =	sld [smem:$0x3FFB];
	_ =	sdelay $0x3  }
0x92: {  	_ =	strace s17  }
0x93: {  	s2 =	sld [smem:$0x3FFC];
	_ =	sdelay $0x3  }
0x94: {  	_ =	strace s2  }
0x95: {  	s2 =	sld [smem:$0x3FFD];
	_ =	sdelay $0x3  }
0x96: {  	_ =	strace s2  }
0x97: {  	_ =	strace $0x8FFFFFFF  }
0x98: {  	s18 =	sld [smem:$0x3FDB];
	_ =	sdelay $0x1  }
0x99: {  	s19 =	simm.s32 $_scs_section_size  }
0x9a: {  	s4 =	simm.s32 $_size__tile_overlayer_lowered;
	s5 =	simm.s32 $_tile_overlayer_lowered  }
0x9b: {  	s22 =	simm.s32 $0x1BFF;
	s21 =	sshll.u32 s5, $0x1;
	s2 =	sadd.s32 s19, s18  }
0x9c: {  	s6 =	simm.s32 $0x0;
	s20 =	sshll.u32 s4, $0x1;
	s4 =	sadd.s32 s21, s2  }
0x9d: {  	[timem:s6], [sflag:s22] =	dma.local [hbm:s4], s20  }
0x9e: {  	_ =	swait.ge [sflag:s22], s20  }
0x9f: {  	s3 =	ssub.s32 $0x0, s20;
	[sflag:s22] =	ssyncset.done $0x0  }
0xa0: {  	[sflag:s22] =	ssyncadd.s32 s3;
	_ =	sdelay $0x1  }
0xa1: {  	s23 =	simm.s32 $0x1B8B  }
0xa2: {  	_ =	swait.ge [sflag:s23], $0x1  }
0xa3: {  	[sflag:s23] =	ssyncset.done $0x0  }
0xa4: {  	s25 =	simm.s32 $0x1B8E;
	s24 =	sld [smem:$0x3FFE];
	[sflag:s23] =	ssyncadd.s32 $0xFFFFFFFF  }
0xa5: {  	s26 =	simm.s32 $execute0_lowered;
	[smem:$0x3FD2] =	sst s25  }
0xa6: {  	s4 =	sshll.u32 s26, $0x1;
	_ =	strace $0x8000004F;
	[dreg:$0x1] =	wrdreg $0xFFFFFFFF  }
0xa7: {  	s28 =	simm.s32 $_size_execute0_lowered;
	s2 =	sadd.s32 s2, s4;
	[dreg:$0x0] =	wrdreg $0x0  }
0xa8: {  	s4 =	sshll.u32 s28, $0x1;
	[dreg:$0x2] =	wrdreg s2  }
0xa9: {  	[dreg:$0x3] =	wrdreg s4  }
0xaa: {  	[dreg:$0x4] =	wrdreg $0xC0  }
0xab: {  	_ =	task [dreg:s6], $0x5FFFF  }
0xac: {  	[dreg:$0x1] =	wrdreg $0xFFFFFFFF  }
0xad: {  	[dreg:$0x0] =	wrdreg $0x60  }
0xae: {  	[dreg:$0x2] =	wrdreg s24  }
0xaf: {  	[dreg:$0x3] =	wrdreg $0x9  }
0xb0: {  	_ =	task.clear_ibuf [dreg:s6], $0x4FFFF;
	_ =	strace $0x9000004F  }
0xb1: {  	s29 =	simm.s32 $0x9;
	_ =	strace $0x80000051  }
0xb2: {  	_ =	swait.ge [sflag:s29], $0x1  }
0xb3: {  	[sflag:s29] =	ssyncadd.s32 $0xFFFFFFFF  }
0xb4: {  	_ =	strace $0x90000051  }
0xb5: {  	_ =	sfence  }
0xb6: {  	s30 =	sld [smem:$0x0];
	_ =	sdelay $0x2  }
0xb7: {  	s31 =	sshll.u32 s1, $0xD;
	s1 =	sshrl.u32 s1, $0x2  }
0xb8: {  	s3 =	sand.u32 $0x4000, s31;
	s1 =	sadd.s32 s1, s30  }
0xb9: {  	s0 =	sor.u32 s3, s0;
	s1 =	sshll.u32 s1, $0x11  }
0xba: {  	s0 =	sor.u32 s1, s0  }
0xbb: {  	s0 =	sadd.s32 $0x8F2B, s0  }
0xbc: {  	[sflag:s0] =	ssyncadd.remote.s32 $0x1  }
0xbd: {  	_ =	sfence.sel $0xFFFF  }
0xbe: {  	[dreg:$0x0] =	wrdreg $0xFFFFFFFF;
	(pc) =	sbr.abs _section_cstart, $3  }
0xbf: {  	[dreg:$0x1] =	wrdreg $0xFFFFFFFF  }
0xc0: {  	_ =	task.clear_ibuf [dreg:s6], $0x2FFFF;
	_ =	strace $0x9FFFFFFF  }
0xc1: {  	(tm) =	ssettm $0x7FFFFFFF  }
tec
execute0_lowered:
.L_overlay_start_1:
0x0: {  	(tag) =	ssettag $0x1  }
0x1: {  	s0 =	rddreg [dreg:$0x0]  }
0x2: {  	s1 =	simm.s32 $0x0;
	s3 =	srdreg.scid;
	s9 =	stileid.u32  }
0x3: {  	s13 =	simm.s32 $0x3;
	s14 =	simm.s32 $0x3E8;
	s15 =	simm.s32 $0xC8  }
0x4: {  	s16 =	simm.s32 $0x7D0;
	s17 =	simm.s32 $0x39D0;
	s18 =	simm.s32 $0x6BD0  }
0x5: {  	s19 =	simm.s32 $0x4B0;
	s20 =	simm.s32 $0x9DD0;
	s21 =	simm.s32 $0x1  }
0x6: {  	s22 =	simm.s32 $0x190;
	s23 =	simm.s32 $0x578;
	s24 =	simm.s32 $0x2  }
0x7: {  	s25 =	simm.s32 $0x258;
	s26 =	simm.s32 $0x640;
	s28 =	simm.s32 $0x320  }
0x8: {  	s29 =	simm.s32 $0x708;
	[smem:$0x7FF] =	sst s1;
	s2 =	sadd.s32 $0x12DC00, s0  }
0x9: {  	s4 =	sadd.s32 $0x34E00, s0;
	s5 =	sadd.s32 $0x4000, s0;
	s3 =	sand.u32 $0x1, s3  }
0xa: {  	s6 =	sadd.s32 $0x191C00, s0;
	s9 =	smul.u32 $0x61A8, s9;
	s7 =	ssub.s32 $0x2, s3  }
0xb: {  	s10 =	sadd.s32 $0x192EC0, s0;
	s11 =	sadd.s32 $0x193500, s0;
	s8 =	sshrl.u32 s7, $0x1  }
0xc: {  	_ =	strace $0x80000050;
	s3 =	smul.u32 $0x61A80, s3;
	s12 =	ssub.s32 s7, s8  }
0xd: {  	s7 =	sadd.s32 $0x192240, s0;
	s8 =	sadd.s32 $0x192880, s0;
	s31 =	smax.u32 s12, $0x1  }
0xe: {  	s9 =	sadd.s32 s9, s3;
	s3 =	simm.s32 $0x0;
	[dreg:$0x2] =	wrdreg s31  }
.LBB2_1:
0xf: {  	[dreg:$0x3] =	wrdreg s3;
	s31 =	simm.s32 $0x0  }
.LBB2_2:
0x10: {  	s0 =	smul.u32 $0x3E8, s31;
	_ =	sdelay $0x1  }
0x11: {  	s0 =	sadd.s32 s0, s9  }
0x12: {  	s3 =	sshrl.u32 s0, $0x3  }
0x13: {  	s30 =	simm.s32 $0x0;
	s12 =	sadd.s32 s4, s3  }
0x14: {  	[tilespmem:s30], [sflag:$0x3] =	stream.linear.gather [hbm4b:s12+s30], $0x3E8, $0x38;
	[tilespmem:$0xCFD0] =	vst v63  }
0x15: {  	_ =	swait.ge [sflag:s13], $0x3E8  }
0x16: {  	s3 =	sadd.s32 s5, s3;
	[sflag:s13] =	ssyncset.done $0x0  }
0x17: {  	s3 =	sadd.s32 $0x186A0, s3;
	[sflag:s13] =	ssyncadd.s32 $0xFFFFFC18  }
0x18: {  	[tilespmem:s14], [sflag:$0x3] =	stream.linear.gather [hbm4b:s3+s30], $0x3E8, $0x38;
	[tilespmem:$0xCFD0] =	vst v63  }
0x19: {  	_ =	swait.ge [sflag:s13], $0x3E8  }
0x1a: {  	[sflag:s13] =	ssyncset.done $0x0  }
0x1b: {  	[sflag:s13] =	ssyncadd.s32 $0xFFFFFC18  }
0x1c: {  	[tilespmem:s16], [sflag:$0x1] =	stream.indirect.gather [hbm4b:s2+s15], $0x40, s30, s15, $0xb8;
	[tilespmem:$0xCFD0] =	vst v63  }
0x1d: {  	_ = 	snop  }
0x1e: {  	[tilespmem:s17], [sflag:$0x1] =	stream.indirect.gather [hbm4b:s2+s15], $0x40, s14, s15, $0xb8;
	[tilespmem:$0xCFD0] =	vst v63  }
0x1f: {  	_ = 	snop  }
0x20: {  	[tilespmem:s18], [sflag:$0x2] =	stream.indirect.gather [hbm4b:s2+s15], $0x40, s15, s15, $0xb8;
	[tilespmem:$0xCFD0] =	vst v63  }
0x21: {  	_ = 	snop  }
0x22: {  	[tilespmem:s20], [sflag:$0x2] =	stream.indirect.gather [hbm4b:s2+s15], $0x40, s19, s15, $0xb8;
	[tilespmem:$0xCFD0] =	vst v63  }
0x23: {  	_ =	swait.ge [sflag:s21], $0x3200  }
0x24: {  	[sflag:s21] =	ssyncset.done $0x0  }
0x25: {  	[sflag:s21] =	ssyncadd.s32 $0xFFFFCE00  }
0x26: {  	_ =	swait.ge [sflag:s21], $0x3200  }
0x27: {  	[sflag:s21] =	ssyncset.done $0x0  }
0x28: {  	s3 =	simm.s32 $0x0;
	[sflag:s21] =	ssyncadd.s32 $0xFFFFCE00  }
0x29: {  	v2 =	vld [tilespmem:s3+$0x39D0]  }
0x2a: {  	v3 =	vld [tilespmem:s3+$0x39E0]  }
0x2b: {  	v1 =	vld [tilespmem:s3+$0x39F0]  }
0x2c: {  	v0 =	vld [tilespmem:s3+$0x3A00]  }
0x2d: {  	v4 =	vld [tilespmem:s3+$0x7D0]  }
0x2e: {  	v6 =	vld [tilespmem:s3+$0x7E0]  }
0x2f: {  	s12 =	simm.s32 $0x100;
	v5 =	vld [tilespmem:s3+$0x7F0]  }
.LBB2_3:
0x30: {  	p0 =	sne.s32 s12, $0xC700;
	v7 =	vld [tilespmem:s3+$0x800]  }
0x31: {  	s30 =	sshra.s32 s12, $0x2  }
0x32: {  	v4 =	vadd.f32 v2, v4;
	v2 =	vld [tilespmem:s30+$0x39D0]  }
0x33: {  	v6 =	vadd.f32 v3, v6;
	v3 =	vld [tilespmem:s30+$0x39E0]  }
.Ltmp0:
0x34: {  	v4 =	vmax.f32 v4, $0.0e+00;
	v5 =	vadd.f32 v1, v5;
	v1 =	vld [tilespmem:s30+$0x39F0];
	(pc) =	sbr.rel @p0 .LBB2_3-.Ltmp0, $4  }
0x35: {  	[tilespmem:s3+$0x7D0] =	vst v4;
	v6 =	vmax.f32 v6, $0.0e+00;
	v7 =	vadd.f32 v0, v7;
	v0 =	vld [tilespmem:s30+$0x3A00]  }
0x36: {  	v4 =	vld [tilespmem:s30+$0x7D0];
	[tilespmem:s3+$0x7E0] =	vst v6;
	v5 =	vmax.f32 v5, $0.0e+00  }
0x37: {  	v6 =	vld [tilespmem:s30+$0x7E0];
	[tilespmem:s3+$0x7F0] =	vst v5;
	v7 =	vmax.f32 v7, $0.0e+00  }
0x38: {  	s12 =	sadd.s32 $0x100, s12;
	v5 =	vld [tilespmem:s30+$0x7F0];
	[tilespmem:s3+$0x800] =	vst v7;
	s3 =	smov.u32 s30  }
0x39: {  	v7 =	vld [tilespmem:s3+$0x800];
	_ =	sdelay $0x1  }
0x3a: {  	v2 =	vadd.f32 v2, v4  }
0x3b: {  	v3 =	vadd.f32 v3, v6  }
0x3c: {  	v2 =	vmax.f32 v2, $0.0e+00;
	v1 =	vadd.f32 v1, v5  }
0x3d: {  	[tilespmem:s3+$0x7D0] =	vst v2;
	v2 =	vmax.f32 v3, $0.0e+00;
	v0 =	vadd.f32 v0, v7  }
0x3e: {  	[tilespmem:s3+$0x7E0] =	vst v2;
	v1 =	vmax.f32 v1, $0.0e+00  }
0x3f: {  	s0 =	sshll.u32 s0, $0x3;
	[tilespmem:s3+$0x7F0] =	vst v1;
	v0 =	vmax.f32 v0, $0.0e+00  }
0x40: {  	s12 =	simm.s32 $0x0;
	s30 =	sadd.s32 s6, s0;
	[tilespmem:s3+$0x800] =	vst v0  }
0x41: {  	[hbm4b:s30+s12] =	stream.linear.scatter [tilespmem:s16], [sflag:$0x3], $0x3200, $0x38;
	[tilespmem:$0xCFD0] =	vst v63  }
0x42: {  	_ =	swait.ge [sflag:s13], $0x3200  }
0x43: {  	[sflag:s13] =	ssyncset.done $0x0  }
0x44: {  	[sflag:s13] =	ssyncadd.s32 $0xFFFFCE00  }
0x45: {  	[tilespmem:s16], [sflag:$0x1] =	stream.indirect.gather [hbm4b:s2+s15], $0x40, s22, s15, $0xb8;
	[tilespmem:$0xCFD0] =	vst v63  }
0x46: {  	_ = 	snop  }
0x47: {  	[tilespmem:s17], [sflag:$0x1] =	stream.indirect.gather [hbm4b:s2+s15], $0x40, s23, s15, $0xb8;
	[tilespmem:$0xCFD0] =	vst v63  }
0x48: {  	_ =	swait.ge [sflag:s24], $0x3200  }
0x49: {  	[sflag:s24] =	ssyncset.done $0x0  }
0x4a: {  	[sflag:s24] =	ssyncadd.s32 $0xFFFFCE00  }
0x4b: {  	_ =	swait.ge [sflag:s24], $0x3200  }
0x4c: {  	[sflag:s24] =	ssyncset.done $0x0  }
0x4d: {  	s3 =	simm.s32 $0x0;
	[sflag:s24] =	ssyncadd.s32 $0xFFFFCE00  }
0x4e: {  	v2 =	vld [tilespmem:s3+$0x9DD0]  }
0x4f: {  	v3 =	vld [tilespmem:s3+$0x9DE0]  }
0x50: {  	v1 =	vld [tilespmem:s3+$0x9DF0]  }
0x51: {  	v0 =	vld [tilespmem:s3+$0x9E00]  }
0x52: {  	v4 =	vld [tilespmem:s3+$0x6BD0]  }
0x53: {  	v6 =	vld [tilespmem:s3+$0x6BE0]  }
0x54: {  	s12 =	simm.s32 $0x100;
	v5 =	vld [tilespmem:s3+$0x6BF0]  }
.LBB2_5:
0x55: {  	p0 =	sne.s32 s12, $0xC700;
	v7 =	vld [tilespmem:s3+$0x6C00]  }
0x56: {  	s30 =	sshra.s32 s12, $0x2  }
0x57: {  	v4 =	vadd.f32 v2, v4;
	v2 =	vld [tilespmem:s30+$0x9DD0]  }
0x58: {  	v6 =	vadd.f32 v3, v6;
	v3 =	vld [tilespmem:s30+$0x9DE0]  }
.Ltmp1:
0x59: {  	v4 =	vmax.f32 v4, $0.0e+00;
	v5 =	vadd.f32 v1, v5;
	v1 =	vld [tilespmem:s30+$0x9DF0];
	(pc) =	sbr.rel @p0 .LBB2_5-.Ltmp1, $4  }
0x5a: {  	[tilespmem:s3+$0x6BD0] =	vst v4;
	v6 =	vmax.f32 v6, $0.0e+00;
	v7 =	vadd.f32 v0, v7;
	v0 =	vld [tilespmem:s30+$0x9E00]  }
0x5b: {  	v4 =	vld [tilespmem:s30+$0x6BD0];
	[tilespmem:s3+$0x6BE0] =	vst v6;
	v5 =	vmax.f32 v5, $0.0e+00  }
0x5c: {  	v6 =	vld [tilespmem:s30+$0x6BE0];
	[tilespmem:s3+$0x6BF0] =	vst v5;
	v7 =	vmax.f32 v7, $0.0e+00  }
0x5d: {  	s12 =	sadd.s32 $0x100, s12;
	v5 =	vld [tilespmem:s30+$0x6BF0];
	[tilespmem:s3+$0x6C00] =	vst v7;
	s3 =	smov.u32 s30  }
0x5e: {  	v7 =	vld [tilespmem:s3+$0x6C00];
	_ =	sdelay $0x1  }
0x5f: {  	v2 =	vadd.f32 v2, v4  }
0x60: {  	v3 =	vadd.f32 v3, v6  }
0x61: {  	v2 =	vmax.f32 v2, $0.0e+00;
	v1 =	vadd.f32 v1, v5  }
0x62: {  	[tilespmem:s3+$0x6BD0] =	vst v2;
	v2 =	vmax.f32 v3, $0.0e+00;
	v0 =	vadd.f32 v0, v7  }
0x63: {  	[tilespmem:s3+$0x6BE0] =	vst v2;
	v1 =	vmax.f32 v1, $0.0e+00  }
0x64: {  	[tilespmem:s3+$0x6BF0] =	vst v1;
	v0 =	vmax.f32 v0, $0.0e+00  }
0x65: {  	s30 =	sadd.s32 s0, s7;
	s12 =	simm.s32 $0x0;
	[tilespmem:s3+$0x6C00] =	vst v0  }
0x66: {  	[hbm4b:s30+s12] =	stream.linear.scatter [tilespmem:s18], [sflag:$0x3], $0x3200, $0x38;
	[tilespmem:$0xCFD0] =	vst v63  }
0x67: {  	_ =	swait.ge [sflag:s13], $0x3200  }
0x68: {  	[sflag:s13] =	ssyncset.done $0x0  }
0x69: {  	[sflag:s13] =	ssyncadd.s32 $0xFFFFCE00  }
0x6a: {  	[tilespmem:s18], [sflag:$0x2] =	stream.indirect.gather [hbm4b:s2+s15], $0x40, s25, s15, $0xb8;
	[tilespmem:$0xCFD0] =	vst v63  }
0x6b: {  	_ = 	snop  }
0x6c: {  	[tilespmem:s20], [sflag:$0x2] =	stream.indirect.gather [hbm4b:s2+s15], $0x40, s26, s15, $0xb8;
	[tilespmem:$0xCFD0] =	vst v63  }
0x6d: {  	_ =	swait.ge [sflag:s21], $0x3200  }
0x6e: {  	[sflag:s21] =	ssyncset.done $0x0  }
0x6f: {  	[sflag:s21] =	ssyncadd.s32 $0xFFFFCE00  }
0x70: {  	_ =	swait.ge [sflag:s21], $0x3200  }
0x71: {  	[sflag:s21] =	ssyncset.done $0x0  }
0x72: {  	s3 =	simm.s32 $0x0;
	[sflag:s21] =	ssyncadd.s32 $0xFFFFCE00  }
0x73: {  	v2 =	vld [tilespmem:s3+$0x39D0]  }
0x74: {  	v3 =	vld [tilespmem:s3+$0x39E0]  }
0x75: {  	v1 =	vld [tilespmem:s3+$0x39F0]  }
0x76: {  	v0 =	vld [tilespmem:s3+$0x3A00]  }
0x77: {  	v4 =	vld [tilespmem:s3+$0x7D0]  }
0x78: {  	v6 =	vld [tilespmem:s3+$0x7E0]  }
0x79: {  	s12 =	simm.s32 $0x100;
	v5 =	vld [tilespmem:s3+$0x7F0]  }
.LBB2_7:
0x7a: {  	p0 =	sne.s32 s12, $0xC700;
	v7 =	vld [tilespmem:s3+$0x800]  }
0x7b: {  	s30 =	sshra.s32 s12, $0x2  }
0x7c: {  	v4 =	vadd.f32 v2, v4;
	v2 =	vld [tilespmem:s30+$0x39D0]  }
0x7d: {  	v6 =	vadd.f32 v3, v6;
	v3 =	vld [tilespmem:s30+$0x39E0]  }
.Ltmp2:
0x7e: {  	v4 =	vmax.f32 v4, $0.0e+00;
	v5 =	vadd.f32 v1, v5;
	v1 =	vld [tilespmem:s30+$0x39F0];
	(pc) =	sbr.rel @p0 .LBB2_7-.Ltmp2, $4  }
0x7f: {  	[tilespmem:s3+$0x7D0] =	vst v4;
	v6 =	vmax.f32 v6, $0.0e+00;
	v7 =	vadd.f32 v0, v7;
	v0 =	vld [tilespmem:s30+$0x3A00]  }
0x80: {  	v4 =	vld [tilespmem:s30+$0x7D0];
	[tilespmem:s3+$0x7E0] =	vst v6;
	v5 =	vmax.f32 v5, $0.0e+00  }
0x81: {  	v6 =	vld [tilespmem:s30+$0x7E0];
	[tilespmem:s3+$0x7F0] =	vst v5;
	v7 =	vmax.f32 v7, $0.0e+00  }
0x82: {  	s12 =	sadd.s32 $0x100, s12;
	v5 =	vld [tilespmem:s30+$0x7F0];
	[tilespmem:s3+$0x800] =	vst v7;
	s3 =	smov.u32 s30  }
0x83: {  	v7 =	vld [tilespmem:s3+$0x800];
	_ =	sdelay $0x1  }
0x84: {  	v2 =	vadd.f32 v2, v4  }
0x85: {  	v3 =	vadd.f32 v3, v6  }
0x86: {  	v2 =	vmax.f32 v2, $0.0e+00;
	v1 =	vadd.f32 v1, v5  }
0x87: {  	[tilespmem:s3+$0x7D0] =	vst v2;
	v2 =	vmax.f32 v3, $0.0e+00;
	v0 =	vadd.f32 v0, v7  }
0x88: {  	[tilespmem:s3+$0x7E0] =	vst v2;
	v1 =	vmax.f32 v1, $0.0e+00  }
0x89: {  	[tilespmem:s3+$0x7F0] =	vst v1;
	v0 =	vmax.f32 v0, $0.0e+00  }
0x8a: {  	s30 =	sadd.s32 s0, s8;
	s12 =	simm.s32 $0x0;
	[tilespmem:s3+$0x800] =	vst v0  }
0x8b: {  	[hbm4b:s30+s12] =	stream.linear.scatter [tilespmem:s16], [sflag:$0x3], $0x3200, $0x38;
	[tilespmem:$0xCFD0] =	vst v63  }
0x8c: {  	_ =	swait.ge [sflag:s13], $0x3200  }
0x8d: {  	[sflag:s13] =	ssyncset.done $0x0  }
0x8e: {  	[sflag:s13] =	ssyncadd.s32 $0xFFFFCE00  }
0x8f: {  	[tilespmem:s16], [sflag:$0x1] =	stream.indirect.gather [hbm4b:s2+s15], $0x40, s28, s15, $0xb8;
	[tilespmem:$0xCFD0] =	vst v63  }
0x90: {  	_ = 	snop  }
0x91: {  	[tilespmem:s17], [sflag:$0x1] =	stream.indirect.gather [hbm4b:s2+s15], $0x40, s29, s15, $0xb8;
	[tilespmem:$0xCFD0] =	vst v63  }
0x92: {  	_ =	swait.ge [sflag:s24], $0x3200  }
0x93: {  	[sflag:s24] =	ssyncset.done $0x0  }
0x94: {  	[sflag:s24] =	ssyncadd.s32 $0xFFFFCE00  }
0x95: {  	_ =	swait.ge [sflag:s24], $0x3200  }
0x96: {  	[sflag:s24] =	ssyncset.done $0x0  }
0x97: {  	s3 =	simm.s32 $0x0;
	[sflag:s24] =	ssyncadd.s32 $0xFFFFCE00  }
0x98: {  	v2 =	vld [tilespmem:s3+$0x9DD0]  }
0x99: {  	v3 =	vld [tilespmem:s3+$0x9DE0]  }
0x9a: {  	v1 =	vld [tilespmem:s3+$0x9DF0]  }
0x9b: {  	v0 =	vld [tilespmem:s3+$0x9E00]  }
0x9c: {  	v4 =	vld [tilespmem:s3+$0x6BD0]  }
0x9d: {  	v6 =	vld [tilespmem:s3+$0x6BE0]  }
0x9e: {  	s12 =	simm.s32 $0x100;
	v5 =	vld [tilespmem:s3+$0x6BF0]  }
.LBB2_9:
0x9f: {  	p0 =	sne.s32 s12, $0xC700;
	v7 =	vld [tilespmem:s3+$0x6C00]  }
0xa0: {  	s30 =	sshra.s32 s12, $0x2  }
0xa1: {  	v4 =	vadd.f32 v2, v4;
	v2 =	vld [tilespmem:s30+$0x9DD0]  }
0xa2: {  	v6 =	vadd.f32 v3, v6;
	v3 =	vld [tilespmem:s30+$0x9DE0]  }
.Ltmp3:
0xa3: {  	v4 =	vmax.f32 v4, $0.0e+00;
	v5 =	vadd.f32 v1, v5;
	v1 =	vld [tilespmem:s30+$0x9DF0];
	(pc) =	sbr.rel @p0 .LBB2_9-.Ltmp3, $4  }
0xa4: {  	[tilespmem:s3+$0x6BD0] =	vst v4;
	v6 =	vmax.f32 v6, $0.0e+00;
	v7 =	vadd.f32 v0, v7;
	v0 =	vld [tilespmem:s30+$0x9E00]  }
0xa5: {  	v4 =	vld [tilespmem:s30+$0x6BD0];
	[tilespmem:s3+$0x6BE0] =	vst v6;
	v5 =	vmax.f32 v5, $0.0e+00  }
0xa6: {  	v6 =	vld [tilespmem:s30+$0x6BE0];
	[tilespmem:s3+$0x6BF0] =	vst v5;
	v7 =	vmax.f32 v7, $0.0e+00  }
0xa7: {  	s12 =	sadd.s32 $0x100, s12;
	v5 =	vld [tilespmem:s30+$0x6BF0];
	[tilespmem:s3+$0x6C00] =	vst v7;
	s3 =	smov.u32 s30  }
0xa8: {  	v7 =	vld [tilespmem:s3+$0x6C00];
	_ =	sdelay $0x1  }
0xa9: {  	v2 =	vadd.f32 v2, v4  }
0xaa: {  	v3 =	vadd.f32 v3, v6  }
0xab: {  	v2 =	vmax.f32 v2, $0.0e+00;
	v1 =	vadd.f32 v1, v5  }
0xac: {  	[tilespmem:s3+$0x6BD0] =	vst v2;
	v2 =	vmax.f32 v3, $0.0e+00;
	v0 =	vadd.f32 v0, v7  }
0xad: {  	[tilespmem:s3+$0x6BE0] =	vst v2;
	v1 =	vmax.f32 v1, $0.0e+00  }
0xae: {  	[tilespmem:s3+$0x6BF0] =	vst v1;
	v0 =	vmax.f32 v0, $0.0e+00  }
0xaf: {  	s30 =	sadd.s32 s0, s10;
	s12 =	simm.s32 $0x0;
	[tilespmem:s3+$0x6C00] =	vst v0  }
0xb0: {  	[hbm4b:s30+s12] =	stream.linear.scatter [tilespmem:s18], [sflag:$0x3], $0x3200, $0x38;
	[tilespmem:$0xCFD0] =	vst v63  }
0xb1: {  	_ =	swait.ge [sflag:s13], $0x3200  }
0xb2: {  	[sflag:s13] =	ssyncset.done $0x0  }
0xb3: {  	[sflag:s13] =	ssyncadd.s32 $0xFFFFCE00  }
0xb4: {  	_ =	swait.ge [sflag:s21], $0x3200  }
0xb5: {  	[sflag:s21] =	ssyncset.done $0x0  }
0xb6: {  	[sflag:s21] =	ssyncadd.s32 $0xFFFFCE00  }
0xb7: {  	_ =	swait.ge [sflag:s21], $0x3200  }
0xb8: {  	[sflag:s21] =	ssyncset.done $0x0  }
0xb9: {  	s3 =	simm.s32 $0x0;
	[sflag:s21] =	ssyncadd.s32 $0xFFFFCE00  }
0xba: {  	v2 =	vld [tilespmem:s3+$0x39D0]  }
0xbb: {  	v3 =	vld [tilespmem:s3+$0x39E0]  }
0xbc: {  	v1 =	vld [tilespmem:s3+$0x39F0]  }
0xbd: {  	v0 =	vld [tilespmem:s3+$0x3A00]  }
0xbe: {  	v4 =	vld [tilespmem:s3+$0x7D0]  }
0xbf: {  	v6 =	vld [tilespmem:s3+$0x7E0]  }
0xc0: {  	s12 =	simm.s32 $0x100;
	v5 =	vld [tilespmem:s3+$0x7F0]  }
.LBB2_11:
0xc1: {  	p0 =	sne.s32 s12, $0xC700;
	v7 =	vld [tilespmem:s3+$0x800]  }
0xc2: {  	s30 =	sshra.s32 s12, $0x2  }
0xc3: {  	v4 =	vadd.f32 v2, v4;
	v2 =	vld [tilespmem:s30+$0x39D0]  }
0xc4: {  	v6 =	vadd.f32 v3, v6;
	v3 =	vld [tilespmem:s30+$0x39E0]  }
.Ltmp4:
0xc5: {  	v4 =	vmax.f32 v4, $0.0e+00;
	v5 =	vadd.f32 v1, v5;
	v1 =	vld [tilespmem:s30+$0x39F0];
	(pc) =	sbr.rel @p0 .LBB2_11-.Ltmp4, $4  }
0xc6: {  	[tilespmem:s3+$0x7D0] =	vst v4;
	v6 =	vmax.f32 v6, $0.0e+00;
	v7 =	vadd.f32 v0, v7;
	v0 =	vld [tilespmem:s30+$0x3A00]  }
0xc7: {  	v4 =	vld [tilespmem:s30+$0x7D0];
	[tilespmem:s3+$0x7E0] =	vst v6;
	v5 =	vmax.f32 v5, $0.0e+00  }
0xc8: {  	v6 =	vld [tilespmem:s30+$0x7E0];
	[tilespmem:s3+$0x7F0] =	vst v5;
	v7 =	vmax.f32 v7, $0.0e+00  }
0xc9: {  	s12 =	sadd.s32 $0x100, s12;
	v5 =	vld [tilespmem:s30+$0x7F0];
	[tilespmem:s3+$0x800] =	vst v7;
	s3 =	smov.u32 s30  }
0xca: {  	v7 =	vld [tilespmem:s3+$0x800];
	_ =	sdelay $0x1  }
0xcb: {  	v2 =	vadd.f32 v2, v4  }
0xcc: {  	v3 =	vadd.f32 v3, v6  }
0xcd: {  	v2 =	vmax.f32 v2, $0.0e+00;
	v1 =	vadd.f32 v1, v5  }
0xce: {  	[tilespmem:s3+$0x7D0] =	vst v2;
	v63 =	vmax.f32 v3, $0.0e+00;
	v0 =	vadd.f32 v0, v7  }
0xcf: {  	s31 =	sadd.s32 $0x1, s31;
	[tilespmem:s3+$0x7E0] =	vst v63;
	v1 =	vmax.f32 v1, $0.0e+00  }
0xd0: {  	p0 =	sne.s32 s31, $0x19;
	[tilespmem:s3+$0x7F0] =	vst v1;
	v0 =	vmax.f32 v0, $0.0e+00  }
.Ltmp5:
0xd1: {  	s0 =	sadd.s32 s0, s11;
	[tilespmem:s3+$0x800] =	vst v0;
	(pc) =	sbr.rel @p0 .LBB2_2-.Ltmp5, $4  }
0xd2: {  	[hbm4b:s0+s1] =	stream.linear.scatter [tilespmem:s16], [sflag:$0x3], $0x3200, $0x38;
	[tilespmem:$0xCFD0] =	vst v63  }
0xd3: {  	_ =	swait.ge [sflag:s13], $0x3200  }
0xd4: {  	[sflag:s13] =	ssyncset.done $0x0  }
0xd5: {  	[sflag:s13] =	ssyncadd.s32 $0xFFFFCE00  }
0xd6: {  	s3 =	rddreg [dreg:$0x3]  }
0xd7: {  	s0 =	rddreg [dreg:$0x2];
	s3 =	sadd.s32 $0x1, s3  }
0xd8: {  	p0 =	sne.s32 s3, s0  }
.Ltmp6:
0xd9: {  	_ = 	snop;
	(pc) =	sbr.rel @p0 .LBB2_1-.Ltmp6, $1  }
0xda: {  	_ =	sdelay $0x3  }
0xdb: {  	_ =	sfence.sel $0x180000  }
0xdc: {  	[bflag:$0x0] =	sbarrier.arrive $0xFFFF  }
0xdd: {  	_ =	strace $0x90000050  }
0xde: {  	s0 =	stileid.u32;
	[bflag:$0x2] =	sbarrier.arrive $0xFFFF  }
0xdf: {  	p0 =	sne.s32 s0, $0x0;
	s0 =	rddreg [dreg:$0x1]  }
0xe0: {  	s0 =	sadd.s32 @!p0 $0x100000, s0  }
0xe1: {  	[sflag:s0] =	ssyncadd.tile.s32 @!p0 $0x1;
	_ =	shalt  }
.Lfunc_end2:
_tile_overlayer_lowered:
.L_overlay_start_2:
0xe2: {  	(tag) =	ssettag $0x2  }
0xe3: {  	s0 =	rddreg [dreg:$0x0];
	s2 =	stileid.u32  }
0xe4: {  	s1 =	rddreg [dreg:$0x1];
	p0 =	sne.s32 s2, $0x0  }
0xe5: {  	s3 =	rddreg [dreg:$0x2];
	[bflag:$0x3] =	sbarrier.arrive $0xFFFF;
	s2 =	simm.s32 @!p0 $0x1C03  }
0xe6: {  	[timem:s3], [sflag:s2] =	dma.local @!p0 [hbm:s0], s1  }
0xe7: {  	s0 =	simm.s32 @!p0 $0x3  }
0xe8: {  	_ =	swait.ge @!p0 [sflag:s0], s1  }
0xe9: {  	s1 =	ssub.s32 @!p0 $0x0, s1;
	[sflag:s0] =	ssyncset.done @!p0 $0x0  }
0xea: {  	[sflag:s0] =	ssyncadd.s32 @!p0 s1  }
0xeb: {  	[bflag:$0x3] =	sbarrier.arrive $0xFFFF  }
0xec: {  	_ =	shalt  }

</sc_bundles>
